<compile_context>
chip_gen: v7x
topology: tpu7x:2x2x1
jax: 0.10.2.dev20260603
libtpu: 0.0.44.dev20260713+nightly
codegen_flags: <defaults>
</compile_context>

<pallas_src>
import functools

import jax
import jax.numpy as jnp
from jax import lax
from jax.experimental import pallas as pl
from jax.experimental.pallas import tpu as pltpu
from jax.experimental.pallas import tpu_sc as plsc

SIZE = 1000000
DIM = 32
B = 16384
N = 50
MAXNORM = 1.0 - 1e-5
EPS = 1e-7

NC = 2
NS = 16
NW = NC * NS
BPW = B // NW
CB = 16
CHUNKS = BPW // CB
ROWS = CB * N
GS = 80
NG = ROWS // GS
NGRP = 4


def _sc_gather_reduce(lt, idx_flat):
  mesh = plsc.VectorSubcoreMesh(core_axis_name="c", subcore_axis_name="s")

  @functools.partial(
      pl.kernel,
      out_type=[
          jax.ShapeDtypeStruct((B * N,), jnp.float32),
          jax.ShapeDtypeStruct((B * (N - 1),), jnp.float32),
      ],
      mesh=mesh,
      compiler_params=pltpu.CompilerParams(needs_layout_passes=False,
                                           use_tc_tiling_on_sc=False),
      scratch_types=[
          pltpu.VMEM((ROWS,), jnp.int32),
          pltpu.VMEM((ROWS,), jnp.int32),
          pltpu.VMEM((ROWS, DIM), jnp.float32),
          pltpu.VMEM((ROWS, DIM), jnp.float32),
          pltpu.VMEM((ROWS,), jnp.float32),
          pltpu.VMEM((CB * (N - 1),), jnp.float32),
          pltpu.SemaphoreType.DMA,
      ],
  )
  def k(lt_hbm, idx_hbm, nsq_hbm, dot_hbm,
        idx_a, idx_b, rows_a, rows_b, nsq_v, dot_v, sem):
    wid = lax.axis_index("s") * NC + lax.axis_index("c")
    lane = lax.iota(jnp.int32, 16)
    zero16 = jnp.zeros((16,), jnp.float32)
    nsq_masks = [None, None, None, lane < 2]
    dot_masks = [lane >= 1, None, None, lane < 2]

    def fire(cnum, idx_v, rows_v):
      b0 = wid * BPW + cnum * CB
      pltpu.sync_copy(idx_hbm.at[pl.ds(b0 * N, ROWS)], idx_v)
      handles = []
      for g in range(NG):
        handles.append(pltpu.async_copy(
            lt_hbm.at[idx_v.at[pl.ds(g * GS, GS)]],
            rows_v.at[pl.ds(g * GS, GS)], sem))
      return handles

    def compute(cnum, rows_v):
      b0 = wid * BPW + cnum * CB

      def batch_body(i, carry2):
        r0 = i * N
        rowv = [jnp.minimum(r0 + g * 16 + lane, ROWS - 1) for g in range(NGRP)]
        accn = [zero16] * NGRP
        accd = [zero16] * NGRP
        u0 = rows_v[r0, pl.ds(0, 16)]
        u1 = rows_v[r0, pl.ds(16, 16)]
        for d in range(DIM):
          dvec = jnp.full((16,), d, jnp.int32)
          u_d = jnp.full((16,), (u0 if d < 16 else u1)[d % 16])
          for g in range(NGRP):
            w = plsc.load_gather(rows_v, [rowv[g], dvec])
            accn[g] = accn[g] + w * w
            accd[g] = accd[g] + u_d * w
        for g in range(NGRP):
          plsc.store_scatter(nsq_v, [rowv[g]], accn[g], mask=nsq_masks[g])
          didx = jnp.full((16,), i * (N - 1) + g * 16 - 1, jnp.int32) + lane
          plsc.store_scatter(dot_v, [didx], accd[g], mask=dot_masks[g])
        return carry2

      lax.fori_loop(0, CB, batch_body, 0)
      pltpu.sync_copy(nsq_v, nsq_hbm.at[pl.ds(b0 * N, ROWS)])
      pltpu.sync_copy(dot_v, dot_hbm.at[pl.ds(b0 * (N - 1), CB * (N - 1))])

    def pair_body(t, carry):
      ca = 2 * t
      cb = 2 * t + 1
      ha = fire(ca, idx_a, rows_a)
      hb = fire(cb, idx_b, rows_b)
      for h in ha:
        h.wait()
      compute(ca, rows_a)
      for h in hb:
        h.wait()
      compute(cb, rows_b)
      return carry

    lax.fori_loop(0, CHUNKS // 2, pair_body, 0)

  return k(lt, idx_flat)


def _finish(nsq, dots):
  BB = 1024

  def body(nsq_ref, dot_ref, o_ref):
    n = nsq_ref[...]
    norm = jnp.sqrt(n)
    scale = jnp.where(norm > MAXNORM, MAXNORM / jnp.maximum(norm, 1e-12), 1.0)
    n0 = n[:, 0:1]
    s0 = scale[:, 0:1]
    nj = n[:, 1:]
    sj = scale[:, 1:]
    d = dot_ref[...]
    sq_u = (s0 * s0) * n0
    sq_v = (sj * sj) * nj
    cross = ((2.0 * s0) * sj) * d
    sqdist = sq_u + sq_v - cross
    denom = (1.0 - sq_u) * (1.0 - sq_v) + EPS
    x = 1.0 + 2.0 * sqdist / denom
    x = jnp.maximum(x, 1.0 + EPS)
    o_ref[...] = jnp.log(x + jnp.sqrt((x - 1.0) * (x + 1.0)))

  return pl.pallas_call(
      body,
      grid=(B // BB,),
      in_specs=[
          pl.BlockSpec((BB, N), lambda i: (i, 0)),
          pl.BlockSpec((BB, N - 1), lambda i: (i, 0)),
      ],
      out_specs=pl.BlockSpec((BB, N - 1), lambda i: (i, 0)),
      out_shape=jax.ShapeDtypeStruct((B, N - 1), jnp.float32),
  )(nsq, dots)


def _to_linear(lt_t):
  CC = 1024
  grid = (SIZE + CC - 1) // CC

  def body(in_ref, o_ref):
    x = in_ref[...]
    parts = [x[:, (CC // 4) * m:(CC // 4) * (m + 1)].T for m in range(4)]
    o_ref[...] = jnp.concatenate(parts, axis=1)

  return pl.pallas_call(
      body,
      grid=(grid,),
      in_specs=[pl.BlockSpec((DIM, CC), lambda i: (0, i))],
      out_specs=pl.BlockSpec((CC // 4, 128), lambda i: (i, 0)),
      out_shape=jax.ShapeDtypeStruct((grid * CC // 4, 128), jnp.float32),
  )(lt_t)


def kernel(lt, inputs):
  r = inputs.reshape(-1).astype(jnp.int32)
  idx_flat = (r & ~jnp.int32(1023)) | ((r & 255) << 2) | ((r >> 8) & 3)
  lt_lin = _to_linear(lt.T)
  vpad = lt_lin.shape[0] * (128 // DIM)
  nsq, dots = _sc_gather_reduce(lt_lin.reshape(vpad, DIM), idx_flat)
  return _finish(nsq.reshape(B, N), dots.reshape(B, N - 1))

# --- scband reference (transcript-rebuilt; emitter-appended) ---
"""Pipeline reference for scband-energy-function-42949672961718 (READ-ONLY COPY).

The authoritative reference and input builder live on the scoring server;
editing this copy changes nothing except your own understanding.
"""

import jax, jax.numpy as jnp
import numpy as np

SIZE = 1000000
DIM = 32
B = 16384
N = 50
MAXNORM = 1.0 - 1e-5
EPS = 1e-7


def _normalize(e):
    # PoincareManifold.normalize: renorm rows to max L2 norm < 1 (in-place, under no_grad)
    norm = jnp.linalg.norm(e, axis=-1, keepdims=True)
    scale = jnp.where(norm > MAXNORM, MAXNORM / jnp.maximum(norm, 1e-12), 1.0)
    return e * scale


def _poincare_distance(u, v):
    squnorm = jnp.sum(u * u, axis=-1)
    sqvnorm = jnp.sum(v * v, axis=-1)
    sqdist = jnp.sum((u - v) ** 2, axis=-1)
    x = 1.0 + 2.0 * sqdist / ((1.0 - squnorm) * (1.0 - sqvnorm) + EPS)
    x = jnp.maximum(x, 1.0 + EPS)
    return jnp.arccosh(x)


def setup_inputs(seed: int = 0) -> dict:
    key = jax.random.key(seed)
    k1, k2 = jax.random.split(key)
    inputs = jax.random.randint(k1, (B, N), 0, SIZE)
    # manifold.init_weights(lt): small uniform init inside the Poincare ball
    lt = jax.random.uniform(k2, (SIZE, DIM), minval=-1e-4, maxval=1e-4, dtype=jnp.float32)
    return {"lt": lt, "inputs": inputs}


def reference(lt, inputs):
    # e = self.lt(inputs)  -- embedding gather
    e = jnp.take(lt, inputs, axis=0)  # [B, N, DIM]
    # with torch.no_grad(): e = manifold.normalize(e)
    # in-place renorm under no_grad => values normalized, gradient flows as identity
    e = e - jax.lax.stop_gradient(e) + jax.lax.stop_gradient(_normalize(e))
    o = e[:, 1:, :]                                  # e.narrow(1, 1, N-1)
    s = jnp.broadcast_to(e[:, 0:1, :], o.shape)      # e.narrow(1, 0, 1).expand_as(o)
    dist = _poincare_distance(s, o)                  # energy(s, o) -> [B, N-1]
    return dist  # .squeeze(-1) is a no-op on [B, N-1]

if __name__ == "__main__":
    import jax
    _d = setup_inputs()
    print(jax.jit(kernel)(*tuple(_d.values())))

</pallas_src>

<mosaic_0001>
#map = affine_map<(d0, d1) -> (0, 0)>
#map1 = affine_map<(d0, d1) -> (0)>
module attributes {stable_mosaic.version = 14 : i64} {
  func.func @k(%arg0: i32, %arg1: i32, %arg2: memref<1000448x32xf32, #tpu.memory_space<hbm>>, %arg3: memref<819200xi32, #tpu.memory_space<hbm>>, %arg4: memref<819200xf32, #tpu.memory_space<hbm>>, %arg5: memref<802816xf32, #tpu.memory_space<hbm>>, %arg6: memref<800xi32, #tpu.memory_space<vmem>>, %arg7: memref<800xi32, #tpu.memory_space<vmem>>, %arg8: memref<800x32xf32, #tpu.memory_space<vmem>>, %arg9: memref<800x32xf32, #tpu.memory_space<vmem>>, %arg10: memref<800xf32, #tpu.memory_space<vmem>>, %arg11: memref<784xf32, #tpu.memory_space<vmem>>, %arg12: memref<!tpu.dma_semaphore, #tpu.memory_space<semaphore_mem>>) attributes {dimension_semantics = [#tpu.dimension_semantics<core_parallel>, #tpu.dimension_semantics<subcore_parallel>], iteration_bounds = array<i64: 2, 16>, scalar_prefetch = 0 : i64, scratch_operands = 7 : i64, tpu.core_type = #tpu.core_type<sc_vector_subcore>, window_params = [{transform_indices = #map}, {transform_indices = #map1}, {transform_indices = #map1}, {transform_indices = #map1}]} {
    %mul3A = arith.constant 2 : i32
    %mul3A_0 = arith.muli %arg1, %mul3A : i32
    %add3A = arith.addi %mul3A_0, %arg0 : i32
    %iota3A = tpu.iota {dimensions = array<i32: 0>} : vector<16xi32>
    %broadcast_in_dim3A = arith.constant 0.000000e+00 : f32
    %broadcast_in_dim3A_1 = vector.broadcast %broadcast_in_dim3A : f32 to vector<16xf32>
    %lt3A = arith.constant 2 : i32
    %lt3A_2 = vector.broadcast %lt3A : i32 to vector<16xi32>
    %lt3A_3 = arith.cmpi slt, %iota3A, %lt3A_2 : vector<16xi32>
    %ge3A = arith.constant 1 : i32
    %ge3A_4 = vector.broadcast %ge3A : i32 to vector<16xi32>
    %ge3A_5 = arith.cmpi sge, %iota3A, %ge3A_4 : vector<16xi32>
    %lt3A_6 = arith.constant 2 : i32
    %lt3A_7 = vector.broadcast %lt3A_6 : i32 to vector<16xi32>
    %lt3A_8 = arith.cmpi slt, %iota3A, %lt3A_7 : vector<16xi32>
    %scan3A = arith.constant 0 : i32
    %scan3A_9 = arith.constant 0 : i32
    %scan3A_10 = arith.constant 16 : i32
    %scan3A_11 = arith.addi %scan3A_9, %scan3A_10 : i32
    %scan3A_12 = arith.constant 1 : i32
    scf.for %scan3A_14 = %scan3A_9 to %scan3A_11 step %scan3A_12  : i32 {
      %mul3A_15 = arith.constant 2 : i32
      %mul3A_16 = arith.muli %mul3A_15, %scan3A_14 : i32
      %mul3A_17 = arith.constant 2 : i32
      %mul3A_18 = arith.muli %mul3A_17, %scan3A_14 : i32
      %add3A_19 = arith.constant 1 : i32
      %add3A_20 = arith.addi %mul3A_18, %add3A_19 : i32
      %mul3A_21 = arith.constant 512 : i32
      %mul3A_22 = arith.muli %add3A, %mul3A_21 : i32
      %mul3A_23 = arith.constant 16 : i32
      %mul3A_24 = arith.muli %mul3A_16, %mul3A_23 : i32
      %add3A_25 = arith.addi %mul3A_22, %mul3A_24 : i32
      %mul3A_26 = arith.constant 50 : i32
      %mul3A_27 = arith.muli %add3A_25, %mul3A_26 : i32
      "tpu.region"() ({
        %run_scoped3A = tpu.sem_alloc : memref<!tpu.dma_semaphore, #tpu.memory_space<semaphore_mem>>
        %dma_start3A_383 = tpu.memref_slice %arg3[%mul3A_27] : memref<819200xi32, #tpu.memory_space<hbm>> -> memref<800xi32, #tpu.memory_space<hbm>>
        %dma_start3A_384 = tpu.memref_slice %arg3[%mul3A_27] : memref<819200xi32, #tpu.memory_space<hbm>> -> memref<800xi32, #tpu.memory_space<hbm>>
        tpu.enqueue_dma source(%dma_start3A_384 : memref<800xi32, #tpu.memory_space<hbm>>) target(%arg6 : memref<800xi32, #tpu.memory_space<vmem>>) target_semaphore(%run_scoped3A : memref<!tpu.dma_semaphore, #tpu.memory_space<semaphore_mem>>)
        %dma_wait3A_385 = tpu.memref_slice %arg3[%mul3A_27] : memref<819200xi32, #tpu.memory_space<hbm>> -> memref<800xi32, #tpu.memory_space<hbm>>
        %dma_wait3A_386 = tpu.memref_slice %arg3[%mul3A_27] : memref<819200xi32, #tpu.memory_space<hbm>> -> memref<800xi32, #tpu.memory_space<hbm>>
        tpu.wait_dma2 semaphore(%run_scoped3A : memref<!tpu.dma_semaphore, #tpu.memory_space<semaphore_mem>>) src(%dma_wait3A_386 : memref<800xi32, #tpu.memory_space<hbm>>) dst(%arg6 : memref<800xi32, #tpu.memory_space<vmem>>)
        tpu.yield
      }) : () -> ()
      %dma_start3A = arith.constant 0 : i32
      %dma_start3A_28 = arith.constant 0 : i32
      %dma_start3A_29 = tpu.memref_slice %arg8[%dma_start3A, %dma_start3A_28] : memref<800x32xf32, #tpu.memory_space<vmem>> -> memref<80x32xf32, #tpu.memory_space<vmem>>
      %dma_start3A_30 = arith.constant 0 : i32
      %dma_start3A_31 = tpu.memref_slice %arg6[%dma_start3A_30] : memref<800xi32, #tpu.memory_space<vmem>> -> memref<80xi32, #tpu.memory_space<vmem>>
      %dma_start3A_32 = arith.constant 0 : i32
      %dma_start3A_33 = arith.constant 0 : i32
      %dma_start3A_34 = tpu.memref_slice %arg2[%dma_start3A_32, %dma_start3A_33] : memref<1000448x32xf32, #tpu.memory_space<hbm>> -> memref<1000448x32xf32, #tpu.memory_space<hbm>>
      tpu.enqueue_indirect_dma source(%dma_start3A_34 : memref<1000448x32xf32, #tpu.memory_space<hbm>>) target(%dma_start3A_29 : memref<80x32xf32, #tpu.memory_space<vmem>>) offsets(%dma_start3A_31 : memref<80xi32, #tpu.memory_space<vmem>>) semaphore(%arg12 : memref<!tpu.dma_semaphore, #tpu.memory_space<semaphore_mem>>)
      %dma_start3A_35 = arith.constant 80 : i32
      %dma_start3A_36 = arith.constant 0 : i32
      %dma_start3A_37 = tpu.memref_slice %arg8[%dma_start3A_35, %dma_start3A_36] : memref<800x32xf32, #tpu.memory_space<vmem>> -> memref<80x32xf32, #tpu.memory_space<vmem>>
      %dma_start3A_38 = arith.constant 80 : i32
      %dma_start3A_39 = tpu.memref_slice %arg6[%dma_start3A_38] : memref<800xi32, #tpu.memory_space<vmem>> -> memref<80xi32, #tpu.memory_space<vmem>>
      %dma_start3A_40 = arith.constant 0 : i32
      %dma_start3A_41 = arith.constant 0 : i32
      %dma_start3A_42 = tpu.memref_slice %arg2[%dma_start3A_40, %dma_start3A_41] : memref<1000448x32xf32, #tpu.memory_space<hbm>> -> memref<1000448x32xf32, #tpu.memory_space<hbm>>
      tpu.enqueue_indirect_dma source(%dma_start3A_42 : memref<1000448x32xf32, #tpu.memory_space<hbm>>) target(%dma_start3A_37 : memref<80x32xf32, #tpu.memory_space<vmem>>) offsets(%dma_start3A_39 : memref<80xi32, #tpu.memory_space<vmem>>) semaphore(%arg12 : memref<!tpu.dma_semaphore, #tpu.memory_space<semaphore_mem>>)
      %dma_start3A_43 = arith.constant 160 : i32
      %dma_start3A_44 = arith.constant 0 : i32
      %dma_start3A_45 = tpu.memref_slice %arg8[%dma_start3A_43, %dma_start3A_44] : memref<800x32xf32, #tpu.memory_space<vmem>> -> memref<80x32xf32, #tpu.memory_space<vmem>>
      %dma_start3A_46 = arith.constant 160 : i32
      %dma_start3A_47 = tpu.memref_slice %arg6[%dma_start3A_46] : memref<800xi32, #tpu.memory_space<vmem>> -> memref<80xi32, #tpu.memory_space<vmem>>
      %dma_start3A_48 = arith.constant 0 : i32
      %dma_start3A_49 = arith.constant 0 : i32
      %dma_start3A_50 = tpu.memref_slice %arg2[%dma_start3A_48, %dma_start3A_49] : memref<1000448x32xf32, #tpu.memory_space<hbm>> -> memref<1000448x32xf32, #tpu.memory_space<hbm>>
      tpu.enqueue_indirect_dma source(%dma_start3A_50 : memref<1000448x32xf32, #tpu.memory_space<hbm>>) target(%dma_start3A_45 : memref<80x32xf32, #tpu.memory_space<vmem>>) offsets(%dma_start3A_47 : memref<80xi32, #tpu.memory_space<vmem>>) semaphore(%arg12 : memref<!tpu.dma_semaphore, #tpu.memory_space<semaphore_mem>>)
      %dma_start3A_51 = arith.constant 240 : i32
      %dma_start3A_52 = arith.constant 0 : i32
      %dma_start3A_53 = tpu.memref_slice %arg8[%dma_start3A_51, %dma_start3A_52] : memref<800x32xf32, #tpu.memory_space<vmem>> -> memref<80x32xf32, #tpu.memory_space<vmem>>
      %dma_start3A_54 = arith.constant 240 : i32
      %dma_start3A_55 = tpu.memref_slice %arg6[%dma_start3A_54] : memref<800xi32, #tpu.memory_space<vmem>> -> memref<80xi32, #tpu.memory_space<vmem>>
      %dma_start3A_56 = arith.constant 0 : i32
      %dma_start3A_57 = arith.constant 0 : i32
      %dma_start3A_58 = tpu.memref_slice %arg2[%dma_start3A_56, %dma_start3A_57] : memref<1000448x32xf32, #tpu.memory_space<hbm>> -> memref<1000448x32xf32, #tpu.memory_space<hbm>>
      tpu.enqueue_indirect_dma source(%dma_start3A_58 : memref<1000448x32xf32, #tpu.memory_space<hbm>>) target(%dma_start3A_53 : memref<80x32xf32, #tpu.memory_space<vmem>>) offsets(%dma_start3A_55 : memref<80xi32, #tpu.memory_space<vmem>>) semaphore(%arg12 : memref<!tpu.dma_semaphore, #tpu.memory_space<semaphore_mem>>)
      %dma_start3A_59 = arith.constant 320 : i32
      %dma_start3A_60 = arith.constant 0 : i32
      %dma_start3A_61 = tpu.memref_slice %arg8[%dma_start3A_59, %dma_start3A_60] : memref<800x32xf32, #tpu.memory_space<vmem>> -> memref<80x32xf32, #tpu.memory_space<vmem>>
      %dma_start3A_62 = arith.constant 320 : i32
      %dma_start3A_63 = tpu.memref_slice %arg6[%dma_start3A_62] : memref<800xi32, #tpu.memory_space<vmem>> -> memref<80xi32, #tpu.memory_space<vmem>>
      %dma_start3A_64 = arith.constant 0 : i32
      %dma_start3A_65 = arith.constant 0 : i32
      %dma_start3A_66 = tpu.memref_slice %arg2[%dma_start3A_64, %dma_start3A_65] : memref<1000448x32xf32, #tpu.memory_space<hbm>> -> memref<1000448x32xf32, #tpu.memory_space<hbm>>
      tpu.enqueue_indirect_dma source(%dma_start3A_66 : memref<1000448x32xf32, #tpu.memory_space<hbm>>) target(%dma_start3A_61 : memref<80x32xf32, #tpu.memory_space<vmem>>) offsets(%dma_start3A_63 : memref<80xi32, #tpu.memory_space<vmem>>) semaphore(%arg12 : memref<!tpu.dma_semaphore, #tpu.memory_space<semaphore_mem>>)
      %dma_start3A_67 = arith.constant 400 : i32
      %dma_start3A_68 = arith.constant 0 : i32
      %dma_start3A_69 = tpu.memref_slice %arg8[%dma_start3A_67, %dma_start3A_68] : memref<800x32xf32, #tpu.memory_space<vmem>> -> memref<80x32xf32, #tpu.memory_space<vmem>>
      %dma_start3A_70 = arith.constant 400 : i32
      %dma_start3A_71 = tpu.memref_slice %arg6[%dma_start3A_70] : memref<800xi32, #tpu.memory_space<vmem>> -> memref<80xi32, #tpu.memory_space<vmem>>
      %dma_start3A_72 = arith.constant 0 : i32
      %dma_start3A_73 = arith.constant 0 : i32
      %dma_start3A_74 = tpu.memref_slice %arg2[%dma_start3A_72, %dma_start3A_73] : memref<1000448x32xf32, #tpu.memory_space<hbm>> -> memref<1000448x32xf32, #tpu.memory_space<hbm>>
      tpu.enqueue_indirect_dma source(%dma_start3A_74 : memref<1000448x32xf32, #tpu.memory_space<hbm>>) target(%dma_start3A_69 : memref<80x32xf32, #tpu.memory_space<vmem>>) offsets(%dma_start3A_71 : memref<80xi32, #tpu.memory_space<vmem>>) semaphore(%arg12 : memref<!tpu.dma_semaphore, #tpu.memory_space<semaphore_mem>>)
      %dma_start3A_75 = arith.constant 480 : i32
      %dma_start3A_76 = arith.constant 0 : i32
      %dma_start3A_77 = tpu.memref_slice %arg8[%dma_start3A_75, %dma_start3A_76] : memref<800x32xf32, #tpu.memory_space<vmem>> -> memref<80x32xf32, #tpu.memory_space<vmem>>
      %dma_start3A_78 = arith.constant 480 : i32
      %dma_start3A_79 = tpu.memref_slice %arg6[%dma_start3A_78] : memref<800xi32, #tpu.memory_space<vmem>> -> memref<80xi32, #tpu.memory_space<vmem>>
      %dma_start3A_80 = arith.constant 0 : i32
      %dma_start3A_81 = arith.constant 0 : i32
      %dma_start3A_82 = tpu.memref_slice %arg2[%dma_start3A_80, %dma_start3A_81] : memref<1000448x32xf32, #tpu.memory_space<hbm>> -> memref<1000448x32xf32, #tpu.memory_space<hbm>>
      tpu.enqueue_indirect_dma source(%dma_start3A_82 : memref<1000448x32xf32, #tpu.memory_space<hbm>>) target(%dma_start3A_77 : memref<80x32xf32, #tpu.memory_space<vmem>>) offsets(%dma_start3A_79 : memref<80xi32, #tpu.memory_space<vmem>>) semaphore(%arg12 : memref<!tpu.dma_semaphore, #tpu.memory_space<semaphore_mem>>)
      %dma_start3A_83 = arith.constant 560 : i32
      %dma_start3A_84 = arith.constant 0 : i32
      %dma_start3A_85 = tpu.memref_slice %arg8[%dma_start3A_83, %dma_start3A_84] : memref<800x32xf32, #tpu.memory_space<vmem>> -> memref<80x32xf32, #tpu.memory_space<vmem>>
      %dma_start3A_86 = arith.constant 560 : i32
      %dma_start3A_87 = tpu.memref_slice %arg6[%dma_start3A_86] : memref<800xi32, #tpu.memory_space<vmem>> -> memref<80xi32, #tpu.memory_space<vmem>>
      %dma_start3A_88 = arith.constant 0 : i32
      %dma_start3A_89 = arith.constant 0 : i32
      %dma_start3A_90 = tpu.memref_slice %arg2[%dma_start3A_88, %dma_start3A_89] : memref<1000448x32xf32, #tpu.memory_space<hbm>> -> memref<1000448x32xf32, #tpu.memory_space<hbm>>
      tpu.enqueue_indirect_dma source(%dma_start3A_90 : memref<1000448x32xf32, #tpu.memory_space<hbm>>) target(%dma_start3A_85 : memref<80x32xf32, #tpu.memory_space<vmem>>) offsets(%dma_start3A_87 : memref<80xi32, #tpu.memory_space<vmem>>) semaphore(%arg12 : memref<!tpu.dma_semaphore, #tpu.memory_space<semaphore_mem>>)
      %dma_start3A_91 = arith.constant 640 : i32
      %dma_start3A_92 = arith.constant 0 : i32
      %dma_start3A_93 = tpu.memref_slice %arg8[%dma_start3A_91, %dma_start3A_92] : memref<800x32xf32, #tpu.memory_space<vmem>> -> memref<80x32xf32, #tpu.memory_space<vmem>>
      %dma_start3A_94 = arith.constant 640 : i32
      %dma_start3A_95 = tpu.memref_slice %arg6[%dma_start3A_94] : memref<800xi32, #tpu.memory_space<vmem>> -> memref<80xi32, #tpu.memory_space<vmem>>
      %dma_start3A_96 = arith.constant 0 : i32
      %dma_start3A_97 = arith.constant 0 : i32
      %dma_start3A_98 = tpu.memref_slice %arg2[%dma_start3A_96, %dma_start3A_97] : memref<1000448x32xf32, #tpu.memory_space<hbm>> -> memref<1000448x32xf32, #tpu.memory_space<hbm>>
      tpu.enqueue_indirect_dma source(%dma_start3A_98 : memref<1000448x32xf32, #tpu.memory_space<hbm>>) target(%dma_start3A_93 : memref<80x32xf32, #tpu.memory_space<vmem>>) offsets(%dma_start3A_95 : memref<80xi32, #tpu.memory_space<vmem>>) semaphore(%arg12 : memref<!tpu.dma_semaphore, #tpu.memory_space<semaphore_mem>>)
      %dma_start3A_99 = arith.constant 720 : i32
      %dma_start3A_100 = arith.constant 0 : i32
      %dma_start3A_101 = tpu.memref_slice %arg8[%dma_start3A_99, %dma_start3A_100] : memref<800x32xf32, #tpu.memory_space<vmem>> -> memref<80x32xf32, #tpu.memory_space<vmem>>
      %dma_start3A_102 = arith.constant 720 : i32
      %dma_start3A_103 = tpu.memref_slice %arg6[%dma_start3A_102] : memref<800xi32, #tpu.memory_space<vmem>> -> memref<80xi32, #tpu.memory_space<vmem>>
      %dma_start3A_104 = arith.constant 0 : i32
      %dma_start3A_105 = arith.constant 0 : i32
      %dma_start3A_106 = tpu.memref_slice %arg2[%dma_start3A_104, %dma_start3A_105] : memref<1000448x32xf32, #tpu.memory_space<hbm>> -> memref<1000448x32xf32, #tpu.memory_space<hbm>>
      tpu.enqueue_indirect_dma source(%dma_start3A_106 : memref<1000448x32xf32, #tpu.memory_space<hbm>>) target(%dma_start3A_101 : memref<80x32xf32, #tpu.memory_space<vmem>>) offsets(%dma_start3A_103 : memref<80xi32, #tpu.memory_space<vmem>>) semaphore(%arg12 : memref<!tpu.dma_semaphore, #tpu.memory_space<semaphore_mem>>)
      %mul3A_107 = arith.constant 512 : i32
      %mul3A_108 = arith.muli %add3A, %mul3A_107 : i32
      %mul3A_109 = arith.constant 16 : i32
      %mul3A_110 = arith.muli %add3A_20, %mul3A_109 : i32
      %add3A_111 = arith.addi %mul3A_108, %mul3A_110 : i32
      %mul3A_112 = arith.constant 50 : i32
      %mul3A_113 = arith.muli %add3A_111, %mul3A_112 : i32
      "tpu.region"() ({
        %run_scoped3A = tpu.sem_alloc : memref<!tpu.dma_semaphore, #tpu.memory_space<semaphore_mem>>
        %dma_start3A_383 = tpu.memref_slice %arg3[%mul3A_113] : memref<819200xi32, #tpu.memory_space<hbm>> -> memref<800xi32, #tpu.memory_space<hbm>>
        %dma_start3A_384 = tpu.memref_slice %arg3[%mul3A_113] : memref<819200xi32, #tpu.memory_space<hbm>> -> memref<800xi32, #tpu.memory_space<hbm>>
        tpu.enqueue_dma source(%dma_start3A_384 : memref<800xi32, #tpu.memory_space<hbm>>) target(%arg7 : memref<800xi32, #tpu.memory_space<vmem>>) target_semaphore(%run_scoped3A : memref<!tpu.dma_semaphore, #tpu.memory_space<semaphore_mem>>)
        %dma_wait3A_385 = tpu.memref_slice %arg3[%mul3A_113] : memref<819200xi32, #tpu.memory_space<hbm>> -> memref<800xi32, #tpu.memory_space<hbm>>
        %dma_wait3A_386 = tpu.memref_slice %arg3[%mul3A_113] : memref<819200xi32, #tpu.memory_space<hbm>> -> memref<800xi32, #tpu.memory_space<hbm>>
        tpu.wait_dma2 semaphore(%run_scoped3A : memref<!tpu.dma_semaphore, #tpu.memory_space<semaphore_mem>>) src(%dma_wait3A_386 : memref<800xi32, #tpu.memory_space<hbm>>) dst(%arg7 : memref<800xi32, #tpu.memory_space<vmem>>)
        tpu.yield
      }) : () -> ()
      %dma_start3A_114 = arith.constant 0 : i32
      %dma_start3A_115 = arith.constant 0 : i32
      %dma_start3A_116 = tpu.memref_slice %arg9[%dma_start3A_114, %dma_start3A_115] : memref<800x32xf32, #tpu.memory_space<vmem>> -> memref<80x32xf32, #tpu.memory_space<vmem>>
      %dma_start3A_117 = arith.constant 0 : i32
      %dma_start3A_118 = tpu.memref_slice %arg7[%dma_start3A_117] : memref<800xi32, #tpu.memory_space<vmem>> -> memref<80xi32, #tpu.memory_space<vmem>>
      %dma_start3A_119 = arith.constant 0 : i32
      %dma_start3A_120 = arith.constant 0 : i32
      %dma_start3A_121 = tpu.memref_slice %arg2[%dma_start3A_119, %dma_start3A_120] : memref<1000448x32xf32, #tpu.memory_space<hbm>> -> memref<1000448x32xf32, #tpu.memory_space<hbm>>
      tpu.enqueue_indirect_dma source(%dma_start3A_121 : memref<1000448x32xf32, #tpu.memory_space<hbm>>) target(%dma_start3A_116 : memref<80x32xf32, #tpu.memory_space<vmem>>) offsets(%dma_start3A_118 : memref<80xi32, #tpu.memory_space<vmem>>) semaphore(%arg12 : memref<!tpu.dma_semaphore, #tpu.memory_space<semaphore_mem>>)
      %dma_start3A_122 = arith.constant 80 : i32
      %dma_start3A_123 = arith.constant 0 : i32
      %dma_start3A_124 = tpu.memref_slice %arg9[%dma_start3A_122, %dma_start3A_123] : memref<800x32xf32, #tpu.memory_space<vmem>> -> memref<80x32xf32, #tpu.memory_space<vmem>>
      %dma_start3A_125 = arith.constant 80 : i32
      %dma_start3A_126 = tpu.memref_slice %arg7[%dma_start3A_125] : memref<800xi32, #tpu.memory_space<vmem>> -> memref<80xi32, #tpu.memory_space<vmem>>
      %dma_start3A_127 = arith.constant 0 : i32
      %dma_start3A_128 = arith.constant 0 : i32
      %dma_start3A_129 = tpu.memref_slice %arg2[%dma_start3A_127, %dma_start3A_128] : memref<1000448x32xf32, #tpu.memory_space<hbm>> -> memref<1000448x32xf32, #tpu.memory_space<hbm>>
      tpu.enqueue_indirect_dma source(%dma_start3A_129 : memref<1000448x32xf32, #tpu.memory_space<hbm>>) target(%dma_start3A_124 : memref<80x32xf32, #tpu.memory_space<vmem>>) offsets(%dma_start3A_126 : memref<80xi32, #tpu.memory_space<vmem>>) semaphore(%arg12 : memref<!tpu.dma_semaphore, #tpu.memory_space<semaphore_mem>>)
      %dma_start3A_130 = arith.constant 160 : i32
      %dma_start3A_131 = arith.constant 0 : i32
      %dma_start3A_132 = tpu.memref_slice %arg9[%dma_start3A_130, %dma_start3A_131] : memref<800x32xf32, #tpu.memory_space<vmem>> -> memref<80x32xf32, #tpu.memory_space<vmem>>
      %dma_start3A_133 = arith.constant 160 : i32
      %dma_start3A_134 = tpu.memref_slice %arg7[%dma_start3A_133] : memref<800xi32, #tpu.memory_space<vmem>> -> memref<80xi32, #tpu.memory_space<vmem>>
      %dma_start3A_135 = arith.constant 0 : i32
      %dma_start3A_136 = arith.constant 0 : i32
      %dma_start3A_137 = tpu.memref_slice %arg2[%dma_start3A_135, %dma_start3A_136] : memref<1000448x32xf32, #tpu.memory_space<hbm>> -> memref<1000448x32xf32, #tpu.memory_space<hbm>>
      tpu.enqueue_indirect_dma source(%dma_start3A_137 : memref<1000448x32xf32, #tpu.memory_space<hbm>>) target(%dma_start3A_132 : memref<80x32xf32, #tpu.memory_space<vmem>>) offsets(%dma_start3A_134 : memref<80xi32, #tpu.memory_space<vmem>>) semaphore(%arg12 : memref<!tpu.dma_semaphore, #tpu.memory_space<semaphore_mem>>)
      %dma_start3A_138 = arith.constant 240 : i32
      %dma_start3A_139 = arith.constant 0 : i32
      %dma_start3A_140 = tpu.memref_slice %arg9[%dma_start3A_138, %dma_start3A_139] : memref<800x32xf32, #tpu.memory_space<vmem>> -> memref<80x32xf32, #tpu.memory_space<vmem>>
      %dma_start3A_141 = arith.constant 240 : i32
      %dma_start3A_142 = tpu.memref_slice %arg7[%dma_start3A_141] : memref<800xi32, #tpu.memory_space<vmem>> -> memref<80xi32, #tpu.memory_space<vmem>>
      %dma_start3A_143 = arith.constant 0 : i32
      %dma_start3A_144 = arith.constant 0 : i32
      %dma_start3A_145 = tpu.memref_slice %arg2[%dma_start3A_143, %dma_start3A_144] : memref<1000448x32xf32, #tpu.memory_space<hbm>> -> memref<1000448x32xf32, #tpu.memory_space<hbm>>
      tpu.enqueue_indirect_dma source(%dma_start3A_145 : memref<1000448x32xf32, #tpu.memory_space<hbm>>) target(%dma_start3A_140 : memref<80x32xf32, #tpu.memory_space<vmem>>) offsets(%dma_start3A_142 : memref<80xi32, #tpu.memory_space<vmem>>) semaphore(%arg12 : memref<!tpu.dma_semaphore, #tpu.memory_space<semaphore_mem>>)
      %dma_start3A_146 = arith.constant 320 : i32
      %dma_start3A_147 = arith.constant 0 : i32
      %dma_start3A_148 = tpu.memref_slice %arg9[%dma_start3A_146, %dma_start3A_147] : memref<800x32xf32, #tpu.memory_space<vmem>> -> memref<80x32xf32, #tpu.memory_space<vmem>>
      %dma_start3A_149 = arith.constant 320 : i32
      %dma_start3A_150 = tpu.memref_slice %arg7[%dma_start3A_149] : memref<800xi32, #tpu.memory_space<vmem>> -> memref<80xi32, #tpu.memory_space<vmem>>
      %dma_start3A_151 = arith.constant 0 : i32
      %dma_start3A_152 = arith.constant 0 : i32
      %dma_start3A_153 = tpu.memref_slice %arg2[%dma_start3A_151, %dma_start3A_152] : memref<1000448x32xf32, #tpu.memory_space<hbm>> -> memref<1000448x32xf32, #tpu.memory_space<hbm>>
      tpu.enqueue_indirect_dma source(%dma_start3A_153 : memref<1000448x32xf32, #tpu.memory_space<hbm>>) target(%dma_start3A_148 : memref<80x32xf32, #tpu.memory_space<vmem>>) offsets(%dma_start3A_150 : memref<80xi32, #tpu.memory_space<vmem>>) semaphore(%arg12 : memref<!tpu.dma_semaphore, #tpu.memory_space<semaphore_mem>>)
      %dma_start3A_154 = arith.constant 400 : i32
      %dma_start3A_155 = arith.constant 0 : i32
      %dma_start3A_156 = tpu.memref_slice %arg9[%dma_start3A_154, %dma_start3A_155] : memref<800x32xf32, #tpu.memory_space<vmem>> -> memref<80x32xf32, #tpu.memory_space<vmem>>
      %dma_start3A_157 = arith.constant 400 : i32
      %dma_start3A_158 = tpu.memref_slice %arg7[%dma_start3A_157] : memref<800xi32, #tpu.memory_space<vmem>> -> memref<80xi32, #tpu.memory_space<vmem>>
      %dma_start3A_159 = arith.constant 0 : i32
      %dma_start3A_160 = arith.constant 0 : i32
      %dma_start3A_161 = tpu.memref_slice %arg2[%dma_start3A_159, %dma_start3A_160] : memref<1000448x32xf32, #tpu.memory_space<hbm>> -> memref<1000448x32xf32, #tpu.memory_space<hbm>>
      tpu.enqueue_indirect_dma source(%dma_start3A_161 : memref<1000448x32xf32, #tpu.memory_space<hbm>>) target(%dma_start3A_156 : memref<80x32xf32, #tpu.memory_space<vmem>>) offsets(%dma_start3A_158 : memref<80xi32, #tpu.memory_space<vmem>>) semaphore(%arg12 : memref<!tpu.dma_semaphore, #tpu.memory_space<semaphore_mem>>)
      %dma_start3A_162 = arith.constant 480 : i32
      %dma_start3A_163 = arith.constant 0 : i32
      %dma_start3A_164 = tpu.memref_slice %arg9[%dma_start3A_162, %dma_start3A_163] : memref<800x32xf32, #tpu.memory_space<vmem>> -> memref<80x32xf32, #tpu.memory_space<vmem>>
      %dma_start3A_165 = arith.constant 480 : i32
      %dma_start3A_166 = tpu.memref_slice %arg7[%dma_start3A_165] : memref<800xi32, #tpu.memory_space<vmem>> -> memref<80xi32, #tpu.memory_space<vmem>>
      %dma_start3A_167 = arith.constant 0 : i32
      %dma_start3A_168 = arith.constant 0 : i32
      %dma_start3A_169 = tpu.memref_slice %arg2[%dma_start3A_167, %dma_start3A_168] : memref<1000448x32xf32, #tpu.memory_space<hbm>> -> memref<1000448x32xf32, #tpu.memory_space<hbm>>
      tpu.enqueue_indirect_dma source(%dma_start3A_169 : memref<1000448x32xf32, #tpu.memory_space<hbm>>) target(%dma_start3A_164 : memref<80x32xf32, #tpu.memory_space<vmem>>) offsets(%dma_start3A_166 : memref<80xi32, #tpu.memory_space<vmem>>) semaphore(%arg12 : memref<!tpu.dma_semaphore, #tpu.memory_space<semaphore_mem>>)
      %dma_start3A_170 = arith.constant 560 : i32
      %dma_start3A_171 = arith.constant 0 : i32
      %dma_start3A_172 = tpu.memref_slice %arg9[%dma_start3A_170, %dma_start3A_171] : memref<800x32xf32, #tpu.memory_space<vmem>> -> memref<80x32xf32, #tpu.memory_space<vmem>>
      %dma_start3A_173 = arith.constant 560 : i32
      %dma_start3A_174 = tpu.memref_slice %arg7[%dma_start3A_173] : memref<800xi32, #tpu.memory_space<vmem>> -> memref<80xi32, #tpu.memory_space<vmem>>
      %dma_start3A_175 = arith.constant 0 : i32
      %dma_start3A_176 = arith.constant 0 : i32
      %dma_start3A_177 = tpu.memref_slice %arg2[%dma_start3A_175, %dma_start3A_176] : memref<1000448x32xf32, #tpu.memory_space<hbm>> -> memref<1000448x32xf32, #tpu.memory_space<hbm>>
      tpu.enqueue_indirect_dma source(%dma_start3A_177 : memref<1000448x32xf32, #tpu.memory_space<hbm>>) target(%dma_start3A_172 : memref<80x32xf32, #tpu.memory_space<vmem>>) offsets(%dma_start3A_174 : memref<80xi32, #tpu.memory_space<vmem>>) semaphore(%arg12 : memref<!tpu.dma_semaphore, #tpu.memory_space<semaphore_mem>>)
      %dma_start3A_178 = arith.constant 640 : i32
      %dma_start3A_179 = arith.constant 0 : i32
      %dma_start3A_180 = tpu.memref_slice %arg9[%dma_start3A_178, %dma_start3A_179] : memref<800x32xf32, #tpu.memory_space<vmem>> -> memref<80x32xf32, #tpu.memory_space<vmem>>
      %dma_start3A_181 = arith.constant 640 : i32
      %dma_start3A_182 = tpu.memref_slice %arg7[%dma_start3A_181] : memref<800xi32, #tpu.memory_space<vmem>> -> memref<80xi32, #tpu.memory_space<vmem>>
      %dma_start3A_183 = arith.constant 0 : i32
      %dma_start3A_184 = arith.constant 0 : i32
      %dma_start3A_185 = tpu.memref_slice %arg2[%dma_start3A_183, %dma_start3A_184] : memref<1000448x32xf32, #tpu.memory_space<hbm>> -> memref<1000448x32xf32, #tpu.memory_space<hbm>>
      tpu.enqueue_indirect_dma source(%dma_start3A_185 : memref<1000448x32xf32, #tpu.memory_space<hbm>>) target(%dma_start3A_180 : memref<80x32xf32, #tpu.memory_space<vmem>>) offsets(%dma_start3A_182 : memref<80xi32, #tpu.memory_space<vmem>>) semaphore(%arg12 : memref<!tpu.dma_semaphore, #tpu.memory_space<semaphore_mem>>)
      %dma_start3A_186 = arith.constant 720 : i32
      %dma_start3A_187 = arith.constant 0 : i32
      %dma_start3A_188 = tpu.memref_slice %arg9[%dma_start3A_186, %dma_start3A_187] : memref<800x32xf32, #tpu.memory_space<vmem>> -> memref<80x32xf32, #tpu.memory_space<vmem>>
      %dma_start3A_189 = arith.constant 720 : i32
      %dma_start3A_190 = tpu.memref_slice %arg7[%dma_start3A_189] : memref<800xi32, #tpu.memory_space<vmem>> -> memref<80xi32, #tpu.memory_space<vmem>>
      %dma_start3A_191 = arith.constant 0 : i32
      %dma_start3A_192 = arith.constant 0 : i32
      %dma_start3A_193 = tpu.memref_slice %arg2[%dma_start3A_191, %dma_start3A_192] : memref<1000448x32xf32, #tpu.memory_space<hbm>> -> memref<1000448x32xf32, #tpu.memory_space<hbm>>
      tpu.enqueue_indirect_dma source(%dma_start3A_193 : memref<1000448x32xf32, #tpu.memory_space<hbm>>) target(%dma_start3A_188 : memref<80x32xf32, #tpu.memory_space<vmem>>) offsets(%dma_start3A_190 : memref<80xi32, #tpu.memory_space<vmem>>) semaphore(%arg12 : memref<!tpu.dma_semaphore, #tpu.memory_space<semaphore_mem>>)
      %dma_wait3A = arith.constant 0 : i32
      %dma_wait3A_194 = arith.constant 0 : i32
      %dma_wait3A_195 = tpu.memref_slice %arg8[%dma_wait3A, %dma_wait3A_194] : memref<800x32xf32, #tpu.memory_space<vmem>> -> memref<80x32xf32, #tpu.memory_space<vmem>>
      %dma_wait3A_196 = arith.constant 0 : i32
      %dma_wait3A_197 = tpu.memref_slice %arg6[%dma_wait3A_196] : memref<800xi32, #tpu.memory_space<vmem>> -> memref<80xi32, #tpu.memory_space<vmem>>
      %dma_wait3A_198 = arith.constant 0 : i32
      %dma_wait3A_199 = arith.constant 0 : i32
      %dma_wait3A_200 = tpu.memref_slice %arg2[%dma_wait3A_198, %dma_wait3A_199] : memref<1000448x32xf32, #tpu.memory_space<hbm>> -> memref<1000448x32xf32, #tpu.memory_space<hbm>>
      tpu.wait_indirect_dma semaphore(%arg12 : memref<!tpu.dma_semaphore, #tpu.memory_space<semaphore_mem>>) src(%dma_wait3A_200 : memref<1000448x32xf32, #tpu.memory_space<hbm>>) dst(%dma_wait3A_195 : memref<80x32xf32, #tpu.memory_space<vmem>>)
      %dma_wait3A_201 = arith.constant 80 : i32
      %dma_wait3A_202 = arith.constant 0 : i32
      %dma_wait3A_203 = tpu.memref_slice %arg8[%dma_wait3A_201, %dma_wait3A_202] : memref<800x32xf32, #tpu.memory_space<vmem>> -> memref<80x32xf32, #tpu.memory_space<vmem>>
      %dma_wait3A_204 = arith.constant 80 : i32
      %dma_wait3A_205 = tpu.memref_slice %arg6[%dma_wait3A_204] : memref<800xi32, #tpu.memory_space<vmem>> -> memref<80xi32, #tpu.memory_space<vmem>>
      %dma_wait3A_206 = arith.constant 0 : i32
      %dma_wait3A_207 = arith.constant 0 : i32
      %dma_wait3A_208 = tpu.memref_slice %arg2[%dma_wait3A_206, %dma_wait3A_207] : memref<1000448x32xf32, #tpu.memory_space<hbm>> -> memref<1000448x32xf32, #tpu.memory_space<hbm>>
      tpu.wait_indirect_dma semaphore(%arg12 : memref<!tpu.dma_semaphore, #tpu.memory_space<semaphore_mem>>) src(%dma_wait3A_208 : memref<1000448x32xf32, #tpu.memory_space<hbm>>) dst(%dma_wait3A_203 : memref<80x32xf32, #tpu.memory_space<vmem>>)
      %dma_wait3A_209 = arith.constant 160 : i32
      %dma_wait3A_210 = arith.constant 0 : i32
      %dma_wait3A_211 = tpu.memref_slice %arg8[%dma_wait3A_209, %dma_wait3A_210] : memref<800x32xf32, #tpu.memory_space<vmem>> -> memref<80x32xf32, #tpu.memory_space<vmem>>
      %dma_wait3A_212 = arith.constant 160 : i32
      %dma_wait3A_213 = tpu.memref_slice %arg6[%dma_wait3A_212] : memref<800xi32, #tpu.memory_space<vmem>> -> memref<80xi32, #tpu.memory_space<vmem>>
      %dma_wait3A_214 = arith.constant 0 : i32
      %dma_wait3A_215 = arith.constant 0 : i32
      %dma_wait3A_216 = tpu.memref_slice %arg2[%dma_wait3A_214, %dma_wait3A_215] : memref<1000448x32xf32, #tpu.memory_space<hbm>> -> memref<1000448x32xf32, #tpu.memory_space<hbm>>
      tpu.wait_indirect_dma semaphore(%arg12 : memref<!tpu.dma_semaphore, #tpu.memory_space<semaphore_mem>>) src(%dma_wait3A_216 : memref<1000448x32xf32, #tpu.memory_space<hbm>>) dst(%dma_wait3A_211 : memref<80x32xf32, #tpu.memory_space<vmem>>)
      %dma_wait3A_217 = arith.constant 240 : i32
      %dma_wait3A_218 = arith.constant 0 : i32
      %dma_wait3A_219 = tpu.memref_slice %arg8[%dma_wait3A_217, %dma_wait3A_218] : memref<800x32xf32, #tpu.memory_space<vmem>> -> memref<80x32xf32, #tpu.memory_space<vmem>>
      %dma_wait3A_220 = arith.constant 240 : i32
      %dma_wait3A_221 = tpu.memref_slice %arg6[%dma_wait3A_220] : memref<800xi32, #tpu.memory_space<vmem>> -> memref<80xi32, #tpu.memory_space<vmem>>
      %dma_wait3A_222 = arith.constant 0 : i32
      %dma_wait3A_223 = arith.constant 0 : i32
      %dma_wait3A_224 = tpu.memref_slice %arg2[%dma_wait3A_222, %dma_wait3A_223] : memref<1000448x32xf32, #tpu.memory_space<hbm>> -> memref<1000448x32xf32, #tpu.memory_space<hbm>>
      tpu.wait_indirect_dma semaphore(%arg12 : memref<!tpu.dma_semaphore, #tpu.memory_space<semaphore_mem>>) src(%dma_wait3A_224 : memref<1000448x32xf32, #tpu.memory_space<hbm>>) dst(%dma_wait3A_219 : memref<80x32xf32, #tpu.memory_space<vmem>>)
      %dma_wait3A_225 = arith.constant 320 : i32
      %dma_wait3A_226 = arith.constant 0 : i32
      %dma_wait3A_227 = tpu.memref_slice %arg8[%dma_wait3A_225, %dma_wait3A_226] : memref<800x32xf32, #tpu.memory_space<vmem>> -> memref<80x32xf32, #tpu.memory_space<vmem>>
      %dma_wait3A_228 = arith.constant 320 : i32
      %dma_wait3A_229 = tpu.memref_slice %arg6[%dma_wait3A_228] : memref<800xi32, #tpu.memory_space<vmem>> -> memref<80xi32, #tpu.memory_space<vmem>>
      %dma_wait3A_230 = arith.constant 0 : i32
      %dma_wait3A_231 = arith.constant 0 : i32
      %dma_wait3A_232 = tpu.memref_slice %arg2[%dma_wait3A_230, %dma_wait3A_231] : memref<1000448x32xf32, #tpu.memory_space<hbm>> -> memref<1000448x32xf32, #tpu.memory_space<hbm>>
      tpu.wait_indirect_dma semaphore(%arg12 : memref<!tpu.dma_semaphore, #tpu.memory_space<semaphore_mem>>) src(%dma_wait3A_232 : memref<1000448x32xf32, #tpu.memory_space<hbm>>) dst(%dma_wait3A_227 : memref<80x32xf32, #tpu.memory_space<vmem>>)
      %dma_wait3A_233 = arith.constant 400 : i32
      %dma_wait3A_234 = arith.constant 0 : i32
      %dma_wait3A_235 = tpu.memref_slice %arg8[%dma_wait3A_233, %dma_wait3A_234] : memref<800x32xf32, #tpu.memory_space<vmem>> -> memref<80x32xf32, #tpu.memory_space<vmem>>
      %dma_wait3A_236 = arith.constant 400 : i32
      %dma_wait3A_237 = tpu.memref_slice %arg6[%dma_wait3A_236] : memref<800xi32, #tpu.memory_space<vmem>> -> memref<80xi32, #tpu.memory_space<vmem>>
      %dma_wait3A_238 = arith.constant 0 : i32
      %dma_wait3A_239 = arith.constant 0 : i32
      %dma_wait3A_240 = tpu.memref_slice %arg2[%dma_wait3A_238, %dma_wait3A_239] : memref<1000448x32xf32, #tpu.memory_space<hbm>> -> memref<1000448x32xf32, #tpu.memory_space<hbm>>
      tpu.wait_indirect_dma semaphore(%arg12 : memref<!tpu.dma_semaphore, #tpu.memory_space<semaphore_mem>>) src(%dma_wait3A_240 : memref<1000448x32xf32, #tpu.memory_space<hbm>>) dst(%dma_wait3A_235 : memref<80x32xf32, #tpu.memory_space<vmem>>)
      %dma_wait3A_241 = arith.constant 480 : i32
      %dma_wait3A_242 = arith.constant 0 : i32
      %dma_wait3A_243 = tpu.memref_slice %arg8[%dma_wait3A_241, %dma_wait3A_242] : memref<800x32xf32, #tpu.memory_space<vmem>> -> memref<80x32xf32, #tpu.memory_space<vmem>>
      %dma_wait3A_244 = arith.constant 480 : i32
      %dma_wait3A_245 = tpu.memref_slice %arg6[%dma_wait3A_244] : memref<800xi32, #tpu.memory_space<vmem>> -> memref<80xi32, #tpu.memory_space<vmem>>
      %dma_wait3A_246 = arith.constant 0 : i32
      %dma_wait3A_247 = arith.constant 0 : i32
      %dma_wait3A_248 = tpu.memref_slice %arg2[%dma_wait3A_246, %dma_wait3A_247] : memref<1000448x32xf32, #tpu.memory_space<hbm>> -> memref<1000448x32xf32, #tpu.memory_space<hbm>>
      tpu.wait_indirect_dma semaphore(%arg12 : memref<!tpu.dma_semaphore, #tpu.memory_space<semaphore_mem>>) src(%dma_wait3A_248 : memref<1000448x32xf32, #tpu.memory_space<hbm>>) dst(%dma_wait3A_243 : memref<80x32xf32, #tpu.memory_space<vmem>>)
      %dma_wait3A_249 = arith.constant 560 : i32
      %dma_wait3A_250 = arith.constant 0 : i32
      %dma_wait3A_251 = tpu.memref_slice %arg8[%dma_wait3A_249, %dma_wait3A_250] : memref<800x32xf32, #tpu.memory_space<vmem>> -> memref<80x32xf32, #tpu.memory_space<vmem>>
      %dma_wait3A_252 = arith.constant 560 : i32
      %dma_wait3A_253 = tpu.memref_slice %arg6[%dma_wait3A_252] : memref<800xi32, #tpu.memory_space<vmem>> -> memref<80xi32, #tpu.memory_space<vmem>>
      %dma_wait3A_254 = arith.constant 0 : i32
      %dma_wait3A_255 = arith.constant 0 : i32
      %dma_wait3A_256 = tpu.memref_slice %arg2[%dma_wait3A_254, %dma_wait3A_255] : memref<1000448x32xf32, #tpu.memory_space<hbm>> -> memref<1000448x32xf32, #tpu.memory_space<hbm>>
      tpu.wait_indirect_dma semaphore(%arg12 : memref<!tpu.dma_semaphore, #tpu.memory_space<semaphore_mem>>) src(%dma_wait3A_256 : memref<1000448x32xf32, #tpu.memory_space<hbm>>) dst(%dma_wait3A_251 : memref<80x32xf32, #tpu.memory_space<vmem>>)
      %dma_wait3A_257 = arith.constant 640 : i32
      %dma_wait3A_258 = arith.constant 0 : i32
      %dma_wait3A_259 = tpu.memref_slice %arg8[%dma_wait3A_257, %dma_wait3A_258] : memref<800x32xf32, #tpu.memory_space<vmem>> -> memref<80x32xf32, #tpu.memory_space<vmem>>
      %dma_wait3A_260 = arith.constant 640 : i32
      %dma_wait3A_261 = tpu.memref_slice %arg6[%dma_wait3A_260] : memref<800xi32, #tpu.memory_space<vmem>> -> memref<80xi32, #tpu.memory_space<vmem>>
      %dma_wait3A_262 = arith.constant 0 : i32
      %dma_wait3A_263 = arith.constant 0 : i32
      %dma_wait3A_264 = tpu.memref_slice %arg2[%dma_wait3A_262, %dma_wait3A_263] : memref<1000448x32xf32, #tpu.memory_space<hbm>> -> memref<1000448x32xf32, #tpu.memory_space<hbm>>
      tpu.wait_indirect_dma semaphore(%arg12 : memref<!tpu.dma_semaphore, #tpu.memory_space<semaphore_mem>>) src(%dma_wait3A_264 : memref<1000448x32xf32, #tpu.memory_space<hbm>>) dst(%dma_wait3A_259 : memref<80x32xf32, #tpu.memory_space<vmem>>)
      %dma_wait3A_265 = arith.constant 720 : i32
      %dma_wait3A_266 = arith.constant 0 : i32
      %dma_wait3A_267 = tpu.memref_slice %arg8[%dma_wait3A_265, %dma_wait3A_266] : memref<800x32xf32, #tpu.memory_space<vmem>> -> memref<80x32xf32, #tpu.memory_space<vmem>>
      %dma_wait3A_268 = arith.constant 720 : i32
      %dma_wait3A_269 = tpu.memref_slice %arg6[%dma_wait3A_268] : memref<800xi32, #tpu.memory_space<vmem>> -> memref<80xi32, #tpu.memory_space<vmem>>
      %dma_wait3A_270 = arith.constant 0 : i32
      %dma_wait3A_271 = arith.constant 0 : i32
      %dma_wait3A_272 = tpu.memref_slice %arg2[%dma_wait3A_270, %dma_wait3A_271] : memref<1000448x32xf32, #tpu.memory_space<hbm>> -> memref<1000448x32xf32, #tpu.memory_space<hbm>>
      tpu.wait_indirect_dma semaphore(%arg12 : memref<!tpu.dma_semaphore, #tpu.memory_space<semaphore_mem>>) src(%dma_wait3A_272 : memref<1000448x32xf32, #tpu.memory_space<hbm>>) dst(%dma_wait3A_267 : memref<80x32xf32, #tpu.memory_space<vmem>>)
      %mul3A_273 = arith.constant 512 : i32
      %mul3A_274 = arith.muli %add3A, %mul3A_273 : i32
      %mul3A_275 = arith.constant 16 : i32
      %mul3A_276 = arith.muli %mul3A_16, %mul3A_275 : i32
      %add3A_277 = arith.addi %mul3A_274, %mul3A_276 : i32
      %scan3A_278 = arith.constant 0 : i32
      %scan3A_279 = arith.constant 0 : i32
      %scan3A_280 = arith.constant 16 : i32
      %scan3A_281 = arith.addi %scan3A_279, %scan3A_280 : i32
      %scan3A_282 = arith.constant 1 : i32
      scf.for %scan3A_383 = %scan3A_279 to %scan3A_281 step %scan3A_282  : i32 {
        %mul3A_384 = arith.constant 50 : i32
        %mul3A_385 = arith.muli %scan3A_383, %mul3A_384 : i32
        %add3A_386 = arith.constant 0 : i32
        %add3A_387 = arith.addi %mul3A_385, %add3A_386 : i32
        %add3A_388 = vector.broadcast %add3A_387 : i32 to vector<16xi32>
        %add3A_389 = arith.addi %add3A_388, %iota3A : vector<16xi32>
        %min3A = arith.constant 799 : i32
        %min3A_390 = vector.broadcast %min3A : i32 to vector<16xi32>
        %min3A_391 = arith.minsi %add3A_389, %min3A_390 : vector<16xi32>
        %add3A_392 = arith.constant 16 : i32
        %add3A_393 = arith.addi %mul3A_385, %add3A_392 : i32
        %add3A_394 = vector.broadcast %add3A_393 : i32 to vector<16xi32>
        %add3A_395 = arith.addi %add3A_394, %iota3A : vector<16xi32>
        %min3A_396 = arith.constant 799 : i32
        %min3A_397 = vector.broadcast %min3A_396 : i32 to vector<16xi32>
        %min3A_398 = arith.minsi %add3A_395, %min3A_397 : vector<16xi32>
        %add3A_399 = arith.constant 32 : i32
        %add3A_400 = arith.addi %mul3A_385, %add3A_399 : i32
        %add3A_401 = vector.broadcast %add3A_400 : i32 to vector<16xi32>
        %add3A_402 = arith.addi %add3A_401, %iota3A : vector<16xi32>
        %min3A_403 = arith.constant 799 : i32
        %min3A_404 = vector.broadcast %min3A_403 : i32 to vector<16xi32>
        %min3A_405 = arith.minsi %add3A_402, %min3A_404 : vector<16xi32>
        %add3A_406 = arith.constant 48 : i32
        %add3A_407 = arith.addi %mul3A_385, %add3A_406 : i32
        %add3A_408 = vector.broadcast %add3A_407 : i32 to vector<16xi32>
        %add3A_409 = arith.addi %add3A_408, %iota3A : vector<16xi32>
        %min3A_410 = arith.constant 799 : i32
        %min3A_411 = vector.broadcast %min3A_410 : i32 to vector<16xi32>
        %min3A_412 = arith.minsi %add3A_409, %min3A_411 : vector<16xi32>
        %get3A = arith.index_cast %mul3A_385 : i32 to index
        %get3A_413 = arith.constant 0 : index
        %get3A_414 = tpu.vector_load %arg8[%get3A, %get3A_413] {strides = array<i32>} : memref<800x32xf32, #tpu.memory_space<vmem>>, vector<16xf32>,
        %get3A_415 = arith.index_cast %mul3A_385 : i32 to index
        %get3A_416 = arith.constant 16 : index
        %get3A_417 = tpu.vector_load %arg8[%get3A_415, %get3A_416] {strides = array<i32>} : memref<800x32xf32, #tpu.memory_space<vmem>>, vector<16xf32>,
        %broadcast_in_dim3A_418 = arith.constant 0 : i32
        %broadcast_in_dim3A_419 = vector.broadcast %broadcast_in_dim3A_418 : i32 to vector<16xi32>
        %slice3A = vector.extract_strided_slice %get3A_414 {offsets = [0], sizes = [1], strides = [1]} : vector<16xf32> to vector<1xf32>
        %squeeze3A = vector.extract %slice3A[0] : f32 from vector<1xf32>
        %broadcast_in_dim3A_420 = vector.broadcast %squeeze3A : f32 to vector<16xf32>
        %gather3A = tpu.vector_load_idx %arg8[%min3A_391, %broadcast_in_dim3A_419] : memref<800x32xf32, #tpu.memory_space<vmem>>[vector<16xi32>, vector<16xi32>], vector<16xf32>,
        %mul3A_421 = arith.mulf %gather3A, %gather3A : vector<16xf32>
        %add3A_422 = arith.addf %broadcast_in_dim3A_1, %mul3A_421 : vector<16xf32>
        %mul3A_423 = arith.mulf %broadcast_in_dim3A_420, %gather3A : vector<16xf32>
        %add3A_424 = arith.addf %broadcast_in_dim3A_1, %mul3A_423 : vector<16xf32>
        %gather3A_425 = tpu.vector_load_idx %arg8[%min3A_398, %broadcast_in_dim3A_419] : memref<800x32xf32, #tpu.memory_space<vmem>>[vector<16xi32>, vector<16xi32>], vector<16xf32>,
        %mul3A_426 = arith.mulf %gather3A_425, %gather3A_425 : vector<16xf32>
        %add3A_427 = arith.addf %broadcast_in_dim3A_1, %mul3A_426 : vector<16xf32>
        %mul3A_428 = arith.mulf %broadcast_in_dim3A_420, %gather3A_425 : vector<16xf32>
        %add3A_429 = arith.addf %broadcast_in_dim3A_1, %mul3A_428 : vector<16xf32>
        %gather3A_430 = tpu.vector_load_idx %arg8[%min3A_405, %broadcast_in_dim3A_419] : memref<800x32xf32, #tpu.memory_space<vmem>>[vector<16xi32>, vector<16xi32>], vector<16xf32>,
        %mul3A_431 = arith.mulf %gather3A_430, %gather3A_430 : vector<16xf32>
        %add3A_432 = arith.addf %broadcast_in_dim3A_1, %mul3A_431 : vector<16xf32>
        %mul3A_433 = arith.mulf %broadcast_in_dim3A_420, %gather3A_430 : vector<16xf32>
        %add3A_434 = arith.addf %broadcast_in_dim3A_1, %mul3A_433 : vector<16xf32>
        %gather3A_435 = tpu.vector_load_idx %arg8[%min3A_412, %broadcast_in_dim3A_419] : memref<800x32xf32, #tpu.memory_space<vmem>>[vector<16xi32>, vector<16xi32>], vector<16xf32>,
        %mul3A_436 = arith.mulf %gather3A_435, %gather3A_435 : vector<16xf32>
        %add3A_437 = arith.addf %broadcast_in_dim3A_1, %mul3A_436 : vector<16xf32>
        %mul3A_438 = arith.mulf %broadcast_in_dim3A_420, %gather3A_435 : vector<16xf32>
        %add3A_439 = arith.addf %broadcast_in_dim3A_1, %mul3A_438 : vector<16xf32>
        %broadcast_in_dim3A_440 = arith.constant 1 : i32
        %broadcast_in_dim3A_441 = vector.broadcast %broadcast_in_dim3A_440 : i32 to vector<16xi32>
        %slice3A_442 = vector.extract_strided_slice %get3A_414 {offsets = [1], sizes = [1], strides = [1]} : vector<16xf32> to vector<1xf32>
        %squeeze3A_443 = vector.extract %slice3A_442[0] : f32 from vector<1xf32>
        %broadcast_in_dim3A_444 = vector.broadcast %squeeze3A_443 : f32 to vector<16xf32>
        %gather3A_445 = tpu.vector_load_idx %arg8[%min3A_391, %broadcast_in_dim3A_441] : memref<800x32xf32, #tpu.memory_space<vmem>>[vector<16xi32>, vector<16xi32>], vector<16xf32>,
        %mul3A_446 = arith.mulf %gather3A_445, %gather3A_445 : vector<16xf32>
        %add3A_447 = arith.addf %add3A_422, %mul3A_446 : vector<16xf32>
        %mul3A_448 = arith.mulf %broadcast_in_dim3A_444, %gather3A_445 : vector<16xf32>
        %add3A_449 = arith.addf %add3A_424, %mul3A_448 : vector<16xf32>
        %gather3A_450 = tpu.vector_load_idx %arg8[%min3A_398, %broadcast_in_dim3A_441] : memref<800x32xf32, #tpu.memory_space<vmem>>[vector<16xi32>, vector<16xi32>], vector<16xf32>,
        %mul3A_451 = arith.mulf %gather3A_450, %gather3A_450 : vector<16xf32>
        %add3A_452 = arith.addf %add3A_427, %mul3A_451 : vector<16xf32>
        %mul3A_453 = arith.mulf %broadcast_in_dim3A_444, %gather3A_450 : vector<16xf32>
        %add3A_454 = arith.addf %add3A_429, %mul3A_453 : vector<16xf32>
        %gather3A_455 = tpu.vector_load_idx %arg8[%min3A_405, %broadcast_in_dim3A_441] : memref<800x32xf32, #tpu.memory_space<vmem>>[vector<16xi32>, vector<16xi32>], vector<16xf32>,
        %mul3A_456 = arith.mulf %gather3A_455, %gather3A_455 : vector<16xf32>
        %add3A_457 = arith.addf %add3A_432, %mul3A_456 : vector<16xf32>
        %mul3A_458 = arith.mulf %broadcast_in_dim3A_444, %gather3A_455 : vector<16xf32>
        %add3A_459 = arith.addf %add3A_434, %mul3A_458 : vector<16xf32>
        %gather3A_460 = tpu.vector_load_idx %arg8[%min3A_412, %broadcast_in_dim3A_441] : memref<800x32xf32, #tpu.memory_space<vmem>>[vector<16xi32>, vector<16xi32>], vector<16xf32>,
        %mul3A_461 = arith.mulf %gather3A_460, %gather3A_460 : vector<16xf32>
        %add3A_462 = arith.addf %add3A_437, %mul3A_461 : vector<16xf32>
        %mul3A_463 = arith.mulf %broadcast_in_dim3A_444, %gather3A_460 : vector<16xf32>
        %add3A_464 = arith.addf %add3A_439, %mul3A_463 : vector<16xf32>
        %broadcast_in_dim3A_465 = arith.constant 2 : i32
        %broadcast_in_dim3A_466 = vector.broadcast %broadcast_in_dim3A_465 : i32 to vector<16xi32>
        %slice3A_467 = vector.extract_strided_slice %get3A_414 {offsets = [2], sizes = [1], strides = [1]} : vector<16xf32> to vector<1xf32>
        %squeeze3A_468 = vector.extract %slice3A_467[0] : f32 from vector<1xf32>
        %broadcast_in_dim3A_469 = vector.broadcast %squeeze3A_468 : f32 to vector<16xf32>
        %gather3A_470 = tpu.vector_load_idx %arg8[%min3A_391, %broadcast_in_dim3A_466] : memref<800x32xf32, #tpu.memory_space<vmem>>[vector<16xi32>, vector<16xi32>], vector<16xf32>,
        %mul3A_471 = arith.mulf %gather3A_470, %gather3A_470 : vector<16xf32>
        %add3A_472 = arith.addf %add3A_447, %mul3A_471 : vector<16xf32>
        %mul3A_473 = arith.mulf %broadcast_in_dim3A_469, %gather3A_470 : vector<16xf32>
        %add3A_474 = arith.addf %add3A_449, %mul3A_473 : vector<16xf32>
        %gather3A_475 = tpu.vector_load_idx %arg8[%min3A_398, %broadcast_in_dim3A_466] : memref<800x32xf32, #tpu.memory_space<vmem>>[vector<16xi32>, vector<16xi32>], vector<16xf32>,
        %mul3A_476 = arith.mulf %gather3A_475, %gather3A_475 : vector<16xf32>
        %add3A_477 = arith.addf %add3A_452, %mul3A_476 : vector<16xf32>
        %mul3A_478 = arith.mulf %broadcast_in_dim3A_469, %gather3A_475 : vector<16xf32>
        %add3A_479 = arith.addf %add3A_454, %mul3A_478 : vector<16xf32>
        %gather3A_480 = tpu.vector_load_idx %arg8[%min3A_405, %broadcast_in_dim3A_466] : memref<800x32xf32, #tpu.memory_space<vmem>>[vector<16xi32>, vector<16xi32>], vector<16xf32>,
        %mul3A_481 = arith.mulf %gather3A_480, %gather3A_480 : vector<16xf32>
        %add3A_482 = arith.addf %add3A_457, %mul3A_481 : vector<16xf32>
        %mul3A_483 = arith.mulf %broadcast_in_dim3A_469, %gather3A_480 : vector<16xf32>
        %add3A_484 = arith.addf %add3A_459, %mul3A_483 : vector<16xf32>
        %gather3A_485 = tpu.vector_load_idx %arg8[%min3A_412, %broadcast_in_dim3A_466] : memref<800x32xf32, #tpu.memory_space<vmem>>[vector<16xi32>, vector<16xi32>], vector<16xf32>,
        %mul3A_486 = arith.mulf %gather3A_485, %gather3A_485 : vector<16xf32>
        %add3A_487 = arith.addf %add3A_462, %mul3A_486 : vector<16xf32>
        %mul3A_488 = arith.mulf %broadcast_in_dim3A_469, %gather3A_485 : vector<16xf32>
        %add3A_489 = arith.addf %add3A_464, %mul3A_488 : vector<16xf32>
        %broadcast_in_dim3A_490 = arith.constant 3 : i32
        %broadcast_in_dim3A_491 = vector.broadcast %broadcast_in_dim3A_490 : i32 to vector<16xi32>
        %slice3A_492 = vector.extract_strided_slice %get3A_414 {offsets = [3], sizes = [1], strides = [1]} : vector<16xf32> to vector<1xf32>
        %squeeze3A_493 = vector.extract %slice3A_492[0] : f32 from vector<1xf32>
        %broadcast_in_dim3A_494 = vector.broadcast %squeeze3A_493 : f32 to vector<16xf32>
        %gather3A_495 = tpu.vector_load_idx %arg8[%min3A_391, %broadcast_in_dim3A_491] : memref<800x32xf32, #tpu.memory_space<vmem>>[vector<16xi32>, vector<16xi32>], vector<16xf32>,
        %mul3A_496 = arith.mulf %gather3A_495, %gather3A_495 : vector<16xf32>
        %add3A_497 = arith.addf %add3A_472, %mul3A_496 : vector<16xf32>
        %mul3A_498 = arith.mulf %broadcast_in_dim3A_494, %gather3A_495 : vector<16xf32>
        %add3A_499 = arith.addf %add3A_474, %mul3A_498 : vector<16xf32>
        %gather3A_500 = tpu.vector_load_idx %arg8[%min3A_398, %broadcast_in_dim3A_491] : memref<800x32xf32, #tpu.memory_space<vmem>>[vector<16xi32>, vector<16xi32>], vector<16xf32>,
        %mul3A_501 = arith.mulf %gather3A_500, %gather3A_500 : vector<16xf32>
        %add3A_502 = arith.addf %add3A_477, %mul3A_501 : vector<16xf32>
        %mul3A_503 = arith.mulf %broadcast_in_dim3A_494, %gather3A_500 : vector<16xf32>
        %add3A_504 = arith.addf %add3A_479, %mul3A_503 : vector<16xf32>
        %gather3A_505 = tpu.vector_load_idx %arg8[%min3A_405, %broadcast_in_dim3A_491] : memref<800x32xf32, #tpu.memory_space<vmem>>[vector<16xi32>, vector<16xi32>], vector<16xf32>,
        %mul3A_506 = arith.mulf %gather3A_505, %gather3A_505 : vector<16xf32>
        %add3A_507 = arith.addf %add3A_482, %mul3A_506 : vector<16xf32>
        %mul3A_508 = arith.mulf %broadcast_in_dim3A_494, %gather3A_505 : vector<16xf32>
        %add3A_509 = arith.addf %add3A_484, %mul3A_508 : vector<16xf32>
        %gather3A_510 = tpu.vector_load_idx %arg8[%min3A_412, %broadcast_in_dim3A_491] : memref<800x32xf32, #tpu.memory_space<vmem>>[vector<16xi32>, vector<16xi32>], vector<16xf32>,
        %mul3A_511 = arith.mulf %gather3A_510, %gather3A_510 : vector<16xf32>
        %add3A_512 = arith.addf %add3A_487, %mul3A_511 : vector<16xf32>
        %mul3A_513 = arith.mulf %broadcast_in_dim3A_494, %gather3A_510 : vector<16xf32>
        %add3A_514 = arith.addf %add3A_489, %mul3A_513 : vector<16xf32>
        %broadcast_in_dim3A_515 = arith.constant 4 : i32
        %broadcast_in_dim3A_516 = vector.broadcast %broadcast_in_dim3A_515 : i32 to vector<16xi32>
        %slice3A_517 = vector.extract_strided_slice %get3A_414 {offsets = [4], sizes = [1], strides = [1]} : vector<16xf32> to vector<1xf32>
        %squeeze3A_518 = vector.extract %slice3A_517[0] : f32 from vector<1xf32>
        %broadcast_in_dim3A_519 = vector.broadcast %squeeze3A_518 : f32 to vector<16xf32>
        %gather3A_520 = tpu.vector_load_idx %arg8[%min3A_391, %broadcast_in_dim3A_516] : memref<800x32xf32, #tpu.memory_space<vmem>>[vector<16xi32>, vector<16xi32>], vector<16xf32>,
        %mul3A_521 = arith.mulf %gather3A_520, %gather3A_520 : vector<16xf32>
        %add3A_522 = arith.addf %add3A_497, %mul3A_521 : vector<16xf32>
        %mul3A_523 = arith.mulf %broadcast_in_dim3A_519, %gather3A_520 : vector<16xf32>
        %add3A_524 = arith.addf %add3A_499, %mul3A_523 : vector<16xf32>
        %gather3A_525 = tpu.vector_load_idx %arg8[%min3A_398, %broadcast_in_dim3A_516] : memref<800x32xf32, #tpu.memory_space<vmem>>[vector<16xi32>, vector<16xi32>], vector<16xf32>,
        %mul3A_526 = arith.mulf %gather3A_525, %gather3A_525 : vector<16xf32>
        %add3A_527 = arith.addf %add3A_502, %mul3A_526 : vector<16xf32>
        %mul3A_528 = arith.mulf %broadcast_in_dim3A_519, %gather3A_525 : vector<16xf32>
        %add3A_529 = arith.addf %add3A_504, %mul3A_528 : vector<16xf32>
        %gather3A_530 = tpu.vector_load_idx %arg8[%min3A_405, %broadcast_in_dim3A_516] : memref<800x32xf32, #tpu.memory_space<vmem>>[vector<16xi32>, vector<16xi32>], vector<16xf32>,
        %mul3A_531 = arith.mulf %gather3A_530, %gather3A_530 : vector<16xf32>
        %add3A_532 = arith.addf %add3A_507, %mul3A_531 : vector<16xf32>
        %mul3A_533 = arith.mulf %broadcast_in_dim3A_519, %gather3A_530 : vector<16xf32>
        %add3A_534 = arith.addf %add3A_509, %mul3A_533 : vector<16xf32>
        %gather3A_535 = tpu.vector_load_idx %arg8[%min3A_412, %broadcast_in_dim3A_516] : memref<800x32xf32, #tpu.memory_space<vmem>>[vector<16xi32>, vector<16xi32>], vector<16xf32>,
        %mul3A_536 = arith.mulf %gather3A_535, %gather3A_535 : vector<16xf32>
        %add3A_537 = arith.addf %add3A_512, %mul3A_536 : vector<16xf32>
        %mul3A_538 = arith.mulf %broadcast_in_dim3A_519, %gather3A_535 : vector<16xf32>
        %add3A_539 = arith.addf %add3A_514, %mul3A_538 : vector<16xf32>
        %broadcast_in_dim3A_540 = arith.constant 5 : i32
        %broadcast_in_dim3A_541 = vector.broadcast %broadcast_in_dim3A_540 : i32 to vector<16xi32>
        %slice3A_542 = vector.extract_strided_slice %get3A_414 {offsets = [5], sizes = [1], strides = [1]} : vector<16xf32> to vector<1xf32>
        %squeeze3A_543 = vector.extract %slice3A_542[0] : f32 from vector<1xf32>
        %broadcast_in_dim3A_544 = vector.broadcast %squeeze3A_543 : f32 to vector<16xf32>
        %gather3A_545 = tpu.vector_load_idx %arg8[%min3A_391, %broadcast_in_dim3A_541] : memref<800x32xf32, #tpu.memory_space<vmem>>[vector<16xi32>, vector<16xi32>], vector<16xf32>,
        %mul3A_546 = arith.mulf %gather3A_545, %gather3A_545 : vector<16xf32>
        %add3A_547 = arith.addf %add3A_522, %mul3A_546 : vector<16xf32>
        %mul3A_548 = arith.mulf %broadcast_in_dim3A_544, %gather3A_545 : vector<16xf32>
        %add3A_549 = arith.addf %add3A_524, %mul3A_548 : vector<16xf32>
        %gather3A_550 = tpu.vector_load_idx %arg8[%min3A_398, %broadcast_in_dim3A_541] : memref<800x32xf32, #tpu.memory_space<vmem>>[vector<16xi32>, vector<16xi32>], vector<16xf32>,
        %mul3A_551 = arith.mulf %gather3A_550, %gather3A_550 : vector<16xf32>
        %add3A_552 = arith.addf %add3A_527, %mul3A_551 : vector<16xf32>
        %mul3A_553 = arith.mulf %broadcast_in_dim3A_544, %gather3A_550 : vector<16xf32>
        %add3A_554 = arith.addf %add3A_529, %mul3A_553 : vector<16xf32>
        %gather3A_555 = tpu.vector_load_idx %arg8[%min3A_405, %broadcast_in_dim3A_541] : memref<800x32xf32, #tpu.memory_space<vmem>>[vector<16xi32>, vector<16xi32>], vector<16xf32>,
        %mul3A_556 = arith.mulf %gather3A_555, %gather3A_555 : vector<16xf32>
        %add3A_557 = arith.addf %add3A_532, %mul3A_556 : vector<16xf32>
        %mul3A_558 = arith.mulf %broadcast_in_dim3A_544, %gather3A_555 : vector<16xf32>
        %add3A_559 = arith.addf %add3A_534, %mul3A_558 : vector<16xf32>
        %gather3A_560 = tpu.vector_load_idx %arg8[%min3A_412, %broadcast_in_dim3A_541] : memref<800x32xf32, #tpu.memory_space<vmem>>[vector<16xi32>, vector<16xi32>], vector<16xf32>,
        %mul3A_561 = arith.mulf %gather3A_560, %gather3A_560 : vector<16xf32>
        %add3A_562 = arith.addf %add3A_537, %mul3A_561 : vector<16xf32>
        %mul3A_563 = arith.mulf %broadcast_in_dim3A_544, %gather3A_560 : vector<16xf32>
        %add3A_564 = arith.addf %add3A_539, %mul3A_563 : vector<16xf32>
        %broadcast_in_dim3A_565 = arith.constant 6 : i32
        %broadcast_in_dim3A_566 = vector.broadcast %broadcast_in_dim3A_565 : i32 to vector<16xi32>
        %slice3A_567 = vector.extract_strided_slice %get3A_414 {offsets = [6], sizes = [1], strides = [1]} : vector<16xf32> to vector<1xf32>
        %squeeze3A_568 = vector.extract %slice3A_567[0] : f32 from vector<1xf32>
        %broadcast_in_dim3A_569 = vector.broadcast %squeeze3A_568 : f32 to vector<16xf32>
        %gather3A_570 = tpu.vector_load_idx %arg8[%min3A_391, %broadcast_in_dim3A_566] : memref<800x32xf32, #tpu.memory_space<vmem>>[vector<16xi32>, vector<16xi32>], vector<16xf32>,
        %mul3A_571 = arith.mulf %gather3A_570, %gather3A_570 : vector<16xf32>
        %add3A_572 = arith.addf %add3A_547, %mul3A_571 : vector<16xf32>
        %mul3A_573 = arith.mulf %broadcast_in_dim3A_569, %gather3A_570 : vector<16xf32>
        %add3A_574 = arith.addf %add3A_549, %mul3A_573 : vector<16xf32>
        %gather3A_575 = tpu.vector_load_idx %arg8[%min3A_398, %broadcast_in_dim3A_566] : memref<800x32xf32, #tpu.memory_space<vmem>>[vector<16xi32>, vector<16xi32>], vector<16xf32>,
        %mul3A_576 = arith.mulf %gather3A_575, %gather3A_575 : vector<16xf32>
        %add3A_577 = arith.addf %add3A_552, %mul3A_576 : vector<16xf32>
        %mul3A_578 = arith.mulf %broadcast_in_dim3A_569, %gather3A_575 : vector<16xf32>
        %add3A_579 = arith.addf %add3A_554, %mul3A_578 : vector<16xf32>
        %gather3A_580 = tpu.vector_load_idx %arg8[%min3A_405, %broadcast_in_dim3A_566] : memref<800x32xf32, #tpu.memory_space<vmem>>[vector<16xi32>, vector<16xi32>], vector<16xf32>,
        %mul3A_581 = arith.mulf %gather3A_580, %gather3A_580 : vector<16xf32>
        %add3A_582 = arith.addf %add3A_557, %mul3A_581 : vector<16xf32>
        %mul3A_583 = arith.mulf %broadcast_in_dim3A_569, %gather3A_580 : vector<16xf32>
        %add3A_584 = arith.addf %add3A_559, %mul3A_583 : vector<16xf32>
        %gather3A_585 = tpu.vector_load_idx %arg8[%min3A_412, %broadcast_in_dim3A_566] : memref<800x32xf32, #tpu.memory_space<vmem>>[vector<16xi32>, vector<16xi32>], vector<16xf32>,
        %mul3A_586 = arith.mulf %gather3A_585, %gather3A_585 : vector<16xf32>
        %add3A_587 = arith.addf %add3A_562, %mul3A_586 : vector<16xf32>
        %mul3A_588 = arith.mulf %broadcast_in_dim3A_569, %gather3A_585 : vector<16xf32>
        %add3A_589 = arith.addf %add3A_564, %mul3A_588 : vector<16xf32>
        %broadcast_in_dim3A_590 = arith.constant 7 : i32
        %broadcast_in_dim3A_591 = vector.broadcast %broadcast_in_dim3A_590 : i32 to vector<16xi32>
        %slice3A_592 = vector.extract_strided_slice %get3A_414 {offsets = [7], sizes = [1], strides = [1]} : vector<16xf32> to vector<1xf32>
        %squeeze3A_593 = vector.extract %slice3A_592[0] : f32 from vector<1xf32>
        %broadcast_in_dim3A_594 = vector.broadcast %squeeze3A_593 : f32 to vector<16xf32>
        %gather3A_595 = tpu.vector_load_idx %arg8[%min3A_391, %broadcast_in_dim3A_591] : memref<800x32xf32, #tpu.memory_space<vmem>>[vector<16xi32>, vector<16xi32>], vector<16xf32>,
        %mul3A_596 = arith.mulf %gather3A_595, %gather3A_595 : vector<16xf32>
        %add3A_597 = arith.addf %add3A_572, %mul3A_596 : vector<16xf32>
        %mul3A_598 = arith.mulf %broadcast_in_dim3A_594, %gather3A_595 : vector<16xf32>
        %add3A_599 = arith.addf %add3A_574, %mul3A_598 : vector<16xf32>
        %gather3A_600 = tpu.vector_load_idx %arg8[%min3A_398, %broadcast_in_dim3A_591] : memref<800x32xf32, #tpu.memory_space<vmem>>[vector<16xi32>, vector<16xi32>], vector<16xf32>,
        %mul3A_601 = arith.mulf %gather3A_600, %gather3A_600 : vector<16xf32>
        %add3A_602 = arith.addf %add3A_577, %mul3A_601 : vector<16xf32>
        %mul3A_603 = arith.mulf %broadcast_in_dim3A_594, %gather3A_600 : vector<16xf32>
        %add3A_604 = arith.addf %add3A_579, %mul3A_603 : vector<16xf32>
        %gather3A_605 = tpu.vector_load_idx %arg8[%min3A_405, %broadcast_in_dim3A_591] : memref<800x32xf32, #tpu.memory_space<vmem>>[vector<16xi32>, vector<16xi32>], vector<16xf32>,
        %mul3A_606 = arith.mulf %gather3A_605, %gather3A_605 : vector<16xf32>
        %add3A_607 = arith.addf %add3A_582, %mul3A_606 : vector<16xf32>
        %mul3A_608 = arith.mulf %broadcast_in_dim3A_594, %gather3A_605 : vector<16xf32>
        %add3A_609 = arith.addf %add3A_584, %mul3A_608 : vector<16xf32>
        %gather3A_610 = tpu.vector_load_idx %arg8[%min3A_412, %broadcast_in_dim3A_591] : memref<800x32xf32, #tpu.memory_space<vmem>>[vector<16xi32>, vector<16xi32>], vector<16xf32>,
        %mul3A_611 = arith.mulf %gather3A_610, %gather3A_610 : vector<16xf32>
        %add3A_612 = arith.addf %add3A_587, %mul3A_611 : vector<16xf32>
        %mul3A_613 = arith.mulf %broadcast_in_dim3A_594, %gather3A_610 : vector<16xf32>
        %add3A_614 = arith.addf %add3A_589, %mul3A_613 : vector<16xf32>
        %broadcast_in_dim3A_615 = arith.constant 8 : i32
        %broadcast_in_dim3A_616 = vector.broadcast %broadcast_in_dim3A_615 : i32 to vector<16xi32>
        %slice3A_617 = vector.extract_strided_slice %get3A_414 {offsets = [8], sizes = [1], strides = [1]} : vector<16xf32> to vector<1xf32>
        %squeeze3A_618 = vector.extract %slice3A_617[0] : f32 from vector<1xf32>
        %broadcast_in_dim3A_619 = vector.broadcast %squeeze3A_618 : f32 to vector<16xf32>
        %gather3A_620 = tpu.vector_load_idx %arg8[%min3A_391, %broadcast_in_dim3A_616] : memref<800x32xf32, #tpu.memory_space<vmem>>[vector<16xi32>, vector<16xi32>], vector<16xf32>,
        %mul3A_621 = arith.mulf %gather3A_620, %gather3A_620 : vector<16xf32>
        %add3A_622 = arith.addf %add3A_597, %mul3A_621 : vector<16xf32>
        %mul3A_623 = arith.mulf %broadcast_in_dim3A_619, %gather3A_620 : vector<16xf32>
        %add3A_624 = arith.addf %add3A_599, %mul3A_623 : vector<16xf32>
        %gather3A_625 = tpu.vector_load_idx %arg8[%min3A_398, %broadcast_in_dim3A_616] : memref<800x32xf32, #tpu.memory_space<vmem>>[vector<16xi32>, vector<16xi32>], vector<16xf32>,
        %mul3A_626 = arith.mulf %gather3A_625, %gather3A_625 : vector<16xf32>
        %add3A_627 = arith.addf %add3A_602, %mul3A_626 : vector<16xf32>
        %mul3A_628 = arith.mulf %broadcast_in_dim3A_619, %gather3A_625 : vector<16xf32>
        %add3A_629 = arith.addf %add3A_604, %mul3A_628 : vector<16xf32>
        %gather3A_630 = tpu.vector_load_idx %arg8[%min3A_405, %broadcast_in_dim3A_616] : memref<800x32xf32, #tpu.memory_space<vmem>>[vector<16xi32>, vector<16xi32>], vector<16xf32>,
        %mul3A_631 = arith.mulf %gather3A_630, %gather3A_630 : vector<16xf32>
        %add3A_632 = arith.addf %add3A_607, %mul3A_631 : vector<16xf32>
        %mul3A_633 = arith.mulf %broadcast_in_dim3A_619, %gather3A_630 : vector<16xf32>
        %add3A_634 = arith.addf %add3A_609, %mul3A_633 : vector<16xf32>
        %gather3A_635 = tpu.vector_load_idx %arg8[%min3A_412, %broadcast_in_dim3A_616] : memref<800x32xf32, #tpu.memory_space<vmem>>[vector<16xi32>, vector<16xi32>], vector<16xf32>,
        %mul3A_636 = arith.mulf %gather3A_635, %gather3A_635 : vector<16xf32>
        %add3A_637 = arith.addf %add3A_612, %mul3A_636 : vector<16xf32>
        %mul3A_638 = arith.mulf %broadcast_in_dim3A_619, %gather3A_635 : vector<16xf32>
        %add3A_639 = arith.addf %add3A_614, %mul3A_638 : vector<16xf32>
        %broadcast_in_dim3A_640 = arith.constant 9 : i32
        %broadcast_in_dim3A_641 = vector.broadcast %broadcast_in_dim3A_640 : i32 to vector<16xi32>
        %slice3A_642 = vector.extract_strided_slice %get3A_414 {offsets = [9], sizes = [1], strides = [1]} : vector<16xf32> to vector<1xf32>
        %squeeze3A_643 = vector.extract %slice3A_642[0] : f32 from vector<1xf32>
        %broadcast_in_dim3A_644 = vector.broadcast %squeeze3A_643 : f32 to vector<16xf32>
        %gather3A_645 = tpu.vector_load_idx %arg8[%min3A_391, %broadcast_in_dim3A_641] : memref<800x32xf32, #tpu.memory_space<vmem>>[vector<16xi32>, vector<16xi32>], vector<16xf32>,
        %mul3A_646 = arith.mulf %gather3A_645, %gather3A_645 : vector<16xf32>
        %add3A_647 = arith.addf %add3A_622, %mul3A_646 : vector<16xf32>
        %mul3A_648 = arith.mulf %broadcast_in_dim3A_644, %gather3A_645 : vector<16xf32>
        %add3A_649 = arith.addf %add3A_624, %mul3A_648 : vector<16xf32>
        %gather3A_650 = tpu.vector_load_idx %arg8[%min3A_398, %broadcast_in_dim3A_641] : memref<800x32xf32, #tpu.memory_space<vmem>>[vector<16xi32>, vector<16xi32>], vector<16xf32>,
        %mul3A_651 = arith.mulf %gather3A_650, %gather3A_650 : vector<16xf32>
        %add3A_652 = arith.addf %add3A_627, %mul3A_651 : vector<16xf32>
        %mul3A_653 = arith.mulf %broadcast_in_dim3A_644, %gather3A_650 : vector<16xf32>
        %add3A_654 = arith.addf %add3A_629, %mul3A_653 : vector<16xf32>
        %gather3A_655 = tpu.vector_load_idx %arg8[%min3A_405, %broadcast_in_dim3A_641] : memref<800x32xf32, #tpu.memory_space<vmem>>[vector<16xi32>, vector<16xi32>], vector<16xf32>,
        %mul3A_656 = arith.mulf %gather3A_655, %gather3A_655 : vector<16xf32>
        %add3A_657 = arith.addf %add3A_632, %mul3A_656 : vector<16xf32>
        %mul3A_658 = arith.mulf %broadcast_in_dim3A_644, %gather3A_655 : vector<16xf32>
        %add3A_659 = arith.addf %add3A_634, %mul3A_658 : vector<16xf32>
        %gather3A_660 = tpu.vector_load_idx %arg8[%min3A_412, %broadcast_in_dim3A_641] : memref<800x32xf32, #tpu.memory_space<vmem>>[vector<16xi32>, vector<16xi32>], vector<16xf32>,
        %mul3A_661 = arith.mulf %gather3A_660, %gather3A_660 : vector<16xf32>
        %add3A_662 = arith.addf %add3A_637, %mul3A_661 : vector<16xf32>
        %mul3A_663 = arith.mulf %broadcast_in_dim3A_644, %gather3A_660 : vector<16xf32>
        %add3A_664 = arith.addf %add3A_639, %mul3A_663 : vector<16xf32>
        %broadcast_in_dim3A_665 = arith.constant 10 : i32
        %broadcast_in_dim3A_666 = vector.broadcast %broadcast_in_dim3A_665 : i32 to vector<16xi32>
        %slice3A_667 = vector.extract_strided_slice %get3A_414 {offsets = [10], sizes = [1], strides = [1]} : vector<16xf32> to vector<1xf32>
        %squeeze3A_668 = vector.extract %slice3A_667[0] : f32 from vector<1xf32>
        %broadcast_in_dim3A_669 = vector.broadcast %squeeze3A_668 : f32 to vector<16xf32>
        %gather3A_670 = tpu.vector_load_idx %arg8[%min3A_391, %broadcast_in_dim3A_666] : memref<800x32xf32, #tpu.memory_space<vmem>>[vector<16xi32>, vector<16xi32>], vector<16xf32>,
        %mul3A_671 = arith.mulf %gather3A_670, %gather3A_670 : vector<16xf32>
        %add3A_672 = arith.addf %add3A_647, %mul3A_671 : vector<16xf32>
        %mul3A_673 = arith.mulf %broadcast_in_dim3A_669, %gather3A_670 : vector<16xf32>
        %add3A_674 = arith.addf %add3A_649, %mul3A_673 : vector<16xf32>
        %gather3A_675 = tpu.vector_load_idx %arg8[%min3A_398, %broadcast_in_dim3A_666] : memref<800x32xf32, #tpu.memory_space<vmem>>[vector<16xi32>, vector<16xi32>], vector<16xf32>,
        %mul3A_676 = arith.mulf %gather3A_675, %gather3A_675 : vector<16xf32>
        %add3A_677 = arith.addf %add3A_652, %mul3A_676 : vector<16xf32>
        %mul3A_678 = arith.mulf %broadcast_in_dim3A_669, %gather3A_675 : vector<16xf32>
        %add3A_679 = arith.addf %add3A_654, %mul3A_678 : vector<16xf32>
        %gather3A_680 = tpu.vector_load_idx %arg8[%min3A_405, %broadcast_in_dim3A_666] : memref<800x32xf32, #tpu.memory_space<vmem>>[vector<16xi32>, vector<16xi32>], vector<16xf32>,
        %mul3A_681 = arith.mulf %gather3A_680, %gather3A_680 : vector<16xf32>
        %add3A_682 = arith.addf %add3A_657, %mul3A_681 : vector<16xf32>
        %mul3A_683 = arith.mulf %broadcast_in_dim3A_669, %gather3A_680 : vector<16xf32>
        %add3A_684 = arith.addf %add3A_659, %mul3A_683 : vector<16xf32>
        %gather3A_685 = tpu.vector_load_idx %arg8[%min3A_412, %broadcast_in_dim3A_666] : memref<800x32xf32, #tpu.memory_space<vmem>>[vector<16xi32>, vector<16xi32>], vector<16xf32>,
        %mul3A_686 = arith.mulf %gather3A_685, %gather3A_685 : vector<16xf32>
        %add3A_687 = arith.addf %add3A_662, %mul3A_686 : vector<16xf32>
        %mul3A_688 = arith.mulf %broadcast_in_dim3A_669, %gather3A_685 : vector<16xf32>
        %add3A_689 = arith.addf %add3A_664, %mul3A_688 : vector<16xf32>
        %broadcast_in_dim3A_690 = arith.constant 11 : i32
        %broadcast_in_dim3A_691 = vector.broadcast %broadcast_in_dim3A_690 : i32 to vector<16xi32>
        %slice3A_692 = vector.extract_strided_slice %get3A_414 {offsets = [11], sizes = [1], strides = [1]} : vector<16xf32> to vector<1xf32>
        %squeeze3A_693 = vector.extract %slice3A_692[0] : f32 from vector<1xf32>
        %broadcast_in_dim3A_694 = vector.broadcast %squeeze3A_693 : f32 to vector<16xf32>
        %gather3A_695 = tpu.vector_load_idx %arg8[%min3A_391, %broadcast_in_dim3A_691] : memref<800x32xf32, #tpu.memory_space<vmem>>[vector<16xi32>, vector<16xi32>], vector<16xf32>,
        %mul3A_696 = arith.mulf %gather3A_695, %gather3A_695 : vector<16xf32>
        %add3A_697 = arith.addf %add3A_672, %mul3A_696 : vector<16xf32>
        %mul3A_698 = arith.mulf %broadcast_in_dim3A_694, %gather3A_695 : vector<16xf32>
        %add3A_699 = arith.addf %add3A_674, %mul3A_698 : vector<16xf32>
        %gather3A_700 = tpu.vector_load_idx %arg8[%min3A_398, %broadcast_in_dim3A_691] : memref<800x32xf32, #tpu.memory_space<vmem>>[vector<16xi32>, vector<16xi32>], vector<16xf32>,
        %mul3A_701 = arith.mulf %gather3A_700, %gather3A_700 : vector<16xf32>
        %add3A_702 = arith.addf %add3A_677, %mul3A_701 : vector<16xf32>
        %mul3A_703 = arith.mulf %broadcast_in_dim3A_694, %gather3A_700 : vector<16xf32>
        %add3A_704 = arith.addf %add3A_679, %mul3A_703 : vector<16xf32>
        %gather3A_705 = tpu.vector_load_idx %arg8[%min3A_405, %broadcast_in_dim3A_691] : memref<800x32xf32, #tpu.memory_space<vmem>>[vector<16xi32>, vector<16xi32>], vector<16xf32>,
        %mul3A_706 = arith.mulf %gather3A_705, %gather3A_705 : vector<16xf32>
        %add3A_707 = arith.addf %add3A_682, %mul3A_706 : vector<16xf32>
        %mul3A_708 = arith.mulf %broadcast_in_dim3A_694, %gather3A_705 : vector<16xf32>
        %add3A_709 = arith.addf %add3A_684, %mul3A_708 : vector<16xf32>
        %gather3A_710 = tpu.vector_load_idx %arg8[%min3A_412, %broadcast_in_dim3A_691] : memref<800x32xf32, #tpu.memory_space<vmem>>[vector<16xi32>, vector<16xi32>], vector<16xf32>,
        %mul3A_711 = arith.mulf %gather3A_710, %gather3A_710 : vector<16xf32>
        %add3A_712 = arith.addf %add3A_687, %mul3A_711 : vector<16xf32>
        %mul3A_713 = arith.mulf %broadcast_in_dim3A_694, %gather3A_710 : vector<16xf32>
        %add3A_714 = arith.addf %add3A_689, %mul3A_713 : vector<16xf32>
        %broadcast_in_dim3A_715 = arith.constant 12 : i32
        %broadcast_in_dim3A_716 = vector.broadcast %broadcast_in_dim3A_715 : i32 to vector<16xi32>
        %slice3A_717 = vector.extract_strided_slice %get3A_414 {offsets = [12], sizes = [1], strides = [1]} : vector<16xf32> to vector<1xf32>
        %squeeze3A_718 = vector.extract %slice3A_717[0] : f32 from vector<1xf32>
        %broadcast_in_dim3A_719 = vector.broadcast %squeeze3A_718 : f32 to vector<16xf32>
        %gather3A_720 = tpu.vector_load_idx %arg8[%min3A_391, %broadcast_in_dim3A_716] : memref<800x32xf32, #tpu.memory_space<vmem>>[vector<16xi32>, vector<16xi32>], vector<16xf32>,
        %mul3A_721 = arith.mulf %gather3A_720, %gather3A_720 : vector<16xf32>
        %add3A_722 = arith.addf %add3A_697, %mul3A_721 : vector<16xf32>
        %mul3A_723 = arith.mulf %broadcast_in_dim3A_719, %gather3A_720 : vector<16xf32>
        %add3A_724 = arith.addf %add3A_699, %mul3A_723 : vector<16xf32>
        %gather3A_725 = tpu.vector_load_idx %arg8[%min3A_398, %broadcast_in_dim3A_716] : memref<800x32xf32, #tpu.memory_space<vmem>>[vector<16xi32>, vector<16xi32>], vector<16xf32>,
        %mul3A_726 = arith.mulf %gather3A_725, %gather3A_725 : vector<16xf32>
        %add3A_727 = arith.addf %add3A_702, %mul3A_726 : vector<16xf32>
        %mul3A_728 = arith.mulf %broadcast_in_dim3A_719, %gather3A_725 : vector<16xf32>
        %add3A_729 = arith.addf %add3A_704, %mul3A_728 : vector<16xf32>
        %gather3A_730 = tpu.vector_load_idx %arg8[%min3A_405, %broadcast_in_dim3A_716] : memref<800x32xf32, #tpu.memory_space<vmem>>[vector<16xi32>, vector<16xi32>], vector<16xf32>,
        %mul3A_731 = arith.mulf %gather3A_730, %gather3A_730 : vector<16xf32>
        %add3A_732 = arith.addf %add3A_707, %mul3A_731 : vector<16xf32>
        %mul3A_733 = arith.mulf %broadcast_in_dim3A_719, %gather3A_730 : vector<16xf32>
        %add3A_734 = arith.addf %add3A_709, %mul3A_733 : vector<16xf32>
        %gather3A_735 = tpu.vector_load_idx %arg8[%min3A_412, %broadcast_in_dim3A_716] : memref<800x32xf32, #tpu.memory_space<vmem>>[vector<16xi32>, vector<16xi32>], vector<16xf32>,
        %mul3A_736 = arith.mulf %gather3A_735, %gather3A_735 : vector<16xf32>
        %add3A_737 = arith.addf %add3A_712, %mul3A_736 : vector<16xf32>
        %mul3A_738 = arith.mulf %broadcast_in_dim3A_719, %gather3A_735 : vector<16xf32>
        %add3A_739 = arith.addf %add3A_714, %mul3A_738 : vector<16xf32>
        %broadcast_in_dim3A_740 = arith.constant 13 : i32
        %broadcast_in_dim3A_741 = vector.broadcast %broadcast_in_dim3A_740 : i32 to vector<16xi32>
        %slice3A_742 = vector.extract_strided_slice %get3A_414 {offsets = [13], sizes = [1], strides = [1]} : vector<16xf32> to vector<1xf32>
        %squeeze3A_743 = vector.extract %slice3A_742[0] : f32 from vector<1xf32>
        %broadcast_in_dim3A_744 = vector.broadcast %squeeze3A_743 : f32 to vector<16xf32>
        %gather3A_745 = tpu.vector_load_idx %arg8[%min3A_391, %broadcast_in_dim3A_741] : memref<800x32xf32, #tpu.memory_space<vmem>>[vector<16xi32>, vector<16xi32>], vector<16xf32>,
        %mul3A_746 = arith.mulf %gather3A_745, %gather3A_745 : vector<16xf32>
        %add3A_747 = arith.addf %add3A_722, %mul3A_746 : vector<16xf32>
        %mul3A_748 = arith.mulf %broadcast_in_dim3A_744, %gather3A_745 : vector<16xf32>
        %add3A_749 = arith.addf %add3A_724, %mul3A_748 : vector<16xf32>
        %gather3A_750 = tpu.vector_load_idx %arg8[%min3A_398, %broadcast_in_dim3A_741] : memref<800x32xf32, #tpu.memory_space<vmem>>[vector<16xi32>, vector<16xi32>], vector<16xf32>,
        %mul3A_751 = arith.mulf %gather3A_750, %gather3A_750 : vector<16xf32>
        %add3A_752 = arith.addf %add3A_727, %mul3A_751 : vector<16xf32>
        %mul3A_753 = arith.mulf %broadcast_in_dim3A_744, %gather3A_750 : vector<16xf32>
        %add3A_754 = arith.addf %add3A_729, %mul3A_753 : vector<16xf32>
        %gather3A_755 = tpu.vector_load_idx %arg8[%min3A_405, %broadcast_in_dim3A_741] : memref<800x32xf32, #tpu.memory_space<vmem>>[vector<16xi32>, vector<16xi32>], vector<16xf32>,
        %mul3A_756 = arith.mulf %gather3A_755, %gather3A_755 : vector<16xf32>
        %add3A_757 = arith.addf %add3A_732, %mul3A_756 : vector<16xf32>
        %mul3A_758 = arith.mulf %broadcast_in_dim3A_744, %gather3A_755 : vector<16xf32>
        %add3A_759 = arith.addf %add3A_734, %mul3A_758 : vector<16xf32>
        %gather3A_760 = tpu.vector_load_idx %arg8[%min3A_412, %broadcast_in_dim3A_741] : memref<800x32xf32, #tpu.memory_space<vmem>>[vector<16xi32>, vector<16xi32>], vector<16xf32>,
        %mul3A_761 = arith.mulf %gather3A_760, %gather3A_760 : vector<16xf32>
        %add3A_762 = arith.addf %add3A_737, %mul3A_761 : vector<16xf32>
        %mul3A_763 = arith.mulf %broadcast_in_dim3A_744, %gather3A_760 : vector<16xf32>
        %add3A_764 = arith.addf %add3A_739, %mul3A_763 : vector<16xf32>
        %broadcast_in_dim3A_765 = arith.constant 14 : i32
        %broadcast_in_dim3A_766 = vector.broadcast %broadcast_in_dim3A_765 : i32 to vector<16xi32>
        %slice3A_767 = vector.extract_strided_slice %get3A_414 {offsets = [14], sizes = [1], strides = [1]} : vector<16xf32> to vector<1xf32>
        %squeeze3A_768 = vector.extract %slice3A_767[0] : f32 from vector<1xf32>
        %broadcast_in_dim3A_769 = vector.broadcast %squeeze3A_768 : f32 to vector<16xf32>
        %gather3A_770 = tpu.vector_load_idx %arg8[%min3A_391, %broadcast_in_dim3A_766] : memref<800x32xf32, #tpu.memory_space<vmem>>[vector<16xi32>, vector<16xi32>], vector<16xf32>,
        %mul3A_771 = arith.mulf %gather3A_770, %gather3A_770 : vector<16xf32>
        %add3A_772 = arith.addf %add3A_747, %mul3A_771 : vector<16xf32>
        %mul3A_773 = arith.mulf %broadcast_in_dim3A_769, %gather3A_770 : vector<16xf32>
        %add3A_774 = arith.addf %add3A_749, %mul3A_773 : vector<16xf32>
        %gather3A_775 = tpu.vector_load_idx %arg8[%min3A_398, %broadcast_in_dim3A_766] : memref<800x32xf32, #tpu.memory_space<vmem>>[vector<16xi32>, vector<16xi32>], vector<16xf32>,
        %mul3A_776 = arith.mulf %gather3A_775, %gather3A_775 : vector<16xf32>
        %add3A_777 = arith.addf %add3A_752, %mul3A_776 : vector<16xf32>
        %mul3A_778 = arith.mulf %broadcast_in_dim3A_769, %gather3A_775 : vector<16xf32>
        %add3A_779 = arith.addf %add3A_754, %mul3A_778 : vector<16xf32>
        %gather3A_780 = tpu.vector_load_idx %arg8[%min3A_405, %broadcast_in_dim3A_766] : memref<800x32xf32, #tpu.memory_space<vmem>>[vector<16xi32>, vector<16xi32>], vector<16xf32>,
        %mul3A_781 = arith.mulf %gather3A_780, %gather3A_780 : vector<16xf32>
        %add3A_782 = arith.addf %add3A_757, %mul3A_781 : vector<16xf32>
        %mul3A_783 = arith.mulf %broadcast_in_dim3A_769, %gather3A_780 : vector<16xf32>
        %add3A_784 = arith.addf %add3A_759, %mul3A_783 : vector<16xf32>
        %gather3A_785 = tpu.vector_load_idx %arg8[%min3A_412, %broadcast_in_dim3A_766] : memref<800x32xf32, #tpu.memory_space<vmem>>[vector<16xi32>, vector<16xi32>], vector<16xf32>,
        %mul3A_786 = arith.mulf %gather3A_785, %gather3A_785 : vector<16xf32>
        %add3A_787 = arith.addf %add3A_762, %mul3A_786 : vector<16xf32>
        %mul3A_788 = arith.mulf %broadcast_in_dim3A_769, %gather3A_785 : vector<16xf32>
        %add3A_789 = arith.addf %add3A_764, %mul3A_788 : vector<16xf32>
        %broadcast_in_dim3A_790 = arith.constant 15 : i32
        %broadcast_in_dim3A_791 = vector.broadcast %broadcast_in_dim3A_790 : i32 to vector<16xi32>
        %slice3A_792 = vector.extract_strided_slice %get3A_414 {offsets = [15], sizes = [1], strides = [1]} : vector<16xf32> to vector<1xf32>
        %squeeze3A_793 = vector.extract %slice3A_792[0] : f32 from vector<1xf32>
        %broadcast_in_dim3A_794 = vector.broadcast %squeeze3A_793 : f32 to vector<16xf32>
        %gather3A_795 = tpu.vector_load_idx %arg8[%min3A_391, %broadcast_in_dim3A_791] : memref<800x32xf32, #tpu.memory_space<vmem>>[vector<16xi32>, vector<16xi32>], vector<16xf32>,
        %mul3A_796 = arith.mulf %gather3A_795, %gather3A_795 : vector<16xf32>
        %add3A_797 = arith.addf %add3A_772, %mul3A_796 : vector<16xf32>
        %mul3A_798 = arith.mulf %broadcast_in_dim3A_794, %gather3A_795 : vector<16xf32>
        %add3A_799 = arith.addf %add3A_774, %mul3A_798 : vector<16xf32>
        %gather3A_800 = tpu.vector_load_idx %arg8[%min3A_398, %broadcast_in_dim3A_791] : memref<800x32xf32, #tpu.memory_space<vmem>>[vector<16xi32>, vector<16xi32>], vector<16xf32>,
        %mul3A_801 = arith.mulf %gather3A_800, %gather3A_800 : vector<16xf32>
        %add3A_802 = arith.addf %add3A_777, %mul3A_801 : vector<16xf32>
        %mul3A_803 = arith.mulf %broadcast_in_dim3A_794, %gather3A_800 : vector<16xf32>
        %add3A_804 = arith.addf %add3A_779, %mul3A_803 : vector<16xf32>
        %gather3A_805 = tpu.vector_load_idx %arg8[%min3A_405, %broadcast_in_dim3A_791] : memref<800x32xf32, #tpu.memory_space<vmem>>[vector<16xi32>, vector<16xi32>], vector<16xf32>,
        %mul3A_806 = arith.mulf %gather3A_805, %gather3A_805 : vector<16xf32>
        %add3A_807 = arith.addf %add3A_782, %mul3A_806 : vector<16xf32>
        %mul3A_808 = arith.mulf %broadcast_in_dim3A_794, %gather3A_805 : vector<16xf32>
        %add3A_809 = arith.addf %add3A_784, %mul3A_808 : vector<16xf32>
        %gather3A_810 = tpu.vector_load_idx %arg8[%min3A_412, %broadcast_in_dim3A_791] : memref<800x32xf32, #tpu.memory_space<vmem>>[vector<16xi32>, vector<16xi32>], vector<16xf32>,
        %mul3A_811 = arith.mulf %gather3A_810, %gather3A_810 : vector<16xf32>
        %add3A_812 = arith.addf %add3A_787, %mul3A_811 : vector<16xf32>
        %mul3A_813 = arith.mulf %broadcast_in_dim3A_794, %gather3A_810 : vector<16xf32>
        %add3A_814 = arith.addf %add3A_789, %mul3A_813 : vector<16xf32>
        %broadcast_in_dim3A_815 = arith.constant 16 : i32
        %broadcast_in_dim3A_816 = vector.broadcast %broadcast_in_dim3A_815 : i32 to vector<16xi32>
        %slice3A_817 = vector.extract_strided_slice %get3A_417 {offsets = [0], sizes = [1], strides = [1]} : vector<16xf32> to vector<1xf32>
        %squeeze3A_818 = vector.extract %slice3A_817[0] : f32 from vector<1xf32>
        %broadcast_in_dim3A_819 = vector.broadcast %squeeze3A_818 : f32 to vector<16xf32>
        %gather3A_820 = tpu.vector_load_idx %arg8[%min3A_391, %broadcast_in_dim3A_816] : memref<800x32xf32, #tpu.memory_space<vmem>>[vector<16xi32>, vector<16xi32>], vector<16xf32>,
        %mul3A_821 = arith.mulf %gather3A_820, %gather3A_820 : vector<16xf32>
        %add3A_822 = arith.addf %add3A_797, %mul3A_821 : vector<16xf32>
        %mul3A_823 = arith.mulf %broadcast_in_dim3A_819, %gather3A_820 : vector<16xf32>
        %add3A_824 = arith.addf %add3A_799, %mul3A_823 : vector<16xf32>
        %gather3A_825 = tpu.vector_load_idx %arg8[%min3A_398, %broadcast_in_dim3A_816] : memref<800x32xf32, #tpu.memory_space<vmem>>[vector<16xi32>, vector<16xi32>], vector<16xf32>,
        %mul3A_826 = arith.mulf %gather3A_825, %gather3A_825 : vector<16xf32>
        %add3A_827 = arith.addf %add3A_802, %mul3A_826 : vector<16xf32>
        %mul3A_828 = arith.mulf %broadcast_in_dim3A_819, %gather3A_825 : vector<16xf32>
        %add3A_829 = arith.addf %add3A_804, %mul3A_828 : vector<16xf32>
        %gather3A_830 = tpu.vector_load_idx %arg8[%min3A_405, %broadcast_in_dim3A_816] : memref<800x32xf32, #tpu.memory_space<vmem>>[vector<16xi32>, vector<16xi32>], vector<16xf32>,
        %mul3A_831 = arith.mulf %gather3A_830, %gather3A_830 : vector<16xf32>
        %add3A_832 = arith.addf %add3A_807, %mul3A_831 : vector<16xf32>
        %mul3A_833 = arith.mulf %broadcast_in_dim3A_819, %gather3A_830 : vector<16xf32>
        %add3A_834 = arith.addf %add3A_809, %mul3A_833 : vector<16xf32>
        %gather3A_835 = tpu.vector_load_idx %arg8[%min3A_412, %broadcast_in_dim3A_816] : memref<800x32xf32, #tpu.memory_space<vmem>>[vector<16xi32>, vector<16xi32>], vector<16xf32>,
        %mul3A_836 = arith.mulf %gather3A_835, %gather3A_835 : vector<16xf32>
        %add3A_837 = arith.addf %add3A_812, %mul3A_836 : vector<16xf32>
        %mul3A_838 = arith.mulf %broadcast_in_dim3A_819, %gather3A_835 : vector<16xf32>
        %add3A_839 = arith.addf %add3A_814, %mul3A_838 : vector<16xf32>
        %broadcast_in_dim3A_840 = arith.constant 17 : i32
        %broadcast_in_dim3A_841 = vector.broadcast %broadcast_in_dim3A_840 : i32 to vector<16xi32>
        %slice3A_842 = vector.extract_strided_slice %get3A_417 {offsets = [1], sizes = [1], strides = [1]} : vector<16xf32> to vector<1xf32>
        %squeeze3A_843 = vector.extract %slice3A_842[0] : f32 from vector<1xf32>
        %broadcast_in_dim3A_844 = vector.broadcast %squeeze3A_843 : f32 to vector<16xf32>
        %gather3A_845 = tpu.vector_load_idx %arg8[%min3A_391, %broadcast_in_dim3A_841] : memref<800x32xf32, #tpu.memory_space<vmem>>[vector<16xi32>, vector<16xi32>], vector<16xf32>,
        %mul3A_846 = arith.mulf %gather3A_845, %gather3A_845 : vector<16xf32>
        %add3A_847 = arith.addf %add3A_822, %mul3A_846 : vector<16xf32>
        %mul3A_848 = arith.mulf %broadcast_in_dim3A_844, %gather3A_845 : vector<16xf32>
        %add3A_849 = arith.addf %add3A_824, %mul3A_848 : vector<16xf32>
        %gather3A_850 = tpu.vector_load_idx %arg8[%min3A_398, %broadcast_in_dim3A_841] : memref<800x32xf32, #tpu.memory_space<vmem>>[vector<16xi32>, vector<16xi32>], vector<16xf32>,
        %mul3A_851 = arith.mulf %gather3A_850, %gather3A_850 : vector<16xf32>
        %add3A_852 = arith.addf %add3A_827, %mul3A_851 : vector<16xf32>
        %mul3A_853 = arith.mulf %broadcast_in_dim3A_844, %gather3A_850 : vector<16xf32>
        %add3A_854 = arith.addf %add3A_829, %mul3A_853 : vector<16xf32>
        %gather3A_855 = tpu.vector_load_idx %arg8[%min3A_405, %broadcast_in_dim3A_841] : memref<800x32xf32, #tpu.memory_space<vmem>>[vector<16xi32>, vector<16xi32>], vector<16xf32>,
        %mul3A_856 = arith.mulf %gather3A_855, %gather3A_855 : vector<16xf32>
        %add3A_857 = arith.addf %add3A_832, %mul3A_856 : vector<16xf32>
        %mul3A_858 = arith.mulf %broadcast_in_dim3A_844, %gather3A_855 : vector<16xf32>
        %add3A_859 = arith.addf %add3A_834, %mul3A_858 : vector<16xf32>
        %gather3A_860 = tpu.vector_load_idx %arg8[%min3A_412, %broadcast_in_dim3A_841] : memref<800x32xf32, #tpu.memory_space<vmem>>[vector<16xi32>, vector<16xi32>], vector<16xf32>,
        %mul3A_861 = arith.mulf %gather3A_860, %gather3A_860 : vector<16xf32>
        %add3A_862 = arith.addf %add3A_837, %mul3A_861 : vector<16xf32>
        %mul3A_863 = arith.mulf %broadcast_in_dim3A_844, %gather3A_860 : vector<16xf32>
        %add3A_864 = arith.addf %add3A_839, %mul3A_863 : vector<16xf32>
        %broadcast_in_dim3A_865 = arith.constant 18 : i32
        %broadcast_in_dim3A_866 = vector.broadcast %broadcast_in_dim3A_865 : i32 to vector<16xi32>
        %slice3A_867 = vector.extract_strided_slice %get3A_417 {offsets = [2], sizes = [1], strides = [1]} : vector<16xf32> to vector<1xf32>
        %squeeze3A_868 = vector.extract %slice3A_867[0] : f32 from vector<1xf32>
        %broadcast_in_dim3A_869 = vector.broadcast %squeeze3A_868 : f32 to vector<16xf32>
        %gather3A_870 = tpu.vector_load_idx %arg8[%min3A_391, %broadcast_in_dim3A_866] : memref<800x32xf32, #tpu.memory_space<vmem>>[vector<16xi32>, vector<16xi32>], vector<16xf32>,
        %mul3A_871 = arith.mulf %gather3A_870, %gather3A_870 : vector<16xf32>
        %add3A_872 = arith.addf %add3A_847, %mul3A_871 : vector<16xf32>
        %mul3A_873 = arith.mulf %broadcast_in_dim3A_869, %gather3A_870 : vector<16xf32>
        %add3A_874 = arith.addf %add3A_849, %mul3A_873 : vector<16xf32>
        %gather3A_875 = tpu.vector_load_idx %arg8[%min3A_398, %broadcast_in_dim3A_866] : memref<800x32xf32, #tpu.memory_space<vmem>>[vector<16xi32>, vector<16xi32>], vector<16xf32>,
        %mul3A_876 = arith.mulf %gather3A_875, %gather3A_875 : vector<16xf32>
        %add3A_877 = arith.addf %add3A_852, %mul3A_876 : vector<16xf32>
        %mul3A_878 = arith.mulf %broadcast_in_dim3A_869, %gather3A_875 : vector<16xf32>
        %add3A_879 = arith.addf %add3A_854, %mul3A_878 : vector<16xf32>
        %gather3A_880 = tpu.vector_load_idx %arg8[%min3A_405, %broadcast_in_dim3A_866] : memref<800x32xf32, #tpu.memory_space<vmem>>[vector<16xi32>, vector<16xi32>], vector<16xf32>,
        %mul3A_881 = arith.mulf %gather3A_880, %gather3A_880 : vector<16xf32>
        %add3A_882 = arith.addf %add3A_857, %mul3A_881 : vector<16xf32>
        %mul3A_883 = arith.mulf %broadcast_in_dim3A_869, %gather3A_880 : vector<16xf32>
        %add3A_884 = arith.addf %add3A_859, %mul3A_883 : vector<16xf32>
        %gather3A_885 = tpu.vector_load_idx %arg8[%min3A_412, %broadcast_in_dim3A_866] : memref<800x32xf32, #tpu.memory_space<vmem>>[vector<16xi32>, vector<16xi32>], vector<16xf32>,
        %mul3A_886 = arith.mulf %gather3A_885, %gather3A_885 : vector<16xf32>
        %add3A_887 = arith.addf %add3A_862, %mul3A_886 : vector<16xf32>
        %mul3A_888 = arith.mulf %broadcast_in_dim3A_869, %gather3A_885 : vector<16xf32>
        %add3A_889 = arith.addf %add3A_864, %mul3A_888 : vector<16xf32>
        %broadcast_in_dim3A_890 = arith.constant 19 : i32
        %broadcast_in_dim3A_891 = vector.broadcast %broadcast_in_dim3A_890 : i32 to vector<16xi32>
        %slice3A_892 = vector.extract_strided_slice %get3A_417 {offsets = [3], sizes = [1], strides = [1]} : vector<16xf32> to vector<1xf32>
        %squeeze3A_893 = vector.extract %slice3A_892[0] : f32 from vector<1xf32>
        %broadcast_in_dim3A_894 = vector.broadcast %squeeze3A_893 : f32 to vector<16xf32>
        %gather3A_895 = tpu.vector_load_idx %arg8[%min3A_391, %broadcast_in_dim3A_891] : memref<800x32xf32, #tpu.memory_space<vmem>>[vector<16xi32>, vector<16xi32>], vector<16xf32>,
        %mul3A_896 = arith.mulf %gather3A_895, %gather3A_895 : vector<16xf32>
        %add3A_897 = arith.addf %add3A_872, %mul3A_896 : vector<16xf32>
        %mul3A_898 = arith.mulf %broadcast_in_dim3A_894, %gather3A_895 : vector<16xf32>
        %add3A_899 = arith.addf %add3A_874, %mul3A_898 : vector<16xf32>
        %gather3A_900 = tpu.vector_load_idx %arg8[%min3A_398, %broadcast_in_dim3A_891] : memref<800x32xf32, #tpu.memory_space<vmem>>[vector<16xi32>, vector<16xi32>], vector<16xf32>,
        %mul3A_901 = arith.mulf %gather3A_900, %gather3A_900 : vector<16xf32>
        %add3A_902 = arith.addf %add3A_877, %mul3A_901 : vector<16xf32>
        %mul3A_903 = arith.mulf %broadcast_in_dim3A_894, %gather3A_900 : vector<16xf32>
        %add3A_904 = arith.addf %add3A_879, %mul3A_903 : vector<16xf32>
        %gather3A_905 = tpu.vector_load_idx %arg8[%min3A_405, %broadcast_in_dim3A_891] : memref<800x32xf32, #tpu.memory_space<vmem>>[vector<16xi32>, vector<16xi32>], vector<16xf32>,
        %mul3A_906 = arith.mulf %gather3A_905, %gather3A_905 : vector<16xf32>
        %add3A_907 = arith.addf %add3A_882, %mul3A_906 : vector<16xf32>
        %mul3A_908 = arith.mulf %broadcast_in_dim3A_894, %gather3A_905 : vector<16xf32>
        %add3A_909 = arith.addf %add3A_884, %mul3A_908 : vector<16xf32>
        %gather3A_910 = tpu.vector_load_idx %arg8[%min3A_412, %broadcast_in_dim3A_891] : memref<800x32xf32, #tpu.memory_space<vmem>>[vector<16xi32>, vector<16xi32>], vector<16xf32>,
        %mul3A_911 = arith.mulf %gather3A_910, %gather3A_910 : vector<16xf32>
        %add3A_912 = arith.addf %add3A_887, %mul3A_911 : vector<16xf32>
        %mul3A_913 = arith.mulf %broadcast_in_dim3A_894, %gather3A_910 : vector<16xf32>
        %add3A_914 = arith.addf %add3A_889, %mul3A_913 : vector<16xf32>
        %broadcast_in_dim3A_915 = arith.constant 20 : i32
        %broadcast_in_dim3A_916 = vector.broadcast %broadcast_in_dim3A_915 : i32 to vector<16xi32>
        %slice3A_917 = vector.extract_strided_slice %get3A_417 {offsets = [4], sizes = [1], strides = [1]} : vector<16xf32> to vector<1xf32>
        %squeeze3A_918 = vector.extract %slice3A_917[0] : f32 from vector<1xf32>
        %broadcast_in_dim3A_919 = vector.broadcast %squeeze3A_918 : f32 to vector<16xf32>
        %gather3A_920 = tpu.vector_load_idx %arg8[%min3A_391, %broadcast_in_dim3A_916] : memref<800x32xf32, #tpu.memory_space<vmem>>[vector<16xi32>, vector<16xi32>], vector<16xf32>,
        %mul3A_921 = arith.mulf %gather3A_920, %gather3A_920 : vector<16xf32>
        %add3A_922 = arith.addf %add3A_897, %mul3A_921 : vector<16xf32>
        %mul3A_923 = arith.mulf %broadcast_in_dim3A_919, %gather3A_920 : vector<16xf32>
        %add3A_924 = arith.addf %add3A_899, %mul3A_923 : vector<16xf32>
        %gather3A_925 = tpu.vector_load_idx %arg8[%min3A_398, %broadcast_in_dim3A_916] : memref<800x32xf32, #tpu.memory_space<vmem>>[vector<16xi32>, vector<16xi32>], vector<16xf32>,
        %mul3A_926 = arith.mulf %gather3A_925, %gather3A_925 : vector<16xf32>
        %add3A_927 = arith.addf %add3A_902, %mul3A_926 : vector<16xf32>
        %mul3A_928 = arith.mulf %broadcast_in_dim3A_919, %gather3A_925 : vector<16xf32>
        %add3A_929 = arith.addf %add3A_904, %mul3A_928 : vector<16xf32>
        %gather3A_930 = tpu.vector_load_idx %arg8[%min3A_405, %broadcast_in_dim3A_916] : memref<800x32xf32, #tpu.memory_space<vmem>>[vector<16xi32>, vector<16xi32>], vector<16xf32>,
        %mul3A_931 = arith.mulf %gather3A_930, %gather3A_930 : vector<16xf32>
        %add3A_932 = arith.addf %add3A_907, %mul3A_931 : vector<16xf32>
        %mul3A_933 = arith.mulf %broadcast_in_dim3A_919, %gather3A_930 : vector<16xf32>
        %add3A_934 = arith.addf %add3A_909, %mul3A_933 : vector<16xf32>
        %gather3A_935 = tpu.vector_load_idx %arg8[%min3A_412, %broadcast_in_dim3A_916] : memref<800x32xf32, #tpu.memory_space<vmem>>[vector<16xi32>, vector<16xi32>], vector<16xf32>,
        %mul3A_936 = arith.mulf %gather3A_935, %gather3A_935 : vector<16xf32>
        %add3A_937 = arith.addf %add3A_912, %mul3A_936 : vector<16xf32>
        %mul3A_938 = arith.mulf %broadcast_in_dim3A_919, %gather3A_935 : vector<16xf32>
        %add3A_939 = arith.addf %add3A_914, %mul3A_938 : vector<16xf32>
        %broadcast_in_dim3A_940 = arith.constant 21 : i32
        %broadcast_in_dim3A_941 = vector.broadcast %broadcast_in_dim3A_940 : i32 to vector<16xi32>
        %slice3A_942 = vector.extract_strided_slice %get3A_417 {offsets = [5], sizes = [1], strides = [1]} : vector<16xf32> to vector<1xf32>
        %squeeze3A_943 = vector.extract %slice3A_942[0] : f32 from vector<1xf32>
        %broadcast_in_dim3A_944 = vector.broadcast %squeeze3A_943 : f32 to vector<16xf32>
        %gather3A_945 = tpu.vector_load_idx %arg8[%min3A_391, %broadcast_in_dim3A_941] : memref<800x32xf32, #tpu.memory_space<vmem>>[vector<16xi32>, vector<16xi32>], vector<16xf32>,
        %mul3A_946 = arith.mulf %gather3A_945, %gather3A_945 : vector<16xf32>
        %add3A_947 = arith.addf %add3A_922, %mul3A_946 : vector<16xf32>
        %mul3A_948 = arith.mulf %broadcast_in_dim3A_944, %gather3A_945 : vector<16xf32>
        %add3A_949 = arith.addf %add3A_924, %mul3A_948 : vector<16xf32>
        %gather3A_950 = tpu.vector_load_idx %arg8[%min3A_398, %broadcast_in_dim3A_941] : memref<800x32xf32, #tpu.memory_space<vmem>>[vector<16xi32>, vector<16xi32>], vector<16xf32>,
        %mul3A_951 = arith.mulf %gather3A_950, %gather3A_950 : vector<16xf32>
        %add3A_952 = arith.addf %add3A_927, %mul3A_951 : vector<16xf32>
        %mul3A_953 = arith.mulf %broadcast_in_dim3A_944, %gather3A_950 : vector<16xf32>
        %add3A_954 = arith.addf %add3A_929, %mul3A_953 : vector<16xf32>
        %gather3A_955 = tpu.vector_load_idx %arg8[%min3A_405, %broadcast_in_dim3A_941] : memref<800x32xf32, #tpu.memory_space<vmem>>[vector<16xi32>, vector<16xi32>], vector<16xf32>,
        %mul3A_956 = arith.mulf %gather3A_955, %gather3A_955 : vector<16xf32>
        %add3A_957 = arith.addf %add3A_932, %mul3A_956 : vector<16xf32>
        %mul3A_958 = arith.mulf %broadcast_in_dim3A_944, %gather3A_955 : vector<16xf32>
        %add3A_959 = arith.addf %add3A_934, %mul3A_958 : vector<16xf32>
        %gather3A_960 = tpu.vector_load_idx %arg8[%min3A_412, %broadcast_in_dim3A_941] : memref<800x32xf32, #tpu.memory_space<vmem>>[vector<16xi32>, vector<16xi32>], vector<16xf32>,
        %mul3A_961 = arith.mulf %gather3A_960, %gather3A_960 : vector<16xf32>
        %add3A_962 = arith.addf %add3A_937, %mul3A_961 : vector<16xf32>
        %mul3A_963 = arith.mulf %broadcast_in_dim3A_944, %gather3A_960 : vector<16xf32>
        %add3A_964 = arith.addf %add3A_939, %mul3A_963 : vector<16xf32>
        %broadcast_in_dim3A_965 = arith.constant 22 : i32
        %broadcast_in_dim3A_966 = vector.broadcast %broadcast_in_dim3A_965 : i32 to vector<16xi32>
        %slice3A_967 = vector.extract_strided_slice %get3A_417 {offsets = [6], sizes = [1], strides = [1]} : vector<16xf32> to vector<1xf32>
        %squeeze3A_968 = vector.extract %slice3A_967[0] : f32 from vector<1xf32>
        %broadcast_in_dim3A_969 = vector.broadcast %squeeze3A_968 : f32 to vector<16xf32>
        %gather3A_970 = tpu.vector_load_idx %arg8[%min3A_391, %broadcast_in_dim3A_966] : memref<800x32xf32, #tpu.memory_space<vmem>>[vector<16xi32>, vector<16xi32>], vector<16xf32>,
        %mul3A_971 = arith.mulf %gather3A_970, %gather3A_970 : vector<16xf32>
        %add3A_972 = arith.addf %add3A_947, %mul3A_971 : vector<16xf32>
        %mul3A_973 = arith.mulf %broadcast_in_dim3A_969, %gather3A_970 : vector<16xf32>
        %add3A_974 = arith.addf %add3A_949, %mul3A_973 : vector<16xf32>
        %gather3A_975 = tpu.vector_load_idx %arg8[%min3A_398, %broadcast_in_dim3A_966] : memref<800x32xf32, #tpu.memory_space<vmem>>[vector<16xi32>, vector<16xi32>], vector<16xf32>,
        %mul3A_976 = arith.mulf %gather3A_975, %gather3A_975 : vector<16xf32>
        %add3A_977 = arith.addf %add3A_952, %mul3A_976 : vector<16xf32>
        %mul3A_978 = arith.mulf %broadcast_in_dim3A_969, %gather3A_975 : vector<16xf32>
        %add3A_979 = arith.addf %add3A_954, %mul3A_978 : vector<16xf32>
        %gather3A_980 = tpu.vector_load_idx %arg8[%min3A_405, %broadcast_in_dim3A_966] : memref<800x32xf32, #tpu.memory_space<vmem>>[vector<16xi32>, vector<16xi32>], vector<16xf32>,
        %mul3A_981 = arith.mulf %gather3A_980, %gather3A_980 : vector<16xf32>
        %add3A_982 = arith.addf %add3A_957, %mul3A_981 : vector<16xf32>
        %mul3A_983 = arith.mulf %broadcast_in_dim3A_969, %gather3A_980 : vector<16xf32>
        %add3A_984 = arith.addf %add3A_959, %mul3A_983 : vector<16xf32>
        %gather3A_985 = tpu.vector_load_idx %arg8[%min3A_412, %broadcast_in_dim3A_966] : memref<800x32xf32, #tpu.memory_space<vmem>>[vector<16xi32>, vector<16xi32>], vector<16xf32>,
        %mul3A_986 = arith.mulf %gather3A_985, %gather3A_985 : vector<16xf32>
        %add3A_987 = arith.addf %add3A_962, %mul3A_986 : vector<16xf32>
        %mul3A_988 = arith.mulf %broadcast_in_dim3A_969, %gather3A_985 : vector<16xf32>
        %add3A_989 = arith.addf %add3A_964, %mul3A_988 : vector<16xf32>
        %broadcast_in_dim3A_990 = arith.constant 23 : i32
        %broadcast_in_dim3A_991 = vector.broadcast %broadcast_in_dim3A_990 : i32 to vector<16xi32>
        %slice3A_992 = vector.extract_strided_slice %get3A_417 {offsets = [7], sizes = [1], strides = [1]} : vector<16xf32> to vector<1xf32>
        %squeeze3A_993 = vector.extract %slice3A_992[0] : f32 from vector<1xf32>
        %broadcast_in_dim3A_994 = vector.broadcast %squeeze3A_993 : f32 to vector<16xf32>
        %gather3A_995 = tpu.vector_load_idx %arg8[%min3A_391, %broadcast_in_dim3A_991] : memref<800x32xf32, #tpu.memory_space<vmem>>[vector<16xi32>, vector<16xi32>], vector<16xf32>,
        %mul3A_996 = arith.mulf %gather3A_995, %gather3A_995 : vector<16xf32>
        %add3A_997 = arith.addf %add3A_972, %mul3A_996 : vector<16xf32>
        %mul3A_998 = arith.mulf %broadcast_in_dim3A_994, %gather3A_995 : vector<16xf32>
        %add3A_999 = arith.addf %add3A_974, %mul3A_998 : vector<16xf32>
        %gather3A_1000 = tpu.vector_load_idx %arg8[%min3A_398, %broadcast_in_dim3A_991] : memref<800x32xf32, #tpu.memory_space<vmem>>[vector<16xi32>, vector<16xi32>], vector<16xf32>,
        %mul3A_1001 = arith.mulf %gather3A_1000, %gather3A_1000 : vector<16xf32>
        %add3A_1002 = arith.addf %add3A_977, %mul3A_1001 : vector<16xf32>
        %mul3A_1003 = arith.mulf %broadcast_in_dim3A_994, %gather3A_1000 : vector<16xf32>
        %add3A_1004 = arith.addf %add3A_979, %mul3A_1003 : vector<16xf32>
        %gather3A_1005 = tpu.vector_load_idx %arg8[%min3A_405, %broadcast_in_dim3A_991] : memref<800x32xf32, #tpu.memory_space<vmem>>[vector<16xi32>, vector<16xi32>], vector<16xf32>,
        %mul3A_1006 = arith.mulf %gather3A_1005, %gather3A_1005 : vector<16xf32>
        %add3A_1007 = arith.addf %add3A_982, %mul3A_1006 : vector<16xf32>
        %mul3A_1008 = arith.mulf %broadcast_in_dim3A_994, %gather3A_1005 : vector<16xf32>
        %add3A_1009 = arith.addf %add3A_984, %mul3A_1008 : vector<16xf32>
        %gather3A_1010 = tpu.vector_load_idx %arg8[%min3A_412, %broadcast_in_dim3A_991] : memref<800x32xf32, #tpu.memory_space<vmem>>[vector<16xi32>, vector<16xi32>], vector<16xf32>,
        %mul3A_1011 = arith.mulf %gather3A_1010, %gather3A_1010 : vector<16xf32>
        %add3A_1012 = arith.addf %add3A_987, %mul3A_1011 : vector<16xf32>
        %mul3A_1013 = arith.mulf %broadcast_in_dim3A_994, %gather3A_1010 : vector<16xf32>
        %add3A_1014 = arith.addf %add3A_989, %mul3A_1013 : vector<16xf32>
        %broadcast_in_dim3A_1015 = arith.constant 24 : i32
        %broadcast_in_dim3A_1016 = vector.broadcast %broadcast_in_dim3A_1015 : i32 to vector<16xi32>
        %slice3A_1017 = vector.extract_strided_slice %get3A_417 {offsets = [8], sizes = [1], strides = [1]} : vector<16xf32> to vector<1xf32>
        %squeeze3A_1018 = vector.extract %slice3A_1017[0] : f32 from vector<1xf32>
        %broadcast_in_dim3A_1019 = vector.broadcast %squeeze3A_1018 : f32 to vector<16xf32>
        %gather3A_1020 = tpu.vector_load_idx %arg8[%min3A_391, %broadcast_in_dim3A_1016] : memref<800x32xf32, #tpu.memory_space<vmem>>[vector<16xi32>, vector<16xi32>], vector<16xf32>,
        %mul3A_1021 = arith.mulf %gather3A_1020, %gather3A_1020 : vector<16xf32>
        %add3A_1022 = arith.addf %add3A_997, %mul3A_1021 : vector<16xf32>
        %mul3A_1023 = arith.mulf %broadcast_in_dim3A_1019, %gather3A_1020 : vector<16xf32>
        %add3A_1024 = arith.addf %add3A_999, %mul3A_1023 : vector<16xf32>
        %gather3A_1025 = tpu.vector_load_idx %arg8[%min3A_398, %broadcast_in_dim3A_1016] : memref<800x32xf32, #tpu.memory_space<vmem>>[vector<16xi32>, vector<16xi32>], vector<16xf32>,
        %mul3A_1026 = arith.mulf %gather3A_1025, %gather3A_1025 : vector<16xf32>
        %add3A_1027 = arith.addf %add3A_1002, %mul3A_1026 : vector<16xf32>
        %mul3A_1028 = arith.mulf %broadcast_in_dim3A_1019, %gather3A_1025 : vector<16xf32>
        %add3A_1029 = arith.addf %add3A_1004, %mul3A_1028 : vector<16xf32>
        %gather3A_1030 = tpu.vector_load_idx %arg8[%min3A_405, %broadcast_in_dim3A_1016] : memref<800x32xf32, #tpu.memory_space<vmem>>[vector<16xi32>, vector<16xi32>], vector<16xf32>,
        %mul3A_1031 = arith.mulf %gather3A_1030, %gather3A_1030 : vector<16xf32>
        %add3A_1032 = arith.addf %add3A_1007, %mul3A_1031 : vector<16xf32>
        %mul3A_1033 = arith.mulf %broadcast_in_dim3A_1019, %gather3A_1030 : vector<16xf32>
        %add3A_1034 = arith.addf %add3A_1009, %mul3A_1033 : vector<16xf32>
        %gather3A_1035 = tpu.vector_load_idx %arg8[%min3A_412, %broadcast_in_dim3A_1016] : memref<800x32xf32, #tpu.memory_space<vmem>>[vector<16xi32>, vector<16xi32>], vector<16xf32>,
        %mul3A_1036 = arith.mulf %gather3A_1035, %gather3A_1035 : vector<16xf32>
        %add3A_1037 = arith.addf %add3A_1012, %mul3A_1036 : vector<16xf32>
        %mul3A_1038 = arith.mulf %broadcast_in_dim3A_1019, %gather3A_1035 : vector<16xf32>
        %add3A_1039 = arith.addf %add3A_1014, %mul3A_1038 : vector<16xf32>
        %broadcast_in_dim3A_1040 = arith.constant 25 : i32
        %broadcast_in_dim3A_1041 = vector.broadcast %broadcast_in_dim3A_1040 : i32 to vector<16xi32>
        %slice3A_1042 = vector.extract_strided_slice %get3A_417 {offsets = [9], sizes = [1], strides = [1]} : vector<16xf32> to vector<1xf32>
        %squeeze3A_1043 = vector.extract %slice3A_1042[0] : f32 from vector<1xf32>
        %broadcast_in_dim3A_1044 = vector.broadcast %squeeze3A_1043 : f32 to vector<16xf32>
        %gather3A_1045 = tpu.vector_load_idx %arg8[%min3A_391, %broadcast_in_dim3A_1041] : memref<800x32xf32, #tpu.memory_space<vmem>>[vector<16xi32>, vector<16xi32>], vector<16xf32>,
        %mul3A_1046 = arith.mulf %gather3A_1045, %gather3A_1045 : vector<16xf32>
        %add3A_1047 = arith.addf %add3A_1022, %mul3A_1046 : vector<16xf32>
        %mul3A_1048 = arith.mulf %broadcast_in_dim3A_1044, %gather3A_1045 : vector<16xf32>
        %add3A_1049 = arith.addf %add3A_1024, %mul3A_1048 : vector<16xf32>
        %gather3A_1050 = tpu.vector_load_idx %arg8[%min3A_398, %broadcast_in_dim3A_1041] : memref<800x32xf32, #tpu.memory_space<vmem>>[vector<16xi32>, vector<16xi32>], vector<16xf32>,
        %mul3A_1051 = arith.mulf %gather3A_1050, %gather3A_1050 : vector<16xf32>
        %add3A_1052 = arith.addf %add3A_1027, %mul3A_1051 : vector<16xf32>
        %mul3A_1053 = arith.mulf %broadcast_in_dim3A_1044, %gather3A_1050 : vector<16xf32>
        %add3A_1054 = arith.addf %add3A_1029, %mul3A_1053 : vector<16xf32>
        %gather3A_1055 = tpu.vector_load_idx %arg8[%min3A_405, %broadcast_in_dim3A_1041] : memref<800x32xf32, #tpu.memory_space<vmem>>[vector<16xi32>, vector<16xi32>], vector<16xf32>,
        %mul3A_1056 = arith.mulf %gather3A_1055, %gather3A_1055 : vector<16xf32>
        %add3A_1057 = arith.addf %add3A_1032, %mul3A_1056 : vector<16xf32>
        %mul3A_1058 = arith.mulf %broadcast_in_dim3A_1044, %gather3A_1055 : vector<16xf32>
        %add3A_1059 = arith.addf %add3A_1034, %mul3A_1058 : vector<16xf32>
        %gather3A_1060 = tpu.vector_load_idx %arg8[%min3A_412, %broadcast_in_dim3A_1041] : memref<800x32xf32, #tpu.memory_space<vmem>>[vector<16xi32>, vector<16xi32>], vector<16xf32>,
        %mul3A_1061 = arith.mulf %gather3A_1060, %gather3A_1060 : vector<16xf32>
        %add3A_1062 = arith.addf %add3A_1037, %mul3A_1061 : vector<16xf32>
        %mul3A_1063 = arith.mulf %broadcast_in_dim3A_1044, %gather3A_1060 : vector<16xf32>
        %add3A_1064 = arith.addf %add3A_1039, %mul3A_1063 : vector<16xf32>
        %broadcast_in_dim3A_1065 = arith.constant 26 : i32
        %broadcast_in_dim3A_1066 = vector.broadcast %broadcast_in_dim3A_1065 : i32 to vector<16xi32>
        %slice3A_1067 = vector.extract_strided_slice %get3A_417 {offsets = [10], sizes = [1], strides = [1]} : vector<16xf32> to vector<1xf32>
        %squeeze3A_1068 = vector.extract %slice3A_1067[0] : f32 from vector<1xf32>
        %broadcast_in_dim3A_1069 = vector.broadcast %squeeze3A_1068 : f32 to vector<16xf32>
        %gather3A_1070 = tpu.vector_load_idx %arg8[%min3A_391, %broadcast_in_dim3A_1066] : memref<800x32xf32, #tpu.memory_space<vmem>>[vector<16xi32>, vector<16xi32>], vector<16xf32>,
        %mul3A_1071 = arith.mulf %gather3A_1070, %gather3A_1070 : vector<16xf32>
        %add3A_1072 = arith.addf %add3A_1047, %mul3A_1071 : vector<16xf32>
        %mul3A_1073 = arith.mulf %broadcast_in_dim3A_1069, %gather3A_1070 : vector<16xf32>
        %add3A_1074 = arith.addf %add3A_1049, %mul3A_1073 : vector<16xf32>
        %gather3A_1075 = tpu.vector_load_idx %arg8[%min3A_398, %broadcast_in_dim3A_1066] : memref<800x32xf32, #tpu.memory_space<vmem>>[vector<16xi32>, vector<16xi32>], vector<16xf32>,
        %mul3A_1076 = arith.mulf %gather3A_1075, %gather3A_1075 : vector<16xf32>
        %add3A_1077 = arith.addf %add3A_1052, %mul3A_1076 : vector<16xf32>
        %mul3A_1078 = arith.mulf %broadcast_in_dim3A_1069, %gather3A_1075 : vector<16xf32>
        %add3A_1079 = arith.addf %add3A_1054, %mul3A_1078 : vector<16xf32>
        %gather3A_1080 = tpu.vector_load_idx %arg8[%min3A_405, %broadcast_in_dim3A_1066] : memref<800x32xf32, #tpu.memory_space<vmem>>[vector<16xi32>, vector<16xi32>], vector<16xf32>,
        %mul3A_1081 = arith.mulf %gather3A_1080, %gather3A_1080 : vector<16xf32>
        %add3A_1082 = arith.addf %add3A_1057, %mul3A_1081 : vector<16xf32>
        %mul3A_1083 = arith.mulf %broadcast_in_dim3A_1069, %gather3A_1080 : vector<16xf32>
        %add3A_1084 = arith.addf %add3A_1059, %mul3A_1083 : vector<16xf32>
        %gather3A_1085 = tpu.vector_load_idx %arg8[%min3A_412, %broadcast_in_dim3A_1066] : memref<800x32xf32, #tpu.memory_space<vmem>>[vector<16xi32>, vector<16xi32>], vector<16xf32>,
        %mul3A_1086 = arith.mulf %gather3A_1085, %gather3A_1085 : vector<16xf32>
        %add3A_1087 = arith.addf %add3A_1062, %mul3A_1086 : vector<16xf32>
        %mul3A_1088 = arith.mulf %broadcast_in_dim3A_1069, %gather3A_1085 : vector<16xf32>
        %add3A_1089 = arith.addf %add3A_1064, %mul3A_1088 : vector<16xf32>
        %broadcast_in_dim3A_1090 = arith.constant 27 : i32
        %broadcast_in_dim3A_1091 = vector.broadcast %broadcast_in_dim3A_1090 : i32 to vector<16xi32>
        %slice3A_1092 = vector.extract_strided_slice %get3A_417 {offsets = [11], sizes = [1], strides = [1]} : vector<16xf32> to vector<1xf32>
        %squeeze3A_1093 = vector.extract %slice3A_1092[0] : f32 from vector<1xf32>
        %broadcast_in_dim3A_1094 = vector.broadcast %squeeze3A_1093 : f32 to vector<16xf32>
        %gather3A_1095 = tpu.vector_load_idx %arg8[%min3A_391, %broadcast_in_dim3A_1091] : memref<800x32xf32, #tpu.memory_space<vmem>>[vector<16xi32>, vector<16xi32>], vector<16xf32>,
        %mul3A_1096 = arith.mulf %gather3A_1095, %gather3A_1095 : vector<16xf32>
        %add3A_1097 = arith.addf %add3A_1072, %mul3A_1096 : vector<16xf32>
        %mul3A_1098 = arith.mulf %broadcast_in_dim3A_1094, %gather3A_1095 : vector<16xf32>
        %add3A_1099 = arith.addf %add3A_1074, %mul3A_1098 : vector<16xf32>
        %gather3A_1100 = tpu.vector_load_idx %arg8[%min3A_398, %broadcast_in_dim3A_1091] : memref<800x32xf32, #tpu.memory_space<vmem>>[vector<16xi32>, vector<16xi32>], vector<16xf32>,
        %mul3A_1101 = arith.mulf %gather3A_1100, %gather3A_1100 : vector<16xf32>
        %add3A_1102 = arith.addf %add3A_1077, %mul3A_1101 : vector<16xf32>
        %mul3A_1103 = arith.mulf %broadcast_in_dim3A_1094, %gather3A_1100 : vector<16xf32>
        %add3A_1104 = arith.addf %add3A_1079, %mul3A_1103 : vector<16xf32>
        %gather3A_1105 = tpu.vector_load_idx %arg8[%min3A_405, %broadcast_in_dim3A_1091] : memref<800x32xf32, #tpu.memory_space<vmem>>[vector<16xi32>, vector<16xi32>], vector<16xf32>,
        %mul3A_1106 = arith.mulf %gather3A_1105, %gather3A_1105 : vector<16xf32>
        %add3A_1107 = arith.addf %add3A_1082, %mul3A_1106 : vector<16xf32>
        %mul3A_1108 = arith.mulf %broadcast_in_dim3A_1094, %gather3A_1105 : vector<16xf32>
        %add3A_1109 = arith.addf %add3A_1084, %mul3A_1108 : vector<16xf32>
        %gather3A_1110 = tpu.vector_load_idx %arg8[%min3A_412, %broadcast_in_dim3A_1091] : memref<800x32xf32, #tpu.memory_space<vmem>>[vector<16xi32>, vector<16xi32>], vector<16xf32>,
        %mul3A_1111 = arith.mulf %gather3A_1110, %gather3A_1110 : vector<16xf32>
        %add3A_1112 = arith.addf %add3A_1087, %mul3A_1111 : vector<16xf32>
        %mul3A_1113 = arith.mulf %broadcast_in_dim3A_1094, %gather3A_1110 : vector<16xf32>
        %add3A_1114 = arith.addf %add3A_1089, %mul3A_1113 : vector<16xf32>
        %broadcast_in_dim3A_1115 = arith.constant 28 : i32
        %broadcast_in_dim3A_1116 = vector.broadcast %broadcast_in_dim3A_1115 : i32 to vector<16xi32>
        %slice3A_1117 = vector.extract_strided_slice %get3A_417 {offsets = [12], sizes = [1], strides = [1]} : vector<16xf32> to vector<1xf32>
        %squeeze3A_1118 = vector.extract %slice3A_1117[0] : f32 from vector<1xf32>
        %broadcast_in_dim3A_1119 = vector.broadcast %squeeze3A_1118 : f32 to vector<16xf32>
        %gather3A_1120 = tpu.vector_load_idx %arg8[%min3A_391, %broadcast_in_dim3A_1116] : memref<800x32xf32, #tpu.memory_space<vmem>>[vector<16xi32>, vector<16xi32>], vector<16xf32>,
        %mul3A_1121 = arith.mulf %gather3A_1120, %gather3A_1120 : vector<16xf32>
        %add3A_1122 = arith.addf %add3A_1097, %mul3A_1121 : vector<16xf32>
        %mul3A_1123 = arith.mulf %broadcast_in_dim3A_1119, %gather3A_1120 : vector<16xf32>
        %add3A_1124 = arith.addf %add3A_1099, %mul3A_1123 : vector<16xf32>
        %gather3A_1125 = tpu.vector_load_idx %arg8[%min3A_398, %broadcast_in_dim3A_1116] : memref<800x32xf32, #tpu.memory_space<vmem>>[vector<16xi32>, vector<16xi32>], vector<16xf32>,
        %mul3A_1126 = arith.mulf %gather3A_1125, %gather3A_1125 : vector<16xf32>
        %add3A_1127 = arith.addf %add3A_1102, %mul3A_1126 : vector<16xf32>
        %mul3A_1128 = arith.mulf %broadcast_in_dim3A_1119, %gather3A_1125 : vector<16xf32>
        %add3A_1129 = arith.addf %add3A_1104, %mul3A_1128 : vector<16xf32>
        %gather3A_1130 = tpu.vector_load_idx %arg8[%min3A_405, %broadcast_in_dim3A_1116] : memref<800x32xf32, #tpu.memory_space<vmem>>[vector<16xi32>, vector<16xi32>], vector<16xf32>,
        %mul3A_1131 = arith.mulf %gather3A_1130, %gather3A_1130 : vector<16xf32>
        %add3A_1132 = arith.addf %add3A_1107, %mul3A_1131 : vector<16xf32>
        %mul3A_1133 = arith.mulf %broadcast_in_dim3A_1119, %gather3A_1130 : vector<16xf32>
        %add3A_1134 = arith.addf %add3A_1109, %mul3A_1133 : vector<16xf32>
        %gather3A_1135 = tpu.vector_load_idx %arg8[%min3A_412, %broadcast_in_dim3A_1116] : memref<800x32xf32, #tpu.memory_space<vmem>>[vector<16xi32>, vector<16xi32>], vector<16xf32>,
        %mul3A_1136 = arith.mulf %gather3A_1135, %gather3A_1135 : vector<16xf32>
        %add3A_1137 = arith.addf %add3A_1112, %mul3A_1136 : vector<16xf32>
        %mul3A_1138 = arith.mulf %broadcast_in_dim3A_1119, %gather3A_1135 : vector<16xf32>
        %add3A_1139 = arith.addf %add3A_1114, %mul3A_1138 : vector<16xf32>
        %broadcast_in_dim3A_1140 = arith.constant 29 : i32
        %broadcast_in_dim3A_1141 = vector.broadcast %broadcast_in_dim3A_1140 : i32 to vector<16xi32>
        %slice3A_1142 = vector.extract_strided_slice %get3A_417 {offsets = [13], sizes = [1], strides = [1]} : vector<16xf32> to vector<1xf32>
        %squeeze3A_1143 = vector.extract %slice3A_1142[0] : f32 from vector<1xf32>
        %broadcast_in_dim3A_1144 = vector.broadcast %squeeze3A_1143 : f32 to vector<16xf32>
        %gather3A_1145 = tpu.vector_load_idx %arg8[%min3A_391, %broadcast_in_dim3A_1141] : memref<800x32xf32, #tpu.memory_space<vmem>>[vector<16xi32>, vector<16xi32>], vector<16xf32>,
        %mul3A_1146 = arith.mulf %gather3A_1145, %gather3A_1145 : vector<16xf32>
        %add3A_1147 = arith.addf %add3A_1122, %mul3A_1146 : vector<16xf32>
        %mul3A_1148 = arith.mulf %broadcast_in_dim3A_1144, %gather3A_1145 : vector<16xf32>
        %add3A_1149 = arith.addf %add3A_1124, %mul3A_1148 : vector<16xf32>
        %gather3A_1150 = tpu.vector_load_idx %arg8[%min3A_398, %broadcast_in_dim3A_1141] : memref<800x32xf32, #tpu.memory_space<vmem>>[vector<16xi32>, vector<16xi32>], vector<16xf32>,
        %mul3A_1151 = arith.mulf %gather3A_1150, %gather3A_1150 : vector<16xf32>
        %add3A_1152 = arith.addf %add3A_1127, %mul3A_1151 : vector<16xf32>
        %mul3A_1153 = arith.mulf %broadcast_in_dim3A_1144, %gather3A_1150 : vector<16xf32>
        %add3A_1154 = arith.addf %add3A_1129, %mul3A_1153 : vector<16xf32>
        %gather3A_1155 = tpu.vector_load_idx %arg8[%min3A_405, %broadcast_in_dim3A_1141] : memref<800x32xf32, #tpu.memory_space<vmem>>[vector<16xi32>, vector<16xi32>], vector<16xf32>,
        %mul3A_1156 = arith.mulf %gather3A_1155, %gather3A_1155 : vector<16xf32>
        %add3A_1157 = arith.addf %add3A_1132, %mul3A_1156 : vector<16xf32>
        %mul3A_1158 = arith.mulf %broadcast_in_dim3A_1144, %gather3A_1155 : vector<16xf32>
        %add3A_1159 = arith.addf %add3A_1134, %mul3A_1158 : vector<16xf32>
        %gather3A_1160 = tpu.vector_load_idx %arg8[%min3A_412, %broadcast_in_dim3A_1141] : memref<800x32xf32, #tpu.memory_space<vmem>>[vector<16xi32>, vector<16xi32>], vector<16xf32>,
        %mul3A_1161 = arith.mulf %gather3A_1160, %gather3A_1160 : vector<16xf32>
        %add3A_1162 = arith.addf %add3A_1137, %mul3A_1161 : vector<16xf32>
        %mul3A_1163 = arith.mulf %broadcast_in_dim3A_1144, %gather3A_1160 : vector<16xf32>
        %add3A_1164 = arith.addf %add3A_1139, %mul3A_1163 : vector<16xf32>
        %broadcast_in_dim3A_1165 = arith.constant 30 : i32
        %broadcast_in_dim3A_1166 = vector.broadcast %broadcast_in_dim3A_1165 : i32 to vector<16xi32>
        %slice3A_1167 = vector.extract_strided_slice %get3A_417 {offsets = [14], sizes = [1], strides = [1]} : vector<16xf32> to vector<1xf32>
        %squeeze3A_1168 = vector.extract %slice3A_1167[0] : f32 from vector<1xf32>
        %broadcast_in_dim3A_1169 = vector.broadcast %squeeze3A_1168 : f32 to vector<16xf32>
        %gather3A_1170 = tpu.vector_load_idx %arg8[%min3A_391, %broadcast_in_dim3A_1166] : memref<800x32xf32, #tpu.memory_space<vmem>>[vector<16xi32>, vector<16xi32>], vector<16xf32>,
        %mul3A_1171 = arith.mulf %gather3A_1170, %gather3A_1170 : vector<16xf32>
        %add3A_1172 = arith.addf %add3A_1147, %mul3A_1171 : vector<16xf32>
        %mul3A_1173 = arith.mulf %broadcast_in_dim3A_1169, %gather3A_1170 : vector<16xf32>
        %add3A_1174 = arith.addf %add3A_1149, %mul3A_1173 : vector<16xf32>
        %gather3A_1175 = tpu.vector_load_idx %arg8[%min3A_398, %broadcast_in_dim3A_1166] : memref<800x32xf32, #tpu.memory_space<vmem>>[vector<16xi32>, vector<16xi32>], vector<16xf32>,
        %mul3A_1176 = arith.mulf %gather3A_1175, %gather3A_1175 : vector<16xf32>
        %add3A_1177 = arith.addf %add3A_1152, %mul3A_1176 : vector<16xf32>
        %mul3A_1178 = arith.mulf %broadcast_in_dim3A_1169, %gather3A_1175 : vector<16xf32>
        %add3A_1179 = arith.addf %add3A_1154, %mul3A_1178 : vector<16xf32>
        %gather3A_1180 = tpu.vector_load_idx %arg8[%min3A_405, %broadcast_in_dim3A_1166] : memref<800x32xf32, #tpu.memory_space<vmem>>[vector<16xi32>, vector<16xi32>], vector<16xf32>,
        %mul3A_1181 = arith.mulf %gather3A_1180, %gather3A_1180 : vector<16xf32>
        %add3A_1182 = arith.addf %add3A_1157, %mul3A_1181 : vector<16xf32>
        %mul3A_1183 = arith.mulf %broadcast_in_dim3A_1169, %gather3A_1180 : vector<16xf32>
        %add3A_1184 = arith.addf %add3A_1159, %mul3A_1183 : vector<16xf32>
        %gather3A_1185 = tpu.vector_load_idx %arg8[%min3A_412, %broadcast_in_dim3A_1166] : memref<800x32xf32, #tpu.memory_space<vmem>>[vector<16xi32>, vector<16xi32>], vector<16xf32>,
        %mul3A_1186 = arith.mulf %gather3A_1185, %gather3A_1185 : vector<16xf32>
        %add3A_1187 = arith.addf %add3A_1162, %mul3A_1186 : vector<16xf32>
        %mul3A_1188 = arith.mulf %broadcast_in_dim3A_1169, %gather3A_1185 : vector<16xf32>
        %add3A_1189 = arith.addf %add3A_1164, %mul3A_1188 : vector<16xf32>
        %broadcast_in_dim3A_1190 = arith.constant 31 : i32
        %broadcast_in_dim3A_1191 = vector.broadcast %broadcast_in_dim3A_1190 : i32 to vector<16xi32>
        %slice3A_1192 = vector.extract_strided_slice %get3A_417 {offsets = [15], sizes = [1], strides = [1]} : vector<16xf32> to vector<1xf32>
        %squeeze3A_1193 = vector.extract %slice3A_1192[0] : f32 from vector<1xf32>
        %broadcast_in_dim3A_1194 = vector.broadcast %squeeze3A_1193 : f32 to vector<16xf32>
        %gather3A_1195 = tpu.vector_load_idx %arg8[%min3A_391, %broadcast_in_dim3A_1191] : memref<800x32xf32, #tpu.memory_space<vmem>>[vector<16xi32>, vector<16xi32>], vector<16xf32>,
        %mul3A_1196 = arith.mulf %gather3A_1195, %gather3A_1195 : vector<16xf32>
        %add3A_1197 = arith.addf %add3A_1172, %mul3A_1196 : vector<16xf32>
        %mul3A_1198 = arith.mulf %broadcast_in_dim3A_1194, %gather3A_1195 : vector<16xf32>
        %add3A_1199 = arith.addf %add3A_1174, %mul3A_1198 : vector<16xf32>
        %gather3A_1200 = tpu.vector_load_idx %arg8[%min3A_398, %broadcast_in_dim3A_1191] : memref<800x32xf32, #tpu.memory_space<vmem>>[vector<16xi32>, vector<16xi32>], vector<16xf32>,
        %mul3A_1201 = arith.mulf %gather3A_1200, %gather3A_1200 : vector<16xf32>
        %add3A_1202 = arith.addf %add3A_1177, %mul3A_1201 : vector<16xf32>
        %mul3A_1203 = arith.mulf %broadcast_in_dim3A_1194, %gather3A_1200 : vector<16xf32>
        %add3A_1204 = arith.addf %add3A_1179, %mul3A_1203 : vector<16xf32>
        %gather3A_1205 = tpu.vector_load_idx %arg8[%min3A_405, %broadcast_in_dim3A_1191] : memref<800x32xf32, #tpu.memory_space<vmem>>[vector<16xi32>, vector<16xi32>], vector<16xf32>,
        %mul3A_1206 = arith.mulf %gather3A_1205, %gather3A_1205 : vector<16xf32>
        %add3A_1207 = arith.addf %add3A_1182, %mul3A_1206 : vector<16xf32>
        %mul3A_1208 = arith.mulf %broadcast_in_dim3A_1194, %gather3A_1205 : vector<16xf32>
        %add3A_1209 = arith.addf %add3A_1184, %mul3A_1208 : vector<16xf32>
        %gather3A_1210 = tpu.vector_load_idx %arg8[%min3A_412, %broadcast_in_dim3A_1191] : memref<800x32xf32, #tpu.memory_space<vmem>>[vector<16xi32>, vector<16xi32>], vector<16xf32>,
        %mul3A_1211 = arith.mulf %gather3A_1210, %gather3A_1210 : vector<16xf32>
        %add3A_1212 = arith.addf %add3A_1187, %mul3A_1211 : vector<16xf32>
        %mul3A_1213 = arith.mulf %broadcast_in_dim3A_1194, %gather3A_1210 : vector<16xf32>
        %add3A_1214 = arith.addf %add3A_1189, %mul3A_1213 : vector<16xf32>
        tpu.vector_store_idx %arg10[%min3A_391], %add3A_1197 : memref<800xf32, #tpu.memory_space<vmem>>[vector<16xi32>], vector<16xf32>,
        %mul3A_1215 = arith.constant 49 : i32
        %mul3A_1216 = arith.muli %scan3A_383, %mul3A_1215 : i32
        %add3A_1217 = arith.constant 0 : i32
        %add3A_1218 = arith.addi %mul3A_1216, %add3A_1217 : i32
        %sub3A = arith.constant 1 : i32
        %sub3A_1219 = arith.subi %add3A_1218, %sub3A : i32
        %broadcast_in_dim3A_1220 = vector.broadcast %sub3A_1219 : i32 to vector<16xi32>
        %add3A_1221 = arith.addi %broadcast_in_dim3A_1220, %iota3A : vector<16xi32>
        tpu.vector_store_idx %arg11[%add3A_1221], %add3A_1199 masked %ge3A_5 : memref<784xf32, #tpu.memory_space<vmem>>[vector<16xi32>], vector<16xf32>, vector<16xi1>
        tpu.vector_store_idx %arg10[%min3A_398], %add3A_1202 : memref<800xf32, #tpu.memory_space<vmem>>[vector<16xi32>], vector<16xf32>,
        %mul3A_1222 = arith.constant 49 : i32
        %mul3A_1223 = arith.muli %scan3A_383, %mul3A_1222 : i32
        %add3A_1224 = arith.constant 16 : i32
        %add3A_1225 = arith.addi %mul3A_1223, %add3A_1224 : i32
        %sub3A_1226 = arith.constant 1 : i32
        %sub3A_1227 = arith.subi %add3A_1225, %sub3A_1226 : i32
        %broadcast_in_dim3A_1228 = vector.broadcast %sub3A_1227 : i32 to vector<16xi32>
        %add3A_1229 = arith.addi %broadcast_in_dim3A_1228, %iota3A : vector<16xi32>
        tpu.vector_store_idx %arg11[%add3A_1229], %add3A_1204 : memref<784xf32, #tpu.memory_space<vmem>>[vector<16xi32>], vector<16xf32>,
        tpu.vector_store_idx %arg10[%min3A_405], %add3A_1207 : memref<800xf32, #tpu.memory_space<vmem>>[vector<16xi32>], vector<16xf32>,
        %mul3A_1230 = arith.constant 49 : i32
        %mul3A_1231 = arith.muli %scan3A_383, %mul3A_1230 : i32
        %add3A_1232 = arith.constant 32 : i32
        %add3A_1233 = arith.addi %mul3A_1231, %add3A_1232 : i32
        %sub3A_1234 = arith.constant 1 : i32
        %sub3A_1235 = arith.subi %add3A_1233, %sub3A_1234 : i32
        %broadcast_in_dim3A_1236 = vector.broadcast %sub3A_1235 : i32 to vector<16xi32>
        %add3A_1237 = arith.addi %broadcast_in_dim3A_1236, %iota3A : vector<16xi32>
        tpu.vector_store_idx %arg11[%add3A_1237], %add3A_1209 : memref<784xf32, #tpu.memory_space<vmem>>[vector<16xi32>], vector<16xf32>,
        tpu.vector_store_idx %arg10[%min3A_412], %add3A_1212 masked %lt3A_3 : memref<800xf32, #tpu.memory_space<vmem>>[vector<16xi32>], vector<16xf32>, vector<16xi1>
        %mul3A_1238 = arith.constant 49 : i32
        %mul3A_1239 = arith.muli %scan3A_383, %mul3A_1238 : i32
        %add3A_1240 = arith.constant 48 : i32
        %add3A_1241 = arith.addi %mul3A_1239, %add3A_1240 : i32
        %sub3A_1242 = arith.constant 1 : i32
        %sub3A_1243 = arith.subi %add3A_1241, %sub3A_1242 : i32
        %broadcast_in_dim3A_1244 = vector.broadcast %sub3A_1243 : i32 to vector<16xi32>
        %add3A_1245 = arith.addi %broadcast_in_dim3A_1244, %iota3A : vector<16xi32>
        tpu.vector_store_idx %arg11[%add3A_1245], %add3A_1214 masked %lt3A_8 : memref<784xf32, #tpu.memory_space<vmem>>[vector<16xi32>], vector<16xf32>, vector<16xi1>
      }
      %scan3A_283 = arith.constant 16 : i32
      %mul3A_284 = arith.constant 50 : i32
      %mul3A_285 = arith.muli %add3A_277, %mul3A_284 : i32
      "tpu.region"() ({
        %run_scoped3A = tpu.sem_alloc : memref<!tpu.dma_semaphore, #tpu.memory_space<semaphore_mem>>
        %dma_start3A_383 = tpu.memref_slice %arg4[%mul3A_285] : memref<819200xf32, #tpu.memory_space<hbm>> -> memref<800xf32, #tpu.memory_space<hbm>>
        %dma_start3A_384 = tpu.memref_slice %arg4[%mul3A_285] : memref<819200xf32, #tpu.memory_space<hbm>> -> memref<800xf32, #tpu.memory_space<hbm>>
        tpu.enqueue_dma source(%arg10 : memref<800xf32, #tpu.memory_space<vmem>>) target(%dma_start3A_384 : memref<800xf32, #tpu.memory_space<hbm>>) target_semaphore(%run_scoped3A : memref<!tpu.dma_semaphore, #tpu.memory_space<semaphore_mem>>)
        %dma_wait3A_385 = tpu.memref_slice %arg4[%mul3A_285] : memref<819200xf32, #tpu.memory_space<hbm>> -> memref<800xf32, #tpu.memory_space<hbm>>
        %dma_wait3A_386 = tpu.memref_slice %arg4[%mul3A_285] : memref<819200xf32, #tpu.memory_space<hbm>> -> memref<800xf32, #tpu.memory_space<hbm>>
        tpu.wait_dma2 semaphore(%run_scoped3A : memref<!tpu.dma_semaphore, #tpu.memory_space<semaphore_mem>>) src(%arg10 : memref<800xf32, #tpu.memory_space<vmem>>) dst(%dma_wait3A_386 : memref<800xf32, #tpu.memory_space<hbm>>)
        tpu.yield
      }) : () -> ()
      %mul3A_286 = arith.constant 49 : i32
      %mul3A_287 = arith.muli %add3A_277, %mul3A_286 : i32
      "tpu.region"() ({
        %run_scoped3A = tpu.sem_alloc : memref<!tpu.dma_semaphore, #tpu.memory_space<semaphore_mem>>
        %dma_start3A_383 = tpu.memref_slice %arg5[%mul3A_287] : memref<802816xf32, #tpu.memory_space<hbm>> -> memref<784xf32, #tpu.memory_space<hbm>>
        %dma_start3A_384 = tpu.memref_slice %arg5[%mul3A_287] : memref<802816xf32, #tpu.memory_space<hbm>> -> memref<784xf32, #tpu.memory_space<hbm>>
        tpu.enqueue_dma source(%arg11 : memref<784xf32, #tpu.memory_space<vmem>>) target(%dma_start3A_384 : memref<784xf32, #tpu.memory_space<hbm>>) target_semaphore(%run_scoped3A : memref<!tpu.dma_semaphore, #tpu.memory_space<semaphore_mem>>)
        %dma_wait3A_385 = tpu.memref_slice %arg5[%mul3A_287] : memref<802816xf32, #tpu.memory_space<hbm>> -> memref<784xf32, #tpu.memory_space<hbm>>
        %dma_wait3A_386 = tpu.memref_slice %arg5[%mul3A_287] : memref<802816xf32, #tpu.memory_space<hbm>> -> memref<784xf32, #tpu.memory_space<hbm>>
        tpu.wait_dma2 semaphore(%run_scoped3A : memref<!tpu.dma_semaphore, #tpu.memory_space<semaphore_mem>>) src(%arg11 : memref<784xf32, #tpu.memory_space<vmem>>) dst(%dma_wait3A_386 : memref<784xf32, #tpu.memory_space<hbm>>)
        tpu.yield
      }) : () -> ()
      %dma_wait3A_288 = arith.constant 0 : i32
      %dma_wait3A_289 = arith.constant 0 : i32
      %dma_wait3A_290 = tpu.memref_slice %arg9[%dma_wait3A_288, %dma_wait3A_289] : memref<800x32xf32, #tpu.memory_space<vmem>> -> memref<80x32xf32, #tpu.memory_space<vmem>>
      %dma_wait3A_291 = arith.constant 0 : i32
      %dma_wait3A_292 = tpu.memref_slice %arg7[%dma_wait3A_291] : memref<800xi32, #tpu.memory_space<vmem>> -> memref<80xi32, #tpu.memory_space<vmem>>
      %dma_wait3A_293 = arith.constant 0 : i32
      %dma_wait3A_294 = arith.constant 0 : i32
      %dma_wait3A_295 = tpu.memref_slice %arg2[%dma_wait3A_293, %dma_wait3A_294] : memref<1000448x32xf32, #tpu.memory_space<hbm>> -> memref<1000448x32xf32, #tpu.memory_space<hbm>>
      tpu.wait_indirect_dma semaphore(%arg12 : memref<!tpu.dma_semaphore, #tpu.memory_space<semaphore_mem>>) src(%dma_wait3A_295 : memref<1000448x32xf32, #tpu.memory_space<hbm>>) dst(%dma_wait3A_290 : memref<80x32xf32, #tpu.memory_space<vmem>>)
      %dma_wait3A_296 = arith.constant 80 : i32
      %dma_wait3A_297 = arith.constant 0 : i32
      %dma_wait3A_298 = tpu.memref_slice %arg9[%dma_wait3A_296, %dma_wait3A_297] : memref<800x32xf32, #tpu.memory_space<vmem>> -> memref<80x32xf32, #tpu.memory_space<vmem>>
      %dma_wait3A_299 = arith.constant 80 : i32
      %dma_wait3A_300 = tpu.memref_slice %arg7[%dma_wait3A_299] : memref<800xi32, #tpu.memory_space<vmem>> -> memref<80xi32, #tpu.memory_space<vmem>>
      %dma_wait3A_301 = arith.constant 0 : i32
      %dma_wait3A_302 = arith.constant 0 : i32
      %dma_wait3A_303 = tpu.memref_slice %arg2[%dma_wait3A_301, %dma_wait3A_302] : memref<1000448x32xf32, #tpu.memory_space<hbm>> -> memref<1000448x32xf32, #tpu.memory_space<hbm>>
      tpu.wait_indirect_dma semaphore(%arg12 : memref<!tpu.dma_semaphore, #tpu.memory_space<semaphore_mem>>) src(%dma_wait3A_303 : memref<1000448x32xf32, #tpu.memory_space<hbm>>) dst(%dma_wait3A_298 : memref<80x32xf32, #tpu.memory_space<vmem>>)
      %dma_wait3A_304 = arith.constant 160 : i32
      %dma_wait3A_305 = arith.constant 0 : i32
      %dma_wait3A_306 = tpu.memref_slice %arg9[%dma_wait3A_304, %dma_wait3A_305] : memref<800x32xf32, #tpu.memory_space<vmem>> -> memref<80x32xf32, #tpu.memory_space<vmem>>
      %dma_wait3A_307 = arith.constant 160 : i32
      %dma_wait3A_308 = tpu.memref_slice %arg7[%dma_wait3A_307] : memref<800xi32, #tpu.memory_space<vmem>> -> memref<80xi32, #tpu.memory_space<vmem>>
      %dma_wait3A_309 = arith.constant 0 : i32
      %dma_wait3A_310 = arith.constant 0 : i32
      %dma_wait3A_311 = tpu.memref_slice %arg2[%dma_wait3A_309, %dma_wait3A_310] : memref<1000448x32xf32, #tpu.memory_space<hbm>> -> memref<1000448x32xf32, #tpu.memory_space<hbm>>
      tpu.wait_indirect_dma semaphore(%arg12 : memref<!tpu.dma_semaphore, #tpu.memory_space<semaphore_mem>>) src(%dma_wait3A_311 : memref<1000448x32xf32, #tpu.memory_space<hbm>>) dst(%dma_wait3A_306 : memref<80x32xf32, #tpu.memory_space<vmem>>)
      %dma_wait3A_312 = arith.constant 240 : i32
      %dma_wait3A_313 = arith.constant 0 : i32
      %dma_wait3A_314 = tpu.memref_slice %arg9[%dma_wait3A_312, %dma_wait3A_313] : memref<800x32xf32, #tpu.memory_space<vmem>> -> memref<80x32xf32, #tpu.memory_space<vmem>>
      %dma_wait3A_315 = arith.constant 240 : i32
      %dma_wait3A_316 = tpu.memref_slice %arg7[%dma_wait3A_315] : memref<800xi32, #tpu.memory_space<vmem>> -> memref<80xi32, #tpu.memory_space<vmem>>
      %dma_wait3A_317 = arith.constant 0 : i32
      %dma_wait3A_318 = arith.constant 0 : i32
      %dma_wait3A_319 = tpu.memref_slice %arg2[%dma_wait3A_317, %dma_wait3A_318] : memref<1000448x32xf32, #tpu.memory_space<hbm>> -> memref<1000448x32xf32, #tpu.memory_space<hbm>>
      tpu.wait_indirect_dma semaphore(%arg12 : memref<!tpu.dma_semaphore, #tpu.memory_space<semaphore_mem>>) src(%dma_wait3A_319 : memref<1000448x32xf32, #tpu.memory_space<hbm>>) dst(%dma_wait3A_314 : memref<80x32xf32, #tpu.memory_space<vmem>>)
      %dma_wait3A_320 = arith.constant 320 : i32
      %dma_wait3A_321 = arith.constant 0 : i32
      %dma_wait3A_322 = tpu.memref_slice %arg9[%dma_wait3A_320, %dma_wait3A_321] : memref<800x32xf32, #tpu.memory_space<vmem>> -> memref<80x32xf32, #tpu.memory_space<vmem>>
      %dma_wait3A_323 = arith.constant 320 : i32
      %dma_wait3A_324 = tpu.memref_slice %arg7[%dma_wait3A_323] : memref<800xi32, #tpu.memory_space<vmem>> -> memref<80xi32, #tpu.memory_space<vmem>>
      %dma_wait3A_325 = arith.constant 0 : i32
      %dma_wait3A_326 = arith.constant 0 : i32
      %dma_wait3A_327 = tpu.memref_slice %arg2[%dma_wait3A_325, %dma_wait3A_326] : memref<1000448x32xf32, #tpu.memory_space<hbm>> -> memref<1000448x32xf32, #tpu.memory_space<hbm>>
      tpu.wait_indirect_dma semaphore(%arg12 : memref<!tpu.dma_semaphore, #tpu.memory_space<semaphore_mem>>) src(%dma_wait3A_327 : memref<1000448x32xf32, #tpu.memory_space<hbm>>) dst(%dma_wait3A_322 : memref<80x32xf32, #tpu.memory_space<vmem>>)
      %dma_wait3A_328 = arith.constant 400 : i32
      %dma_wait3A_329 = arith.constant 0 : i32
      %dma_wait3A_330 = tpu.memref_slice %arg9[%dma_wait3A_328, %dma_wait3A_329] : memref<800x32xf32, #tpu.memory_space<vmem>> -> memref<80x32xf32, #tpu.memory_space<vmem>>
      %dma_wait3A_331 = arith.constant 400 : i32
      %dma_wait3A_332 = tpu.memref_slice %arg7[%dma_wait3A_331] : memref<800xi32, #tpu.memory_space<vmem>> -> memref<80xi32, #tpu.memory_space<vmem>>
      %dma_wait3A_333 = arith.constant 0 : i32
      %dma_wait3A_334 = arith.constant 0 : i32
      %dma_wait3A_335 = tpu.memref_slice %arg2[%dma_wait3A_333, %dma_wait3A_334] : memref<1000448x32xf32, #tpu.memory_space<hbm>> -> memref<1000448x32xf32, #tpu.memory_space<hbm>>
      tpu.wait_indirect_dma semaphore(%arg12 : memref<!tpu.dma_semaphore, #tpu.memory_space<semaphore_mem>>) src(%dma_wait3A_335 : memref<1000448x32xf32, #tpu.memory_space<hbm>>) dst(%dma_wait3A_330 : memref<80x32xf32, #tpu.memory_space<vmem>>)
      %dma_wait3A_336 = arith.constant 480 : i32
      %dma_wait3A_337 = arith.constant 0 : i32
      %dma_wait3A_338 = tpu.memref_slice %arg9[%dma_wait3A_336, %dma_wait3A_337] : memref<800x32xf32, #tpu.memory_space<vmem>> -> memref<80x32xf32, #tpu.memory_space<vmem>>
      %dma_wait3A_339 = arith.constant 480 : i32
      %dma_wait3A_340 = tpu.memref_slice %arg7[%dma_wait3A_339] : memref<800xi32, #tpu.memory_space<vmem>> -> memref<80xi32, #tpu.memory_space<vmem>>
      %dma_wait3A_341 = arith.constant 0 : i32
      %dma_wait3A_342 = arith.constant 0 : i32
      %dma_wait3A_343 = tpu.memref_slice %arg2[%dma_wait3A_341, %dma_wait3A_342] : memref<1000448x32xf32, #tpu.memory_space<hbm>> -> memref<1000448x32xf32, #tpu.memory_space<hbm>>
      tpu.wait_indirect_dma semaphore(%arg12 : memref<!tpu.dma_semaphore, #tpu.memory_space<semaphore_mem>>) src(%dma_wait3A_343 : memref<1000448x32xf32, #tpu.memory_space<hbm>>) dst(%dma_wait3A_338 : memref<80x32xf32, #tpu.memory_space<vmem>>)
      %dma_wait3A_344 = arith.constant 560 : i32
      %dma_wait3A_345 = arith.constant 0 : i32
      %dma_wait3A_346 = tpu.memref_slice %arg9[%dma_wait3A_344, %dma_wait3A_345] : memref<800x32xf32, #tpu.memory_space<vmem>> -> memref<80x32xf32, #tpu.memory_space<vmem>>
      %dma_wait3A_347 = arith.constant 560 : i32
      %dma_wait3A_348 = tpu.memref_slice %arg7[%dma_wait3A_347] : memref<800xi32, #tpu.memory_space<vmem>> -> memref<80xi32, #tpu.memory_space<vmem>>
      %dma_wait3A_349 = arith.constant 0 : i32
      %dma_wait3A_350 = arith.constant 0 : i32
      %dma_wait3A_351 = tpu.memref_slice %arg2[%dma_wait3A_349, %dma_wait3A_350] : memref<1000448x32xf32, #tpu.memory_space<hbm>> -> memref<1000448x32xf32, #tpu.memory_space<hbm>>
      tpu.wait_indirect_dma semaphore(%arg12 : memref<!tpu.dma_semaphore, #tpu.memory_space<semaphore_mem>>) src(%dma_wait3A_351 : memref<1000448x32xf32, #tpu.memory_space<hbm>>) dst(%dma_wait3A_346 : memref<80x32xf32, #tpu.memory_space<vmem>>)
      %dma_wait3A_352 = arith.constant 640 : i32
      %dma_wait3A_353 = arith.constant 0 : i32
      %dma_wait3A_354 = tpu.memref_slice %arg9[%dma_wait3A_352, %dma_wait3A_353] : memref<800x32xf32, #tpu.memory_space<vmem>> -> memref<80x32xf32, #tpu.memory_space<vmem>>
      %dma_wait3A_355 = arith.constant 640 : i32
      %dma_wait3A_356 = tpu.memref_slice %arg7[%dma_wait3A_355] : memref<800xi32, #tpu.memory_space<vmem>> -> memref<80xi32, #tpu.memory_space<vmem>>
      %dma_wait3A_357 = arith.constant 0 : i32
      %dma_wait3A_358 = arith.constant 0 : i32
      %dma_wait3A_359 = tpu.memref_slice %arg2[%dma_wait3A_357, %dma_wait3A_358] : memref<1000448x32xf32, #tpu.memory_space<hbm>> -> memref<1000448x32xf32, #tpu.memory_space<hbm>>
      tpu.wait_indirect_dma semaphore(%arg12 : memref<!tpu.dma_semaphore, #tpu.memory_space<semaphore_mem>>) src(%dma_wait3A_359 : memref<1000448x32xf32, #tpu.memory_space<hbm>>) dst(%dma_wait3A_354 : memref<80x32xf32, #tpu.memory_space<vmem>>)
      %dma_wait3A_360 = arith.constant 720 : i32
      %dma_wait3A_361 = arith.constant 0 : i32
      %dma_wait3A_362 = tpu.memref_slice %arg9[%dma_wait3A_360, %dma_wait3A_361] : memref<800x32xf32, #tpu.memory_space<vmem>> -> memref<80x32xf32, #tpu.memory_space<vmem>>
      %dma_wait3A_363 = arith.constant 720 : i32
      %dma_wait3A_364 = tpu.memref_slice %arg7[%dma_wait3A_363] : memref<800xi32, #tpu.memory_space<vmem>> -> memref<80xi32, #tpu.memory_space<vmem>>
      %dma_wait3A_365 = arith.constant 0 : i32
      %dma_wait3A_366 = arith.constant 0 : i32
      %dma_wait3A_367 = tpu.memref_slice %arg2[%dma_wait3A_365, %dma_wait3A_366] : memref<1000448x32xf32, #tpu.memory_space<hbm>> -> memref<1000448x32xf32, #tpu.memory_space<hbm>>
      tpu.wait_indirect_dma semaphore(%arg12 : memref<!tpu.dma_semaphore, #tpu.memory_space<semaphore_mem>>) src(%dma_wait3A_367 : memref<1000448x32xf32, #tpu.memory_space<hbm>>) dst(%dma_wait3A_362 : memref<80x32xf32, #tpu.memory_space<vmem>>)
      %mul3A_368 = arith.constant 512 : i32
      %mul3A_369 = arith.muli %add3A, %mul3A_368 : i32
      %mul3A_370 = arith.constant 16 : i32
      %mul3A_371 = arith.muli %add3A_20, %mul3A_370 : i32
      %add3A_372 = arith.addi %mul3A_369, %mul3A_371 : i32
      %scan3A_373 = arith.constant 0 : i32
      %scan3A_374 = arith.constant 0 : i32
      %scan3A_375 = arith.constant 16 : i32
      %scan3A_376 = arith.addi %scan3A_374, %scan3A_375 : i32
      %scan3A_377 = arith.constant 1 : i32
      scf.for %scan3A_383 = %scan3A_374 to %scan3A_376 step %scan3A_377  : i32 {
        %mul3A_384 = arith.constant 50 : i32
        %mul3A_385 = arith.muli %scan3A_383, %mul3A_384 : i32
        %add3A_386 = arith.constant 0 : i32
        %add3A_387 = arith.addi %mul3A_385, %add3A_386 : i32
        %add3A_388 = vector.broadcast %add3A_387 : i32 to vector<16xi32>
        %add3A_389 = arith.addi %add3A_388, %iota3A : vector<16xi32>
        %min3A = arith.constant 799 : i32
        %min3A_390 = vector.broadcast %min3A : i32 to vector<16xi32>
        %min3A_391 = arith.minsi %add3A_389, %min3A_390 : vector<16xi32>
        %add3A_392 = arith.constant 16 : i32
        %add3A_393 = arith.addi %mul3A_385, %add3A_392 : i32
        %add3A_394 = vector.broadcast %add3A_393 : i32 to vector<16xi32>
        %add3A_395 = arith.addi %add3A_394, %iota3A : vector<16xi32>
        %min3A_396 = arith.constant 799 : i32
        %min3A_397 = vector.broadcast %min3A_396 : i32 to vector<16xi32>
        %min3A_398 = arith.minsi %add3A_395, %min3A_397 : vector<16xi32>
        %add3A_399 = arith.constant 32 : i32
        %add3A_400 = arith.addi %mul3A_385, %add3A_399 : i32
        %add3A_401 = vector.broadcast %add3A_400 : i32 to vector<16xi32>
        %add3A_402 = arith.addi %add3A_401, %iota3A : vector<16xi32>
        %min3A_403 = arith.constant 799 : i32
        %min3A_404 = vector.broadcast %min3A_403 : i32 to vector<16xi32>
        %min3A_405 = arith.minsi %add3A_402, %min3A_404 : vector<16xi32>
        %add3A_406 = arith.constant 48 : i32
        %add3A_407 = arith.addi %mul3A_385, %add3A_406 : i32
        %add3A_408 = vector.broadcast %add3A_407 : i32 to vector<16xi32>
        %add3A_409 = arith.addi %add3A_408, %iota3A : vector<16xi32>
        %min3A_410 = arith.constant 799 : i32
        %min3A_411 = vector.broadcast %min3A_410 : i32 to vector<16xi32>
        %min3A_412 = arith.minsi %add3A_409, %min3A_411 : vector<16xi32>
        %get3A = arith.index_cast %mul3A_385 : i32 to index
        %get3A_413 = arith.constant 0 : index
        %get3A_414 = tpu.vector_load %arg9[%get3A, %get3A_413] {strides = array<i32>} : memref<800x32xf32, #tpu.memory_space<vmem>>, vector<16xf32>,
        %get3A_415 = arith.index_cast %mul3A_385 : i32 to index
        %get3A_416 = arith.constant 16 : index
        %get3A_417 = tpu.vector_load %arg9[%get3A_415, %get3A_416] {strides = array<i32>} : memref<800x32xf32, #tpu.memory_space<vmem>>, vector<16xf32>,
        %broadcast_in_dim3A_418 = arith.constant 0 : i32
        %broadcast_in_dim3A_419 = vector.broadcast %broadcast_in_dim3A_418 : i32 to vector<16xi32>
        %slice3A = vector.extract_strided_slice %get3A_414 {offsets = [0], sizes = [1], strides = [1]} : vector<16xf32> to vector<1xf32>
        %squeeze3A = vector.extract %slice3A[0] : f32 from vector<1xf32>
        %broadcast_in_dim3A_420 = vector.broadcast %squeeze3A : f32 to vector<16xf32>
        %gather3A = tpu.vector_load_idx %arg9[%min3A_391, %broadcast_in_dim3A_419] : memref<800x32xf32, #tpu.memory_space<vmem>>[vector<16xi32>, vector<16xi32>], vector<16xf32>,
        %mul3A_421 = arith.mulf %gather3A, %gather3A : vector<16xf32>
        %add3A_422 = arith.addf %broadcast_in_dim3A_1, %mul3A_421 : vector<16xf32>
        %mul3A_423 = arith.mulf %broadcast_in_dim3A_420, %gather3A : vector<16xf32>
        %add3A_424 = arith.addf %broadcast_in_dim3A_1, %mul3A_423 : vector<16xf32>
        %gather3A_425 = tpu.vector_load_idx %arg9[%min3A_398, %broadcast_in_dim3A_419] : memref<800x32xf32, #tpu.memory_space<vmem>>[vector<16xi32>, vector<16xi32>], vector<16xf32>,
        %mul3A_426 = arith.mulf %gather3A_425, %gather3A_425 : vector<16xf32>
        %add3A_427 = arith.addf %broadcast_in_dim3A_1, %mul3A_426 : vector<16xf32>
        %mul3A_428 = arith.mulf %broadcast_in_dim3A_420, %gather3A_425 : vector<16xf32>
        %add3A_429 = arith.addf %broadcast_in_dim3A_1, %mul3A_428 : vector<16xf32>
        %gather3A_430 = tpu.vector_load_idx %arg9[%min3A_405, %broadcast_in_dim3A_419] : memref<800x32xf32, #tpu.memory_space<vmem>>[vector<16xi32>, vector<16xi32>], vector<16xf32>,
        %mul3A_431 = arith.mulf %gather3A_430, %gather3A_430 : vector<16xf32>
        %add3A_432 = arith.addf %broadcast_in_dim3A_1, %mul3A_431 : vector<16xf32>
        %mul3A_433 = arith.mulf %broadcast_in_dim3A_420, %gather3A_430 : vector<16xf32>
        %add3A_434 = arith.addf %broadcast_in_dim3A_1, %mul3A_433 : vector<16xf32>
        %gather3A_435 = tpu.vector_load_idx %arg9[%min3A_412, %broadcast_in_dim3A_419] : memref<800x32xf32, #tpu.memory_space<vmem>>[vector<16xi32>, vector<16xi32>], vector<16xf32>,
        %mul3A_436 = arith.mulf %gather3A_435, %gather3A_435 : vector<16xf32>
        %add3A_437 = arith.addf %broadcast_in_dim3A_1, %mul3A_436 : vector<16xf32>
        %mul3A_438 = arith.mulf %broadcast_in_dim3A_420, %gather3A_435 : vector<16xf32>
        %add3A_439 = arith.addf %broadcast_in_dim3A_1, %mul3A_438 : vector<16xf32>
        %broadcast_in_dim3A_440 = arith.constant 1 : i32
        %broadcast_in_dim3A_441 = vector.broadcast %broadcast_in_dim3A_440 : i32 to vector<16xi32>
        %slice3A_442 = vector.extract_strided_slice %get3A_414 {offsets = [1], sizes = [1], strides = [1]} : vector<16xf32> to vector<1xf32>
        %squeeze3A_443 = vector.extract %slice3A_442[0] : f32 from vector<1xf32>
        %broadcast_in_dim3A_444 = vector.broadcast %squeeze3A_443 : f32 to vector<16xf32>
        %gather3A_445 = tpu.vector_load_idx %arg9[%min3A_391, %broadcast_in_dim3A_441] : memref<800x32xf32, #tpu.memory_space<vmem>>[vector<16xi32>, vector<16xi32>], vector<16xf32>,
        %mul3A_446 = arith.mulf %gather3A_445, %gather3A_445 : vector<16xf32>
        %add3A_447 = arith.addf %add3A_422, %mul3A_446 : vector<16xf32>
        %mul3A_448 = arith.mulf %broadcast_in_dim3A_444, %gather3A_445 : vector<16xf32>
        %add3A_449 = arith.addf %add3A_424, %mul3A_448 : vector<16xf32>
        %gather3A_450 = tpu.vector_load_idx %arg9[%min3A_398, %broadcast_in_dim3A_441] : memref<800x32xf32, #tpu.memory_space<vmem>>[vector<16xi32>, vector<16xi32>], vector<16xf32>,
        %mul3A_451 = arith.mulf %gather3A_450, %gather3A_450 : vector<16xf32>
        %add3A_452 = arith.addf %add3A_427, %mul3A_451 : vector<16xf32>
        %mul3A_453 = arith.mulf %broadcast_in_dim3A_444, %gather3A_450 : vector<16xf32>
        %add3A_454 = arith.addf %add3A_429, %mul3A_453 : vector<16xf32>
        %gather3A_455 = tpu.vector_load_idx %arg9[%min3A_405, %broadcast_in_dim3A_441] : memref<800x32xf32, #tpu.memory_space<vmem>>[vector<16xi32>, vector<16xi32>], vector<16xf32>,
        %mul3A_456 = arith.mulf %gather3A_455, %gather3A_455 : vector<16xf32>
        %add3A_457 = arith.addf %add3A_432, %mul3A_456 : vector<16xf32>
        %mul3A_458 = arith.mulf %broadcast_in_dim3A_444, %gather3A_455 : vector<16xf32>
        %add3A_459 = arith.addf %add3A_434, %mul3A_458 : vector<16xf32>
        %gather3A_460 = tpu.vector_load_idx %arg9[%min3A_412, %broadcast_in_dim3A_441] : memref<800x32xf32, #tpu.memory_space<vmem>>[vector<16xi32>, vector<16xi32>], vector<16xf32>,
        %mul3A_461 = arith.mulf %gather3A_460, %gather3A_460 : vector<16xf32>
        %add3A_462 = arith.addf %add3A_437, %mul3A_461 : vector<16xf32>
        %mul3A_463 = arith.mulf %broadcast_in_dim3A_444, %gather3A_460 : vector<16xf32>
        %add3A_464 = arith.addf %add3A_439, %mul3A_463 : vector<16xf32>
        %broadcast_in_dim3A_465 = arith.constant 2 : i32
        %broadcast_in_dim3A_466 = vector.broadcast %broadcast_in_dim3A_465 : i32 to vector<16xi32>
        %slice3A_467 = vector.extract_strided_slice %get3A_414 {offsets = [2], sizes = [1], strides = [1]} : vector<16xf32> to vector<1xf32>
        %squeeze3A_468 = vector.extract %slice3A_467[0] : f32 from vector<1xf32>
        %broadcast_in_dim3A_469 = vector.broadcast %squeeze3A_468 : f32 to vector<16xf32>
        %gather3A_470 = tpu.vector_load_idx %arg9[%min3A_391, %broadcast_in_dim3A_466] : memref<800x32xf32, #tpu.memory_space<vmem>>[vector<16xi32>, vector<16xi32>], vector<16xf32>,
        %mul3A_471 = arith.mulf %gather3A_470, %gather3A_470 : vector<16xf32>
        %add3A_472 = arith.addf %add3A_447, %mul3A_471 : vector<16xf32>
        %mul3A_473 = arith.mulf %broadcast_in_dim3A_469, %gather3A_470 : vector<16xf32>
        %add3A_474 = arith.addf %add3A_449, %mul3A_473 : vector<16xf32>
        %gather3A_475 = tpu.vector_load_idx %arg9[%min3A_398, %broadcast_in_dim3A_466] : memref<800x32xf32, #tpu.memory_space<vmem>>[vector<16xi32>, vector<16xi32>], vector<16xf32>,
        %mul3A_476 = arith.mulf %gather3A_475, %gather3A_475 : vector<16xf32>
        %add3A_477 = arith.addf %add3A_452, %mul3A_476 : vector<16xf32>
        %mul3A_478 = arith.mulf %broadcast_in_dim3A_469, %gather3A_475 : vector<16xf32>
        %add3A_479 = arith.addf %add3A_454, %mul3A_478 : vector<16xf32>
        %gather3A_480 = tpu.vector_load_idx %arg9[%min3A_405, %broadcast_in_dim3A_466] : memref<800x32xf32, #tpu.memory_space<vmem>>[vector<16xi32>, vector<16xi32>], vector<16xf32>,
        %mul3A_481 = arith.mulf %gather3A_480, %gather3A_480 : vector<16xf32>
        %add3A_482 = arith.addf %add3A_457, %mul3A_481 : vector<16xf32>
        %mul3A_483 = arith.mulf %broadcast_in_dim3A_469, %gather3A_480 : vector<16xf32>
        %add3A_484 = arith.addf %add3A_459, %mul3A_483 : vector<16xf32>
        %gather3A_485 = tpu.vector_load_idx %arg9[%min3A_412, %broadcast_in_dim3A_466] : memref<800x32xf32, #tpu.memory_space<vmem>>[vector<16xi32>, vector<16xi32>], vector<16xf32>,
        %mul3A_486 = arith.mulf %gather3A_485, %gather3A_485 : vector<16xf32>
        %add3A_487 = arith.addf %add3A_462, %mul3A_486 : vector<16xf32>
        %mul3A_488 = arith.mulf %broadcast_in_dim3A_469, %gather3A_485 : vector<16xf32>
        %add3A_489 = arith.addf %add3A_464, %mul3A_488 : vector<16xf32>
        %broadcast_in_dim3A_490 = arith.constant 3 : i32
        %broadcast_in_dim3A_491 = vector.broadcast %broadcast_in_dim3A_490 : i32 to vector<16xi32>
        %slice3A_492 = vector.extract_strided_slice %get3A_414 {offsets = [3], sizes = [1], strides = [1]} : vector<16xf32> to vector<1xf32>
        %squeeze3A_493 = vector.extract %slice3A_492[0] : f32 from vector<1xf32>
        %broadcast_in_dim3A_494 = vector.broadcast %squeeze3A_493 : f32 to vector<16xf32>
        %gather3A_495 = tpu.vector_load_idx %arg9[%min3A_391, %broadcast_in_dim3A_491] : memref<800x32xf32, #tpu.memory_space<vmem>>[vector<16xi32>, vector<16xi32>], vector<16xf32>,
        %mul3A_496 = arith.mulf %gather3A_495, %gather3A_495 : vector<16xf32>
        %add3A_497 = arith.addf %add3A_472, %mul3A_496 : vector<16xf32>
        %mul3A_498 = arith.mulf %broadcast_in_dim3A_494, %gather3A_495 : vector<16xf32>
        %add3A_499 = arith.addf %add3A_474, %mul3A_498 : vector<16xf32>
        %gather3A_500 = tpu.vector_load_idx %arg9[%min3A_398, %broadcast_in_dim3A_491] : memref<800x32xf32, #tpu.memory_space<vmem>>[vector<16xi32>, vector<16xi32>], vector<16xf32>,
        %mul3A_501 = arith.mulf %gather3A_500, %gather3A_500 : vector<16xf32>
        %add3A_502 = arith.addf %add3A_477, %mul3A_501 : vector<16xf32>
        %mul3A_503 = arith.mulf %broadcast_in_dim3A_494, %gather3A_500 : vector<16xf32>
        %add3A_504 = arith.addf %add3A_479, %mul3A_503 : vector<16xf32>
        %gather3A_505 = tpu.vector_load_idx %arg9[%min3A_405, %broadcast_in_dim3A_491] : memref<800x32xf32, #tpu.memory_space<vmem>>[vector<16xi32>, vector<16xi32>], vector<16xf32>,
        %mul3A_506 = arith.mulf %gather3A_505, %gather3A_505 : vector<16xf32>
        %add3A_507 = arith.addf %add3A_482, %mul3A_506 : vector<16xf32>
        %mul3A_508 = arith.mulf %broadcast_in_dim3A_494, %gather3A_505 : vector<16xf32>
        %add3A_509 = arith.addf %add3A_484, %mul3A_508 : vector<16xf32>
        %gather3A_510 = tpu.vector_load_idx %arg9[%min3A_412, %broadcast_in_dim3A_491] : memref<800x32xf32, #tpu.memory_space<vmem>>[vector<16xi32>, vector<16xi32>], vector<16xf32>,
        %mul3A_511 = arith.mulf %gather3A_510, %gather3A_510 : vector<16xf32>
        %add3A_512 = arith.addf %add3A_487, %mul3A_511 : vector<16xf32>
        %mul3A_513 = arith.mulf %broadcast_in_dim3A_494, %gather3A_510 : vector<16xf32>
        %add3A_514 = arith.addf %add3A_489, %mul3A_513 : vector<16xf32>
        %broadcast_in_dim3A_515 = arith.constant 4 : i32
        %broadcast_in_dim3A_516 = vector.broadcast %broadcast_in_dim3A_515 : i32 to vector<16xi32>
        %slice3A_517 = vector.extract_strided_slice %get3A_414 {offsets = [4], sizes = [1], strides = [1]} : vector<16xf32> to vector<1xf32>
        %squeeze3A_518 = vector.extract %slice3A_517[0] : f32 from vector<1xf32>
        %broadcast_in_dim3A_519 = vector.broadcast %squeeze3A_518 : f32 to vector<16xf32>
        %gather3A_520 = tpu.vector_load_idx %arg9[%min3A_391, %broadcast_in_dim3A_516] : memref<800x32xf32, #tpu.memory_space<vmem>>[vector<16xi32>, vector<16xi32>], vector<16xf32>,
        %mul3A_521 = arith.mulf %gather3A_520, %gather3A_520 : vector<16xf32>
        %add3A_522 = arith.addf %add3A_497, %mul3A_521 : vector<16xf32>
        %mul3A_523 = arith.mulf %broadcast_in_dim3A_519, %gather3A_520 : vector<16xf32>
        %add3A_524 = arith.addf %add3A_499, %mul3A_523 : vector<16xf32>
        %gather3A_525 = tpu.vector_load_idx %arg9[%min3A_398, %broadcast_in_dim3A_516] : memref<800x32xf32, #tpu.memory_space<vmem>>[vector<16xi32>, vector<16xi32>], vector<16xf32>,
        %mul3A_526 = arith.mulf %gather3A_525, %gather3A_525 : vector<16xf32>
        %add3A_527 = arith.addf %add3A_502, %mul3A_526 : vector<16xf32>
        %mul3A_528 = arith.mulf %broadcast_in_dim3A_519, %gather3A_525 : vector<16xf32>
        %add3A_529 = arith.addf %add3A_504, %mul3A_528 : vector<16xf32>
        %gather3A_530 = tpu.vector_load_idx %arg9[%min3A_405, %broadcast_in_dim3A_516] : memref<800x32xf32, #tpu.memory_space<vmem>>[vector<16xi32>, vector<16xi32>], vector<16xf32>,
        %mul3A_531 = arith.mulf %gather3A_530, %gather3A_530 : vector<16xf32>
        %add3A_532 = arith.addf %add3A_507, %mul3A_531 : vector<16xf32>
        %mul3A_533 = arith.mulf %broadcast_in_dim3A_519, %gather3A_530 : vector<16xf32>
        %add3A_534 = arith.addf %add3A_509, %mul3A_533 : vector<16xf32>
        %gather3A_535 = tpu.vector_load_idx %arg9[%min3A_412, %broadcast_in_dim3A_516] : memref<800x32xf32, #tpu.memory_space<vmem>>[vector<16xi32>, vector<16xi32>], vector<16xf32>,
        %mul3A_536 = arith.mulf %gather3A_535, %gather3A_535 : vector<16xf32>
        %add3A_537 = arith.addf %add3A_512, %mul3A_536 : vector<16xf32>
        %mul3A_538 = arith.mulf %broadcast_in_dim3A_519, %gather3A_535 : vector<16xf32>
        %add3A_539 = arith.addf %add3A_514, %mul3A_538 : vector<16xf32>
        %broadcast_in_dim3A_540 = arith.constant 5 : i32
        %broadcast_in_dim3A_541 = vector.broadcast %broadcast_in_dim3A_540 : i32 to vector<16xi32>
        %slice3A_542 = vector.extract_strided_slice %get3A_414 {offsets = [5], sizes = [1], strides = [1]} : vector<16xf32> to vector<1xf32>
        %squeeze3A_543 = vector.extract %slice3A_542[0] : f32 from vector<1xf32>
        %broadcast_in_dim3A_544 = vector.broadcast %squeeze3A_543 : f32 to vector<16xf32>
        %gather3A_545 = tpu.vector_load_idx %arg9[%min3A_391, %broadcast_in_dim3A_541] : memref<800x32xf32, #tpu.memory_space<vmem>>[vector<16xi32>, vector<16xi32>], vector<16xf32>,
        %mul3A_546 = arith.mulf %gather3A_545, %gather3A_545 : vector<16xf32>
        %add3A_547 = arith.addf %add3A_522, %mul3A_546 : vector<16xf32>
        %mul3A_548 = arith.mulf %broadcast_in_dim3A_544, %gather3A_545 : vector<16xf32>
        %add3A_549 = arith.addf %add3A_524, %mul3A_548 : vector<16xf32>
        %gather3A_550 = tpu.vector_load_idx %arg9[%min3A_398, %broadcast_in_dim3A_541] : memref<800x32xf32, #tpu.memory_space<vmem>>[vector<16xi32>, vector<16xi32>], vector<16xf32>,
        %mul3A_551 = arith.mulf %gather3A_550, %gather3A_550 : vector<16xf32>
        %add3A_552 = arith.addf %add3A_527, %mul3A_551 : vector<16xf32>
        %mul3A_553 = arith.mulf %broadcast_in_dim3A_544, %gather3A_550 : vector<16xf32>
        %add3A_554 = arith.addf %add3A_529, %mul3A_553 : vector<16xf32>
        %gather3A_555 = tpu.vector_load_idx %arg9[%min3A_405, %broadcast_in_dim3A_541] : memref<800x32xf32, #tpu.memory_space<vmem>>[vector<16xi32>, vector<16xi32>], vector<16xf32>,
        %mul3A_556 = arith.mulf %gather3A_555, %gather3A_555 : vector<16xf32>
        %add3A_557 = arith.addf %add3A_532, %mul3A_556 : vector<16xf32>
        %mul3A_558 = arith.mulf %broadcast_in_dim3A_544, %gather3A_555 : vector<16xf32>
        %add3A_559 = arith.addf %add3A_534, %mul3A_558 : vector<16xf32>
        %gather3A_560 = tpu.vector_load_idx %arg9[%min3A_412, %broadcast_in_dim3A_541] : memref<800x32xf32, #tpu.memory_space<vmem>>[vector<16xi32>, vector<16xi32>], vector<16xf32>,
        %mul3A_561 = arith.mulf %gather3A_560, %gather3A_560 : vector<16xf32>
        %add3A_562 = arith.addf %add3A_537, %mul3A_561 : vector<16xf32>
        %mul3A_563 = arith.mulf %broadcast_in_dim3A_544, %gather3A_560 : vector<16xf32>
        %add3A_564 = arith.addf %add3A_539, %mul3A_563 : vector<16xf32>
        %broadcast_in_dim3A_565 = arith.constant 6 : i32
        %broadcast_in_dim3A_566 = vector.broadcast %broadcast_in_dim3A_565 : i32 to vector<16xi32>
        %slice3A_567 = vector.extract_strided_slice %get3A_414 {offsets = [6], sizes = [1], strides = [1]} : vector<16xf32> to vector<1xf32>
        %squeeze3A_568 = vector.extract %slice3A_567[0] : f32 from vector<1xf32>
        %broadcast_in_dim3A_569 = vector.broadcast %squeeze3A_568 : f32 to vector<16xf32>
        %gather3A_570 = tpu.vector_load_idx %arg9[%min3A_391, %broadcast_in_dim3A_566] : memref<800x32xf32, #tpu.memory_space<vmem>>[vector<16xi32>, vector<16xi32>], vector<16xf32>,
        %mul3A_571 = arith.mulf %gather3A_570, %gather3A_570 : vector<16xf32>
        %add3A_572 = arith.addf %add3A_547, %mul3A_571 : vector<16xf32>
        %mul3A_573 = arith.mulf %broadcast_in_dim3A_569, %gather3A_570 : vector<16xf32>
        %add3A_574 = arith.addf %add3A_549, %mul3A_573 : vector<16xf32>
        %gather3A_575 = tpu.vector_load_idx %arg9[%min3A_398, %broadcast_in_dim3A_566] : memref<800x32xf32, #tpu.memory_space<vmem>>[vector<16xi32>, vector<16xi32>], vector<16xf32>,
        %mul3A_576 = arith.mulf %gather3A_575, %gather3A_575 : vector<16xf32>
        %add3A_577 = arith.addf %add3A_552, %mul3A_576 : vector<16xf32>
        %mul3A_578 = arith.mulf %broadcast_in_dim3A_569, %gather3A_575 : vector<16xf32>
        %add3A_579 = arith.addf %add3A_554, %mul3A_578 : vector<16xf32>
        %gather3A_580 = tpu.vector_load_idx %arg9[%min3A_405, %broadcast_in_dim3A_566] : memref<800x32xf32, #tpu.memory_space<vmem>>[vector<16xi32>, vector<16xi32>], vector<16xf32>,
        %mul3A_581 = arith.mulf %gather3A_580, %gather3A_580 : vector<16xf32>
        %add3A_582 = arith.addf %add3A_557, %mul3A_581 : vector<16xf32>
        %mul3A_583 = arith.mulf %broadcast_in_dim3A_569, %gather3A_580 : vector<16xf32>
        %add3A_584 = arith.addf %add3A_559, %mul3A_583 : vector<16xf32>
        %gather3A_585 = tpu.vector_load_idx %arg9[%min3A_412, %broadcast_in_dim3A_566] : memref<800x32xf32, #tpu.memory_space<vmem>>[vector<16xi32>, vector<16xi32>], vector<16xf32>,
        %mul3A_586 = arith.mulf %gather3A_585, %gather3A_585 : vector<16xf32>
        %add3A_587 = arith.addf %add3A_562, %mul3A_586 : vector<16xf32>
        %mul3A_588 = arith.mulf %broadcast_in_dim3A_569, %gather3A_585 : vector<16xf32>
        %add3A_589 = arith.addf %add3A_564, %mul3A_588 : vector<16xf32>
        %broadcast_in_dim3A_590 = arith.constant 7 : i32
        %broadcast_in_dim3A_591 = vector.broadcast %broadcast_in_dim3A_590 : i32 to vector<16xi32>
        %slice3A_592 = vector.extract_strided_slice %get3A_414 {offsets = [7], sizes = [1], strides = [1]} : vector<16xf32> to vector<1xf32>
        %squeeze3A_593 = vector.extract %slice3A_592[0] : f32 from vector<1xf32>
        %broadcast_in_dim3A_594 = vector.broadcast %squeeze3A_593 : f32 to vector<16xf32>
        %gather3A_595 = tpu.vector_load_idx %arg9[%min3A_391, %broadcast_in_dim3A_591] : memref<800x32xf32, #tpu.memory_space<vmem>>[vector<16xi32>, vector<16xi32>], vector<16xf32>,
        %mul3A_596 = arith.mulf %gather3A_595, %gather3A_595 : vector<16xf32>
        %add3A_597 = arith.addf %add3A_572, %mul3A_596 : vector<16xf32>
        %mul3A_598 = arith.mulf %broadcast_in_dim3A_594, %gather3A_595 : vector<16xf32>
        %add3A_599 = arith.addf %add3A_574, %mul3A_598 : vector<16xf32>
        %gather3A_600 = tpu.vector_load_idx %arg9[%min3A_398, %broadcast_in_dim3A_591] : memref<800x32xf32, #tpu.memory_space<vmem>>[vector<16xi32>, vector<16xi32>], vector<16xf32>,
        %mul3A_601 = arith.mulf %gather3A_600, %gather3A_600 : vector<16xf32>
        %add3A_602 = arith.addf %add3A_577, %mul3A_601 : vector<16xf32>
        %mul3A_603 = arith.mulf %broadcast_in_dim3A_594, %gather3A_600 : vector<16xf32>
        %add3A_604 = arith.addf %add3A_579, %mul3A_603 : vector<16xf32>
        %gather3A_605 = tpu.vector_load_idx %arg9[%min3A_405, %broadcast_in_dim3A_591] : memref<800x32xf32, #tpu.memory_space<vmem>>[vector<16xi32>, vector<16xi32>], vector<16xf32>,
        %mul3A_606 = arith.mulf %gather3A_605, %gather3A_605 : vector<16xf32>
        %add3A_607 = arith.addf %add3A_582, %mul3A_606 : vector<16xf32>
        %mul3A_608 = arith.mulf %broadcast_in_dim3A_594, %gather3A_605 : vector<16xf32>
        %add3A_609 = arith.addf %add3A_584, %mul3A_608 : vector<16xf32>
        %gather3A_610 = tpu.vector_load_idx %arg9[%min3A_412, %broadcast_in_dim3A_591] : memref<800x32xf32, #tpu.memory_space<vmem>>[vector<16xi32>, vector<16xi32>], vector<16xf32>,
        %mul3A_611 = arith.mulf %gather3A_610, %gather3A_610 : vector<16xf32>
        %add3A_612 = arith.addf %add3A_587, %mul3A_611 : vector<16xf32>
        %mul3A_613 = arith.mulf %broadcast_in_dim3A_594, %gather3A_610 : vector<16xf32>
        %add3A_614 = arith.addf %add3A_589, %mul3A_613 : vector<16xf32>
        %broadcast_in_dim3A_615 = arith.constant 8 : i32
        %broadcast_in_dim3A_616 = vector.broadcast %broadcast_in_dim3A_615 : i32 to vector<16xi32>
        %slice3A_617 = vector.extract_strided_slice %get3A_414 {offsets = [8], sizes = [1], strides = [1]} : vector<16xf32> to vector<1xf32>
        %squeeze3A_618 = vector.extract %slice3A_617[0] : f32 from vector<1xf32>
        %broadcast_in_dim3A_619 = vector.broadcast %squeeze3A_618 : f32 to vector<16xf32>
        %gather3A_620 = tpu.vector_load_idx %arg9[%min3A_391, %broadcast_in_dim3A_616] : memref<800x32xf32, #tpu.memory_space<vmem>>[vector<16xi32>, vector<16xi32>], vector<16xf32>,
        %mul3A_621 = arith.mulf %gather3A_620, %gather3A_620 : vector<16xf32>
        %add3A_622 = arith.addf %add3A_597, %mul3A_621 : vector<16xf32>
        %mul3A_623 = arith.mulf %broadcast_in_dim3A_619, %gather3A_620 : vector<16xf32>
        %add3A_624 = arith.addf %add3A_599, %mul3A_623 : vector<16xf32>
        %gather3A_625 = tpu.vector_load_idx %arg9[%min3A_398, %broadcast_in_dim3A_616] : memref<800x32xf32, #tpu.memory_space<vmem>>[vector<16xi32>, vector<16xi32>], vector<16xf32>,
        %mul3A_626 = arith.mulf %gather3A_625, %gather3A_625 : vector<16xf32>
        %add3A_627 = arith.addf %add3A_602, %mul3A_626 : vector<16xf32>
        %mul3A_628 = arith.mulf %broadcast_in_dim3A_619, %gather3A_625 : vector<16xf32>
        %add3A_629 = arith.addf %add3A_604, %mul3A_628 : vector<16xf32>
        %gather3A_630 = tpu.vector_load_idx %arg9[%min3A_405, %broadcast_in_dim3A_616] : memref<800x32xf32, #tpu.memory_space<vmem>>[vector<16xi32>, vector<16xi32>], vector<16xf32>,
        %mul3A_631 = arith.mulf %gather3A_630, %gather3A_630 : vector<16xf32>
        %add3A_632 = arith.addf %add3A_607, %mul3A_631 : vector<16xf32>
        %mul3A_633 = arith.mulf %broadcast_in_dim3A_619, %gather3A_630 : vector<16xf32>
        %add3A_634 = arith.addf %add3A_609, %mul3A_633 : vector<16xf32>
        %gather3A_635 = tpu.vector_load_idx %arg9[%min3A_412, %broadcast_in_dim3A_616] : memref<800x32xf32, #tpu.memory_space<vmem>>[vector<16xi32>, vector<16xi32>], vector<16xf32>,
        %mul3A_636 = arith.mulf %gather3A_635, %gather3A_635 : vector<16xf32>
        %add3A_637 = arith.addf %add3A_612, %mul3A_636 : vector<16xf32>
        %mul3A_638 = arith.mulf %broadcast_in_dim3A_619, %gather3A_635 : vector<16xf32>
        %add3A_639 = arith.addf %add3A_614, %mul3A_638 : vector<16xf32>
        %broadcast_in_dim3A_640 = arith.constant 9 : i32
        %broadcast_in_dim3A_641 = vector.broadcast %broadcast_in_dim3A_640 : i32 to vector<16xi32>
        %slice3A_642 = vector.extract_strided_slice %get3A_414 {offsets = [9], sizes = [1], strides = [1]} : vector<16xf32> to vector<1xf32>
        %squeeze3A_643 = vector.extract %slice3A_642[0] : f32 from vector<1xf32>
        %broadcast_in_dim3A_644 = vector.broadcast %squeeze3A_643 : f32 to vector<16xf32>
        %gather3A_645 = tpu.vector_load_idx %arg9[%min3A_391, %broadcast_in_dim3A_641] : memref<800x32xf32, #tpu.memory_space<vmem>>[vector<16xi32>, vector<16xi32>], vector<16xf32>,
        %mul3A_646 = arith.mulf %gather3A_645, %gather3A_645 : vector<16xf32>
        %add3A_647 = arith.addf %add3A_622, %mul3A_646 : vector<16xf32>
        %mul3A_648 = arith.mulf %broadcast_in_dim3A_644, %gather3A_645 : vector<16xf32>
        %add3A_649 = arith.addf %add3A_624, %mul3A_648 : vector<16xf32>
        %gather3A_650 = tpu.vector_load_idx %arg9[%min3A_398, %broadcast_in_dim3A_641] : memref<800x32xf32, #tpu.memory_space<vmem>>[vector<16xi32>, vector<16xi32>], vector<16xf32>,
        %mul3A_651 = arith.mulf %gather3A_650, %gather3A_650 : vector<16xf32>
        %add3A_652 = arith.addf %add3A_627, %mul3A_651 : vector<16xf32>
        %mul3A_653 = arith.mulf %broadcast_in_dim3A_644, %gather3A_650 : vector<16xf32>
        %add3A_654 = arith.addf %add3A_629, %mul3A_653 : vector<16xf32>
        %gather3A_655 = tpu.vector_load_idx %arg9[%min3A_405, %broadcast_in_dim3A_641] : memref<800x32xf32, #tpu.memory_space<vmem>>[vector<16xi32>, vector<16xi32>], vector<16xf32>,
        %mul3A_656 = arith.mulf %gather3A_655, %gather3A_655 : vector<16xf32>
        %add3A_657 = arith.addf %add3A_632, %mul3A_656 : vector<16xf32>
        %mul3A_658 = arith.mulf %broadcast_in_dim3A_644, %gather3A_655 : vector<16xf32>
        %add3A_659 = arith.addf %add3A_634, %mul3A_658 : vector<16xf32>
        %gather3A_660 = tpu.vector_load_idx %arg9[%min3A_412, %broadcast_in_dim3A_641] : memref<800x32xf32, #tpu.memory_space<vmem>>[vector<16xi32>, vector<16xi32>], vector<16xf32>,
        %mul3A_661 = arith.mulf %gather3A_660, %gather3A_660 : vector<16xf32>
        %add3A_662 = arith.addf %add3A_637, %mul3A_661 : vector<16xf32>
        %mul3A_663 = arith.mulf %broadcast_in_dim3A_644, %gather3A_660 : vector<16xf32>
        %add3A_664 = arith.addf %add3A_639, %mul3A_663 : vector<16xf32>
        %broadcast_in_dim3A_665 = arith.constant 10 : i32
        %broadcast_in_dim3A_666 = vector.broadcast %broadcast_in_dim3A_665 : i32 to vector<16xi32>
        %slice3A_667 = vector.extract_strided_slice %get3A_414 {offsets = [10], sizes = [1], strides = [1]} : vector<16xf32> to vector<1xf32>
        %squeeze3A_668 = vector.extract %slice3A_667[0] : f32 from vector<1xf32>
        %broadcast_in_dim3A_669 = vector.broadcast %squeeze3A_668 : f32 to vector<16xf32>
        %gather3A_670 = tpu.vector_load_idx %arg9[%min3A_391, %broadcast_in_dim3A_666] : memref<800x32xf32, #tpu.memory_space<vmem>>[vector<16xi32>, vector<16xi32>], vector<16xf32>,
        %mul3A_671 = arith.mulf %gather3A_670, %gather3A_670 : vector<16xf32>
        %add3A_672 = arith.addf %add3A_647, %mul3A_671 : vector<16xf32>
        %mul3A_673 = arith.mulf %broadcast_in_dim3A_669, %gather3A_670 : vector<16xf32>
        %add3A_674 = arith.addf %add3A_649, %mul3A_673 : vector<16xf32>
        %gather3A_675 = tpu.vector_load_idx %arg9[%min3A_398, %broadcast_in_dim3A_666] : memref<800x32xf32, #tpu.memory_space<vmem>>[vector<16xi32>, vector<16xi32>], vector<16xf32>,
        %mul3A_676 = arith.mulf %gather3A_675, %gather3A_675 : vector<16xf32>
        %add3A_677 = arith.addf %add3A_652, %mul3A_676 : vector<16xf32>
        %mul3A_678 = arith.mulf %broadcast_in_dim3A_669, %gather3A_675 : vector<16xf32>
        %add3A_679 = arith.addf %add3A_654, %mul3A_678 : vector<16xf32>
        %gather3A_680 = tpu.vector_load_idx %arg9[%min3A_405, %broadcast_in_dim3A_666] : memref<800x32xf32, #tpu.memory_space<vmem>>[vector<16xi32>, vector<16xi32>], vector<16xf32>,
        %mul3A_681 = arith.mulf %gather3A_680, %gather3A_680 : vector<16xf32>
        %add3A_682 = arith.addf %add3A_657, %mul3A_681 : vector<16xf32>
        %mul3A_683 = arith.mulf %broadcast_in_dim3A_669, %gather3A_680 : vector<16xf32>
        %add3A_684 = arith.addf %add3A_659, %mul3A_683 : vector<16xf32>
        %gather3A_685 = tpu.vector_load_idx %arg9[%min3A_412, %broadcast_in_dim3A_666] : memref<800x32xf32, #tpu.memory_space<vmem>>[vector<16xi32>, vector<16xi32>], vector<16xf32>,
        %mul3A_686 = arith.mulf %gather3A_685, %gather3A_685 : vector<16xf32>
        %add3A_687 = arith.addf %add3A_662, %mul3A_686 : vector<16xf32>
        %mul3A_688 = arith.mulf %broadcast_in_dim3A_669, %gather3A_685 : vector<16xf32>
        %add3A_689 = arith.addf %add3A_664, %mul3A_688 : vector<16xf32>
        %broadcast_in_dim3A_690 = arith.constant 11 : i32
        %broadcast_in_dim3A_691 = vector.broadcast %broadcast_in_dim3A_690 : i32 to vector<16xi32>
        %slice3A_692 = vector.extract_strided_slice %get3A_414 {offsets = [11], sizes = [1], strides = [1]} : vector<16xf32> to vector<1xf32>
        %squeeze3A_693 = vector.extract %slice3A_692[0] : f32 from vector<1xf32>
        %broadcast_in_dim3A_694 = vector.broadcast %squeeze3A_693 : f32 to vector<16xf32>
        %gather3A_695 = tpu.vector_load_idx %arg9[%min3A_391, %broadcast_in_dim3A_691] : memref<800x32xf32, #tpu.memory_space<vmem>>[vector<16xi32>, vector<16xi32>], vector<16xf32>,
        %mul3A_696 = arith.mulf %gather3A_695, %gather3A_695 : vector<16xf32>
        %add3A_697 = arith.addf %add3A_672, %mul3A_696 : vector<16xf32>
        %mul3A_698 = arith.mulf %broadcast_in_dim3A_694, %gather3A_695 : vector<16xf32>
        %add3A_699 = arith.addf %add3A_674, %mul3A_698 : vector<16xf32>
        %gather3A_700 = tpu.vector_load_idx %arg9[%min3A_398, %broadcast_in_dim3A_691] : memref<800x32xf32, #tpu.memory_space<vmem>>[vector<16xi32>, vector<16xi32>], vector<16xf32>,
        %mul3A_701 = arith.mulf %gather3A_700, %gather3A_700 : vector<16xf32>
        %add3A_702 = arith.addf %add3A_677, %mul3A_701 : vector<16xf32>
        %mul3A_703 = arith.mulf %broadcast_in_dim3A_694, %gather3A_700 : vector<16xf32>
        %add3A_704 = arith.addf %add3A_679, %mul3A_703 : vector<16xf32>
        %gather3A_705 = tpu.vector_load_idx %arg9[%min3A_405, %broadcast_in_dim3A_691] : memref<800x32xf32, #tpu.memory_space<vmem>>[vector<16xi32>, vector<16xi32>], vector<16xf32>,
        %mul3A_706 = arith.mulf %gather3A_705, %gather3A_705 : vector<16xf32>
        %add3A_707 = arith.addf %add3A_682, %mul3A_706 : vector<16xf32>
        %mul3A_708 = arith.mulf %broadcast_in_dim3A_694, %gather3A_705 : vector<16xf32>
        %add3A_709 = arith.addf %add3A_684, %mul3A_708 : vector<16xf32>
        %gather3A_710 = tpu.vector_load_idx %arg9[%min3A_412, %broadcast_in_dim3A_691] : memref<800x32xf32, #tpu.memory_space<vmem>>[vector<16xi32>, vector<16xi32>], vector<16xf32>,
        %mul3A_711 = arith.mulf %gather3A_710, %gather3A_710 : vector<16xf32>
        %add3A_712 = arith.addf %add3A_687, %mul3A_711 : vector<16xf32>
        %mul3A_713 = arith.mulf %broadcast_in_dim3A_694, %gather3A_710 : vector<16xf32>
        %add3A_714 = arith.addf %add3A_689, %mul3A_713 : vector<16xf32>
        %broadcast_in_dim3A_715 = arith.constant 12 : i32
        %broadcast_in_dim3A_716 = vector.broadcast %broadcast_in_dim3A_715 : i32 to vector<16xi32>
        %slice3A_717 = vector.extract_strided_slice %get3A_414 {offsets = [12], sizes = [1], strides = [1]} : vector<16xf32> to vector<1xf32>
        %squeeze3A_718 = vector.extract %slice3A_717[0] : f32 from vector<1xf32>
        %broadcast_in_dim3A_719 = vector.broadcast %squeeze3A_718 : f32 to vector<16xf32>
        %gather3A_720 = tpu.vector_load_idx %arg9[%min3A_391, %broadcast_in_dim3A_716] : memref<800x32xf32, #tpu.memory_space<vmem>>[vector<16xi32>, vector<16xi32>], vector<16xf32>,
        %mul3A_721 = arith.mulf %gather3A_720, %gather3A_720 : vector<16xf32>
        %add3A_722 = arith.addf %add3A_697, %mul3A_721 : vector<16xf32>
        %mul3A_723 = arith.mulf %broadcast_in_dim3A_719, %gather3A_720 : vector<16xf32>
        %add3A_724 = arith.addf %add3A_699, %mul3A_723 : vector<16xf32>
        %gather3A_725 = tpu.vector_load_idx %arg9[%min3A_398, %broadcast_in_dim3A_716] : memref<800x32xf32, #tpu.memory_space<vmem>>[vector<16xi32>, vector<16xi32>], vector<16xf32>,
        %mul3A_726 = arith.mulf %gather3A_725, %gather3A_725 : vector<16xf32>
        %add3A_727 = arith.addf %add3A_702, %mul3A_726 : vector<16xf32>
        %mul3A_728 = arith.mulf %broadcast_in_dim3A_719, %gather3A_725 : vector<16xf32>
        %add3A_729 = arith.addf %add3A_704, %mul3A_728 : vector<16xf32>
        %gather3A_730 = tpu.vector_load_idx %arg9[%min3A_405, %broadcast_in_dim3A_716] : memref<800x32xf32, #tpu.memory_space<vmem>>[vector<16xi32>, vector<16xi32>], vector<16xf32>,
        %mul3A_731 = arith.mulf %gather3A_730, %gather3A_730 : vector<16xf32>
        %add3A_732 = arith.addf %add3A_707, %mul3A_731 : vector<16xf32>
        %mul3A_733 = arith.mulf %broadcast_in_dim3A_719, %gather3A_730 : vector<16xf32>
        %add3A_734 = arith.addf %add3A_709, %mul3A_733 : vector<16xf32>
        %gather3A_735 = tpu.vector_load_idx %arg9[%min3A_412, %broadcast_in_dim3A_716] : memref<800x32xf32, #tpu.memory_space<vmem>>[vector<16xi32>, vector<16xi32>], vector<16xf32>,
        %mul3A_736 = arith.mulf %gather3A_735, %gather3A_735 : vector<16xf32>
        %add3A_737 = arith.addf %add3A_712, %mul3A_736 : vector<16xf32>
        %mul3A_738 = arith.mulf %broadcast_in_dim3A_719, %gather3A_735 : vector<16xf32>
        %add3A_739 = arith.addf %add3A_714, %mul3A_738 : vector<16xf32>
        %broadcast_in_dim3A_740 = arith.constant 13 : i32
        %broadcast_in_dim3A_741 = vector.broadcast %broadcast_in_dim3A_740 : i32 to vector<16xi32>
        %slice3A_742 = vector.extract_strided_slice %get3A_414 {offsets = [13], sizes = [1], strides = [1]} : vector<16xf32> to vector<1xf32>
        %squeeze3A_743 = vector.extract %slice3A_742[0] : f32 from vector<1xf32>
        %broadcast_in_dim3A_744 = vector.broadcast %squeeze3A_743 : f32 to vector<16xf32>
        %gather3A_745 = tpu.vector_load_idx %arg9[%min3A_391, %broadcast_in_dim3A_741] : memref<800x32xf32, #tpu.memory_space<vmem>>[vector<16xi32>, vector<16xi32>], vector<16xf32>,
        %mul3A_746 = arith.mulf %gather3A_745, %gather3A_745 : vector<16xf32>
        %add3A_747 = arith.addf %add3A_722, %mul3A_746 : vector<16xf32>
        %mul3A_748 = arith.mulf %broadcast_in_dim3A_744, %gather3A_745 : vector<16xf32>
        %add3A_749 = arith.addf %add3A_724, %mul3A_748 : vector<16xf32>
        %gather3A_750 = tpu.vector_load_idx %arg9[%min3A_398, %broadcast_in_dim3A_741] : memref<800x32xf32, #tpu.memory_space<vmem>>[vector<16xi32>, vector<16xi32>], vector<16xf32>,
        %mul3A_751 = arith.mulf %gather3A_750, %gather3A_750 : vector<16xf32>
        %add3A_752 = arith.addf %add3A_727, %mul3A_751 : vector<16xf32>
        %mul3A_753 = arith.mulf %broadcast_in_dim3A_744, %gather3A_750 : vector<16xf32>
        %add3A_754 = arith.addf %add3A_729, %mul3A_753 : vector<16xf32>
        %gather3A_755 = tpu.vector_load_idx %arg9[%min3A_405, %broadcast_in_dim3A_741] : memref<800x32xf32, #tpu.memory_space<vmem>>[vector<16xi32>, vector<16xi32>], vector<16xf32>,
        %mul3A_756 = arith.mulf %gather3A_755, %gather3A_755 : vector<16xf32>
        %add3A_757 = arith.addf %add3A_732, %mul3A_756 : vector<16xf32>
        %mul3A_758 = arith.mulf %broadcast_in_dim3A_744, %gather3A_755 : vector<16xf32>
        %add3A_759 = arith.addf %add3A_734, %mul3A_758 : vector<16xf32>
        %gather3A_760 = tpu.vector_load_idx %arg9[%min3A_412, %broadcast_in_dim3A_741] : memref<800x32xf32, #tpu.memory_space<vmem>>[vector<16xi32>, vector<16xi32>], vector<16xf32>,
        %mul3A_761 = arith.mulf %gather3A_760, %gather3A_760 : vector<16xf32>
        %add3A_762 = arith.addf %add3A_737, %mul3A_761 : vector<16xf32>
        %mul3A_763 = arith.mulf %broadcast_in_dim3A_744, %gather3A_760 : vector<16xf32>
        %add3A_764 = arith.addf %add3A_739, %mul3A_763 : vector<16xf32>
        %broadcast_in_dim3A_765 = arith.constant 14 : i32
        %broadcast_in_dim3A_766 = vector.broadcast %broadcast_in_dim3A_765 : i32 to vector<16xi32>
        %slice3A_767 = vector.extract_strided_slice %get3A_414 {offsets = [14], sizes = [1], strides = [1]} : vector<16xf32> to vector<1xf32>
        %squeeze3A_768 = vector.extract %slice3A_767[0] : f32 from vector<1xf32>
        %broadcast_in_dim3A_769 = vector.broadcast %squeeze3A_768 : f32 to vector<16xf32>
        %gather3A_770 = tpu.vector_load_idx %arg9[%min3A_391, %broadcast_in_dim3A_766] : memref<800x32xf32, #tpu.memory_space<vmem>>[vector<16xi32>, vector<16xi32>], vector<16xf32>,
        %mul3A_771 = arith.mulf %gather3A_770, %gather3A_770 : vector<16xf32>
        %add3A_772 = arith.addf %add3A_747, %mul3A_771 : vector<16xf32>
        %mul3A_773 = arith.mulf %broadcast_in_dim3A_769, %gather3A_770 : vector<16xf32>
        %add3A_774 = arith.addf %add3A_749, %mul3A_773 : vector<16xf32>
        %gather3A_775 = tpu.vector_load_idx %arg9[%min3A_398, %broadcast_in_dim3A_766] : memref<800x32xf32, #tpu.memory_space<vmem>>[vector<16xi32>, vector<16xi32>], vector<16xf32>,
        %mul3A_776 = arith.mulf %gather3A_775, %gather3A_775 : vector<16xf32>
        %add3A_777 = arith.addf %add3A_752, %mul3A_776 : vector<16xf32>
        %mul3A_778 = arith.mulf %broadcast_in_dim3A_769, %gather3A_775 : vector<16xf32>
        %add3A_779 = arith.addf %add3A_754, %mul3A_778 : vector<16xf32>
        %gather3A_780 = tpu.vector_load_idx %arg9[%min3A_405, %broadcast_in_dim3A_766] : memref<800x32xf32, #tpu.memory_space<vmem>>[vector<16xi32>, vector<16xi32>], vector<16xf32>,
        %mul3A_781 = arith.mulf %gather3A_780, %gather3A_780 : vector<16xf32>
        %add3A_782 = arith.addf %add3A_757, %mul3A_781 : vector<16xf32>
        %mul3A_783 = arith.mulf %broadcast_in_dim3A_769, %gather3A_780 : vector<16xf32>
        %add3A_784 = arith.addf %add3A_759, %mul3A_783 : vector<16xf32>
        %gather3A_785 = tpu.vector_load_idx %arg9[%min3A_412, %broadcast_in_dim3A_766] : memref<800x32xf32, #tpu.memory_space<vmem>>[vector<16xi32>, vector<16xi32>], vector<16xf32>,
        %mul3A_786 = arith.mulf %gather3A_785, %gather3A_785 : vector<16xf32>
        %add3A_787 = arith.addf %add3A_762, %mul3A_786 : vector<16xf32>
        %mul3A_788 = arith.mulf %broadcast_in_dim3A_769, %gather3A_785 : vector<16xf32>
        %add3A_789 = arith.addf %add3A_764, %mul3A_788 : vector<16xf32>
        %broadcast_in_dim3A_790 = arith.constant 15 : i32
        %broadcast_in_dim3A_791 = vector.broadcast %broadcast_in_dim3A_790 : i32 to vector<16xi32>
        %slice3A_792 = vector.extract_strided_slice %get3A_414 {offsets = [15], sizes = [1], strides = [1]} : vector<16xf32> to vector<1xf32>
        %squeeze3A_793 = vector.extract %slice3A_792[0] : f32 from vector<1xf32>
        %broadcast_in_dim3A_794 = vector.broadcast %squeeze3A_793 : f32 to vector<16xf32>
        %gather3A_795 = tpu.vector_load_idx %arg9[%min3A_391, %broadcast_in_dim3A_791] : memref<800x32xf32, #tpu.memory_space<vmem>>[vector<16xi32>, vector<16xi32>], vector<16xf32>,
        %mul3A_796 = arith.mulf %gather3A_795, %gather3A_795 : vector<16xf32>
        %add3A_797 = arith.addf %add3A_772, %mul3A_796 : vector<16xf32>
        %mul3A_798 = arith.mulf %broadcast_in_dim3A_794, %gather3A_795 : vector<16xf32>
        %add3A_799 = arith.addf %add3A_774, %mul3A_798 : vector<16xf32>
        %gather3A_800 = tpu.vector_load_idx %arg9[%min3A_398, %broadcast_in_dim3A_791] : memref<800x32xf32, #tpu.memory_space<vmem>>[vector<16xi32>, vector<16xi32>], vector<16xf32>,
        %mul3A_801 = arith.mulf %gather3A_800, %gather3A_800 : vector<16xf32>
        %add3A_802 = arith.addf %add3A_777, %mul3A_801 : vector<16xf32>
        %mul3A_803 = arith.mulf %broadcast_in_dim3A_794, %gather3A_800 : vector<16xf32>
        %add3A_804 = arith.addf %add3A_779, %mul3A_803 : vector<16xf32>
        %gather3A_805 = tpu.vector_load_idx %arg9[%min3A_405, %broadcast_in_dim3A_791] : memref<800x32xf32, #tpu.memory_space<vmem>>[vector<16xi32>, vector<16xi32>], vector<16xf32>,
        %mul3A_806 = arith.mulf %gather3A_805, %gather3A_805 : vector<16xf32>
        %add3A_807 = arith.addf %add3A_782, %mul3A_806 : vector<16xf32>
        %mul3A_808 = arith.mulf %broadcast_in_dim3A_794, %gather3A_805 : vector<16xf32>
        %add3A_809 = arith.addf %add3A_784, %mul3A_808 : vector<16xf32>
        %gather3A_810 = tpu.vector_load_idx %arg9[%min3A_412, %broadcast_in_dim3A_791] : memref<800x32xf32, #tpu.memory_space<vmem>>[vector<16xi32>, vector<16xi32>], vector<16xf32>,
        %mul3A_811 = arith.mulf %gather3A_810, %gather3A_810 : vector<16xf32>
        %add3A_812 = arith.addf %add3A_787, %mul3A_811 : vector<16xf32>
        %mul3A_813 = arith.mulf %broadcast_in_dim3A_794, %gather3A_810 : vector<16xf32>
        %add3A_814 = arith.addf %add3A_789, %mul3A_813 : vector<16xf32>
        %broadcast_in_dim3A_815 = arith.constant 16 : i32
        %broadcast_in_dim3A_816 = vector.broadcast %broadcast_in_dim3A_815 : i32 to vector<16xi32>
        %slice3A_817 = vector.extract_strided_slice %get3A_417 {offsets = [0], sizes = [1], strides = [1]} : vector<16xf32> to vector<1xf32>
        %squeeze3A_818 = vector.extract %slice3A_817[0] : f32 from vector<1xf32>
        %broadcast_in_dim3A_819 = vector.broadcast %squeeze3A_818 : f32 to vector<16xf32>
        %gather3A_820 = tpu.vector_load_idx %arg9[%min3A_391, %broadcast_in_dim3A_816] : memref<800x32xf32, #tpu.memory_space<vmem>>[vector<16xi32>, vector<16xi32>], vector<16xf32>,
        %mul3A_821 = arith.mulf %gather3A_820, %gather3A_820 : vector<16xf32>
        %add3A_822 = arith.addf %add3A_797, %mul3A_821 : vector<16xf32>
        %mul3A_823 = arith.mulf %broadcast_in_dim3A_819, %gather3A_820 : vector<16xf32>
        %add3A_824 = arith.addf %add3A_799, %mul3A_823 : vector<16xf32>
        %gather3A_825 = tpu.vector_load_idx %arg9[%min3A_398, %broadcast_in_dim3A_816] : memref<800x32xf32, #tpu.memory_space<vmem>>[vector<16xi32>, vector<16xi32>], vector<16xf32>,
        %mul3A_826 = arith.mulf %gather3A_825, %gather3A_825 : vector<16xf32>
        %add3A_827 = arith.addf %add3A_802, %mul3A_826 : vector<16xf32>
        %mul3A_828 = arith.mulf %broadcast_in_dim3A_819, %gather3A_825 : vector<16xf32>
        %add3A_829 = arith.addf %add3A_804, %mul3A_828 : vector<16xf32>
        %gather3A_830 = tpu.vector_load_idx %arg9[%min3A_405, %broadcast_in_dim3A_816] : memref<800x32xf32, #tpu.memory_space<vmem>>[vector<16xi32>, vector<16xi32>], vector<16xf32>,
        %mul3A_831 = arith.mulf %gather3A_830, %gather3A_830 : vector<16xf32>
        %add3A_832 = arith.addf %add3A_807, %mul3A_831 : vector<16xf32>
        %mul3A_833 = arith.mulf %broadcast_in_dim3A_819, %gather3A_830 : vector<16xf32>
        %add3A_834 = arith.addf %add3A_809, %mul3A_833 : vector<16xf32>
        %gather3A_835 = tpu.vector_load_idx %arg9[%min3A_412, %broadcast_in_dim3A_816] : memref<800x32xf32, #tpu.memory_space<vmem>>[vector<16xi32>, vector<16xi32>], vector<16xf32>,
        %mul3A_836 = arith.mulf %gather3A_835, %gather3A_835 : vector<16xf32>
        %add3A_837 = arith.addf %add3A_812, %mul3A_836 : vector<16xf32>
        %mul3A_838 = arith.mulf %broadcast_in_dim3A_819, %gather3A_835 : vector<16xf32>
        %add3A_839 = arith.addf %add3A_814, %mul3A_838 : vector<16xf32>
        %broadcast_in_dim3A_840 = arith.constant 17 : i32
        %broadcast_in_dim3A_841 = vector.broadcast %broadcast_in_dim3A_840 : i32 to vector<16xi32>
        %slice3A_842 = vector.extract_strided_slice %get3A_417 {offsets = [1], sizes = [1], strides = [1]} : vector<16xf32> to vector<1xf32>
        %squeeze3A_843 = vector.extract %slice3A_842[0] : f32 from vector<1xf32>
        %broadcast_in_dim3A_844 = vector.broadcast %squeeze3A_843 : f32 to vector<16xf32>
        %gather3A_845 = tpu.vector_load_idx %arg9[%min3A_391, %broadcast_in_dim3A_841] : memref<800x32xf32, #tpu.memory_space<vmem>>[vector<16xi32>, vector<16xi32>], vector<16xf32>,
        %mul3A_846 = arith.mulf %gather3A_845, %gather3A_845 : vector<16xf32>
        %add3A_847 = arith.addf %add3A_822, %mul3A_846 : vector<16xf32>
        %mul3A_848 = arith.mulf %broadcast_in_dim3A_844, %gather3A_845 : vector<16xf32>
        %add3A_849 = arith.addf %add3A_824, %mul3A_848 : vector<16xf32>
        %gather3A_850 = tpu.vector_load_idx %arg9[%min3A_398, %broadcast_in_dim3A_841] : memref<800x32xf32, #tpu.memory_space<vmem>>[vector<16xi32>, vector<16xi32>], vector<16xf32>,
        %mul3A_851 = arith.mulf %gather3A_850, %gather3A_850 : vector<16xf32>
        %add3A_852 = arith.addf %add3A_827, %mul3A_851 : vector<16xf32>
        %mul3A_853 = arith.mulf %broadcast_in_dim3A_844, %gather3A_850 : vector<16xf32>
        %add3A_854 = arith.addf %add3A_829, %mul3A_853 : vector<16xf32>
        %gather3A_855 = tpu.vector_load_idx %arg9[%min3A_405, %broadcast_in_dim3A_841] : memref<800x32xf32, #tpu.memory_space<vmem>>[vector<16xi32>, vector<16xi32>], vector<16xf32>,
        %mul3A_856 = arith.mulf %gather3A_855, %gather3A_855 : vector<16xf32>
        %add3A_857 = arith.addf %add3A_832, %mul3A_856 : vector<16xf32>
        %mul3A_858 = arith.mulf %broadcast_in_dim3A_844, %gather3A_855 : vector<16xf32>
        %add3A_859 = arith.addf %add3A_834, %mul3A_858 : vector<16xf32>
        %gather3A_860 = tpu.vector_load_idx %arg9[%min3A_412, %broadcast_in_dim3A_841] : memref<800x32xf32, #tpu.memory_space<vmem>>[vector<16xi32>, vector<16xi32>], vector<16xf32>,
        %mul3A_861 = arith.mulf %gather3A_860, %gather3A_860 : vector<16xf32>
        %add3A_862 = arith.addf %add3A_837, %mul3A_861 : vector<16xf32>
        %mul3A_863 = arith.mulf %broadcast_in_dim3A_844, %gather3A_860 : vector<16xf32>
        %add3A_864 = arith.addf %add3A_839, %mul3A_863 : vector<16xf32>
        %broadcast_in_dim3A_865 = arith.constant 18 : i32
        %broadcast_in_dim3A_866 = vector.broadcast %broadcast_in_dim3A_865 : i32 to vector<16xi32>
        %slice3A_867 = vector.extract_strided_slice %get3A_417 {offsets = [2], sizes = [1], strides = [1]} : vector<16xf32> to vector<1xf32>
        %squeeze3A_868 = vector.extract %slice3A_867[0] : f32 from vector<1xf32>
        %broadcast_in_dim3A_869 = vector.broadcast %squeeze3A_868 : f32 to vector<16xf32>
        %gather3A_870 = tpu.vector_load_idx %arg9[%min3A_391, %broadcast_in_dim3A_866] : memref<800x32xf32, #tpu.memory_space<vmem>>[vector<16xi32>, vector<16xi32>], vector<16xf32>,
        %mul3A_871 = arith.mulf %gather3A_870, %gather3A_870 : vector<16xf32>
        %add3A_872 = arith.addf %add3A_847, %mul3A_871 : vector<16xf32>
        %mul3A_873 = arith.mulf %broadcast_in_dim3A_869, %gather3A_870 : vector<16xf32>
        %add3A_874 = arith.addf %add3A_849, %mul3A_873 : vector<16xf32>
        %gather3A_875 = tpu.vector_load_idx %arg9[%min3A_398, %broadcast_in_dim3A_866] : memref<800x32xf32, #tpu.memory_space<vmem>>[vector<16xi32>, vector<16xi32>], vector<16xf32>,
        %mul3A_876 = arith.mulf %gather3A_875, %gather3A_875 : vector<16xf32>
        %add3A_877 = arith.addf %add3A_852, %mul3A_876 : vector<16xf32>
        %mul3A_878 = arith.mulf %broadcast_in_dim3A_869, %gather3A_875 : vector<16xf32>
        %add3A_879 = arith.addf %add3A_854, %mul3A_878 : vector<16xf32>
        %gather3A_880 = tpu.vector_load_idx %arg9[%min3A_405, %broadcast_in_dim3A_866] : memref<800x32xf32, #tpu.memory_space<vmem>>[vector<16xi32>, vector<16xi32>], vector<16xf32>,
        %mul3A_881 = arith.mulf %gather3A_880, %gather3A_880 : vector<16xf32>
        %add3A_882 = arith.addf %add3A_857, %mul3A_881 : vector<16xf32>
        %mul3A_883 = arith.mulf %broadcast_in_dim3A_869, %gather3A_880 : vector<16xf32>
        %add3A_884 = arith.addf %add3A_859, %mul3A_883 : vector<16xf32>
        %gather3A_885 = tpu.vector_load_idx %arg9[%min3A_412, %broadcast_in_dim3A_866] : memref<800x32xf32, #tpu.memory_space<vmem>>[vector<16xi32>, vector<16xi32>], vector<16xf32>,
        %mul3A_886 = arith.mulf %gather3A_885, %gather3A_885 : vector<16xf32>
        %add3A_887 = arith.addf %add3A_862, %mul3A_886 : vector<16xf32>
        %mul3A_888 = arith.mulf %broadcast_in_dim3A_869, %gather3A_885 : vector<16xf32>
        %add3A_889 = arith.addf %add3A_864, %mul3A_888 : vector<16xf32>
        %broadcast_in_dim3A_890 = arith.constant 19 : i32
        %broadcast_in_dim3A_891 = vector.broadcast %broadcast_in_dim3A_890 : i32 to vector<16xi32>
        %slice3A_892 = vector.extract_strided_slice %get3A_417 {offsets = [3], sizes = [1], strides = [1]} : vector<16xf32> to vector<1xf32>
        %squeeze3A_893 = vector.extract %slice3A_892[0] : f32 from vector<1xf32>
        %broadcast_in_dim3A_894 = vector.broadcast %squeeze3A_893 : f32 to vector<16xf32>
        %gather3A_895 = tpu.vector_load_idx %arg9[%min3A_391, %broadcast_in_dim3A_891] : memref<800x32xf32, #tpu.memory_space<vmem>>[vector<16xi32>, vector<16xi32>], vector<16xf32>,
        %mul3A_896 = arith.mulf %gather3A_895, %gather3A_895 : vector<16xf32>
        %add3A_897 = arith.addf %add3A_872, %mul3A_896 : vector<16xf32>
        %mul3A_898 = arith.mulf %broadcast_in_dim3A_894, %gather3A_895 : vector<16xf32>
        %add3A_899 = arith.addf %add3A_874, %mul3A_898 : vector<16xf32>
        %gather3A_900 = tpu.vector_load_idx %arg9[%min3A_398, %broadcast_in_dim3A_891] : memref<800x32xf32, #tpu.memory_space<vmem>>[vector<16xi32>, vector<16xi32>], vector<16xf32>,
        %mul3A_901 = arith.mulf %gather3A_900, %gather3A_900 : vector<16xf32>
        %add3A_902 = arith.addf %add3A_877, %mul3A_901 : vector<16xf32>
        %mul3A_903 = arith.mulf %broadcast_in_dim3A_894, %gather3A_900 : vector<16xf32>
        %add3A_904 = arith.addf %add3A_879, %mul3A_903 : vector<16xf32>
        %gather3A_905 = tpu.vector_load_idx %arg9[%min3A_405, %broadcast_in_dim3A_891] : memref<800x32xf32, #tpu.memory_space<vmem>>[vector<16xi32>, vector<16xi32>], vector<16xf32>,
        %mul3A_906 = arith.mulf %gather3A_905, %gather3A_905 : vector<16xf32>
        %add3A_907 = arith.addf %add3A_882, %mul3A_906 : vector<16xf32>
        %mul3A_908 = arith.mulf %broadcast_in_dim3A_894, %gather3A_905 : vector<16xf32>
        %add3A_909 = arith.addf %add3A_884, %mul3A_908 : vector<16xf32>
        %gather3A_910 = tpu.vector_load_idx %arg9[%min3A_412, %broadcast_in_dim3A_891] : memref<800x32xf32, #tpu.memory_space<vmem>>[vector<16xi32>, vector<16xi32>], vector<16xf32>,
        %mul3A_911 = arith.mulf %gather3A_910, %gather3A_910 : vector<16xf32>
        %add3A_912 = arith.addf %add3A_887, %mul3A_911 : vector<16xf32>
        %mul3A_913 = arith.mulf %broadcast_in_dim3A_894, %gather3A_910 : vector<16xf32>
        %add3A_914 = arith.addf %add3A_889, %mul3A_913 : vector<16xf32>
        %broadcast_in_dim3A_915 = arith.constant 20 : i32
        %broadcast_in_dim3A_916 = vector.broadcast %broadcast_in_dim3A_915 : i32 to vector<16xi32>
        %slice3A_917 = vector.extract_strided_slice %get3A_417 {offsets = [4], sizes = [1], strides = [1]} : vector<16xf32> to vector<1xf32>
        %squeeze3A_918 = vector.extract %slice3A_917[0] : f32 from vector<1xf32>
        %broadcast_in_dim3A_919 = vector.broadcast %squeeze3A_918 : f32 to vector<16xf32>
        %gather3A_920 = tpu.vector_load_idx %arg9[%min3A_391, %broadcast_in_dim3A_916] : memref<800x32xf32, #tpu.memory_space<vmem>>[vector<16xi32>, vector<16xi32>], vector<16xf32>,
        %mul3A_921 = arith.mulf %gather3A_920, %gather3A_920 : vector<16xf32>
        %add3A_922 = arith.addf %add3A_897, %mul3A_921 : vector<16xf32>
        %mul3A_923 = arith.mulf %broadcast_in_dim3A_919, %gather3A_920 : vector<16xf32>
        %add3A_924 = arith.addf %add3A_899, %mul3A_923 : vector<16xf32>
        %gather3A_925 = tpu.vector_load_idx %arg9[%min3A_398, %broadcast_in_dim3A_916] : memref<800x32xf32, #tpu.memory_space<vmem>>[vector<16xi32>, vector<16xi32>], vector<16xf32>,
        %mul3A_926 = arith.mulf %gather3A_925, %gather3A_925 : vector<16xf32>
        %add3A_927 = arith.addf %add3A_902, %mul3A_926 : vector<16xf32>
        %mul3A_928 = arith.mulf %broadcast_in_dim3A_919, %gather3A_925 : vector<16xf32>
        %add3A_929 = arith.addf %add3A_904, %mul3A_928 : vector<16xf32>
        %gather3A_930 = tpu.vector_load_idx %arg9[%min3A_405, %broadcast_in_dim3A_916] : memref<800x32xf32, #tpu.memory_space<vmem>>[vector<16xi32>, vector<16xi32>], vector<16xf32>,
        %mul3A_931 = arith.mulf %gather3A_930, %gather3A_930 : vector<16xf32>
        %add3A_932 = arith.addf %add3A_907, %mul3A_931 : vector<16xf32>
        %mul3A_933 = arith.mulf %broadcast_in_dim3A_919, %gather3A_930 : vector<16xf32>
        %add3A_934 = arith.addf %add3A_909, %mul3A_933 : vector<16xf32>
        %gather3A_935 = tpu.vector_load_idx %arg9[%min3A_412, %broadcast_in_dim3A_916] : memref<800x32xf32, #tpu.memory_space<vmem>>[vector<16xi32>, vector<16xi32>], vector<16xf32>,
        %mul3A_936 = arith.mulf %gather3A_935, %gather3A_935 : vector<16xf32>
        %add3A_937 = arith.addf %add3A_912, %mul3A_936 : vector<16xf32>
        %mul3A_938 = arith.mulf %broadcast_in_dim3A_919, %gather3A_935 : vector<16xf32>
        %add3A_939 = arith.addf %add3A_914, %mul3A_938 : vector<16xf32>
        %broadcast_in_dim3A_940 = arith.constant 21 : i32
        %broadcast_in_dim3A_941 = vector.broadcast %broadcast_in_dim3A_940 : i32 to vector<16xi32>
        %slice3A_942 = vector.extract_strided_slice %get3A_417 {offsets = [5], sizes = [1], strides = [1]} : vector<16xf32> to vector<1xf32>
        %squeeze3A_943 = vector.extract %slice3A_942[0] : f32 from vector<1xf32>
        %broadcast_in_dim3A_944 = vector.broadcast %squeeze3A_943 : f32 to vector<16xf32>
        %gather3A_945 = tpu.vector_load_idx %arg9[%min3A_391, %broadcast_in_dim3A_941] : memref<800x32xf32, #tpu.memory_space<vmem>>[vector<16xi32>, vector<16xi32>], vector<16xf32>,
        %mul3A_946 = arith.mulf %gather3A_945, %gather3A_945 : vector<16xf32>
        %add3A_947 = arith.addf %add3A_922, %mul3A_946 : vector<16xf32>
        %mul3A_948 = arith.mulf %broadcast_in_dim3A_944, %gather3A_945 : vector<16xf32>
        %add3A_949 = arith.addf %add3A_924, %mul3A_948 : vector<16xf32>
        %gather3A_950 = tpu.vector_load_idx %arg9[%min3A_398, %broadcast_in_dim3A_941] : memref<800x32xf32, #tpu.memory_space<vmem>>[vector<16xi32>, vector<16xi32>], vector<16xf32>,
        %mul3A_951 = arith.mulf %gather3A_950, %gather3A_950 : vector<16xf32>
        %add3A_952 = arith.addf %add3A_927, %mul3A_951 : vector<16xf32>
        %mul3A_953 = arith.mulf %broadcast_in_dim3A_944, %gather3A_950 : vector<16xf32>
        %add3A_954 = arith.addf %add3A_929, %mul3A_953 : vector<16xf32>
        %gather3A_955 = tpu.vector_load_idx %arg9[%min3A_405, %broadcast_in_dim3A_941] : memref<800x32xf32, #tpu.memory_space<vmem>>[vector<16xi32>, vector<16xi32>], vector<16xf32>,
        %mul3A_956 = arith.mulf %gather3A_955, %gather3A_955 : vector<16xf32>
        %add3A_957 = arith.addf %add3A_932, %mul3A_956 : vector<16xf32>
        %mul3A_958 = arith.mulf %broadcast_in_dim3A_944, %gather3A_955 : vector<16xf32>
        %add3A_959 = arith.addf %add3A_934, %mul3A_958 : vector<16xf32>
        %gather3A_960 = tpu.vector_load_idx %arg9[%min3A_412, %broadcast_in_dim3A_941] : memref<800x32xf32, #tpu.memory_space<vmem>>[vector<16xi32>, vector<16xi32>], vector<16xf32>,
        %mul3A_961 = arith.mulf %gather3A_960, %gather3A_960 : vector<16xf32>
        %add3A_962 = arith.addf %add3A_937, %mul3A_961 : vector<16xf32>
        %mul3A_963 = arith.mulf %broadcast_in_dim3A_944, %gather3A_960 : vector<16xf32>
        %add3A_964 = arith.addf %add3A_939, %mul3A_963 : vector<16xf32>
        %broadcast_in_dim3A_965 = arith.constant 22 : i32
        %broadcast_in_dim3A_966 = vector.broadcast %broadcast_in_dim3A_965 : i32 to vector<16xi32>
        %slice3A_967 = vector.extract_strided_slice %get3A_417 {offsets = [6], sizes = [1], strides = [1]} : vector<16xf32> to vector<1xf32>
        %squeeze3A_968 = vector.extract %slice3A_967[0] : f32 from vector<1xf32>
        %broadcast_in_dim3A_969 = vector.broadcast %squeeze3A_968 : f32 to vector<16xf32>
        %gather3A_970 = tpu.vector_load_idx %arg9[%min3A_391, %broadcast_in_dim3A_966] : memref<800x32xf32, #tpu.memory_space<vmem>>[vector<16xi32>, vector<16xi32>], vector<16xf32>,
        %mul3A_971 = arith.mulf %gather3A_970, %gather3A_970 : vector<16xf32>
        %add3A_972 = arith.addf %add3A_947, %mul3A_971 : vector<16xf32>
        %mul3A_973 = arith.mulf %broadcast_in_dim3A_969, %gather3A_970 : vector<16xf32>
        %add3A_974 = arith.addf %add3A_949, %mul3A_973 : vector<16xf32>
        %gather3A_975 = tpu.vector_load_idx %arg9[%min3A_398, %broadcast_in_dim3A_966] : memref<800x32xf32, #tpu.memory_space<vmem>>[vector<16xi32>, vector<16xi32>], vector<16xf32>,
        %mul3A_976 = arith.mulf %gather3A_975, %gather3A_975 : vector<16xf32>
        %add3A_977 = arith.addf %add3A_952, %mul3A_976 : vector<16xf32>
        %mul3A_978 = arith.mulf %broadcast_in_dim3A_969, %gather3A_975 : vector<16xf32>
        %add3A_979 = arith.addf %add3A_954, %mul3A_978 : vector<16xf32>
        %gather3A_980 = tpu.vector_load_idx %arg9[%min3A_405, %broadcast_in_dim3A_966] : memref<800x32xf32, #tpu.memory_space<vmem>>[vector<16xi32>, vector<16xi32>], vector<16xf32>,
        %mul3A_981 = arith.mulf %gather3A_980, %gather3A_980 : vector<16xf32>
        %add3A_982 = arith.addf %add3A_957, %mul3A_981 : vector<16xf32>
        %mul3A_983 = arith.mulf %broadcast_in_dim3A_969, %gather3A_980 : vector<16xf32>
        %add3A_984 = arith.addf %add3A_959, %mul3A_983 : vector<16xf32>
        %gather3A_985 = tpu.vector_load_idx %arg9[%min3A_412, %broadcast_in_dim3A_966] : memref<800x32xf32, #tpu.memory_space<vmem>>[vector<16xi32>, vector<16xi32>], vector<16xf32>,
        %mul3A_986 = arith.mulf %gather3A_985, %gather3A_985 : vector<16xf32>
        %add3A_987 = arith.addf %add3A_962, %mul3A_986 : vector<16xf32>
        %mul3A_988 = arith.mulf %broadcast_in_dim3A_969, %gather3A_985 : vector<16xf32>
        %add3A_989 = arith.addf %add3A_964, %mul3A_988 : vector<16xf32>
        %broadcast_in_dim3A_990 = arith.constant 23 : i32
        %broadcast_in_dim3A_991 = vector.broadcast %broadcast_in_dim3A_990 : i32 to vector<16xi32>
        %slice3A_992 = vector.extract_strided_slice %get3A_417 {offsets = [7], sizes = [1], strides = [1]} : vector<16xf32> to vector<1xf32>
        %squeeze3A_993 = vector.extract %slice3A_992[0] : f32 from vector<1xf32>
        %broadcast_in_dim3A_994 = vector.broadcast %squeeze3A_993 : f32 to vector<16xf32>
        %gather3A_995 = tpu.vector_load_idx %arg9[%min3A_391, %broadcast_in_dim3A_991] : memref<800x32xf32, #tpu.memory_space<vmem>>[vector<16xi32>, vector<16xi32>], vector<16xf32>,
        %mul3A_996 = arith.mulf %gather3A_995, %gather3A_995 : vector<16xf32>
        %add3A_997 = arith.addf %add3A_972, %mul3A_996 : vector<16xf32>
        %mul3A_998 = arith.mulf %broadcast_in_dim3A_994, %gather3A_995 : vector<16xf32>
        %add3A_999 = arith.addf %add3A_974, %mul3A_998 : vector<16xf32>
        %gather3A_1000 = tpu.vector_load_idx %arg9[%min3A_398, %broadcast_in_dim3A_991] : memref<800x32xf32, #tpu.memory_space<vmem>>[vector<16xi32>, vector<16xi32>], vector<16xf32>,
        %mul3A_1001 = arith.mulf %gather3A_1000, %gather3A_1000 : vector<16xf32>
        %add3A_1002 = arith.addf %add3A_977, %mul3A_1001 : vector<16xf32>
        %mul3A_1003 = arith.mulf %broadcast_in_dim3A_994, %gather3A_1000 : vector<16xf32>
        %add3A_1004 = arith.addf %add3A_979, %mul3A_1003 : vector<16xf32>
        %gather3A_1005 = tpu.vector_load_idx %arg9[%min3A_405, %broadcast_in_dim3A_991] : memref<800x32xf32, #tpu.memory_space<vmem>>[vector<16xi32>, vector<16xi32>], vector<16xf32>,
        %mul3A_1006 = arith.mulf %gather3A_1005, %gather3A_1005 : vector<16xf32>
        %add3A_1007 = arith.addf %add3A_982, %mul3A_1006 : vector<16xf32>
        %mul3A_1008 = arith.mulf %broadcast_in_dim3A_994, %gather3A_1005 : vector<16xf32>
        %add3A_1009 = arith.addf %add3A_984, %mul3A_1008 : vector<16xf32>
        %gather3A_1010 = tpu.vector_load_idx %arg9[%min3A_412, %broadcast_in_dim3A_991] : memref<800x32xf32, #tpu.memory_space<vmem>>[vector<16xi32>, vector<16xi32>], vector<16xf32>,
        %mul3A_1011 = arith.mulf %gather3A_1010, %gather3A_1010 : vector<16xf32>
        %add3A_1012 = arith.addf %add3A_987, %mul3A_1011 : vector<16xf32>
        %mul3A_1013 = arith.mulf %broadcast_in_dim3A_994, %gather3A_1010 : vector<16xf32>
        %add3A_1014 = arith.addf %add3A_989, %mul3A_1013 : vector<16xf32>
        %broadcast_in_dim3A_1015 = arith.constant 24 : i32
        %broadcast_in_dim3A_1016 = vector.broadcast %broadcast_in_dim3A_1015 : i32 to vector<16xi32>
        %slice3A_1017 = vector.extract_strided_slice %get3A_417 {offsets = [8], sizes = [1], strides = [1]} : vector<16xf32> to vector<1xf32>
        %squeeze3A_1018 = vector.extract %slice3A_1017[0] : f32 from vector<1xf32>
        %broadcast_in_dim3A_1019 = vector.broadcast %squeeze3A_1018 : f32 to vector<16xf32>
        %gather3A_1020 = tpu.vector_load_idx %arg9[%min3A_391, %broadcast_in_dim3A_1016] : memref<800x32xf32, #tpu.memory_space<vmem>>[vector<16xi32>, vector<16xi32>], vector<16xf32>,
        %mul3A_1021 = arith.mulf %gather3A_1020, %gather3A_1020 : vector<16xf32>
        %add3A_1022 = arith.addf %add3A_997, %mul3A_1021 : vector<16xf32>
        %mul3A_1023 = arith.mulf %broadcast_in_dim3A_1019, %gather3A_1020 : vector<16xf32>
        %add3A_1024 = arith.addf %add3A_999, %mul3A_1023 : vector<16xf32>
        %gather3A_1025 = tpu.vector_load_idx %arg9[%min3A_398, %broadcast_in_dim3A_1016] : memref<800x32xf32, #tpu.memory_space<vmem>>[vector<16xi32>, vector<16xi32>], vector<16xf32>,
        %mul3A_1026 = arith.mulf %gather3A_1025, %gather3A_1025 : vector<16xf32>
        %add3A_1027 = arith.addf %add3A_1002, %mul3A_1026 : vector<16xf32>
        %mul3A_1028 = arith.mulf %broadcast_in_dim3A_1019, %gather3A_1025 : vector<16xf32>
        %add3A_1029 = arith.addf %add3A_1004, %mul3A_1028 : vector<16xf32>
        %gather3A_1030 = tpu.vector_load_idx %arg9[%min3A_405, %broadcast_in_dim3A_1016] : memref<800x32xf32, #tpu.memory_space<vmem>>[vector<16xi32>, vector<16xi32>], vector<16xf32>,
        %mul3A_1031 = arith.mulf %gather3A_1030, %gather3A_1030 : vector<16xf32>
        %add3A_1032 = arith.addf %add3A_1007, %mul3A_1031 : vector<16xf32>
        %mul3A_1033 = arith.mulf %broadcast_in_dim3A_1019, %gather3A_1030 : vector<16xf32>
        %add3A_1034 = arith.addf %add3A_1009, %mul3A_1033 : vector<16xf32>
        %gather3A_1035 = tpu.vector_load_idx %arg9[%min3A_412, %broadcast_in_dim3A_1016] : memref<800x32xf32, #tpu.memory_space<vmem>>[vector<16xi32>, vector<16xi32>], vector<16xf32>,
        %mul3A_1036 = arith.mulf %gather3A_1035, %gather3A_1035 : vector<16xf32>
        %add3A_1037 = arith.addf %add3A_1012, %mul3A_1036 : vector<16xf32>
        %mul3A_1038 = arith.mulf %broadcast_in_dim3A_1019, %gather3A_1035 : vector<16xf32>
        %add3A_1039 = arith.addf %add3A_1014, %mul3A_1038 : vector<16xf32>
        %broadcast_in_dim3A_1040 = arith.constant 25 : i32
        %broadcast_in_dim3A_1041 = vector.broadcast %broadcast_in_dim3A_1040 : i32 to vector<16xi32>
        %slice3A_1042 = vector.extract_strided_slice %get3A_417 {offsets = [9], sizes = [1], strides = [1]} : vector<16xf32> to vector<1xf32>
        %squeeze3A_1043 = vector.extract %slice3A_1042[0] : f32 from vector<1xf32>
        %broadcast_in_dim3A_1044 = vector.broadcast %squeeze3A_1043 : f32 to vector<16xf32>
        %gather3A_1045 = tpu.vector_load_idx %arg9[%min3A_391, %broadcast_in_dim3A_1041] : memref<800x32xf32, #tpu.memory_space<vmem>>[vector<16xi32>, vector<16xi32>], vector<16xf32>,
        %mul3A_1046 = arith.mulf %gather3A_1045, %gather3A_1045 : vector<16xf32>
        %add3A_1047 = arith.addf %add3A_1022, %mul3A_1046 : vector<16xf32>
        %mul3A_1048 = arith.mulf %broadcast_in_dim3A_1044, %gather3A_1045 : vector<16xf32>
        %add3A_1049 = arith.addf %add3A_1024, %mul3A_1048 : vector<16xf32>
        %gather3A_1050 = tpu.vector_load_idx %arg9[%min3A_398, %broadcast_in_dim3A_1041] : memref<800x32xf32, #tpu.memory_space<vmem>>[vector<16xi32>, vector<16xi32>], vector<16xf32>,
        %mul3A_1051 = arith.mulf %gather3A_1050, %gather3A_1050 : vector<16xf32>
        %add3A_1052 = arith.addf %add3A_1027, %mul3A_1051 : vector<16xf32>
        %mul3A_1053 = arith.mulf %broadcast_in_dim3A_1044, %gather3A_1050 : vector<16xf32>
        %add3A_1054 = arith.addf %add3A_1029, %mul3A_1053 : vector<16xf32>
        %gather3A_1055 = tpu.vector_load_idx %arg9[%min3A_405, %broadcast_in_dim3A_1041] : memref<800x32xf32, #tpu.memory_space<vmem>>[vector<16xi32>, vector<16xi32>], vector<16xf32>,
        %mul3A_1056 = arith.mulf %gather3A_1055, %gather3A_1055 : vector<16xf32>
        %add3A_1057 = arith.addf %add3A_1032, %mul3A_1056 : vector<16xf32>
        %mul3A_1058 = arith.mulf %broadcast_in_dim3A_1044, %gather3A_1055 : vector<16xf32>
        %add3A_1059 = arith.addf %add3A_1034, %mul3A_1058 : vector<16xf32>
        %gather3A_1060 = tpu.vector_load_idx %arg9[%min3A_412, %broadcast_in_dim3A_1041] : memref<800x32xf32, #tpu.memory_space<vmem>>[vector<16xi32>, vector<16xi32>], vector<16xf32>,
        %mul3A_1061 = arith.mulf %gather3A_1060, %gather3A_1060 : vector<16xf32>
        %add3A_1062 = arith.addf %add3A_1037, %mul3A_1061 : vector<16xf32>
        %mul3A_1063 = arith.mulf %broadcast_in_dim3A_1044, %gather3A_1060 : vector<16xf32>
        %add3A_1064 = arith.addf %add3A_1039, %mul3A_1063 : vector<16xf32>
        %broadcast_in_dim3A_1065 = arith.constant 26 : i32
        %broadcast_in_dim3A_1066 = vector.broadcast %broadcast_in_dim3A_1065 : i32 to vector<16xi32>
        %slice3A_1067 = vector.extract_strided_slice %get3A_417 {offsets = [10], sizes = [1], strides = [1]} : vector<16xf32> to vector<1xf32>
        %squeeze3A_1068 = vector.extract %slice3A_1067[0] : f32 from vector<1xf32>
        %broadcast_in_dim3A_1069 = vector.broadcast %squeeze3A_1068 : f32 to vector<16xf32>
        %gather3A_1070 = tpu.vector_load_idx %arg9[%min3A_391, %broadcast_in_dim3A_1066] : memref<800x32xf32, #tpu.memory_space<vmem>>[vector<16xi32>, vector<16xi32>], vector<16xf32>,
        %mul3A_1071 = arith.mulf %gather3A_1070, %gather3A_1070 : vector<16xf32>
        %add3A_1072 = arith.addf %add3A_1047, %mul3A_1071 : vector<16xf32>
        %mul3A_1073 = arith.mulf %broadcast_in_dim3A_1069, %gather3A_1070 : vector<16xf32>
        %add3A_1074 = arith.addf %add3A_1049, %mul3A_1073 : vector<16xf32>
        %gather3A_1075 = tpu.vector_load_idx %arg9[%min3A_398, %broadcast_in_dim3A_1066] : memref<800x32xf32, #tpu.memory_space<vmem>>[vector<16xi32>, vector<16xi32>], vector<16xf32>,
        %mul3A_1076 = arith.mulf %gather3A_1075, %gather3A_1075 : vector<16xf32>
        %add3A_1077 = arith.addf %add3A_1052, %mul3A_1076 : vector<16xf32>
        %mul3A_1078 = arith.mulf %broadcast_in_dim3A_1069, %gather3A_1075 : vector<16xf32>
        %add3A_1079 = arith.addf %add3A_1054, %mul3A_1078 : vector<16xf32>
        %gather3A_1080 = tpu.vector_load_idx %arg9[%min3A_405, %broadcast_in_dim3A_1066] : memref<800x32xf32, #tpu.memory_space<vmem>>[vector<16xi32>, vector<16xi32>], vector<16xf32>,
        %mul3A_1081 = arith.mulf %gather3A_1080, %gather3A_1080 : vector<16xf32>
        %add3A_1082 = arith.addf %add3A_1057, %mul3A_1081 : vector<16xf32>
        %mul3A_1083 = arith.mulf %broadcast_in_dim3A_1069, %gather3A_1080 : vector<16xf32>
        %add3A_1084 = arith.addf %add3A_1059, %mul3A_1083 : vector<16xf32>
        %gather3A_1085 = tpu.vector_load_idx %arg9[%min3A_412, %broadcast_in_dim3A_1066] : memref<800x32xf32, #tpu.memory_space<vmem>>[vector<16xi32>, vector<16xi32>], vector<16xf32>,
        %mul3A_1086 = arith.mulf %gather3A_1085, %gather3A_1085 : vector<16xf32>
        %add3A_1087 = arith.addf %add3A_1062, %mul3A_1086 : vector<16xf32>
        %mul3A_1088 = arith.mulf %broadcast_in_dim3A_1069, %gather3A_1085 : vector<16xf32>
        %add3A_1089 = arith.addf %add3A_1064, %mul3A_1088 : vector<16xf32>
        %broadcast_in_dim3A_1090 = arith.constant 27 : i32
        %broadcast_in_dim3A_1091 = vector.broadcast %broadcast_in_dim3A_1090 : i32 to vector<16xi32>
        %slice3A_1092 = vector.extract_strided_slice %get3A_417 {offsets = [11], sizes = [1], strides = [1]} : vector<16xf32> to vector<1xf32>
        %squeeze3A_1093 = vector.extract %slice3A_1092[0] : f32 from vector<1xf32>
        %broadcast_in_dim3A_1094 = vector.broadcast %squeeze3A_1093 : f32 to vector<16xf32>
        %gather3A_1095 = tpu.vector_load_idx %arg9[%min3A_391, %broadcast_in_dim3A_1091] : memref<800x32xf32, #tpu.memory_space<vmem>>[vector<16xi32>, vector<16xi32>], vector<16xf32>,
        %mul3A_1096 = arith.mulf %gather3A_1095, %gather3A_1095 : vector<16xf32>
        %add3A_1097 = arith.addf %add3A_1072, %mul3A_1096 : vector<16xf32>
        %mul3A_1098 = arith.mulf %broadcast_in_dim3A_1094, %gather3A_1095 : vector<16xf32>
        %add3A_1099 = arith.addf %add3A_1074, %mul3A_1098 : vector<16xf32>
        %gather3A_1100 = tpu.vector_load_idx %arg9[%min3A_398, %broadcast_in_dim3A_1091] : memref<800x32xf32, #tpu.memory_space<vmem>>[vector<16xi32>, vector<16xi32>], vector<16xf32>,
        %mul3A_1101 = arith.mulf %gather3A_1100, %gather3A_1100 : vector<16xf32>
        %add3A_1102 = arith.addf %add3A_1077, %mul3A_1101 : vector<16xf32>
        %mul3A_1103 = arith.mulf %broadcast_in_dim3A_1094, %gather3A_1100 : vector<16xf32>
        %add3A_1104 = arith.addf %add3A_1079, %mul3A_1103 : vector<16xf32>
        %gather3A_1105 = tpu.vector_load_idx %arg9[%min3A_405, %broadcast_in_dim3A_1091] : memref<800x32xf32, #tpu.memory_space<vmem>>[vector<16xi32>, vector<16xi32>], vector<16xf32>,
        %mul3A_1106 = arith.mulf %gather3A_1105, %gather3A_1105 : vector<16xf32>
        %add3A_1107 = arith.addf %add3A_1082, %mul3A_1106 : vector<16xf32>
        %mul3A_1108 = arith.mulf %broadcast_in_dim3A_1094, %gather3A_1105 : vector<16xf32>
        %add3A_1109 = arith.addf %add3A_1084, %mul3A_1108 : vector<16xf32>
        %gather3A_1110 = tpu.vector_load_idx %arg9[%min3A_412, %broadcast_in_dim3A_1091] : memref<800x32xf32, #tpu.memory_space<vmem>>[vector<16xi32>, vector<16xi32>], vector<16xf32>,
        %mul3A_1111 = arith.mulf %gather3A_1110, %gather3A_1110 : vector<16xf32>
        %add3A_1112 = arith.addf %add3A_1087, %mul3A_1111 : vector<16xf32>
        %mul3A_1113 = arith.mulf %broadcast_in_dim3A_1094, %gather3A_1110 : vector<16xf32>
        %add3A_1114 = arith.addf %add3A_1089, %mul3A_1113 : vector<16xf32>
        %broadcast_in_dim3A_1115 = arith.constant 28 : i32
        %broadcast_in_dim3A_1116 = vector.broadcast %broadcast_in_dim3A_1115 : i32 to vector<16xi32>
        %slice3A_1117 = vector.extract_strided_slice %get3A_417 {offsets = [12], sizes = [1], strides = [1]} : vector<16xf32> to vector<1xf32>
        %squeeze3A_1118 = vector.extract %slice3A_1117[0] : f32 from vector<1xf32>
        %broadcast_in_dim3A_1119 = vector.broadcast %squeeze3A_1118 : f32 to vector<16xf32>
        %gather3A_1120 = tpu.vector_load_idx %arg9[%min3A_391, %broadcast_in_dim3A_1116] : memref<800x32xf32, #tpu.memory_space<vmem>>[vector<16xi32>, vector<16xi32>], vector<16xf32>,
        %mul3A_1121 = arith.mulf %gather3A_1120, %gather3A_1120 : vector<16xf32>
        %add3A_1122 = arith.addf %add3A_1097, %mul3A_1121 : vector<16xf32>
        %mul3A_1123 = arith.mulf %broadcast_in_dim3A_1119, %gather3A_1120 : vector<16xf32>
        %add3A_1124 = arith.addf %add3A_1099, %mul3A_1123 : vector<16xf32>
        %gather3A_1125 = tpu.vector_load_idx %arg9[%min3A_398, %broadcast_in_dim3A_1116] : memref<800x32xf32, #tpu.memory_space<vmem>>[vector<16xi32>, vector<16xi32>], vector<16xf32>,
        %mul3A_1126 = arith.mulf %gather3A_1125, %gather3A_1125 : vector<16xf32>
        %add3A_1127 = arith.addf %add3A_1102, %mul3A_1126 : vector<16xf32>
        %mul3A_1128 = arith.mulf %broadcast_in_dim3A_1119, %gather3A_1125 : vector<16xf32>
        %add3A_1129 = arith.addf %add3A_1104, %mul3A_1128 : vector<16xf32>
        %gather3A_1130 = tpu.vector_load_idx %arg9[%min3A_405, %broadcast_in_dim3A_1116] : memref<800x32xf32, #tpu.memory_space<vmem>>[vector<16xi32>, vector<16xi32>], vector<16xf32>,
        %mul3A_1131 = arith.mulf %gather3A_1130, %gather3A_1130 : vector<16xf32>
        %add3A_1132 = arith.addf %add3A_1107, %mul3A_1131 : vector<16xf32>
        %mul3A_1133 = arith.mulf %broadcast_in_dim3A_1119, %gather3A_1130 : vector<16xf32>
        %add3A_1134 = arith.addf %add3A_1109, %mul3A_1133 : vector<16xf32>
        %gather3A_1135 = tpu.vector_load_idx %arg9[%min3A_412, %broadcast_in_dim3A_1116] : memref<800x32xf32, #tpu.memory_space<vmem>>[vector<16xi32>, vector<16xi32>], vector<16xf32>,
        %mul3A_1136 = arith.mulf %gather3A_1135, %gather3A_1135 : vector<16xf32>
        %add3A_1137 = arith.addf %add3A_1112, %mul3A_1136 : vector<16xf32>
        %mul3A_1138 = arith.mulf %broadcast_in_dim3A_1119, %gather3A_1135 : vector<16xf32>
        %add3A_1139 = arith.addf %add3A_1114, %mul3A_1138 : vector<16xf32>
        %broadcast_in_dim3A_1140 = arith.constant 29 : i32
        %broadcast_in_dim3A_1141 = vector.broadcast %broadcast_in_dim3A_1140 : i32 to vector<16xi32>
        %slice3A_1142 = vector.extract_strided_slice %get3A_417 {offsets = [13], sizes = [1], strides = [1]} : vector<16xf32> to vector<1xf32>
        %squeeze3A_1143 = vector.extract %slice3A_1142[0] : f32 from vector<1xf32>
        %broadcast_in_dim3A_1144 = vector.broadcast %squeeze3A_1143 : f32 to vector<16xf32>
        %gather3A_1145 = tpu.vector_load_idx %arg9[%min3A_391, %broadcast_in_dim3A_1141] : memref<800x32xf32, #tpu.memory_space<vmem>>[vector<16xi32>, vector<16xi32>], vector<16xf32>,
        %mul3A_1146 = arith.mulf %gather3A_1145, %gather3A_1145 : vector<16xf32>
        %add3A_1147 = arith.addf %add3A_1122, %mul3A_1146 : vector<16xf32>
        %mul3A_1148 = arith.mulf %broadcast_in_dim3A_1144, %gather3A_1145 : vector<16xf32>
        %add3A_1149 = arith.addf %add3A_1124, %mul3A_1148 : vector<16xf32>
        %gather3A_1150 = tpu.vector_load_idx %arg9[%min3A_398, %broadcast_in_dim3A_1141] : memref<800x32xf32, #tpu.memory_space<vmem>>[vector<16xi32>, vector<16xi32>], vector<16xf32>,
        %mul3A_1151 = arith.mulf %gather3A_1150, %gather3A_1150 : vector<16xf32>
        %add3A_1152 = arith.addf %add3A_1127, %mul3A_1151 : vector<16xf32>
        %mul3A_1153 = arith.mulf %broadcast_in_dim3A_1144, %gather3A_1150 : vector<16xf32>
        %add3A_1154 = arith.addf %add3A_1129, %mul3A_1153 : vector<16xf32>
        %gather3A_1155 = tpu.vector_load_idx %arg9[%min3A_405, %broadcast_in_dim3A_1141] : memref<800x32xf32, #tpu.memory_space<vmem>>[vector<16xi32>, vector<16xi32>], vector<16xf32>,
        %mul3A_1156 = arith.mulf %gather3A_1155, %gather3A_1155 : vector<16xf32>
        %add3A_1157 = arith.addf %add3A_1132, %mul3A_1156 : vector<16xf32>
        %mul3A_1158 = arith.mulf %broadcast_in_dim3A_1144, %gather3A_1155 : vector<16xf32>
        %add3A_1159 = arith.addf %add3A_1134, %mul3A_1158 : vector<16xf32>
        %gather3A_1160 = tpu.vector_load_idx %arg9[%min3A_412, %broadcast_in_dim3A_1141] : memref<800x32xf32, #tpu.memory_space<vmem>>[vector<16xi32>, vector<16xi32>], vector<16xf32>,
        %mul3A_1161 = arith.mulf %gather3A_1160, %gather3A_1160 : vector<16xf32>
        %add3A_1162 = arith.addf %add3A_1137, %mul3A_1161 : vector<16xf32>
        %mul3A_1163 = arith.mulf %broadcast_in_dim3A_1144, %gather3A_1160 : vector<16xf32>
        %add3A_1164 = arith.addf %add3A_1139, %mul3A_1163 : vector<16xf32>
        %broadcast_in_dim3A_1165 = arith.constant 30 : i32
        %broadcast_in_dim3A_1166 = vector.broadcast %broadcast_in_dim3A_1165 : i32 to vector<16xi32>
        %slice3A_1167 = vector.extract_strided_slice %get3A_417 {offsets = [14], sizes = [1], strides = [1]} : vector<16xf32> to vector<1xf32>
        %squeeze3A_1168 = vector.extract %slice3A_1167[0] : f32 from vector<1xf32>
        %broadcast_in_dim3A_1169 = vector.broadcast %squeeze3A_1168 : f32 to vector<16xf32>
        %gather3A_1170 = tpu.vector_load_idx %arg9[%min3A_391, %broadcast_in_dim3A_1166] : memref<800x32xf32, #tpu.memory_space<vmem>>[vector<16xi32>, vector<16xi32>], vector<16xf32>,
        %mul3A_1171 = arith.mulf %gather3A_1170, %gather3A_1170 : vector<16xf32>
        %add3A_1172 = arith.addf %add3A_1147, %mul3A_1171 : vector<16xf32>
        %mul3A_1173 = arith.mulf %broadcast_in_dim3A_1169, %gather3A_1170 : vector<16xf32>
        %add3A_1174 = arith.addf %add3A_1149, %mul3A_1173 : vector<16xf32>
        %gather3A_1175 = tpu.vector_load_idx %arg9[%min3A_398, %broadcast_in_dim3A_1166] : memref<800x32xf32, #tpu.memory_space<vmem>>[vector<16xi32>, vector<16xi32>], vector<16xf32>,
        %mul3A_1176 = arith.mulf %gather3A_1175, %gather3A_1175 : vector<16xf32>
        %add3A_1177 = arith.addf %add3A_1152, %mul3A_1176 : vector<16xf32>
        %mul3A_1178 = arith.mulf %broadcast_in_dim3A_1169, %gather3A_1175 : vector<16xf32>
        %add3A_1179 = arith.addf %add3A_1154, %mul3A_1178 : vector<16xf32>
        %gather3A_1180 = tpu.vector_load_idx %arg9[%min3A_405, %broadcast_in_dim3A_1166] : memref<800x32xf32, #tpu.memory_space<vmem>>[vector<16xi32>, vector<16xi32>], vector<16xf32>,
        %mul3A_1181 = arith.mulf %gather3A_1180, %gather3A_1180 : vector<16xf32>
        %add3A_1182 = arith.addf %add3A_1157, %mul3A_1181 : vector<16xf32>
        %mul3A_1183 = arith.mulf %broadcast_in_dim3A_1169, %gather3A_1180 : vector<16xf32>
        %add3A_1184 = arith.addf %add3A_1159, %mul3A_1183 : vector<16xf32>
        %gather3A_1185 = tpu.vector_load_idx %arg9[%min3A_412, %broadcast_in_dim3A_1166] : memref<800x32xf32, #tpu.memory_space<vmem>>[vector<16xi32>, vector<16xi32>], vector<16xf32>,
        %mul3A_1186 = arith.mulf %gather3A_1185, %gather3A_1185 : vector<16xf32>
        %add3A_1187 = arith.addf %add3A_1162, %mul3A_1186 : vector<16xf32>
        %mul3A_1188 = arith.mulf %broadcast_in_dim3A_1169, %gather3A_1185 : vector<16xf32>
        %add3A_1189 = arith.addf %add3A_1164, %mul3A_1188 : vector<16xf32>
        %broadcast_in_dim3A_1190 = arith.constant 31 : i32
        %broadcast_in_dim3A_1191 = vector.broadcast %broadcast_in_dim3A_1190 : i32 to vector<16xi32>
        %slice3A_1192 = vector.extract_strided_slice %get3A_417 {offsets = [15], sizes = [1], strides = [1]} : vector<16xf32> to vector<1xf32>
        %squeeze3A_1193 = vector.extract %slice3A_1192[0] : f32 from vector<1xf32>
        %broadcast_in_dim3A_1194 = vector.broadcast %squeeze3A_1193 : f32 to vector<16xf32>
        %gather3A_1195 = tpu.vector_load_idx %arg9[%min3A_391, %broadcast_in_dim3A_1191] : memref<800x32xf32, #tpu.memory_space<vmem>>[vector<16xi32>, vector<16xi32>], vector<16xf32>,
        %mul3A_1196 = arith.mulf %gather3A_1195, %gather3A_1195 : vector<16xf32>
        %add3A_1197 = arith.addf %add3A_1172, %mul3A_1196 : vector<16xf32>
        %mul3A_1198 = arith.mulf %broadcast_in_dim3A_1194, %gather3A_1195 : vector<16xf32>
        %add3A_1199 = arith.addf %add3A_1174, %mul3A_1198 : vector<16xf32>
        %gather3A_1200 = tpu.vector_load_idx %arg9[%min3A_398, %broadcast_in_dim3A_1191] : memref<800x32xf32, #tpu.memory_space<vmem>>[vector<16xi32>, vector<16xi32>], vector<16xf32>,
        %mul3A_1201 = arith.mulf %gather3A_1200, %gather3A_1200 : vector<16xf32>
        %add3A_1202 = arith.addf %add3A_1177, %mul3A_1201 : vector<16xf32>
        %mul3A_1203 = arith.mulf %broadcast_in_dim3A_1194, %gather3A_1200 : vector<16xf32>
        %add3A_1204 = arith.addf %add3A_1179, %mul3A_1203 : vector<16xf32>
        %gather3A_1205 = tpu.vector_load_idx %arg9[%min3A_405, %broadcast_in_dim3A_1191] : memref<800x32xf32, #tpu.memory_space<vmem>>[vector<16xi32>, vector<16xi32>], vector<16xf32>,
        %mul3A_1206 = arith.mulf %gather3A_1205, %gather3A_1205 : vector<16xf32>
        %add3A_1207 = arith.addf %add3A_1182, %mul3A_1206 : vector<16xf32>
        %mul3A_1208 = arith.mulf %broadcast_in_dim3A_1194, %gather3A_1205 : vector<16xf32>
        %add3A_1209 = arith.addf %add3A_1184, %mul3A_1208 : vector<16xf32>
        %gather3A_1210 = tpu.vector_load_idx %arg9[%min3A_412, %broadcast_in_dim3A_1191] : memref<800x32xf32, #tpu.memory_space<vmem>>[vector<16xi32>, vector<16xi32>], vector<16xf32>,
        %mul3A_1211 = arith.mulf %gather3A_1210, %gather3A_1210 : vector<16xf32>
        %add3A_1212 = arith.addf %add3A_1187, %mul3A_1211 : vector<16xf32>
        %mul3A_1213 = arith.mulf %broadcast_in_dim3A_1194, %gather3A_1210 : vector<16xf32>
        %add3A_1214 = arith.addf %add3A_1189, %mul3A_1213 : vector<16xf32>
        tpu.vector_store_idx %arg10[%min3A_391], %add3A_1197 : memref<800xf32, #tpu.memory_space<vmem>>[vector<16xi32>], vector<16xf32>,
        %mul3A_1215 = arith.constant 49 : i32
        %mul3A_1216 = arith.muli %scan3A_383, %mul3A_1215 : i32
        %add3A_1217 = arith.constant 0 : i32
        %add3A_1218 = arith.addi %mul3A_1216, %add3A_1217 : i32
        %sub3A = arith.constant 1 : i32
        %sub3A_1219 = arith.subi %add3A_1218, %sub3A : i32
        %broadcast_in_dim3A_1220 = vector.broadcast %sub3A_1219 : i32 to vector<16xi32>
        %add3A_1221 = arith.addi %broadcast_in_dim3A_1220, %iota3A : vector<16xi32>
        tpu.vector_store_idx %arg11[%add3A_1221], %add3A_1199 masked %ge3A_5 : memref<784xf32, #tpu.memory_space<vmem>>[vector<16xi32>], vector<16xf32>, vector<16xi1>
        tpu.vector_store_idx %arg10[%min3A_398], %add3A_1202 : memref<800xf32, #tpu.memory_space<vmem>>[vector<16xi32>], vector<16xf32>,
        %mul3A_1222 = arith.constant 49 : i32
        %mul3A_1223 = arith.muli %scan3A_383, %mul3A_1222 : i32
        %add3A_1224 = arith.constant 16 : i32
        %add3A_1225 = arith.addi %mul3A_1223, %add3A_1224 : i32
        %sub3A_1226 = arith.constant 1 : i32
        %sub3A_1227 = arith.subi %add3A_1225, %sub3A_1226 : i32
        %broadcast_in_dim3A_1228 = vector.broadcast %sub3A_1227 : i32 to vector<16xi32>
        %add3A_1229 = arith.addi %broadcast_in_dim3A_1228, %iota3A : vector<16xi32>
        tpu.vector_store_idx %arg11[%add3A_1229], %add3A_1204 : memref<784xf32, #tpu.memory_space<vmem>>[vector<16xi32>], vector<16xf32>,
        tpu.vector_store_idx %arg10[%min3A_405], %add3A_1207 : memref<800xf32, #tpu.memory_space<vmem>>[vector<16xi32>], vector<16xf32>,
        %mul3A_1230 = arith.constant 49 : i32
        %mul3A_1231 = arith.muli %scan3A_383, %mul3A_1230 : i32
        %add3A_1232 = arith.constant 32 : i32
        %add3A_1233 = arith.addi %mul3A_1231, %add3A_1232 : i32
        %sub3A_1234 = arith.constant 1 : i32
        %sub3A_1235 = arith.subi %add3A_1233, %sub3A_1234 : i32
        %broadcast_in_dim3A_1236 = vector.broadcast %sub3A_1235 : i32 to vector<16xi32>
        %add3A_1237 = arith.addi %broadcast_in_dim3A_1236, %iota3A : vector<16xi32>
        tpu.vector_store_idx %arg11[%add3A_1237], %add3A_1209 : memref<784xf32, #tpu.memory_space<vmem>>[vector<16xi32>], vector<16xf32>,
        tpu.vector_store_idx %arg10[%min3A_412], %add3A_1212 masked %lt3A_3 : memref<800xf32, #tpu.memory_space<vmem>>[vector<16xi32>], vector<16xf32>, vector<16xi1>
        %mul3A_1238 = arith.constant 49 : i32
        %mul3A_1239 = arith.muli %scan3A_383, %mul3A_1238 : i32
        %add3A_1240 = arith.constant 48 : i32
        %add3A_1241 = arith.addi %mul3A_1239, %add3A_1240 : i32
        %sub3A_1242 = arith.constant 1 : i32
        %sub3A_1243 = arith.subi %add3A_1241, %sub3A_1242 : i32
        %broadcast_in_dim3A_1244 = vector.broadcast %sub3A_1243 : i32 to vector<16xi32>
        %add3A_1245 = arith.addi %broadcast_in_dim3A_1244, %iota3A : vector<16xi32>
        tpu.vector_store_idx %arg11[%add3A_1245], %add3A_1214 masked %lt3A_8 : memref<784xf32, #tpu.memory_space<vmem>>[vector<16xi32>], vector<16xf32>, vector<16xi1>
      }
      %scan3A_378 = arith.constant 16 : i32
      %mul3A_379 = arith.constant 50 : i32
      %mul3A_380 = arith.muli %add3A_372, %mul3A_379 : i32
      "tpu.region"() ({
        %run_scoped3A = tpu.sem_alloc : memref<!tpu.dma_semaphore, #tpu.memory_space<semaphore_mem>>
        %dma_start3A_383 = tpu.memref_slice %arg4[%mul3A_380] : memref<819200xf32, #tpu.memory_space<hbm>> -> memref<800xf32, #tpu.memory_space<hbm>>
        %dma_start3A_384 = tpu.memref_slice %arg4[%mul3A_380] : memref<819200xf32, #tpu.memory_space<hbm>> -> memref<800xf32, #tpu.memory_space<hbm>>
        tpu.enqueue_dma source(%arg10 : memref<800xf32, #tpu.memory_space<vmem>>) target(%dma_start3A_384 : memref<800xf32, #tpu.memory_space<hbm>>) target_semaphore(%run_scoped3A : memref<!tpu.dma_semaphore, #tpu.memory_space<semaphore_mem>>)
        %dma_wait3A_385 = tpu.memref_slice %arg4[%mul3A_380] : memref<819200xf32, #tpu.memory_space<hbm>> -> memref<800xf32, #tpu.memory_space<hbm>>
        %dma_wait3A_386 = tpu.memref_slice %arg4[%mul3A_380] : memref<819200xf32, #tpu.memory_space<hbm>> -> memref<800xf32, #tpu.memory_space<hbm>>
        tpu.wait_dma2 semaphore(%run_scoped3A : memref<!tpu.dma_semaphore, #tpu.memory_space<semaphore_mem>>) src(%arg10 : memref<800xf32, #tpu.memory_space<vmem>>) dst(%dma_wait3A_386 : memref<800xf32, #tpu.memory_space<hbm>>)
        tpu.yield
      }) : () -> ()
      %mul3A_381 = arith.constant 49 : i32
      %mul3A_382 = arith.muli %add3A_372, %mul3A_381 : i32
      "tpu.region"() ({
        %run_scoped3A = tpu.sem_alloc : memref<!tpu.dma_semaphore, #tpu.memory_space<semaphore_mem>>
        %dma_start3A_383 = tpu.memref_slice %arg5[%mul3A_382] : memref<802816xf32, #tpu.memory_space<hbm>> -> memref<784xf32, #tpu.memory_space<hbm>>
        %dma_start3A_384 = tpu.memref_slice %arg5[%mul3A_382] : memref<802816xf32, #tpu.memory_space<hbm>> -> memref<784xf32, #tpu.memory_space<hbm>>
        tpu.enqueue_dma source(%arg11 : memref<784xf32, #tpu.memory_space<vmem>>) target(%dma_start3A_384 : memref<784xf32, #tpu.memory_space<hbm>>) target_semaphore(%run_scoped3A : memref<!tpu.dma_semaphore, #tpu.memory_space<semaphore_mem>>)
        %dma_wait3A_385 = tpu.memref_slice %arg5[%mul3A_382] : memref<802816xf32, #tpu.memory_space<hbm>> -> memref<784xf32, #tpu.memory_space<hbm>>
        %dma_wait3A_386 = tpu.memref_slice %arg5[%mul3A_382] : memref<802816xf32, #tpu.memory_space<hbm>> -> memref<784xf32, #tpu.memory_space<hbm>>
        tpu.wait_dma2 semaphore(%run_scoped3A : memref<!tpu.dma_semaphore, #tpu.memory_space<semaphore_mem>>) src(%arg11 : memref<784xf32, #tpu.memory_space<vmem>>) dst(%dma_wait3A_386 : memref<784xf32, #tpu.memory_space<hbm>>)
        tpu.yield
      }) : () -> ()
    }
    %scan3A_13 = arith.constant 16 : i32
    return
  }
}

module attributes {stable_mosaic.version = 14 : i64} {
  func.func @body(%arg0: i32, %arg1: memref<32x1024xf32, #tpu.memory_space<vmem>>, %arg2: memref<256x128xf32, #tpu.memory_space<vmem>>) attributes {dimension_semantics = [#tpu.dimension_semantics<arbitrary>], iteration_bounds = array<i64: 977>, scalar_prefetch = 0 : i64, scratch_operands = 0 : i64, tpu.core_type = #tpu.core_type<tc>, window_params = [{transform_indices = @transform_0, window_bounds = array<i64: 32, 1024>}, {transform_indices = @transform_1, window_bounds = array<i64: 256, 128>}]} {
    %get3A = arith.constant 0 : index
    %get3A_0 = arith.constant 0 : index
    %get3A_1 = vector.load %arg1[%get3A, %get3A_0] : memref<32x1024xf32, #tpu.memory_space<vmem>>, vector<32x1024xf32>
    %slice3A = vector.extract_strided_slice %get3A_1 {offsets = [0, 0], sizes = [32, 256], strides = [1, 1]} : vector<32x1024xf32> to vector<32x256xf32>
    %transpose3A = tpu.transpose %slice3A, [1, 0] : vector<32x256xf32> -> vector<256x32xf32>
    %slice3A_2 = vector.extract_strided_slice %get3A_1 {offsets = [0, 256], sizes = [32, 256], strides = [1, 1]} : vector<32x1024xf32> to vector<32x256xf32>
    %transpose3A_3 = tpu.transpose %slice3A_2, [1, 0] : vector<32x256xf32> -> vector<256x32xf32>
    %slice3A_4 = vector.extract_strided_slice %get3A_1 {offsets = [0, 512], sizes = [32, 256], strides = [1, 1]} : vector<32x1024xf32> to vector<32x256xf32>
    %transpose3A_5 = tpu.transpose %slice3A_4, [1, 0] : vector<32x256xf32> -> vector<256x32xf32>
    %slice3A_6 = vector.extract_strided_slice %get3A_1 {offsets = [0, 768], sizes = [32, 256], strides = [1, 1]} : vector<32x1024xf32> to vector<32x256xf32>
    %transpose3A_7 = tpu.transpose %slice3A_6, [1, 0] : vector<32x256xf32> -> vector<256x32xf32>
    %concatenate3A = tpu.concatenate %transpose3A, %transpose3A_3, %transpose3A_5, %transpose3A_7 in 1 : vector<256x32xf32>, vector<256x32xf32>, vector<256x32xf32>, vector<256x32xf32> -> vector<256x128xf32>
    %swap3A = arith.constant 0 : index
    %swap3A_8 = arith.constant 0 : index
    %swap3A_9 = vector.load %arg2[%swap3A, %swap3A_8] : memref<256x128xf32, #tpu.memory_space<vmem>>, vector<256x128xf32>
    tpu.vector_store %arg2[%swap3A, %swap3A_8], %concatenate3A {strides = array<i32>} : memref<256x128xf32, #tpu.memory_space<vmem>>, vector<256x128xf32>,
    return
  }
  func.func @transform_0(%arg0: i32) -> (i32, i32) {
    %c0_i32 = arith.constant 0 : i32
    %c0_i32_0 = arith.constant 0 : i32
    return %c0_i32, %arg0 : i32, i32
  }
  func.func @transform_1(%arg0: i32) -> (i32, i32) {
    %c0_i32 = arith.constant 0 : i32
    %c0_i32_0 = arith.constant 0 : i32
    return %arg0, %c0_i32 : i32, i32
  }
}

module attributes {stable_mosaic.version = 14 : i64} {
  func.func @body(%arg0: i32, %arg1: memref<1024x50xf32, #tpu.memory_space<vmem>>, %arg2: memref<1024x49xf32, #tpu.memory_space<vmem>>, %arg3: memref<1024x49xf32, #tpu.memory_space<vmem>>) attributes {dimension_semantics = [#tpu.dimension_semantics<arbitrary>], iteration_bounds = array<i64: 16>, scalar_prefetch = 0 : i64, scratch_operands = 0 : i64, tpu.core_type = #tpu.core_type<tc>, window_params = [{transform_indices = @transform_0, window_bounds = array<i64: 1024, 50>}, {transform_indices = @transform_1, window_bounds = array<i64: 1024, 49>}, {transform_indices = @transform_2, window_bounds = array<i64: 1024, 49>}]} {
    %get3A = arith.constant 0 : index
    %get3A_0 = arith.constant 0 : index
    %get3A_1 = vector.load %arg1[%get3A, %get3A_0] : memref<1024x50xf32, #tpu.memory_space<vmem>>, vector<1024x50xf32>
    %sqrt3A = math.sqrt %get3A_1 : vector<1024x50xf32>
    %gt3A = arith.constant 0.999989986 : f32
    %gt3A_2 = vector.broadcast %gt3A : f32 to vector<1024x50xf32>
    %gt3A_3 = arith.cmpf ogt, %sqrt3A, %gt3A_2 : vector<1024x50xf32>
    %max3A = arith.constant 9.99999996E-13 : f32
    %max3A_4 = vector.broadcast %max3A : f32 to vector<1024x50xf32>
    %max3A_5 = arith.maximumf %sqrt3A, %max3A_4 : vector<1024x50xf32>
    %div3A = arith.constant 0.999989986 : f32
    %div3A_6 = vector.broadcast %div3A : f32 to vector<1024x50xf32>
    %div3A_7 = arith.divf %div3A_6, %max3A_5 : vector<1024x50xf32>
    %jit3A = arith.constant 1.000000e+00 : f32
    %broadcast_in_dim3A = vector.broadcast %jit3A : f32 to vector<1024x50xf32>
    %select_n3A = arith.select %gt3A_3, %div3A_7, %broadcast_in_dim3A : vector<1024x50xi1>, vector<1024x50xf32>
    %slice3A = vector.extract_strided_slice %get3A_1 {offsets = [0, 0], sizes = [1024, 1], strides = [1, 1]} : vector<1024x50xf32> to vector<1024x1xf32>
    %slice3A_8 = vector.extract_strided_slice %select_n3A {offsets = [0, 0], sizes = [1024, 1], strides = [1, 1]} : vector<1024x50xf32> to vector<1024x1xf32>
    %slice3A_9 = vector.extract_strided_slice %get3A_1 {offsets = [0, 1], sizes = [1024, 49], strides = [1, 1]} : vector<1024x50xf32> to vector<1024x49xf32>
    %slice3A_10 = vector.extract_strided_slice %select_n3A {offsets = [0, 1], sizes = [1024, 49], strides = [1, 1]} : vector<1024x50xf32> to vector<1024x49xf32>
    %get3A_11 = arith.constant 0 : index
    %get3A_12 = arith.constant 0 : index
    %get3A_13 = vector.load %arg2[%get3A_11, %get3A_12] : memref<1024x49xf32, #tpu.memory_space<vmem>>, vector<1024x49xf32>
    %mul3A = arith.mulf %slice3A_8, %slice3A_8 : vector<1024x1xf32>
    %mul3A_14 = arith.mulf %mul3A, %slice3A : vector<1024x1xf32>
    %mul3A_15 = arith.mulf %slice3A_10, %slice3A_10 : vector<1024x49xf32>
    %mul3A_16 = arith.mulf %mul3A_15, %slice3A_9 : vector<1024x49xf32>
    %mul3A_17 = arith.constant 2.000000e+00 : f32
    %mul3A_18 = vector.broadcast %mul3A_17 : f32 to vector<1024x1xf32>
    %mul3A_19 = arith.mulf %mul3A_18, %slice3A_8 : vector<1024x1xf32>
    %mul3A_20 = vector.broadcast %mul3A_19 : vector<1024x1xf32> to vector<1024x49xf32>
    %mul3A_21 = arith.mulf %mul3A_20, %slice3A_10 : vector<1024x49xf32>
    %mul3A_22 = arith.mulf %mul3A_21, %get3A_13 : vector<1024x49xf32>
    %add3A = vector.broadcast %mul3A_14 : vector<1024x1xf32> to vector<1024x49xf32>
    %add3A_23 = arith.addf %add3A, %mul3A_16 : vector<1024x49xf32>
    %sub3A = arith.subf %add3A_23, %mul3A_22 : vector<1024x49xf32>
    %sub3A_24 = arith.constant 1.000000e+00 : f32
    %sub3A_25 = vector.broadcast %sub3A_24 : f32 to vector<1024x1xf32>
    %sub3A_26 = arith.subf %sub3A_25, %mul3A_14 : vector<1024x1xf32>
    %sub3A_27 = arith.constant 1.000000e+00 : f32
    %sub3A_28 = vector.broadcast %sub3A_27 : f32 to vector<1024x49xf32>
    %sub3A_29 = arith.subf %sub3A_28, %mul3A_16 : vector<1024x49xf32>
    %mul3A_30 = vector.broadcast %sub3A_26 : vector<1024x1xf32> to vector<1024x49xf32>
    %mul3A_31 = arith.mulf %mul3A_30, %sub3A_29 : vector<1024x49xf32>
    %add3A_32 = arith.constant 1.000000e-07 : f32
    %add3A_33 = vector.broadcast %add3A_32 : f32 to vector<1024x49xf32>
    %add3A_34 = arith.addf %mul3A_31, %add3A_33 : vector<1024x49xf32>
    %mul3A_35 = arith.constant 2.000000e+00 : f32
    %mul3A_36 = vector.broadcast %mul3A_35 : f32 to vector<1024x49xf32>
    %mul3A_37 = arith.mulf %mul3A_36, %sub3A : vector<1024x49xf32>
    %div3A_38 = arith.divf %mul3A_37, %add3A_34 : vector<1024x49xf32>
    %add3A_39 = arith.constant 1.000000e+00 : f32
    %add3A_40 = vector.broadcast %add3A_39 : f32 to vector<1024x49xf32>
    %add3A_41 = arith.addf %add3A_40, %div3A_38 : vector<1024x49xf32>
    %max3A_42 = arith.constant 1.00000012 : f32
    %max3A_43 = vector.broadcast %max3A_42 : f32 to vector<1024x49xf32>
    %max3A_44 = arith.maximumf %add3A_41, %max3A_43 : vector<1024x49xf32>
    %sub3A_45 = arith.constant 1.000000e+00 : f32
    %sub3A_46 = vector.broadcast %sub3A_45 : f32 to vector<1024x49xf32>
    %sub3A_47 = arith.subf %max3A_44, %sub3A_46 : vector<1024x49xf32>
    %add3A_48 = arith.constant 1.000000e+00 : f32
    %add3A_49 = vector.broadcast %add3A_48 : f32 to vector<1024x49xf32>
    %add3A_50 = arith.addf %max3A_44, %add3A_49 : vector<1024x49xf32>
    %mul3A_51 = arith.mulf %sub3A_47, %add3A_50 : vector<1024x49xf32>
    %sqrt3A_52 = math.sqrt %mul3A_51 : vector<1024x49xf32>
    %add3A_53 = arith.addf %max3A_44, %sqrt3A_52 : vector<1024x49xf32>
    %log3A = math.log %add3A_53 : vector<1024x49xf32>
    %swap3A = arith.constant 0 : index
    %swap3A_54 = arith.constant 0 : index
    %swap3A_55 = vector.load %arg3[%swap3A, %swap3A_54] : memref<1024x49xf32, #tpu.memory_space<vmem>>, vector<1024x49xf32>
    tpu.vector_store %arg3[%swap3A, %swap3A_54], %log3A {strides = array<i32>} : memref<1024x49xf32, #tpu.memory_space<vmem>>, vector<1024x49xf32>,
    return
  }
  func.func @transform_0(%arg0: i32) -> (i32, i32) {
    %c0_i32 = arith.constant 0 : i32
    %c0_i32_0 = arith.constant 0 : i32
    return %arg0, %c0_i32 : i32, i32
  }
  func.func @transform_1(%arg0: i32) -> (i32, i32) {
    %c0_i32 = arith.constant 0 : i32
    %c0_i32_0 = arith.constant 0 : i32
    return %arg0, %c0_i32 : i32, i32
  }
  func.func @transform_2(%arg0: i32) -> (i32, i32) {
    %c0_i32 = arith.constant 0 : i32
    %c0_i32_0 = arith.constant 0 : i32
    return %arg0, %c0_i32 : i32, i32
  }
}

</mosaic_0001>

<sc_bundles>
// kernel: kernel.5.cloned.1.call-start
scs
__scs_entry_jumppad:
0x0: {  	(pc) =	sbr.rel $0x88, $3  }
0x1: {  	(tag) =	ssettag $0x0;
	lr =	simm.s32 $0x1  }
0x2: {  	[smem:$0x3F9F] =	sst lr;
	_ =	strace $0xD0000000  }
0x3: {  	_ = 	snop  }
0x4: {  	_ = 	snop  }
0x5: {  	_ = 	snop  }
0x6: {  	_ = 	snop  }
0x7: {  	_ = 	snop  }
__scs_overlays_trampoline_lowered:
0x8: {  	[smem:$0x3FAE] =	sst s0  }
0x9: {  	[smem:$0x3FAF] =	sst s1  }
0xa: {  	[smem:$0x3FB0] =	sst s2  }
0xb: {  	[smem:$0x3FB1] =	sst s3  }
0xc: {  	[smem:$0x3FB2] =	sst s4  }
0xd: {  	[smem:$0x3FB3] =	sst s5  }
0xe: {  	[smem:$0x3FB4] =	sst s6  }
0xf: {  	[smem:$0x3FB5] =	sst s7  }
0x10: {  	[smem:$0x3FB6] =	sst s8  }
0x11: {  	[smem:$0x3FB7] =	sst s9;
	s0 =	simm.s32 @!p0 $0x0  }
0x12: {  	s1 =	sld [smem:$0x3F9D];
	s0 =	simm.s32 @p0 $0x1  }
0x13: {  	[smem:$0x3FB8] =	sst s0;
	s0 =	simm.s32 @!p1 $0x0  }
0x14: {  	s2 =	sld [smem:$0x3F9C];
	s0 =	simm.s32 @p1 $0x1  }
0x15: {  	[smem:$0x3FB9] =	sst s0;
	s0 =	simm.s32 @!p2 $0x0  }
0x16: {  	s3 =	sld [smem:$0x3FDB];
	s0 =	simm.s32 @p2 $0x1  }
0x17: {  	s4 =	simm.s32 $0x1BF5;
	[smem:$0x3FBB] =	sst s0  }
0x18: {  	s0 =	sld [smem:$0x3F9E];
	_ =	swait.ge [sflag:s4], $0x0  }
0x19: {  	s7 =	sld [smem:$0x3F9F]  }
0x1a: {  	s8 =	sadd.s32 $0xFFFFE003, lr  }
0x1b: {  	s9 =	sadd.s32 $0xFFFFFEF7, lr;
	s5 =	simm.s32 $0xFFFFFFFF;
	p2 =	slt.u32 s8, $0xFFFFF086  }
0x1c: {  	p1 =	slt.u32 s9, $0xF7A;
	s5 =	simm.s32 @!p2 $0x0  }
0x1d: {  	s5 =	simm.s32 @p1 $0x1;
	p0 =	seq.s32 s7, s2  }
0x1e: {  	s7 =	smul.u32 @!p0 $0xF7A, s2;
	p2 =	seq.s32 @!p0 s5, $0x0  }
0x1f: {  	s9 =	smul.u32 $0xF7A, s1;
	s8 =	simm.s32 @!p0 $0x1BF5;
	p2 =	por !p2, p0  }
0x20: {  	[sflag:s8] =	ssyncset.s32 @!p0 $0xFFFFF086;
	s6 =	sadd.s32 @!p0 s3, s7;
	s7 =	simm.s32 @!p0 $0x108  }
0x21: {  	s3 =	sadd.s32 s3, s9;
	s6 =	sadd.s32 @!p0 $0x88, s6;
	s7 =	simm.s32 @p2 $0x1082  }
0x22: {  	[simem:s7], [sflag:s8] =	dma.local @!p0 [hbm:s6], $0xF7A  }
0x23: {  	s9 =	sor.u32 $0xD0000000, s2;
	s6 =	simm.s32 $0x108;
	_ =	swait.ge @!p0 [sflag:s8], $0x0  }
0x24: {  	s3 =	sadd.s32 $0x88, s3;
	s6 =	simm.s32 @!p1 $0x1082;
	[sflag:s4] =	ssyncset.s32 $0xFFFFF086  }
0x25: {  	[simem:s6], [sflag:s4] =	dma.local [hbm:s3], $0xF7A  }
0x26: {  	[smem:$0x3F9F] =	sst s1;
	(tag) =	ssettag s2;
	_ =	strace s9  }
0x27: {  	s1 =	sld [smem:$0x3FAF]  }
0x28: {  	s2 =	sld [smem:$0x3FB0]  }
0x29: {  	s4 =	sld [smem:$0x3FB2]  }
0x2a: {  	p0 =	seq.s32 s5, $0x0;
	s5 =	sld [smem:$0x3FB3]  }
0x2b: {  	s6 =	sld [smem:$0x3FB4]  }
0x2c: {  	s7 =	sld [smem:$0x3FB5]  }
0x2d: {  	s3 =	simm.s32 $0x108;
	s8 =	sld [smem:$0x3FB6]  }
0x2e: {  	s3 =	simm.s32 @!p0 $0x1082;
	s9 =	sld [smem:$0x3FB7]  }
0x2f: {  	lr =	sadd.s32 s0, s3;
	s0 =	sld [smem:$0x3FAE]  }
0x30: {  	s3 =	sld [smem:$0x3FB1]  }
0x31: {  	[smem:$0x3FBA] =	sst s10  }
0x32: {  	s10 =	sld [smem:$0x3FB8];
	_ =	sdelay $0x3  }
0x33: {  	p0 =	seq.s32 s10, $0x1;
	s10 =	sld [smem:$0x3FBA];
	_ =	sdelay $0x3  }
0x34: {  	[smem:$0x3FBA] =	sst s10  }
0x35: {  	s10 =	sld [smem:$0x3FB9];
	_ =	sdelay $0x3  }
0x36: {  	p1 =	seq.s32 s10, $0x1;
	s10 =	sld [smem:$0x3FBA];
	_ =	sdelay $0x3  }
0x37: {  	[smem:$0x3FBA] =	sst s10  }
0x38: {  	s10 =	sld [smem:$0x3FBB]  }
0x39: {  	_ = 	snop;
	(pc) =	sbr.ind lr, $3  }
0x3a: {  	_ = 	snop  }
0x3b: {  	_ = 	snop  }
0x3c: {  	p2 =	seq.s32 s10, $0x1;
	s10 =	sld [smem:$0x3FBA]  }
0x3d: {  	_ =	shalt  }
0x3e: {  	_ =	shalt  }
0x3f: {  	_ =	shalt  }
0x40: {  	_ =	shalt  }
0x41: {  	_ =	shalt  }
0x42: {  	_ =	shalt  }
0x43: {  	_ =	shalt  }
0x44: {  	_ =	shalt  }
0x45: {  	_ =	shalt  }
0x46: {  	_ =	shalt  }
0x47: {  	_ =	shalt  }
0x48: {  	_ =	shalt  }
0x49: {  	_ =	shalt  }
0x4a: {  	_ =	shalt  }
0x4b: {  	_ =	shalt  }
0x4c: {  	_ =	shalt  }
0x4d: {  	_ =	shalt  }
0x4e: {  	_ =	shalt  }
0x4f: {  	_ =	shalt  }
0x50: {  	_ =	shalt  }
0x51: {  	_ =	shalt  }
0x52: {  	_ =	shalt  }
0x53: {  	_ =	shalt  }
0x54: {  	_ =	shalt  }
0x55: {  	_ =	shalt  }
0x56: {  	_ =	shalt  }
0x57: {  	_ =	shalt  }
0x58: {  	_ =	shalt  }
0x59: {  	_ =	shalt  }
0x5a: {  	_ =	shalt  }
0x5b: {  	_ =	shalt  }
0x5c: {  	_ =	shalt  }
0x5d: {  	_ =	shalt  }
0x5e: {  	_ =	shalt  }
0x5f: {  	_ =	shalt  }
0x60: {  	_ =	shalt  }
0x61: {  	_ =	shalt  }
0x62: {  	_ =	shalt  }
0x63: {  	_ =	shalt  }
0x64: {  	_ =	shalt  }
0x65: {  	_ =	shalt  }
0x66: {  	_ =	shalt  }
0x67: {  	_ =	shalt  }
0x68: {  	_ =	shalt  }
0x69: {  	_ =	shalt  }
0x6a: {  	_ =	shalt  }
0x6b: {  	_ =	shalt  }
0x6c: {  	_ =	shalt  }
0x6d: {  	_ =	shalt  }
0x6e: {  	_ =	shalt  }
0x6f: {  	_ =	shalt  }
0x70: {  	_ =	shalt  }
0x71: {  	_ =	shalt  }
0x72: {  	_ =	shalt  }
0x73: {  	_ =	shalt  }
0x74: {  	_ =	shalt  }
0x75: {  	_ =	shalt  }
0x76: {  	_ =	shalt  }
0x77: {  	_ =	shalt  }
0x78: {  	_ =	shalt  }
0x79: {  	_ =	shalt  }
0x7a: {  	_ =	shalt  }
0x7b: {  	_ =	shalt  }
0x7c: {  	_ =	shalt  }
0x7d: {  	_ =	shalt  }
0x7e: {  	_ =	shalt  }
0x7f: {  	_ =	shalt  }
0x80: {  	_ =	shalt  }
0x81: {  	_ =	shalt  }
0x82: {  	_ =	shalt  }
0x83: {  	_ =	shalt  }
0x84: {  	_ =	shalt  }
0x85: {  	_ =	shalt  }
0x86: {  	_ =	shalt  }
0x87: {  	_ =	shalt  }
.Lfunc_end0:
.L_simem_size_0:
called_computation_lowered:
.L_overlay_start_0:
0x88: {  	s2 =	sld [smem:$0x3FD9]  }
0x89: {  	s3 =	sld [smem:$0x3FFE];
	_ =	sdelay $0x1  }
0x8a: {  	s1 =	srdreg.scid  }
0x8b: {  	s0 =	sand.u32 $0x1, s1  }
0x8c: {  	s17 =	sshll.u32 s0, $0xA;
	s2 =	sadd.s32 s3, s2  }
0x8d: {  	s2 =	sadd.s32 s2, s17  }
0x8e: {  	[smem:$0x3FC6] =	sst s2  }
0x8f: {  	_ = 	snop  }
0x90: {  	s2 =	sld [smem:$0x3FD0];
	(tm) =	ssettm $0x1  }
0x91: {  	s18 =	sld [smem:$0x3FFB];
	_ =	sdelay $0x3  }
0x92: {  	_ =	strace s18  }
0x93: {  	s3 =	sld [smem:$0x3FFC];
	_ =	sdelay $0x3  }
0x94: {  	_ =	strace s3  }
0x95: {  	s3 =	sld [smem:$0x3FFD];
	_ =	sdelay $0x3  }
0x96: {  	_ =	strace s3  }
0x97: {  	_ =	strace $0x8FFFFFFF  }
0x98: {  	s19 =	sld [smem:$0x3FDB];
	_ =	sdelay $0x1  }
0x99: {  	s4 =	simm.s32 $_scs_section_size  }
0x9a: {  	s5 =	simm.s32 $_size__tile_overlayer_lowered;
	s6 =	simm.s32 $_tile_overlayer_lowered  }
0x9b: {  	s22 =	simm.s32 $0x1BFF;
	s21 =	sshll.u32 s6, $0x1;
	s3 =	sadd.s32 s4, s19  }
0x9c: {  	s7 =	simm.s32 $0x0;
	s20 =	sshll.u32 s5, $0x1;
	s5 =	sadd.s32 s21, s3  }
0x9d: {  	[timem:s7], [sflag:s22] =	dma.local [hbm:s5], s20  }
0x9e: {  	_ =	swait.ge [sflag:s22], s20  }
0x9f: {  	s4 =	ssub.s32 $0x0, s20;
	[sflag:s22] =	ssyncset.done $0x0  }
0xa0: {  	[sflag:s22] =	ssyncadd.s32 s4;
	_ =	sdelay $0x1  }
0xa1: {  	s23 =	simm.s32 $0x1B8B  }
0xa2: {  	_ =	swait.ge [sflag:s23], $0x1  }
0xa3: {  	[sflag:s23] =	ssyncset.done $0x0  }
0xa4: {  	s25 =	simm.s32 $0x1B8E;
	s24 =	sld [smem:$0x3FFE];
	[sflag:s23] =	ssyncadd.s32 $0xFFFFFFFF  }
0xa5: {  	s26 =	simm.s32 $execute0_lowered;
	[smem:$0x3FD2] =	sst s25  }
0xa6: {  	s5 =	sshll.u32 s26, $0x1;
	_ =	strace $0x80000046;
	[dreg:$0x1] =	wrdreg $0xFFFFFFFF  }
0xa7: {  	s28 =	simm.s32 $_size_execute0_lowered;
	s3 =	sadd.s32 s3, s5;
	[dreg:$0x0] =	wrdreg $0x0  }
0xa8: {  	s5 =	sshll.u32 s28, $0x1;
	[dreg:$0x2] =	wrdreg s3  }
0xa9: {  	[dreg:$0x3] =	wrdreg s5  }
0xaa: {  	[dreg:$0x4] =	wrdreg $0xC0  }
0xab: {  	_ =	task [dreg:s7], $0x5FFFF  }
0xac: {  	[dreg:$0x1] =	wrdreg $0xFFFFFFFF  }
0xad: {  	[dreg:$0x0] =	wrdreg $0x60  }
0xae: {  	[dreg:$0x2] =	wrdreg s24  }
0xaf: {  	[dreg:$0x3] =	wrdreg s2  }
0xb0: {  	[dreg:$0x4] =	wrdreg $0x9  }
0xb1: {  	_ =	task.clear_ibuf [dreg:s7], $0x5FFFF;
	_ =	strace $0x90000046  }
0xb2: {  	s29 =	simm.s32 $0x9;
	_ =	strace $0x80000048  }
0xb3: {  	_ =	swait.ge [sflag:s29], $0x1  }
0xb4: {  	[sflag:s29] =	ssyncadd.s32 $0xFFFFFFFF  }
0xb5: {  	_ =	strace $0x90000048  }
0xb6: {  	_ =	sfence  }
0xb7: {  	s30 =	sld [smem:$0x0];
	_ =	sdelay $0x2  }
0xb8: {  	s31 =	sshll.u32 s1, $0xD;
	s1 =	sshrl.u32 s1, $0x2  }
0xb9: {  	s3 =	sand.u32 $0x4000, s31;
	s1 =	sadd.s32 s1, s30  }
0xba: {  	s0 =	sor.u32 s3, s0;
	s1 =	sshll.u32 s1, $0x11  }
0xbb: {  	s0 =	sor.u32 s1, s0  }
0xbc: {  	s0 =	sadd.s32 $0x8F2B, s0  }
0xbd: {  	[sflag:s0] =	ssyncadd.remote.s32 $0x1  }
0xbe: {  	_ =	sfence.sel $0xFFFF  }
0xbf: {  	[dreg:$0x0] =	wrdreg $0xFFFFFFFF;
	(pc) =	sbr.abs _section_cstart, $3  }
0xc0: {  	[dreg:$0x1] =	wrdreg $0xFFFFFFFF  }
0xc1: {  	_ =	task.clear_ibuf [dreg:s7], $0x2FFFF;
	_ =	strace $0x9FFFFFFF  }
0xc2: {  	(tm) =	ssettm $0x7FFFFFFF  }
0xc3: {  	_ =	shalt  }
tec
execute0_lowered:
.L_overlay_start_1:
0x0: {  	(tag) =	ssettag $0x1  }
0x1: {  	s0 =	rddreg [dreg:$0x0]  }
0x2: {  	s1 =	rddreg [dreg:$0x1];
	s2 =	simm.s32 $0x0  }
0x3: {  	s3 =	srdreg.scid;
	s6 =	stileid.u32;
	s10 =	simm.s32 $0x50  }
0x4: {  	s11 =	simm.s32 $0x640;
	s30 =	simm.s32 $0x320;
	s31 =	simm.s32 $0x6A40  }
0x5: {  	s19 =	simm.s32 $0x500;
	s20 =	simm.s32 $0xA640;
	s21 =	simm.s32 $0x550  }
0x6: {  	s22 =	simm.s32 $0xB040;
	s23 =	simm.s32 $0x5A0;
	s24 =	simm.s32 $0xBA40  }
0x7: {  	s25 =	simm.s32 $0x5F0;
	s28 =	simm.s32 $0x1;
	s29 =	simm.s32 $0xCE40  }
0x8: {  	[smem:$0x7FF] =	sst s2;
	s4 =	sadd.s32 $0xA00, s0;
	s3 =	sand.u32 $0x1, s3  }
0x9: {  	s5 =	sadd.s32 $0x3D1A00, s0;
	s9 =	sshll.u32 s6, $0xA;
	s7 =	ssub.s32 $0x2, s3  }
0xa: {  	s6 =	sadd.s32 $0x3EAA00, s0;
	s3 =	sshll.u32 s3, $0x9;
	s8 =	sshrl.u32 s7, $0x1  }
0xb: {  	_ =	strace $0x80000047;
	s26 =	ssub.s32 s7, s8;
	s7 =	sor.u32 s3, s9  }
0xc: {  	s9 =	simm.s32 $0x2;
	s8 =	simm.s32 $0x0;
	s0 =	smax.u32 s26, $0x1  }
0xd: {  	v0 =	vlaneseq.u32;
	vm0 =	vcmask $0x3F04;
	s26 =	simm.s32 $0xC440;
	[dreg:$0x3] =	wrdreg s0;
	s0 =	simm.s32 $0xD160  }
.LBB2_1:
0xe: {  	[dreg:$0x4] =	wrdreg s8;
	s3 =	simm.s32 $0x0  }
.LBB2_2:
0xf: {  	s8 =	sshll.u32 s3, $0x5  }
0x10: {  	s13 =	sor.u32 s7, s8  }
0x11: {  	s8 =	smul.u32 $0x32, s13;
	_ =	sdelay $0x1  }
0x12: {  	s14 =	sshrl.u32 s8, $0x3  }
0x13: {  	s8 =	sadd.s32 s1, s14  }
0x14: {  	[tilespmem:s2], [sflag:$0x2] =	stream.linear.gather [hbm4b:s8+s2], $0x320, $0x38;
	[tilespmem:$0xD470] =	vst v63  }
0x15: {  	_ =	swait.ge [sflag:s9], $0x320  }
0x16: {  	[sflag:s9] =	ssyncset.done $0x0  }
0x17: {  	[sflag:s9] =	ssyncadd.s32 $0xFFFFFCE0  }
0x18: {  	[tilespmem:s11], [sflag:$0x1] =	stream.indirect.gather [hbm4b:s4+s10], $0x20, s2, s10, $0xb8;
	[tilespmem:$0xD470] =	vst v63  }
0x19: {  	s17 =	simm.s32 $0x1040  }
0x1a: {  	[tilespmem:s17], [sflag:$0x1] =	stream.indirect.gather [hbm4b:s4+s10], $0x20, s10, s10, $0xb8;
	[tilespmem:$0xD470] =	vst v63  }
0x1b: {  	s18 =	simm.s32 $0xA0;
	s12 =	simm.s32 $0x1A40  }
0x1c: {  	[tilespmem:s12], [sflag:$0x1] =	stream.indirect.gather [hbm4b:s4+s10], $0x20, s18, s10, $0xb8;
	[tilespmem:$0xD470] =	vst v63  }
0x1d: {  	s15 =	simm.s32 $0xF0;
	s16 =	simm.s32 $0x2440  }
0x1e: {  	[tilespmem:s16], [sflag:$0x1] =	stream.indirect.gather [hbm4b:s4+s10], $0x20, s15, s10, $0xb8;
	[tilespmem:$0xD470] =	vst v63  }
0x1f: {  	s17 =	simm.s32 $0x140;
	s18 =	simm.s32 $0x2E40  }
0x20: {  	[tilespmem:s18], [sflag:$0x1] =	stream.indirect.gather [hbm4b:s4+s10], $0x20, s17, s10, $0xb8;
	[tilespmem:$0xD470] =	vst v63  }
0x21: {  	s15 =	simm.s32 $0x190;
	s16 =	simm.s32 $0x3840  }
0x22: {  	[tilespmem:s16], [sflag:$0x1] =	stream.indirect.gather [hbm4b:s4+s10], $0x20, s15, s10, $0xb8;
	[tilespmem:$0xD470] =	vst v63  }
0x23: {  	s17 =	simm.s32 $0x1E0;
	s18 =	simm.s32 $0x4240  }
0x24: {  	[tilespmem:s18], [sflag:$0x1] =	stream.indirect.gather [hbm4b:s4+s10], $0x20, s17, s10, $0xb8;
	[tilespmem:$0xD470] =	vst v63  }
0x25: {  	s8 =	sor.u32 $0x10, s13;
	s12 =	simm.s32 $0x230;
	s15 =	simm.s32 $0x4C40  }
0x26: {  	[tilespmem:s15], [sflag:$0x1] =	stream.indirect.gather [hbm4b:s4+s10], $0x20, s12, s10, $0xb8;
	[tilespmem:$0xD470] =	vst v63  }
0x27: {  	s16 =	simm.s32 $0x280;
	s17 =	simm.s32 $0x5640;
	s18 =	smul.u32 $0x32, s8  }
0x28: {  	[tilespmem:s17], [sflag:$0x1] =	stream.indirect.gather [hbm4b:s4+s10], $0x20, s16, s10, $0xb8;
	[tilespmem:$0xD470] =	vst v63  }
0x29: {  	s15 =	simm.s32 $0x2D0;
	s12 =	sshrl.u32 s18, $0x3;
	s16 =	simm.s32 $0x6040  }
0x2a: {  	[tilespmem:s16], [sflag:$0x1] =	stream.indirect.gather [hbm4b:s4+s10], $0x20, s15, s10, $0xb8;
	[tilespmem:$0xD470] =	vst v63  }
0x2b: {  	s16 =	sadd.s32 s1, s12  }
0x2c: {  	[tilespmem:s30], [sflag:$0x2] =	stream.linear.gather [hbm4b:s16+s2], $0x320, $0x38;
	[tilespmem:$0xD470] =	vst v63  }
0x2d: {  	_ =	swait.ge [sflag:s9], $0x320  }
0x2e: {  	[sflag:s9] =	ssyncset.done $0x0  }
0x2f: {  	[sflag:s9] =	ssyncadd.s32 $0xFFFFFCE0  }
0x30: {  	[tilespmem:s31], [sflag:$0x1] =	stream.indirect.gather [hbm4b:s4+s10], $0x20, s30, s10, $0xb8;
	[tilespmem:$0xD470] =	vst v63  }
0x31: {  	s18 =	simm.s32 $0x7440;
	s17 =	simm.s32 $0x370  }
0x32: {  	[tilespmem:s18], [sflag:$0x1] =	stream.indirect.gather [hbm4b:s4+s10], $0x20, s17, s10, $0xb8;
	[tilespmem:$0xD470] =	vst v63  }
0x33: {  	s17 =	simm.s32 $0x3C0;
	s18 =	simm.s32 $0x7E40  }
0x34: {  	[tilespmem:s18], [sflag:$0x1] =	stream.indirect.gather [hbm4b:s4+s10], $0x20, s17, s10, $0xb8;
	[tilespmem:$0xD470] =	vst v63  }
0x35: {  	s17 =	simm.s32 $0x410;
	s18 =	simm.s32 $0x8840  }
0x36: {  	[tilespmem:s18], [sflag:$0x1] =	stream.indirect.gather [hbm4b:s4+s10], $0x20, s17, s10, $0xb8;
	[tilespmem:$0xD470] =	vst v63  }
0x37: {  	s17 =	simm.s32 $0x460;
	s18 =	simm.s32 $0x9240  }
0x38: {  	[tilespmem:s18], [sflag:$0x1] =	stream.indirect.gather [hbm4b:s4+s10], $0x20, s17, s10, $0xb8;
	[tilespmem:$0xD470] =	vst v63  }
0x39: {  	s17 =	simm.s32 $0x4B0;
	s18 =	simm.s32 $0x9C40  }
0x3a: {  	[tilespmem:s18], [sflag:$0x1] =	stream.indirect.gather [hbm4b:s4+s10], $0x20, s17, s10, $0xb8;
	[tilespmem:$0xD470] =	vst v63  }
0x3b: {  	_ = 	snop  }
0x3c: {  	[tilespmem:s20], [sflag:$0x1] =	stream.indirect.gather [hbm4b:s4+s10], $0x20, s19, s10, $0xb8;
	[tilespmem:$0xD470] =	vst v63  }
0x3d: {  	_ = 	snop  }
0x3e: {  	[tilespmem:s22], [sflag:$0x1] =	stream.indirect.gather [hbm4b:s4+s10], $0x20, s21, s10, $0xb8;
	[tilespmem:$0xD470] =	vst v63  }
0x3f: {  	_ = 	snop  }
0x40: {  	[tilespmem:s24], [sflag:$0x1] =	stream.indirect.gather [hbm4b:s4+s10], $0x20, s23, s10, $0xb8;
	[tilespmem:$0xD470] =	vst v63  }
0x41: {  	_ = 	snop  }
0x42: {  	[tilespmem:s26], [sflag:$0x1] =	stream.indirect.gather [hbm4b:s4+s10], $0x20, s25, s10, $0xb8;
	[tilespmem:$0xD470] =	vst v63  }
0x43: {  	_ =	swait.ge [sflag:s28], $0xA00  }
0x44: {  	[sflag:s28] =	ssyncset.done $0x0  }
0x45: {  	[sflag:s28] =	ssyncadd.s32 $0xFFFFF600  }
0x46: {  	_ =	swait.ge [sflag:s28], $0xA00  }
0x47: {  	[sflag:s28] =	ssyncset.done $0x0  }
0x48: {  	[sflag:s28] =	ssyncadd.s32 $0xFFFFF600  }
0x49: {  	_ =	swait.ge [sflag:s28], $0xA00  }
0x4a: {  	[sflag:s28] =	ssyncset.done $0x0  }
0x4b: {  	[sflag:s28] =	ssyncadd.s32 $0xFFFFF600  }
0x4c: {  	_ =	swait.ge [sflag:s28], $0xA00  }
0x4d: {  	[sflag:s28] =	ssyncset.done $0x0  }
0x4e: {  	[sflag:s28] =	ssyncadd.s32 $0xFFFFF600  }
0x4f: {  	_ =	swait.ge [sflag:s28], $0xA00  }
0x50: {  	[sflag:s28] =	ssyncset.done $0x0  }
0x51: {  	[sflag:s28] =	ssyncadd.s32 $0xFFFFF600  }
0x52: {  	_ =	swait.ge [sflag:s28], $0xA00  }
0x53: {  	[sflag:s28] =	ssyncset.done $0x0  }
0x54: {  	[sflag:s28] =	ssyncadd.s32 $0xFFFFF600  }
0x55: {  	_ =	swait.ge [sflag:s28], $0xA00  }
0x56: {  	[sflag:s28] =	ssyncset.done $0x0  }
0x57: {  	[sflag:s28] =	ssyncadd.s32 $0xFFFFF600  }
0x58: {  	_ =	swait.ge [sflag:s28], $0xA00  }
0x59: {  	[sflag:s28] =	ssyncset.done $0x0  }
0x5a: {  	[sflag:s28] =	ssyncadd.s32 $0xFFFFF600  }
0x5b: {  	_ =	swait.ge [sflag:s28], $0xA00  }
0x5c: {  	[sflag:s28] =	ssyncset.done $0x0  }
0x5d: {  	[sflag:s28] =	ssyncadd.s32 $0xFFFFF600  }
0x5e: {  	_ =	swait.ge [sflag:s28], $0xA00  }
0x5f: {  	s15 =	simm.s32 $0x2F;
	[sflag:s28] =	ssyncset.done $0x0  }
0x60: {  	s16 =	simm.s32 $0x30;
	s17 =	simm.s32 $0x650;
	[sflag:s28] =	ssyncadd.s32 $0xFFFFF600  }
.LBB2_3:
0x61: {  	s18 =	sadd.s32 $0xFFFFFFD0, s16  }
0x62: {  	v1 =	vadd.s32 s18, v0;
	s18 =	sadd.s32 $0xFFFFFFE0, s16  }
0x63: {  	vm1 =	vlt.s32 v1, $0x31F;
	v2 =	vadd.s32 s18, v0  }
0x64: {  	v4 =	vnsel vm1, $0x31F, v1;
	vm1 =	vlt.s32 v2, $0x31F  }
0x65: {  	v9 =	vld [tilespmem:s17+$0xFFFFFFF0];
	v2 =	vnsel vm1, $0x31F, v2;
	v8 =	vshll.u32 v4, $0x5  }
0x66: {  	s18 =	sadd.s32 $0xFFFFFFF0, s16;
	v7 =	vshll.u32 v2, $0x5  }
0x67: {  	v1 =	vadd.s32 s18, v0;
	v11 =	vor.u32 $0x1, v8  }
0x68: {  	vm1 =	vlt.s32 v1, $0x31F;
	v21 =	vor.u32 $0x2, v8  }
0x69: {  	v5 =	vadd.s32 s16, v0;
	v3 =	vnsel vm1, $0x31F, v1;
	v56 =	vor.u32 $0x3, v8  }
0x6a: {  	vm1 =	vlt.s32 v5, $0x31F;
	v14 =	vbroadcast v9, $0x0;
	v6 =	vshll.u32 v3, $0x5;
	v10 =	vld.idx.msk [tilespmem:v8+s11+$0x0], $0xffff  }
0x6b: {  	v22 =	vbroadcast v9, $0x1;
	v59 =	vbroadcast v9, $0x2;
	v61 =	vor.u32 $0x3, v7;
	v12 =	vld.idx.msk [tilespmem:v7+s11+$0x0], $0xffff  }
0x6c: {  	v34 =	vor.u32 $0x4, v8;
	v36 =	vbroadcast v9, $0x3;
	v13 =	vor.u32 $0x1, v7;
	v11 =	vld.idx.msk [tilespmem:v11+s11+$0x0], $0xffff  }
0x6d: {  	v47 =	vor.u32 $0x5, v8;
	v1 =	vnsel vm1, $0x31F, v5;
	v24 =	vor.u32 $0x2, v7;
	v21 =	vld.idx.msk [tilespmem:v21+s11+$0x0], $0xffff  }
0x6e: {  	v48 =	vbroadcast v9, $0x4;
	v39 =	vor.u32 $0x4, v7;
	v5 =	vshll.u32 v1, $0x5;
	v30 =	vld.idx.msk [tilespmem:v56+s11+$0x0], $0xffff  }
0x6f: {  	v50 =	vor.u32 $0x5, v7;
	v16 =	vor.u32 $0x1, v6;
	v26 =	vor.u32 $0x2, v6;
	v15 =	vld.idx.msk [tilespmem:v6+s11+$0x0], $0xffff  }
0x70: {  	v63 =	vor.u32 $0x3, v6;
	v33 =	vld.idx.msk [tilespmem:v61+s11+$0x0], $0xffff;
	v61 =	vbroadcast v9, $0x5;
	v18 =	vmul.f32 v10, v14  }
0x71: {  	v41 =	vor.u32 $0x4, v6;
	v13 =	vld.idx.msk [tilespmem:v13+s11+$0x0], $0xffff;
	v10 =	vmul.f32 v10, v10;
	v19 =	vmul.f32 v12, v14  }
0x72: {  	v20 =	vor.u32 $0x1, v5;
	v55 =	vld.idx.msk [tilespmem:v24+s11+$0x0], $0xffff;
	v12 =	vmul.f32 v12, v12;
	v25 =	vmul.f32 v11, v11  }
0x73: {  	v27 =	vor.u32 $0x2, v5;
	v17 =	vld.idx.msk [tilespmem:v5+s11+$0x0], $0xffff;
	v11 =	vmul.f32 v11, v22;
	v60 =	vmul.f32 v21, v21  }
0x74: {  	v28 =	vor.u32 $0x5, v6;
	v16 =	vld.idx.msk [tilespmem:v16+s11+$0x0], $0xffff;
	v21 =	vmul.f32 v21, v59;
	v38 =	vmul.f32 v30, v30  }
0x75: {  	v32 =	vor.u32 $0x3, v5;
	v57 =	vld.idx.msk [tilespmem:v26+s11+$0x0], $0xffff;
	v40 =	vmul.f32 v30, v36;
	v23 =	vmul.f32 v15, v14  }
0x76: {  	v45 =	vor.u32 $0x4, v5;
	v37 =	vld.idx.msk [tilespmem:v63+s11+$0x0], $0xffff;
	v15 =	vmul.f32 v15, v15;
	v53 =	vmul.f32 v13, v13  }
0x77: {  	v63 =	vor.u32 $0x6, v7;
	v20 =	vld.idx.msk [tilespmem:v20+s11+$0x0], $0xffff;
	v13 =	vmul.f32 v13, v22;
	v29 =	vmul.f32 v55, v55  }
0x78: {  	v62 =	vld.idx.msk [tilespmem:v27+s11+$0x0], $0xffff;
	v18 =	vadd.f32 $0.0e+00, v18;
	v42 =	vmul.f32 v33, v33;
	v14 =	vmul.f32 v17, v14  }
0x79: {  	v46 =	vld.idx.msk [tilespmem:v39+s11+$0x0], $0xffff;
	v19 =	vadd.f32 $0.0e+00, v19;
	v54 =	vmul.f32 v16, v16;
	v16 =	vmul.f32 v16, v22  }
0x7a: {  	v10 =	vadd.f32 v25, v10;
	v17 =	vmul.f32 v17, v17;
	v31 =	vmul.f32 v57, v57  }
0x7b: {  	v52 =	vld.idx.msk [tilespmem:v45+s11+$0x0], $0xffff;
	v43 =	vmul.f32 v37, v37;
	v44 =	vmul.f32 v37, v36;
	v23 =	vadd.f32 $0.0e+00, v23  }
0x7c: {  	v11 =	vadd.f32 v11, v18;
	v58 =	vmul.f32 v20, v20;
	v20 =	vmul.f32 v20, v22  }
0x7d: {  	v12 =	vadd.f32 v53, v12;
	v18 =	vmul.f32 v55, v59;
	v35 =	vmul.f32 v62, v62  }
0x7e: {  	v53 =	vmul.f32 v46, v46;
	v14 =	vadd.f32 $0.0e+00, v14;
	v13 =	vadd.f32 v13, v19  }
0x7f: {  	v55 =	vor.u32 $0x5, v5;
	v15 =	vadd.f32 v54, v15;
	v10 =	vadd.f32 v60, v10  }
0x80: {  	v19 =	vmul.f32 v57, v59;
	v60 =	vmul.f32 v52, v52;
	v16 =	vadd.f32 v16, v23  }
0x81: {  	v57 =	vld.idx.msk [tilespmem:v50+s11+$0x0], $0xffff;
	v50 =	vbroadcast v9, $0x7;
	v17 =	vadd.f32 v58, v17;
	v11 =	vadd.f32 v21, v11  }
0x82: {  	v12 =	vadd.f32 v29, v12;
	v23 =	vmul.f32 v62, v59;
	v58 =	vor.u32 $0x6, v8  }
0x83: {  	v22 =	vld.idx.msk [tilespmem:v41+s11+$0x0], $0xffff;
	v29 =	vor.u32 $0x6, v6;
	v14 =	vadd.f32 v20, v14;
	v13 =	vadd.f32 v18, v13  }
0x84: {  	v21 =	vld.idx.msk [tilespmem:v34+s11+$0x0], $0xffff;
	v34 =	vor.u32 $0x6, v5;
	v15 =	vadd.f32 v31, v15;
	v10 =	vadd.f32 v38, v10  }
0x85: {  	v18 =	vmul.f32 v33, v36;
	v16 =	vadd.f32 v19, v16;
	v17 =	vadd.f32 v35, v17  }
0x86: {  	v59 =	vld.idx.msk [tilespmem:v28+s11+$0x0], $0xffff;
	v38 =	vbroadcast v9, $0x6;
	v11 =	vadd.f32 v40, v11;
	v12 =	vadd.f32 v42, v12  }
0x87: {  	v19 =	vld.idx.msk [tilespmem:v47+s11+$0x0], $0xffff;
	v40 =	vor.u32 $0x7, v7;
	v42 =	vor.u32 $0x7, v6;
	v47 =	vor.u32 $0x7, v5  }
0x88: {  	v14 =	vadd.f32 v23, v14;
	v13 =	vadd.f32 v18, v13;
	v18 =	vmul.f32 v46, v48  }
0x89: {  	v20 =	vld.idx.msk [tilespmem:v32+s11+$0x0], $0xffff;
	v15 =	vadd.f32 v43, v15;
	v54 =	vmul.f32 v22, v22;
	v56 =	vmul.f32 v22, v48  }
0x8a: {  	v16 =	vadd.f32 v44, v16;
	v30 =	vmul.f32 v57, v57;
	v32 =	vmul.f32 v57, v61  }
0x8b: {  	v12 =	vadd.f32 v53, v12;
	v51 =	vmul.f32 v21, v21;
	v21 =	vmul.f32 v21, v48  }
0x8c: {  	v35 =	vld.idx.msk [tilespmem:v63+s11+$0x0], $0xffff;
	v13 =	vadd.f32 v18, v13;
	v15 =	vadd.f32 v54, v15;
	v33 =	vmul.f32 v59, v59  }
0x8d: {  	v31 =	vld.idx.msk [tilespmem:v58+s11+$0x0], $0xffff;
	v18 =	vmul.f32 v59, v61;
	v54 =	vor.u32 $0x8, v6;
	v58 =	vor.u32 $0x8, v5  }
0x8e: {  	v49 =	vmul.f32 v20, v20;
	v20 =	vmul.f32 v20, v36;
	v16 =	vadd.f32 v56, v16  }
0x8f: {  	v28 =	vld.idx.msk [tilespmem:v55+s11+$0x0], $0xffff;
	v12 =	vadd.f32 v30, v12;
	v36 =	vor.u32 $0x7, v8;
	v30 =	vbroadcast v9, $0x8  }
0x90: {  	v10 =	vadd.f32 v51, v10;
	v11 =	vadd.f32 v21, v11;
	v62 =	vmul.f32 v19, v19  }
0x91: {  	v19 =	vmul.f32 v19, v61;
	v13 =	vadd.f32 v32, v13;
	v15 =	vadd.f32 v33, v15  }
0x92: {  	v43 =	vmul.f32 v35, v35;
	v55 =	vld.idx.msk [tilespmem:v47+s11+$0x0], $0xffff;
	v32 =	vor.u32 $0x9, v7;
	v47 =	vor.u32 $0xA, v6  }
0x93: {  	v17 =	vadd.f32 v49, v17;
	v14 =	vadd.f32 v20, v14;
	v20 =	vmul.f32 v52, v48  }
0x94: {  	v26 =	vld.idx.msk [tilespmem:v29+s11+$0x0], $0xffff;
	v16 =	vadd.f32 v18, v16;
	v37 =	vmul.f32 v28, v28;
	v21 =	vmul.f32 v28, v61  }
0x95: {  	v49 =	vor.u32 $0x8, v8;
	v52 =	vor.u32 $0x8, v7;
	v61 =	vor.u32 $0x9, v8  }
0x96: {  	v10 =	vadd.f32 v62, v10;
	v11 =	vadd.f32 v19, v11;
	v19 =	vmul.f32 v35, v38  }
0x97: {  	v23 =	vld.idx.msk [tilespmem:v42+s11+$0x0], $0xffff;
	v12 =	vadd.f32 v43, v12;
	v43 =	vbroadcast v9, $0x9;
	v17 =	vadd.f32 v60, v17  }
0x98: {  	v14 =	vadd.f32 v20, v14;
	v39 =	vmul.f32 v31, v31;
	v41 =	vmul.f32 v31, v38  }
0x99: {  	v48 =	vld.idx.msk [tilespmem:v40+s11+$0x0], $0xffff;
	v45 =	vmul.f32 v26, v26;
	v46 =	vmul.f32 v26, v38;
	v13 =	vadd.f32 v19, v13  }
0x9a: {  	v20 =	vld.idx.msk [tilespmem:v34+s11+$0x0], $0xffff;
	v34 =	vor.u32 $0x9, v6;
	v17 =	vadd.f32 v37, v17;
	v14 =	vadd.f32 v21, v14  }
0x9b: {  	v62 =	vld.idx.msk [tilespmem:v54+s11+$0x0], $0xffff;
	v54 =	vor.u32 $0xB, v8;
	v10 =	vadd.f32 v39, v10;
	v11 =	vadd.f32 v41, v11  }
0x9c: {  	v33 =	vld.idx.msk [tilespmem:v58+s11+$0x0], $0xffff;
	v15 =	vadd.f32 v45, v15;
	v16 =	vadd.f32 v46, v16;
	v57 =	vmul.f32 v23, v23  }
0x9d: {  	v44 =	vld.idx.msk [tilespmem:v36+s11+$0x0], $0xffff;
	v59 =	vmul.f32 v23, v50;
	v63 =	vmul.f32 v55, v55;
	v39 =	vor.u32 $0x9, v5  }
0x9e: {  	v41 =	vor.u32 $0xA, v8;
	v45 =	vor.u32 $0xA, v7;
	v22 =	vld.idx.msk [tilespmem:v47+s11+$0x0], $0xffff;
	v47 =	vbroadcast v9, $0xC  }
0x9f: {  	v56 =	vmul.f32 v48, v48;
	v18 =	vmul.f32 v48, v50;
	v60 =	vld.idx.msk [tilespmem:v52+s11+$0x0], $0xffff;
	v52 =	vor.u32 $0xA, v5  }
0xa0: {  	v15 =	vadd.f32 v57, v15;
	v16 =	vadd.f32 v59, v16;
	v57 =	vor.u32 $0xB, v7  }
0xa1: {  	v40 =	vld.idx.msk [tilespmem:v32+s11+$0x0], $0xffff;
	v59 =	vor.u32 $0xB, v6;
	v51 =	vmul.f32 v20, v20;
	v20 =	vmul.f32 v20, v38  }
0xa2: {  	v19 =	vld.idx.msk [tilespmem:v49+s11+$0x0], $0xffff;
	v13 =	vadd.f32 v18, v13;
	v38 =	vmul.f32 v62, v62;
	v18 =	vmul.f32 v62, v30  }
0xa3: {  	v12 =	vadd.f32 v56, v12;
	v42 =	vmul.f32 v33, v33;
	v26 =	vld.idx.msk [tilespmem:v34+s11+$0x0], $0xffff;
	v34 =	vbroadcast v9, $0xB  }
0xa4: {  	v53 =	vmul.f32 v44, v44;
	v21 =	vmul.f32 v44, v50;
	v17 =	vadd.f32 v51, v17  }
0xa5: {  	v36 =	vld.idx.msk [tilespmem:v61+s11+$0x0], $0xffff;
	v14 =	vadd.f32 v20, v14;
	v20 =	vmul.f32 v55, v50;
	v15 =	vadd.f32 v38, v15  }
0xa6: {  	v16 =	vadd.f32 v18, v16;
	v48 =	vmul.f32 v40, v40;
	v55 =	vbroadcast v9, $0xA  }
0xa7: {  	v62 =	vmul.f32 v22, v22;
	v38 =	vor.u32 $0xC, v6;
	v31 =	vmul.f32 v19, v19  }
0xa8: {  	v10 =	vadd.f32 v53, v10;
	v19 =	vmul.f32 v19, v30;
	v35 =	vmul.f32 v60, v60  }
0xa9: {  	v11 =	vadd.f32 v21, v11;
	v37 =	vmul.f32 v60, v30;
	v21 =	vmul.f32 v33, v30  }
0xaa: {  	v44 =	vmul.f32 v36, v36;
	v46 =	vmul.f32 v36, v43;
	v36 =	vor.u32 $0xC, v7  }
0xab: {  	v53 =	vld.idx.msk [tilespmem:v45+s11+$0x0], $0xffff;
	v45 =	vor.u32 $0xD, v8;
	v17 =	vadd.f32 v63, v17;
	v14 =	vadd.f32 v20, v14  }
0xac: {  	v49 =	vld.idx.msk [tilespmem:v41+s11+$0x0], $0xffff;
	v63 =	vor.u32 $0xB, v5;
	v29 =	vmul.f32 v22, v55;
	v10 =	vadd.f32 v31, v10  }
0xad: {  	v32 =	vld.idx.msk [tilespmem:v59+s11+$0x0], $0xffff;
	v59 =	vbroadcast v9, $0xD;
	v11 =	vadd.f32 v19, v11;
	v12 =	vadd.f32 v35, v12  }
0xae: {  	v13 =	vadd.f32 v37, v13;
	v19 =	vmul.f32 v40, v43;
	v17 =	vadd.f32 v42, v17  }
0xaf: {  	v60 =	vld.idx.msk [tilespmem:v52+s11+$0x0], $0xffff;
	v50 =	vmul.f32 v26, v26;
	v14 =	vadd.f32 v21, v14;
	v10 =	vadd.f32 v44, v10  }
0xb0: {  	v20 =	vld.idx.msk [tilespmem:v39+s11+$0x0], $0xffff;
	v51 =	vmul.f32 v26, v43;
	v11 =	vadd.f32 v46, v11;
	v12 =	vadd.f32 v48, v12  }
0xb1: {  	v31 =	vor.u32 $0xC, v8;
	v13 =	vadd.f32 v19, v13;
	v15 =	vadd.f32 v50, v15  }
0xb2: {  	v30 =	vld.idx.msk [tilespmem:v57+s11+$0x0], $0xffff;
	v16 =	vadd.f32 v51, v16;
	v58 =	vmul.f32 v49, v49;
	v21 =	vmul.f32 v49, v55  }
0xb3: {  	v49 =	vor.u32 $0xD, v7;
	v51 =	vor.u32 $0xD, v6;
	v61 =	vmul.f32 v53, v53  }
0xb4: {  	v26 =	vld.idx.msk [tilespmem:v38+s11+$0x0], $0xffff;
	v38 =	vor.u32 $0xF, v8;
	v18 =	vmul.f32 v53, v55;
	v33 =	vmul.f32 v60, v60  }
0xb5: {  	v53 =	vld.idx.msk [tilespmem:v45+s11+$0x0], $0xffff;
	v45 =	vor.u32 $0xF, v6;
	v56 =	vmul.f32 v20, v20;
	v10 =	vadd.f32 v58, v10  }
0xb6: {  	v20 =	vmul.f32 v20, v43;
	v11 =	vadd.f32 v21, v11;
	v15 =	vadd.f32 v62, v15  }
0xb7: {  	v19 =	vld.idx.msk [tilespmem:v54+s11+$0x0], $0xffff;
	v16 =	vadd.f32 v29, v16;
	v39 =	vmul.f32 v30, v30;
	v41 =	vmul.f32 v30, v34  }
0xb8: {  	v42 =	vmul.f32 v32, v32;
	v43 =	vor.u32 $0xC, v5;
	v58 =	vor.u32 $0xE, v8  }
0xb9: {  	v37 =	vld.idx.msk [tilespmem:v63+s11+$0x0], $0xffff;
	v63 =	vor.u32 $0xE, v6;
	v30 =	vor.u32 $0x13, v6;
	v12 =	vadd.f32 v61, v12  }
0xba: {  	v13 =	vadd.f32 v18, v13;
	v18 =	vmul.f32 v32, v34;
	v61 =	vor.u32 $0xE, v7  }
0xbb: {  	v44 =	vld.idx.msk [tilespmem:v36+s11+$0x0], $0xffff;
	v17 =	vadd.f32 v56, v17;
	v14 =	vadd.f32 v20, v14;
	v20 =	vmul.f32 v60, v55  }
0xbc: {  	v15 =	vadd.f32 v42, v15;
	v56 =	vor.u32 $0xD, v5;
	v35 =	vmul.f32 v19, v19  }
0xbd: {  	v19 =	vmul.f32 v19, v34;
	v12 =	vadd.f32 v39, v12;
	v13 =	vadd.f32 v41, v13  }
0xbe: {  	v16 =	vadd.f32 v18, v16;
	v54 =	vmul.f32 v26, v26;
	v55 =	vmul.f32 v26, v47  }
0xbf: {  	v40 =	vld.idx.msk [tilespmem:v31+s11+$0x0], $0xffff;
	v41 =	vbroadcast v9, $0xE;
	v17 =	vadd.f32 v33, v17;
	v14 =	vadd.f32 v20, v14  }
0xc0: {  	v52 =	vmul.f32 v44, v44;
	v62 =	vmul.f32 v53, v53;
	v26 =	vld.idx.msk [tilespmem:v45+s11+$0x0], $0xffff;
	v45 =	vor.u32 $0x12, v8  }
0xc1: {  	v57 =	vld.idx.msk [tilespmem:v49+s11+$0x0], $0xffff;
	v10 =	vadd.f32 v35, v10;
	v11 =	vadd.f32 v19, v11;
	v46 =	vmul.f32 v37, v37  }
0xc2: {  	v23 =	vld.idx.msk [tilespmem:v51+s11+$0x0], $0xffff;
	v21 =	vmul.f32 v37, v34;
	v19 =	vmul.f32 v44, v47;
	v15 =	vadd.f32 v54, v15  }
0xc3: {  	v20 =	vld.idx.msk [tilespmem:v43+s11+$0x0], $0xffff;
	v16 =	vadd.f32 v55, v16;
	v35 =	vor.u32 $0xE, v5;
	v43 =	vor.u32 $0xF, v7  }
0xc4: {  	v39 =	vld.idx.msk [tilespmem:v63+s11+$0x0], $0xffff;
	v54 =	vbroadcast v9, $0xF;
	v63 =	vor.u32 $0x10, v5;
	v48 =	vmul.f32 v40, v40  }
0xc5: {  	v50 =	vmul.f32 v40, v47;
	v12 =	vadd.f32 v52, v12;
	v17 =	vadd.f32 v46, v17  }
0xc6: {  	v52 =	vor.u32 $0x10, v8;
	v14 =	vadd.f32 v21, v14;
	v13 =	vadd.f32 v19, v13;
	v32 =	vld.idx.msk [tilespmem:v56+s11+$0x0], $0xffff  }
0xc7: {  	v21 =	vmul.f32 v53, v59;
	v19 =	vld.idx.msk [tilespmem:v58+s11+$0x0], $0xffff;
	v56 =	vor.u32 $0x10, v7;
	v58 =	vor.u32 $0x10, v6  }
0xc8: {  	v10 =	vadd.f32 v48, v10;
	v33 =	vmul.f32 v57, v57;
	v18 =	vmul.f32 v57, v59  }
0xc9: {  	v9 =	vld [tilespmem:s17+$0x0];
	v11 =	vadd.f32 v50, v11;
	v34 =	vmul.f32 v23, v23;
	v36 =	vmul.f32 v23, v59  }
0xca: {  	v37 =	vld.idx.msk [tilespmem:v61+s11+$0x0], $0xffff;
	v50 =	vor.u32 $0xF, v5;
	v61 =	vmul.f32 v26, v26;
	v10 =	vadd.f32 v62, v10  }
0xcb: {  	v60 =	vmul.f32 v20, v20;
	v11 =	vadd.f32 v21, v11;
	v12 =	vadd.f32 v33, v12  }
0xcc: {  	v20 =	vmul.f32 v20, v47;
	v13 =	vadd.f32 v18, v13;
	v15 =	vadd.f32 v34, v15  }
0xcd: {  	v16 =	vadd.f32 v36, v16;
	v49 =	vmul.f32 v39, v39;
	v18 =	vmul.f32 v39, v41  }
0xce: {  	v47 =	vld.idx.msk [tilespmem:v38+s11+$0x0], $0xffff;
	v62 =	vmul.f32 v26, v54;
	v33 =	vor.u32 $0x11, v8;
	v34 =	vbroadcast v9, $0x0  }
0xcf: {  	v36 =	vor.u32 $0x11, v7;
	v38 =	vor.u32 $0x11, v6;
	v39 =	vld.idx.msk [tilespmem:v63+s11+$0x0], $0xffff;
	v63 =	vor.u32 $0x13, v7  }
0xd0: {  	v46 =	vmul.f32 v37, v37;
	v48 =	vmul.f32 v37, v41;
	v17 =	vadd.f32 v60, v17  }
0xd1: {  	v44 =	vld.idx.msk [tilespmem:v35+s11+$0x0], $0xffff;
	v14 =	vadd.f32 v20, v14;
	v40 =	vmul.f32 v32, v32;
	v20 =	vmul.f32 v32, v59  }
0xd2: {  	v42 =	vmul.f32 v19, v19;
	v15 =	vadd.f32 v49, v15;
	v16 =	vadd.f32 v18, v16  }
0xd3: {  	v51 =	vld.idx.msk [tilespmem:v43+s11+$0x0], $0xffff;
	v19 =	vmul.f32 v19, v41;
	v12 =	vadd.f32 v46, v12;
	v13 =	vadd.f32 v48, v13  }
0xd4: {  	v60 =	vld.idx.msk [tilespmem:v52+s11+$0x0], $0xffff;
	v52 =	vor.u32 $0x12, v6;
	v17 =	vadd.f32 v40, v17;
	v14 =	vadd.f32 v20, v14  }
0xd5: {  	v48 =	vbroadcast v9, $0x1;
	v10 =	vadd.f32 v42, v10;
	v11 =	vadd.f32 v19, v11  }
0xd6: {  	v32 =	vld.idx.msk [tilespmem:v56+s11+$0x0], $0xffff;
	v15 =	vadd.f32 v61, v15;
	v61 =	vbroadcast v9, $0x2;
	v53 =	vmul.f32 v44, v44  }
0xd7: {  	v22 =	vld.idx.msk [tilespmem:v58+s11+$0x0], $0xffff;
	v16 =	vadd.f32 v62, v16;
	v21 =	vmul.f32 v44, v41;
	v55 =	vmul.f32 v47, v47  }
0xd8: {  	v20 =	vld.idx.msk [tilespmem:v50+s11+$0x0], $0xffff;
	v42 =	vor.u32 $0x11, v5;
	v57 =	vmul.f32 v47, v54;
	v59 =	vmul.f32 v51, v51  }
0xd9: {  	v50 =	vor.u32 $0x12, v7;
	v19 =	vmul.f32 v51, v54;
	v44 =	vld.idx.msk [tilespmem:v36+s11+$0x0], $0xffff;
	v47 =	vmul.f32 v39, v39  }
0xda: {  	v46 =	vld.idx.msk [tilespmem:v38+s11+$0x0], $0xffff;
	v38 =	vbroadcast v9, $0x3;
	v17 =	vadd.f32 v53, v17;
	v14 =	vadd.f32 v21, v14  }
0xdb: {  	v36 =	vld.idx.msk [tilespmem:v63+s11+$0x0], $0xffff;
	v63 =	vor.u32 $0x16, v8;
	v10 =	vadd.f32 v55, v10;
	v11 =	vadd.f32 v57, v11  }
0xdc: {  	v12 =	vadd.f32 v59, v12;
	v37 =	vmul.f32 v60, v60;
	v21 =	vmul.f32 v60, v34  }
0xdd: {  	v23 =	vld.idx.msk [tilespmem:v30+s11+$0x0], $0xffff;
	v13 =	vadd.f32 v19, v13;
	v40 =	vmul.f32 v32, v32;
	v18 =	vmul.f32 v32, v34  }
0xde: {  	v41 =	vmul.f32 v22, v22;
	v43 =	vmul.f32 v22, v34;
	v57 =	vor.u32 $0x12, v5  }
0xdf: {  	v59 =	vor.u32 $0x13, v8;
	v26 =	vld.idx.msk [tilespmem:v52+s11+$0x0], $0xffff;
	v52 =	vbroadcast v9, $0x4;
	v10 =	vadd.f32 v37, v10  }
0xe0: {  	v35 =	vmul.f32 v20, v20;
	v11 =	vadd.f32 v21, v11;
	v12 =	vadd.f32 v40, v12  }
0xe1: {  	v19 =	vld.idx.msk [tilespmem:v33+s11+$0x0], $0xffff;
	v20 =	vmul.f32 v20, v54;
	v13 =	vadd.f32 v18, v13;
	v15 =	vadd.f32 v41, v15  }
0xe2: {  	v16 =	vadd.f32 v43, v16;
	v54 =	vld.idx.msk [tilespmem:v45+s11+$0x0], $0xffff;
	v37 =	vor.u32 $0x14, v8;
	v45 =	vmul.f32 v23, v23  }
0xe3: {  	v40 =	vor.u32 $0x14, v7;
	v53 =	vmul.f32 v44, v44;
	v55 =	vmul.f32 v44, v48  }
0xe4: {  	v51 =	vld.idx.msk [tilespmem:v42+s11+$0x0], $0xffff;
	v42 =	vor.u32 $0x14, v6;
	v56 =	vmul.f32 v46, v46;
	v18 =	vmul.f32 v46, v48  }
0xe5: {  	v44 =	vmul.f32 v36, v36;
	v46 =	vor.u32 $0x14, v5;
	v17 =	vadd.f32 v35, v17  }
0xe6: {  	v14 =	vadd.f32 v20, v14;
	v20 =	vmul.f32 v39, v34;
	v35 =	vor.u32 $0x13, v5  }
0xe7: {  	v49 =	vmul.f32 v19, v19;
	v19 =	vmul.f32 v19, v48;
	v12 =	vadd.f32 v53, v12  }
0xe8: {  	v58 =	vld.idx.msk [tilespmem:v50+s11+$0x0], $0xffff;
	v13 =	vadd.f32 v55, v13;
	v15 =	vadd.f32 v56, v15;
	v33 =	vmul.f32 v26, v26  }
0xe9: {  	v16 =	vadd.f32 v18, v16;
	v34 =	vmul.f32 v26, v61;
	v18 =	vmul.f32 v36, v38  }
0xea: {  	v56 =	vor.u32 $0x15, v6;
	v17 =	vadd.f32 v47, v17;
	v47 =	vmul.f32 v23, v38  }
0xeb: {  	v14 =	vadd.f32 v20, v14;
	v60 =	vmul.f32 v51, v51;
	v21 =	vmul.f32 v51, v48  }
0xec: {  	v10 =	vadd.f32 v49, v10;
	v62 =	vmul.f32 v54, v54;
	v29 =	vmul.f32 v54, v61  }
0xed: {  	v11 =	vadd.f32 v19, v11;
	v31 =	vmul.f32 v58, v58;
	v19 =	vmul.f32 v58, v61  }
0xee: {  	v15 =	vadd.f32 v33, v15;
	v16 =	vadd.f32 v34, v16;
	v49 =	vor.u32 $0x15, v8  }
0xef: {  	v32 =	vld.idx.msk [tilespmem:v59+s11+$0x0], $0xffff;
	v54 =	vor.u32 $0x15, v7;
	v17 =	vadd.f32 v60, v17;
	v14 =	vadd.f32 v21, v14  }
0xf0: {  	v20 =	vld.idx.msk [tilespmem:v57+s11+$0x0], $0xffff;
	v33 =	vor.u32 $0x16, v7;
	v10 =	vadd.f32 v62, v10;
	v11 =	vadd.f32 v29, v11  }
0xf1: {  	v48 =	vld.idx.msk [tilespmem:v40+s11+$0x0], $0xffff;
	v40 =	vor.u32 $0x16, v5;
	v12 =	vadd.f32 v31, v12;
	v13 =	vadd.f32 v19, v13  }
0xf2: {  	v50 =	vld.idx.msk [tilespmem:v42+s11+$0x0], $0xffff;
	v42 =	vor.u32 $0x17, v8;
	v15 =	vadd.f32 v45, v15;
	v16 =	vadd.f32 v47, v16  }
0xf3: {  	v43 =	vld.idx.msk [tilespmem:v35+s11+$0x0], $0xffff;
	v31 =	vbroadcast v9, $0x5;
	v35 =	vor.u32 $0x16, v6;
	v45 =	vor.u32 $0x17, v7  }
0xf4: {  	v55 =	vld.idx.msk [tilespmem:v46+s11+$0x0], $0xffff;
	v47 =	vor.u32 $0x17, v6;
	v41 =	vmul.f32 v32, v32;
	v21 =	vmul.f32 v32, v38  }
0xf5: {  	v39 =	vmul.f32 v20, v20;
	v20 =	vmul.f32 v20, v61;
	v12 =	vadd.f32 v44, v12  }
0xf6: {  	v19 =	vld.idx.msk [tilespmem:v37+s11+$0x0], $0xffff;
	v13 =	vadd.f32 v18, v13;
	v61 =	vor.u32 $0x15, v5;
	v10 =	vadd.f32 v41, v10  }
0xf7: {  	v37 =	vld.idx.msk [tilespmem:v63+s11+$0x0], $0xffff;
	v11 =	vadd.f32 v21, v11;
	v57 =	vmul.f32 v48, v48;
	v59 =	vmul.f32 v48, v52  }
0xf8: {  	v60 =	vmul.f32 v50, v50;
	v18 =	vmul.f32 v50, v52;
	v62 =	vld.idx.msk [tilespmem:v54+s11+$0x0], $0xffff;
	v54 =	vor.u32 $0x18, v8  }
0xf9: {  	v48 =	vld.idx.msk [tilespmem:v40+s11+$0x0], $0xffff;
	v40 =	vor.u32 $0x19, v6;
	v17 =	vadd.f32 v39, v17;
	v30 =	vmul.f32 v55, v55  }
0xfa: {  	v26 =	vld.idx.msk [tilespmem:v56+s11+$0x0], $0xffff;
	v14 =	vadd.f32 v20, v14;
	v21 =	vmul.f32 v55, v52;
	v51 =	vmul.f32 v43, v43  }
0xfb: {  	v20 =	vmul.f32 v43, v38;
	v53 =	vmul.f32 v19, v19;
	v12 =	vadd.f32 v57, v12  }
0xfc: {  	v58 =	vld.idx.msk [tilespmem:v49+s11+$0x0], $0xffff;
	v19 =	vmul.f32 v19, v52;
	v13 =	vadd.f32 v59, v13;
	v15 =	vadd.f32 v60, v15  }
0xfd: {  	v41 =	vld.idx.msk [tilespmem:v33+s11+$0x0], $0xffff;
	v16 =	vadd.f32 v18, v16;
	v43 =	vbroadcast v9, $0x6;
	v46 =	vmul.f32 v37, v37  }
0xfe: {  	v55 =	vld.idx.msk [tilespmem:v47+s11+$0x0], $0xffff;
	v57 =	vbroadcast v9, $0x7;
	v59 =	vor.u32 $0x18, v7;
	v47 =	vor.u32 $0x1A, v8  }
0xff: {  	v38 =	vmul.f32 v26, v26;
	v17 =	vadd.f32 v51, v17;
	v14 =	vadd.f32 v20, v14  }
0x100: {  	v22 =	vld.idx.msk [tilespmem:v35+s11+$0x0], $0xffff;
	v39 =	vmul.f32 v26, v31;
	v10 =	vadd.f32 v53, v10;
	v11 =	vadd.f32 v19, v11  }
0x101: {  	v20 =	vld.idx.msk [tilespmem:v61+s11+$0x0], $0xffff;
	v51 =	vor.u32 $0x17, v5;
	v61 =	vor.u32 $0x18, v6;
	v32 =	vmul.f32 v58, v58  }
0x102: {  	v53 =	vld.idx.msk [tilespmem:v45+s11+$0x0], $0xffff;
	v45 =	vor.u32 $0x19, v5;
	v34 =	vmul.f32 v58, v31;
	v36 =	vmul.f32 v62, v62  }
0x103: {  	v19 =	vmul.f32 v62, v31;
	v15 =	vadd.f32 v38, v15;
	v49 =	vmul.f32 v41, v41  }
0x104: {  	v16 =	vadd.f32 v39, v16;
	v18 =	vmul.f32 v41, v43;
	v56 =	vmul.f32 v48, v48  }
0x105: {  	v38 =	vor.u32 $0x19, v7;
	v17 =	vadd.f32 v30, v17;
	v14 =	vadd.f32 v21, v14  }
0x106: {  	v21 =	vmul.f32 v37, v43;
	v10 =	vadd.f32 v32, v10;
	v11 =	vadd.f32 v34, v11  }
0x107: {  	v12 =	vadd.f32 v36, v12;
	v13 =	vadd.f32 v19, v13;
	v50 =	vmul.f32 v22, v22  }
0x108: {  	v63 =	vld.idx.msk [tilespmem:v54+s11+$0x0], $0xffff;
	v52 =	vmul.f32 v22, v43;
	v32 =	vor.u32 $0x18, v5;
	v34 =	vor.u32 $0x19, v8  }
0x109: {  	v33 =	vld.idx.msk [tilespmem:v59+s11+$0x0], $0xffff;
	v36 =	vbroadcast v9, $0x8;
	v59 =	vor.u32 $0x1B, v8;
	v10 =	vadd.f32 v46, v10  }
0x10a: {  	v23 =	vld.idx.msk [tilespmem:v40+s11+$0x0], $0xffff;
	v44 =	vmul.f32 v20, v20;
	v11 =	vadd.f32 v21, v11;
	v12 =	vadd.f32 v49, v12  }
0x10b: {  	v20 =	vmul.f32 v20, v31;
	v13 =	vadd.f32 v18, v13;
	v15 =	vadd.f32 v50, v15  }
0x10c: {  	v16 =	vadd.f32 v52, v16;
	v62 =	vmul.f32 v53, v53;
	v30 =	vmul.f32 v53, v57  }
0x10d: {  	v19 =	vld.idx.msk [tilespmem:v42+s11+$0x0], $0xffff;
	v31 =	vmul.f32 v55, v55;
	v18 =	vmul.f32 v55, v57;
	v50 =	vor.u32 $0x1A, v7  }
0x10e: {  	v52 =	vor.u32 $0x1A, v6;
	v37 =	vmul.f32 v63, v63;
	v39 =	vmul.f32 v63, v36  }
0x10f: {  	v60 =	vld.idx.msk [tilespmem:v51+s11+$0x0], $0xffff;
	v55 =	vmul.f32 v23, v23;
	v17 =	vadd.f32 v44, v17;
	v14 =	vadd.f32 v20, v14  }
0x110: {  	v46 =	vld.idx.msk [tilespmem:v38+s11+$0x0], $0xffff;
	v38 =	vor.u32 $0x1C, v8;
	v12 =	vadd.f32 v62, v12;
	v13 =	vadd.f32 v30, v13  }
0x111: {  	v26 =	vld.idx.msk [tilespmem:v61+s11+$0x0], $0xffff;
	v20 =	vmul.f32 v48, v43;
	v15 =	vadd.f32 v31, v15;
	v16 =	vadd.f32 v18, v16  }
0x112: {  	v48 =	vbroadcast v9, $0x9;
	v30 =	vor.u32 $0x1B, v7;
	v58 =	vmul.f32 v19, v19  }
0x113: {  	v53 =	vld.idx.msk [tilespmem:v45+s11+$0x0], $0xffff;
	v19 =	vmul.f32 v19, v57;
	v41 =	vmul.f32 v33, v33;
	v17 =	vadd.f32 v56, v17  }
0x114: {  	v14 =	vadd.f32 v20, v14;
	v56 =	vor.u32 $0x1A, v5;
	v35 =	vmul.f32 v60, v60  }
0x115: {  	v11 =	vadd.f32 v19, v11;
	v21 =	vmul.f32 v60, v57;
	v19 =	vmul.f32 v33, v36  }
0x116: {  	v20 =	vld.idx.msk [tilespmem:v32+s11+$0x0], $0xffff;
	v32 =	vor.u32 $0x1B, v6;
	v43 =	vmul.f32 v26, v26;
	v44 =	vmul.f32 v26, v36  }
0x117: {  	v42 =	vld.idx.msk [tilespmem:v34+s11+$0x0], $0xffff;
	v10 =	vadd.f32 v58, v10;
	v57 =	vmul.f32 v23, v48;
	v60 =	vbroadcast v9, $0xA  }
0x118: {  	v34 =	vld.idx.msk [tilespmem:v59+s11+$0x0], $0xffff;
	v12 =	vadd.f32 v41, v12;
	v62 =	vmul.f32 v53, v53;
	v41 =	vbroadcast v9, $0xB  }
0x119: {  	v54 =	vmul.f32 v46, v46;
	v17 =	vadd.f32 v35, v17;
	v14 =	vadd.f32 v21, v14  }
0x11a: {  	v18 =	vmul.f32 v46, v48;
	v10 =	vadd.f32 v37, v10;
	v11 =	vadd.f32 v39, v11  }
0x11b: {  	v46 =	vor.u32 $0x1C, v6;
	v13 =	vadd.f32 v19, v13;
	v15 =	vadd.f32 v43, v15  }
0x11c: {  	v58 =	vld.idx.msk [tilespmem:v50+s11+$0x0], $0xffff;
	v16 =	vadd.f32 v44, v16;
	v43 =	vor.u32 $0x1C, v7;
	v51 =	vmul.f32 v42, v42  }
0x11d: {  	v61 =	vld.idx.msk [tilespmem:v52+s11+$0x0], $0xffff;
	v21 =	vmul.f32 v42, v48;
	v12 =	vadd.f32 v54, v12;
	v42 =	vmul.f32 v34, v34  }
0x11e: {  	v44 =	vmul.f32 v34, v41;
	v34 =	vor.u32 $0x1E, v7;
	v49 =	vmul.f32 v20, v20  }
0x11f: {  	v20 =	vmul.f32 v20, v36;
	v13 =	vadd.f32 v18, v13;
	v15 =	vadd.f32 v55, v15  }
0x120: {  	v16 =	vadd.f32 v57, v16;
	v31 =	vld.idx.msk [tilespmem:v56+s11+$0x0], $0xffff;
	v36 =	vor.u32 $0x1B, v5;
	v56 =	vor.u32 $0x1D, v8  }
0x121: {  	v19 =	vld.idx.msk [tilespmem:v47+s11+$0x0], $0xffff;
	v57 =	vbroadcast v9, $0xC;
	v10 =	vadd.f32 v51, v10;
	v33 =	vmul.f32 v58, v58  }
0x122: {  	v39 =	vld.idx.msk [tilespmem:v30+s11+$0x0], $0xffff;
	v11 =	vadd.f32 v21, v11;
	v23 =	vmul.f32 v58, v60;
	v35 =	vmul.f32 v61, v61  }
0x123: {  	v47 =	vld.idx.msk [tilespmem:v38+s11+$0x0], $0xffff;
	v37 =	vmul.f32 v61, v60;
	v51 =	vor.u32 $0x1C, v5;
	v58 =	vor.u32 $0x1D, v7  }
0x124: {  	v21 =	vld.idx.msk [tilespmem:v32+s11+$0x0], $0xffff;
	v61 =	vor.u32 $0x1D, v6;
	v32 =	vor.u32 $0x1E, v8;
	v8 =	vor.u32 $0x1F, v8  }
0x125: {  	v7 =	vor.u32 $0x1F, v7;
	v14 =	vadd.f32 v20, v14;
	v20 =	vmul.f32 v53, v48  }
0x126: {  	v17 =	vadd.f32 v49, v17;
	v54 =	vld.idx.msk [tilespmem:v46+s11+$0x0], $0xffff;
	v46 =	vbroadcast v9, $0xE;
	v63 =	vmul.f32 v19, v19  }
0x127: {  	v19 =	vmul.f32 v19, v60;
	v12 =	vadd.f32 v33, v12;
	v13 =	vadd.f32 v23, v13  }
0x128: {  	v15 =	vadd.f32 v35, v15;
	v48 =	vmul.f32 v39, v39;
	v49 =	vmul.f32 v39, v41  }
0x129: {  	v16 =	vadd.f32 v37, v16;
	v55 =	vmul.f32 v47, v47;
	v33 =	vbroadcast v9, $0xD  }
0x12a: {  	v39 =	vor.u32 $0x1E, v5;
	v17 =	vadd.f32 v62, v17;
	v14 =	vadd.f32 v20, v14  }
0x12b: {  	v9 =	vbroadcast v9, $0xF;
	v10 =	vadd.f32 v63, v10;
	v11 =	vadd.f32 v19, v11  }
0x12c: {  	v52 =	vld.idx.msk [tilespmem:v43+s11+$0x0], $0xffff;
	v40 =	vmul.f32 v31, v31;
	v18 =	vmul.f32 v31, v60;
	v12 =	vadd.f32 v48, v12  }
0x12d: {  	v45 =	vld.idx.msk [tilespmem:v36+s11+$0x0], $0xffff;
	v13 =	vadd.f32 v49, v13;
	v63 =	vor.u32 $0x1D, v5;
	v36 =	vor.u32 $0x1E, v6  }
0x12e: {  	v6 =	vor.u32 $0x1F, v6;
	v5 =	vor.u32 $0x1F, v5;
	v50 =	vmul.f32 v21, v21  }
0x12f: {  	v29 =	vld.idx.msk [tilespmem:v56+s11+$0x0], $0xffff;
	v21 =	vmul.f32 v21, v41;
	v17 =	vadd.f32 v40, v17;
	v14 =	vadd.f32 v18, v14  }
0x130: {  	v59 =	vld.idx.msk [tilespmem:v51+s11+$0x0], $0xffff;
	v10 =	vadd.f32 v42, v10;
	v11 =	vadd.f32 v44, v11;
	v18 =	vmul.f32 v47, v57  }
0x131: {  	v30 =	vld.idx.msk [tilespmem:v58+s11+$0x0], $0xffff;
	v62 =	vmul.f32 v54, v54;
	v15 =	vadd.f32 v50, v15;
	v60 =	vmul.f32 v52, v52  }
0x132: {  	s18 =	sadd.s32 $0xFFFFFFD0, s15;
	v25 =	vld.idx.msk [tilespmem:v61+s11+$0x0], $0xffff;
	v16 =	vadd.f32 v21, v16;
	v19 =	vmul.f32 v52, v57;
	v21 =	vmul.f32 v54, v57  }
0x133: {  	v7 =	vld.idx.msk [tilespmem:v7+s11+$0x0], $0xffff;
	v54 =	vadd.s32 s18, v0;
	v10 =	vadd.f32 v55, v10;
	v53 =	vmul.f32 v45, v45  }
0x134: {  	v11 =	vadd.f32 v18, v11;
	v22 =	vmul.f32 v45, v41;
	v37 =	vmul.f32 v29, v29  }
0x135: {  	v40 =	vld.idx.msk [tilespmem:v32+s11+$0x0], $0xffff;
	v12 =	vadd.f32 v60, v12;
	v18 =	vmul.f32 v29, v33;
	v31 =	vmul.f32 v59, v59  }
0x136: {  	v42 =	vld.idx.msk [tilespmem:v34+s11+$0x0], $0xffff;
	v13 =	vadd.f32 v19, v13;
	v20 =	vmul.f32 v59, v57;
	v38 =	vmul.f32 v30, v30  }
0x137: {  	v8 =	vld.idx.msk [tilespmem:v8+s11+$0x0], $0xffff;
	v15 =	vadd.f32 v62, v15;
	v19 =	vmul.f32 v30, v33;
	v41 =	vmul.f32 v25, v25  }
0x138: {  	s18 =	sadd.s32 $0xFFFFFFE0, s15;
	v16 =	vadd.f32 v21, v16;
	v43 =	vmul.f32 v25, v33;
	v56 =	vmul.f32 v7, v7  }
0x139: {  	v47 =	vld.idx.msk [tilespmem:v39+s11+$0x0], $0xffff;
	v57 =	vadd.s32 s18, v0;
	v7 =	vmul.f32 v7, v9;
	v17 =	vadd.f32 v53, v17  }
0x13a: {  	v14 =	vadd.f32 v22, v14;
	v10 =	vadd.f32 v37, v10;
	v48 =	vmul.f32 v40, v40  }
0x13b: {  	v35 =	vld.idx.msk [tilespmem:v63+s11+$0x0], $0xffff;
	v11 =	vadd.f32 v18, v11;
	v18 =	vmul.f32 v40, v46;
	v49 =	vmul.f32 v42, v42  }
0x13c: {  	v23 =	vld.idx.msk [tilespmem:v36+s11+$0x0], $0xffff;
	v53 =	vmul.f32 v8, v8;
	v12 =	vadd.f32 v38, v12;
	v13 =	vadd.f32 v19, v13  }
0x13d: {  	v6 =	vld.idx.msk [tilespmem:v6+s11+$0x0], $0xffff;
	v8 =	vmul.f32 v8, v9;
	v15 =	vadd.f32 v41, v15;
	v16 =	vadd.f32 v43, v16  }
0x13e: {  	v5 =	vld.idx.msk [tilespmem:v5+s11+$0x0], $0xffff;
	v52 =	vmul.f32 v47, v47;
	v55 =	vmul.f32 v47, v46;
	v17 =	vadd.f32 v31, v17  }
0x13f: {  	v14 =	vadd.f32 v20, v14;
	v20 =	vmul.f32 v42, v46;
	v10 =	vadd.f32 v48, v10  }
0x140: {  	v11 =	vadd.f32 v18, v11;
	v44 =	vmul.f32 v35, v35;
	v45 =	vmul.f32 v35, v33  }
0x141: {  	v50 =	vmul.f32 v23, v23;
	v12 =	vadd.f32 v49, v12;
	v51 =	vmul.f32 v23, v46  }
0x142: {  	v59 =	vmul.f32 v6, v6;
	v6 =	vmul.f32 v6, v9;
	v13 =	vadd.f32 v20, v13  }
0x143: {  	v62 =	vmul.f32 v5, v5;
	v10 =	vadd.f32 v53, v10;
	v8 =	vadd.f32 v8, v11  }
0x144: {  	s18 =	sadd.s32 $0xFFFFFFF0, s15;
	v5 =	vmul.f32 v5, v9;
	v17 =	vadd.f32 v44, v17;
	v14 =	vadd.f32 v45, v14  }
0x145: {  	v60 =	vadd.s32 s18, v0;
	v15 =	vadd.f32 v50, v15;
	v58 =	vadd.f32 v56, v12;
	[tilespmem:v4+s29+$0x0] =	vst.idx.msk $0xffff, v10  }
0x146: {  	v16 =	vadd.f32 v51, v16;
	v7 =	vadd.f32 v7, v13;
	[tilespmem:v54+s0+$0x0] =	vst.idx.msk vm0, v8  }
0x147: {  	p0 =	sne.s32 s15, $0x30E;
	v17 =	vadd.f32 v52, v17;
	v61 =	vadd.f32 v59, v15;
	[tilespmem:v2+s29+$0x0] =	vst.idx.msk $0xffff, v58;
	v2 =	vadd.s32 s15, v0  }
.Ltmp0:
0x148: {  	v14 =	vadd.f32 v55, v14;
	v6 =	vadd.f32 v6, v16;
	[tilespmem:v57+s0+$0x0] =	vst.idx.msk $0xffff, v7;
	(pc) =	sbr.rel @p0 .LBB2_3-.Ltmp0, $4  }
0x149: {  	v63 =	vadd.f32 v62, v17;
	[tilespmem:v3+s29+$0x0] =	vst.idx.msk $0xffff, v61  }
0x14a: {  	v3 =	vadd.f32 v5, v14;
	[tilespmem:v60+s0+$0x0] =	vst.idx.msk $0xffff, v6  }
0x14b: {  	[tilespmem:v1+s29+$0x0] =	vst.idx.msk $0x3, v63  }
0x14c: {  	s16 =	sadd.s32 $0x32, s16;
	s17 =	sadd.s32 $0x640, s17;
	s15 =	sadd.s32 $0x31, s15;
	[tilespmem:v2+s0+$0x0] =	vst.idx.msk $0x3, v3  }
0x14d: {  	s14 =	sadd.s32 s5, s14;
	s13 =	smul.u32 $0x31, s13  }
0x14e: {  	[hbm4b:s14+s2] =	stream.linear.scatter [tilespmem:s29], [sflag:$0x2], $0x320, $0x38;
	[tilespmem:$0xD470] =	vst v63  }
0x14f: {  	_ =	swait.ge [sflag:s9], $0x320  }
0x150: {  	s13 =	sshrl.u32 s13, $0x3;
	[sflag:s9] =	ssyncset.done $0x0  }
0x151: {  	s13 =	sadd.s32 s6, s13;
	[sflag:s9] =	ssyncadd.s32 $0xFFFFFCE0  }
0x152: {  	[hbm4b:s13+s2] =	stream.linear.scatter [tilespmem:s0], [sflag:$0x2], $0x310, $0x38;
	[tilespmem:$0xD470] =	vst v63  }
0x153: {  	_ =	swait.ge [sflag:s9], $0x310  }
0x154: {  	[sflag:s9] =	ssyncset.done $0x0  }
0x155: {  	[sflag:s9] =	ssyncadd.s32 $0xFFFFFCF0  }
0x156: {  	_ =	swait.ge [sflag:s28], $0xA00  }
0x157: {  	[sflag:s28] =	ssyncset.done $0x0  }
0x158: {  	[sflag:s28] =	ssyncadd.s32 $0xFFFFF600  }
0x159: {  	_ =	swait.ge [sflag:s28], $0xA00  }
0x15a: {  	[sflag:s28] =	ssyncset.done $0x0  }
0x15b: {  	[sflag:s28] =	ssyncadd.s32 $0xFFFFF600  }
0x15c: {  	_ =	swait.ge [sflag:s28], $0xA00  }
0x15d: {  	[sflag:s28] =	ssyncset.done $0x0  }
0x15e: {  	[sflag:s28] =	ssyncadd.s32 $0xFFFFF600  }
0x15f: {  	_ =	swait.ge [sflag:s28], $0xA00  }
0x160: {  	[sflag:s28] =	ssyncset.done $0x0  }
0x161: {  	[sflag:s28] =	ssyncadd.s32 $0xFFFFF600  }
0x162: {  	_ =	swait.ge [sflag:s28], $0xA00  }
0x163: {  	[sflag:s28] =	ssyncset.done $0x0  }
0x164: {  	[sflag:s28] =	ssyncadd.s32 $0xFFFFF600  }
0x165: {  	_ =	swait.ge [sflag:s28], $0xA00  }
0x166: {  	[sflag:s28] =	ssyncset.done $0x0  }
0x167: {  	[sflag:s28] =	ssyncadd.s32 $0xFFFFF600  }
0x168: {  	_ =	swait.ge [sflag:s28], $0xA00  }
0x169: {  	[sflag:s28] =	ssyncset.done $0x0  }
0x16a: {  	[sflag:s28] =	ssyncadd.s32 $0xFFFFF600  }
0x16b: {  	_ =	swait.ge [sflag:s28], $0xA00  }
0x16c: {  	[sflag:s28] =	ssyncset.done $0x0  }
0x16d: {  	[sflag:s28] =	ssyncadd.s32 $0xFFFFF600  }
0x16e: {  	_ =	swait.ge [sflag:s28], $0xA00  }
0x16f: {  	[sflag:s28] =	ssyncset.done $0x0  }
0x170: {  	[sflag:s28] =	ssyncadd.s32 $0xFFFFF600  }
0x171: {  	_ =	swait.ge [sflag:s28], $0xA00  }
0x172: {  	s15 =	simm.s32 $0x6A50;
	[sflag:s28] =	ssyncset.done $0x0  }
0x173: {  	s14 =	simm.s32 $0x30;
	s13 =	simm.s32 $0x2F;
	[sflag:s28] =	ssyncadd.s32 $0xFFFFF600  }
.LBB2_5:
0x174: {  	s16 =	sadd.s32 $0xFFFFFFD0, s14  }
0x175: {  	s18 =	sadd.s32 $0xFFFFFFE0, s14;
	v1 =	vadd.s32 s16, v0  }
0x176: {  	v2 =	vadd.s32 s18, v0;
	vm1 =	vlt.s32 v1, $0x31F  }
0x177: {  	v4 =	vnsel vm1, $0x31F, v1;
	vm1 =	vlt.s32 v2, $0x31F  }
0x178: {  	v9 =	vld [tilespmem:s15+$0xFFFFFFF0];
	v2 =	vnsel vm1, $0x31F, v2;
	v8 =	vshll.u32 v4, $0x5  }
0x179: {  	s17 =	sadd.s32 $0xFFFFFFF0, s14;
	v7 =	vshll.u32 v2, $0x5  }
0x17a: {  	v1 =	vadd.s32 s17, v0;
	v11 =	vor.u32 $0x1, v8  }
0x17b: {  	vm1 =	vlt.s32 v1, $0x31F;
	v21 =	vor.u32 $0x2, v8  }
0x17c: {  	v5 =	vadd.s32 s14, v0;
	v3 =	vnsel vm1, $0x31F, v1;
	v56 =	vor.u32 $0x3, v8  }
0x17d: {  	vm1 =	vlt.s32 v5, $0x31F;
	v14 =	vbroadcast v9, $0x0;
	v6 =	vshll.u32 v3, $0x5;
	v10 =	vld.idx.msk [tilespmem:v8+s31+$0x0], $0xffff  }
0x17e: {  	v22 =	vbroadcast v9, $0x1;
	v59 =	vbroadcast v9, $0x2;
	v61 =	vor.u32 $0x3, v7;
	v12 =	vld.idx.msk [tilespmem:v7+s31+$0x0], $0xffff  }
0x17f: {  	v34 =	vor.u32 $0x4, v8;
	v36 =	vbroadcast v9, $0x3;
	v13 =	vor.u32 $0x1, v7;
	v11 =	vld.idx.msk [tilespmem:v11+s31+$0x0], $0xffff  }
0x180: {  	v47 =	vor.u32 $0x5, v8;
	v1 =	vnsel vm1, $0x31F, v5;
	v24 =	vor.u32 $0x2, v7;
	v21 =	vld.idx.msk [tilespmem:v21+s31+$0x0], $0xffff  }
0x181: {  	v48 =	vbroadcast v9, $0x4;
	v39 =	vor.u32 $0x4, v7;
	v5 =	vshll.u32 v1, $0x5;
	v30 =	vld.idx.msk [tilespmem:v56+s31+$0x0], $0xffff  }
0x182: {  	v50 =	vor.u32 $0x5, v7;
	v16 =	vor.u32 $0x1, v6;
	v26 =	vor.u32 $0x2, v6;
	v15 =	vld.idx.msk [tilespmem:v6+s31+$0x0], $0xffff  }
0x183: {  	v63 =	vor.u32 $0x3, v6;
	v33 =	vld.idx.msk [tilespmem:v61+s31+$0x0], $0xffff;
	v61 =	vbroadcast v9, $0x5;
	v18 =	vmul.f32 v10, v14  }
0x184: {  	v41 =	vor.u32 $0x4, v6;
	v13 =	vld.idx.msk [tilespmem:v13+s31+$0x0], $0xffff;
	v10 =	vmul.f32 v10, v10;
	v19 =	vmul.f32 v12, v14  }
0x185: {  	v20 =	vor.u32 $0x1, v5;
	v55 =	vld.idx.msk [tilespmem:v24+s31+$0x0], $0xffff;
	v12 =	vmul.f32 v12, v12;
	v25 =	vmul.f32 v11, v11  }
0x186: {  	v27 =	vor.u32 $0x2, v5;
	v17 =	vld.idx.msk [tilespmem:v5+s31+$0x0], $0xffff;
	v11 =	vmul.f32 v11, v22;
	v60 =	vmul.f32 v21, v21  }
0x187: {  	v28 =	vor.u32 $0x5, v6;
	v16 =	vld.idx.msk [tilespmem:v16+s31+$0x0], $0xffff;
	v21 =	vmul.f32 v21, v59;
	v38 =	vmul.f32 v30, v30  }
0x188: {  	v32 =	vor.u32 $0x3, v5;
	v57 =	vld.idx.msk [tilespmem:v26+s31+$0x0], $0xffff;
	v40 =	vmul.f32 v30, v36;
	v23 =	vmul.f32 v15, v14  }
0x189: {  	v45 =	vor.u32 $0x4, v5;
	v37 =	vld.idx.msk [tilespmem:v63+s31+$0x0], $0xffff;
	v15 =	vmul.f32 v15, v15;
	v53 =	vmul.f32 v13, v13  }
0x18a: {  	v63 =	vor.u32 $0x6, v7;
	v20 =	vld.idx.msk [tilespmem:v20+s31+$0x0], $0xffff;
	v13 =	vmul.f32 v13, v22;
	v29 =	vmul.f32 v55, v55  }
0x18b: {  	v62 =	vld.idx.msk [tilespmem:v27+s31+$0x0], $0xffff;
	v18 =	vadd.f32 $0.0e+00, v18;
	v42 =	vmul.f32 v33, v33;
	v14 =	vmul.f32 v17, v14  }
0x18c: {  	v46 =	vld.idx.msk [tilespmem:v39+s31+$0x0], $0xffff;
	v19 =	vadd.f32 $0.0e+00, v19;
	v54 =	vmul.f32 v16, v16;
	v16 =	vmul.f32 v16, v22  }
0x18d: {  	v10 =	vadd.f32 v25, v10;
	v17 =	vmul.f32 v17, v17;
	v31 =	vmul.f32 v57, v57  }
0x18e: {  	v52 =	vld.idx.msk [tilespmem:v45+s31+$0x0], $0xffff;
	v43 =	vmul.f32 v37, v37;
	v44 =	vmul.f32 v37, v36;
	v23 =	vadd.f32 $0.0e+00, v23  }
0x18f: {  	v11 =	vadd.f32 v11, v18;
	v58 =	vmul.f32 v20, v20;
	v20 =	vmul.f32 v20, v22  }
0x190: {  	v12 =	vadd.f32 v53, v12;
	v18 =	vmul.f32 v55, v59;
	v35 =	vmul.f32 v62, v62  }
0x191: {  	v53 =	vmul.f32 v46, v46;
	v14 =	vadd.f32 $0.0e+00, v14;
	v13 =	vadd.f32 v13, v19  }
0x192: {  	v55 =	vor.u32 $0x5, v5;
	v15 =	vadd.f32 v54, v15;
	v10 =	vadd.f32 v60, v10  }
0x193: {  	v19 =	vmul.f32 v57, v59;
	v60 =	vmul.f32 v52, v52;
	v16 =	vadd.f32 v16, v23  }
0x194: {  	v57 =	vld.idx.msk [tilespmem:v50+s31+$0x0], $0xffff;
	v50 =	vbroadcast v9, $0x7;
	v17 =	vadd.f32 v58, v17;
	v11 =	vadd.f32 v21, v11  }
0x195: {  	v12 =	vadd.f32 v29, v12;
	v23 =	vmul.f32 v62, v59;
	v58 =	vor.u32 $0x6, v8  }
0x196: {  	v22 =	vld.idx.msk [tilespmem:v41+s31+$0x0], $0xffff;
	v29 =	vor.u32 $0x6, v6;
	v14 =	vadd.f32 v20, v14;
	v13 =	vadd.f32 v18, v13  }
0x197: {  	v21 =	vld.idx.msk [tilespmem:v34+s31+$0x0], $0xffff;
	v34 =	vor.u32 $0x6, v5;
	v15 =	vadd.f32 v31, v15;
	v10 =	vadd.f32 v38, v10  }
0x198: {  	v18 =	vmul.f32 v33, v36;
	v16 =	vadd.f32 v19, v16;
	v17 =	vadd.f32 v35, v17  }
0x199: {  	v59 =	vld.idx.msk [tilespmem:v28+s31+$0x0], $0xffff;
	v38 =	vbroadcast v9, $0x6;
	v11 =	vadd.f32 v40, v11;
	v12 =	vadd.f32 v42, v12  }
0x19a: {  	v19 =	vld.idx.msk [tilespmem:v47+s31+$0x0], $0xffff;
	v40 =	vor.u32 $0x7, v7;
	v42 =	vor.u32 $0x7, v6;
	v47 =	vor.u32 $0x7, v5  }
0x19b: {  	v14 =	vadd.f32 v23, v14;
	v13 =	vadd.f32 v18, v13;
	v18 =	vmul.f32 v46, v48  }
0x19c: {  	v20 =	vld.idx.msk [tilespmem:v32+s31+$0x0], $0xffff;
	v15 =	vadd.f32 v43, v15;
	v54 =	vmul.f32 v22, v22;
	v56 =	vmul.f32 v22, v48  }
0x19d: {  	v16 =	vadd.f32 v44, v16;
	v30 =	vmul.f32 v57, v57;
	v32 =	vmul.f32 v57, v61  }
0x19e: {  	v12 =	vadd.f32 v53, v12;
	v51 =	vmul.f32 v21, v21;
	v21 =	vmul.f32 v21, v48  }
0x19f: {  	v35 =	vld.idx.msk [tilespmem:v63+s31+$0x0], $0xffff;
	v13 =	vadd.f32 v18, v13;
	v15 =	vadd.f32 v54, v15;
	v33 =	vmul.f32 v59, v59  }
0x1a0: {  	v31 =	vld.idx.msk [tilespmem:v58+s31+$0x0], $0xffff;
	v18 =	vmul.f32 v59, v61;
	v54 =	vor.u32 $0x8, v6;
	v58 =	vor.u32 $0x8, v5  }
0x1a1: {  	v49 =	vmul.f32 v20, v20;
	v20 =	vmul.f32 v20, v36;
	v16 =	vadd.f32 v56, v16  }
0x1a2: {  	v28 =	vld.idx.msk [tilespmem:v55+s31+$0x0], $0xffff;
	v12 =	vadd.f32 v30, v12;
	v36 =	vor.u32 $0x7, v8;
	v30 =	vbroadcast v9, $0x8  }
0x1a3: {  	v10 =	vadd.f32 v51, v10;
	v11 =	vadd.f32 v21, v11;
	v62 =	vmul.f32 v19, v19  }
0x1a4: {  	v19 =	vmul.f32 v19, v61;
	v13 =	vadd.f32 v32, v13;
	v15 =	vadd.f32 v33, v15  }
0x1a5: {  	v43 =	vmul.f32 v35, v35;
	v55 =	vld.idx.msk [tilespmem:v47+s31+$0x0], $0xffff;
	v32 =	vor.u32 $0x9, v7;
	v47 =	vor.u32 $0xA, v6  }
0x1a6: {  	v17 =	vadd.f32 v49, v17;
	v14 =	vadd.f32 v20, v14;
	v20 =	vmul.f32 v52, v48  }
0x1a7: {  	v26 =	vld.idx.msk [tilespmem:v29+s31+$0x0], $0xffff;
	v16 =	vadd.f32 v18, v16;
	v37 =	vmul.f32 v28, v28;
	v21 =	vmul.f32 v28, v61  }
0x1a8: {  	v49 =	vor.u32 $0x8, v8;
	v52 =	vor.u32 $0x8, v7;
	v61 =	vor.u32 $0x9, v8  }
0x1a9: {  	v10 =	vadd.f32 v62, v10;
	v11 =	vadd.f32 v19, v11;
	v19 =	vmul.f32 v35, v38  }
0x1aa: {  	v23 =	vld.idx.msk [tilespmem:v42+s31+$0x0], $0xffff;
	v12 =	vadd.f32 v43, v12;
	v43 =	vbroadcast v9, $0x9;
	v17 =	vadd.f32 v60, v17  }
0x1ab: {  	v14 =	vadd.f32 v20, v14;
	v39 =	vmul.f32 v31, v31;
	v41 =	vmul.f32 v31, v38  }
0x1ac: {  	v48 =	vld.idx.msk [tilespmem:v40+s31+$0x0], $0xffff;
	v45 =	vmul.f32 v26, v26;
	v46 =	vmul.f32 v26, v38;
	v13 =	vadd.f32 v19, v13  }
0x1ad: {  	v20 =	vld.idx.msk [tilespmem:v34+s31+$0x0], $0xffff;
	v34 =	vor.u32 $0x9, v6;
	v17 =	vadd.f32 v37, v17;
	v14 =	vadd.f32 v21, v14  }
0x1ae: {  	v62 =	vld.idx.msk [tilespmem:v54+s31+$0x0], $0xffff;
	v54 =	vor.u32 $0xB, v8;
	v10 =	vadd.f32 v39, v10;
	v11 =	vadd.f32 v41, v11  }
0x1af: {  	v33 =	vld.idx.msk [tilespmem:v58+s31+$0x0], $0xffff;
	v15 =	vadd.f32 v45, v15;
	v16 =	vadd.f32 v46, v16;
	v57 =	vmul.f32 v23, v23  }
0x1b0: {  	v44 =	vld.idx.msk [tilespmem:v36+s31+$0x0], $0xffff;
	v59 =	vmul.f32 v23, v50;
	v63 =	vmul.f32 v55, v55;
	v39 =	vor.u32 $0x9, v5  }
0x1b1: {  	v41 =	vor.u32 $0xA, v8;
	v45 =	vor.u32 $0xA, v7;
	v22 =	vld.idx.msk [tilespmem:v47+s31+$0x0], $0xffff;
	v47 =	vbroadcast v9, $0xC  }
0x1b2: {  	v56 =	vmul.f32 v48, v48;
	v18 =	vmul.f32 v48, v50;
	v60 =	vld.idx.msk [tilespmem:v52+s31+$0x0], $0xffff;
	v52 =	vor.u32 $0xA, v5  }
0x1b3: {  	v15 =	vadd.f32 v57, v15;
	v16 =	vadd.f32 v59, v16;
	v57 =	vor.u32 $0xB, v7  }
0x1b4: {  	v40 =	vld.idx.msk [tilespmem:v32+s31+$0x0], $0xffff;
	v59 =	vor.u32 $0xB, v6;
	v51 =	vmul.f32 v20, v20;
	v20 =	vmul.f32 v20, v38  }
0x1b5: {  	v19 =	vld.idx.msk [tilespmem:v49+s31+$0x0], $0xffff;
	v13 =	vadd.f32 v18, v13;
	v38 =	vmul.f32 v62, v62;
	v18 =	vmul.f32 v62, v30  }
0x1b6: {  	v12 =	vadd.f32 v56, v12;
	v42 =	vmul.f32 v33, v33;
	v26 =	vld.idx.msk [tilespmem:v34+s31+$0x0], $0xffff;
	v34 =	vbroadcast v9, $0xB  }
0x1b7: {  	v53 =	vmul.f32 v44, v44;
	v21 =	vmul.f32 v44, v50;
	v17 =	vadd.f32 v51, v17  }
0x1b8: {  	v36 =	vld.idx.msk [tilespmem:v61+s31+$0x0], $0xffff;
	v14 =	vadd.f32 v20, v14;
	v20 =	vmul.f32 v55, v50;
	v15 =	vadd.f32 v38, v15  }
0x1b9: {  	v16 =	vadd.f32 v18, v16;
	v48 =	vmul.f32 v40, v40;
	v55 =	vbroadcast v9, $0xA  }
0x1ba: {  	v62 =	vmul.f32 v22, v22;
	v38 =	vor.u32 $0xC, v6;
	v31 =	vmul.f32 v19, v19  }
0x1bb: {  	v10 =	vadd.f32 v53, v10;
	v19 =	vmul.f32 v19, v30;
	v35 =	vmul.f32 v60, v60  }
0x1bc: {  	v11 =	vadd.f32 v21, v11;
	v37 =	vmul.f32 v60, v30;
	v21 =	vmul.f32 v33, v30  }
0x1bd: {  	v44 =	vmul.f32 v36, v36;
	v46 =	vmul.f32 v36, v43;
	v36 =	vor.u32 $0xC, v7  }
0x1be: {  	v53 =	vld.idx.msk [tilespmem:v45+s31+$0x0], $0xffff;
	v45 =	vor.u32 $0xD, v8;
	v17 =	vadd.f32 v63, v17;
	v14 =	vadd.f32 v20, v14  }
0x1bf: {  	v49 =	vld.idx.msk [tilespmem:v41+s31+$0x0], $0xffff;
	v63 =	vor.u32 $0xB, v5;
	v29 =	vmul.f32 v22, v55;
	v10 =	vadd.f32 v31, v10  }
0x1c0: {  	v32 =	vld.idx.msk [tilespmem:v59+s31+$0x0], $0xffff;
	v59 =	vbroadcast v9, $0xD;
	v11 =	vadd.f32 v19, v11;
	v12 =	vadd.f32 v35, v12  }
0x1c1: {  	v13 =	vadd.f32 v37, v13;
	v19 =	vmul.f32 v40, v43;
	v17 =	vadd.f32 v42, v17  }
0x1c2: {  	v60 =	vld.idx.msk [tilespmem:v52+s31+$0x0], $0xffff;
	v50 =	vmul.f32 v26, v26;
	v14 =	vadd.f32 v21, v14;
	v10 =	vadd.f32 v44, v10  }
0x1c3: {  	v20 =	vld.idx.msk [tilespmem:v39+s31+$0x0], $0xffff;
	v51 =	vmul.f32 v26, v43;
	v11 =	vadd.f32 v46, v11;
	v12 =	vadd.f32 v48, v12  }
0x1c4: {  	v31 =	vor.u32 $0xC, v8;
	v13 =	vadd.f32 v19, v13;
	v15 =	vadd.f32 v50, v15  }
0x1c5: {  	v30 =	vld.idx.msk [tilespmem:v57+s31+$0x0], $0xffff;
	v16 =	vadd.f32 v51, v16;
	v58 =	vmul.f32 v49, v49;
	v21 =	vmul.f32 v49, v55  }
0x1c6: {  	v49 =	vor.u32 $0xD, v7;
	v51 =	vor.u32 $0xD, v6;
	v61 =	vmul.f32 v53, v53  }
0x1c7: {  	v26 =	vld.idx.msk [tilespmem:v38+s31+$0x0], $0xffff;
	v38 =	vor.u32 $0xF, v8;
	v18 =	vmul.f32 v53, v55;
	v33 =	vmul.f32 v60, v60  }
0x1c8: {  	v53 =	vld.idx.msk [tilespmem:v45+s31+$0x0], $0xffff;
	v45 =	vor.u32 $0xF, v6;
	v56 =	vmul.f32 v20, v20;
	v10 =	vadd.f32 v58, v10  }
0x1c9: {  	v20 =	vmul.f32 v20, v43;
	v11 =	vadd.f32 v21, v11;
	v15 =	vadd.f32 v62, v15  }
0x1ca: {  	v19 =	vld.idx.msk [tilespmem:v54+s31+$0x0], $0xffff;
	v16 =	vadd.f32 v29, v16;
	v39 =	vmul.f32 v30, v30;
	v41 =	vmul.f32 v30, v34  }
0x1cb: {  	v42 =	vmul.f32 v32, v32;
	v43 =	vor.u32 $0xC, v5;
	v58 =	vor.u32 $0xE, v8  }
0x1cc: {  	v37 =	vld.idx.msk [tilespmem:v63+s31+$0x0], $0xffff;
	v63 =	vor.u32 $0xE, v6;
	v30 =	vor.u32 $0x13, v6;
	v12 =	vadd.f32 v61, v12  }
0x1cd: {  	v13 =	vadd.f32 v18, v13;
	v18 =	vmul.f32 v32, v34;
	v61 =	vor.u32 $0xE, v7  }
0x1ce: {  	v44 =	vld.idx.msk [tilespmem:v36+s31+$0x0], $0xffff;
	v17 =	vadd.f32 v56, v17;
	v14 =	vadd.f32 v20, v14;
	v20 =	vmul.f32 v60, v55  }
0x1cf: {  	v15 =	vadd.f32 v42, v15;
	v56 =	vor.u32 $0xD, v5;
	v35 =	vmul.f32 v19, v19  }
0x1d0: {  	v19 =	vmul.f32 v19, v34;
	v12 =	vadd.f32 v39, v12;
	v13 =	vadd.f32 v41, v13  }
0x1d1: {  	v16 =	vadd.f32 v18, v16;
	v54 =	vmul.f32 v26, v26;
	v55 =	vmul.f32 v26, v47  }
0x1d2: {  	v40 =	vld.idx.msk [tilespmem:v31+s31+$0x0], $0xffff;
	v41 =	vbroadcast v9, $0xE;
	v17 =	vadd.f32 v33, v17;
	v14 =	vadd.f32 v20, v14  }
0x1d3: {  	v52 =	vmul.f32 v44, v44;
	v62 =	vmul.f32 v53, v53;
	v26 =	vld.idx.msk [tilespmem:v45+s31+$0x0], $0xffff;
	v45 =	vor.u32 $0x12, v8  }
0x1d4: {  	v57 =	vld.idx.msk [tilespmem:v49+s31+$0x0], $0xffff;
	v10 =	vadd.f32 v35, v10;
	v11 =	vadd.f32 v19, v11;
	v46 =	vmul.f32 v37, v37  }
0x1d5: {  	v23 =	vld.idx.msk [tilespmem:v51+s31+$0x0], $0xffff;
	v21 =	vmul.f32 v37, v34;
	v19 =	vmul.f32 v44, v47;
	v15 =	vadd.f32 v54, v15  }
0x1d6: {  	v20 =	vld.idx.msk [tilespmem:v43+s31+$0x0], $0xffff;
	v16 =	vadd.f32 v55, v16;
	v35 =	vor.u32 $0xE, v5;
	v43 =	vor.u32 $0xF, v7  }
0x1d7: {  	v39 =	vld.idx.msk [tilespmem:v63+s31+$0x0], $0xffff;
	v54 =	vbroadcast v9, $0xF;
	v63 =	vor.u32 $0x10, v5;
	v48 =	vmul.f32 v40, v40  }
0x1d8: {  	v50 =	vmul.f32 v40, v47;
	v12 =	vadd.f32 v52, v12;
	v17 =	vadd.f32 v46, v17  }
0x1d9: {  	v52 =	vor.u32 $0x10, v8;
	v14 =	vadd.f32 v21, v14;
	v13 =	vadd.f32 v19, v13;
	v32 =	vld.idx.msk [tilespmem:v56+s31+$0x0], $0xffff  }
0x1da: {  	v21 =	vmul.f32 v53, v59;
	v19 =	vld.idx.msk [tilespmem:v58+s31+$0x0], $0xffff;
	v56 =	vor.u32 $0x10, v7;
	v58 =	vor.u32 $0x10, v6  }
0x1db: {  	v10 =	vadd.f32 v48, v10;
	v33 =	vmul.f32 v57, v57;
	v18 =	vmul.f32 v57, v59  }
0x1dc: {  	v9 =	vld [tilespmem:s15+$0x0];
	v11 =	vadd.f32 v50, v11;
	v34 =	vmul.f32 v23, v23;
	v36 =	vmul.f32 v23, v59  }
0x1dd: {  	v37 =	vld.idx.msk [tilespmem:v61+s31+$0x0], $0xffff;
	v50 =	vor.u32 $0xF, v5;
	v61 =	vmul.f32 v26, v26;
	v10 =	vadd.f32 v62, v10  }
0x1de: {  	v60 =	vmul.f32 v20, v20;
	v11 =	vadd.f32 v21, v11;
	v12 =	vadd.f32 v33, v12  }
0x1df: {  	v20 =	vmul.f32 v20, v47;
	v13 =	vadd.f32 v18, v13;
	v15 =	vadd.f32 v34, v15  }
0x1e0: {  	v16 =	vadd.f32 v36, v16;
	v49 =	vmul.f32 v39, v39;
	v18 =	vmul.f32 v39, v41  }
0x1e1: {  	v47 =	vld.idx.msk [tilespmem:v38+s31+$0x0], $0xffff;
	v62 =	vmul.f32 v26, v54;
	v33 =	vor.u32 $0x11, v8;
	v34 =	vbroadcast v9, $0x0  }
0x1e2: {  	v36 =	vor.u32 $0x11, v7;
	v38 =	vor.u32 $0x11, v6;
	v39 =	vld.idx.msk [tilespmem:v63+s31+$0x0], $0xffff;
	v63 =	vor.u32 $0x13, v7  }
0x1e3: {  	v46 =	vmul.f32 v37, v37;
	v48 =	vmul.f32 v37, v41;
	v17 =	vadd.f32 v60, v17  }
0x1e4: {  	v44 =	vld.idx.msk [tilespmem:v35+s31+$0x0], $0xffff;
	v14 =	vadd.f32 v20, v14;
	v40 =	vmul.f32 v32, v32;
	v20 =	vmul.f32 v32, v59  }
0x1e5: {  	v42 =	vmul.f32 v19, v19;
	v15 =	vadd.f32 v49, v15;
	v16 =	vadd.f32 v18, v16  }
0x1e6: {  	v51 =	vld.idx.msk [tilespmem:v43+s31+$0x0], $0xffff;
	v19 =	vmul.f32 v19, v41;
	v12 =	vadd.f32 v46, v12;
	v13 =	vadd.f32 v48, v13  }
0x1e7: {  	v60 =	vld.idx.msk [tilespmem:v52+s31+$0x0], $0xffff;
	v52 =	vor.u32 $0x12, v6;
	v17 =	vadd.f32 v40, v17;
	v14 =	vadd.f32 v20, v14  }
0x1e8: {  	v48 =	vbroadcast v9, $0x1;
	v10 =	vadd.f32 v42, v10;
	v11 =	vadd.f32 v19, v11  }
0x1e9: {  	v32 =	vld.idx.msk [tilespmem:v56+s31+$0x0], $0xffff;
	v15 =	vadd.f32 v61, v15;
	v61 =	vbroadcast v9, $0x2;
	v53 =	vmul.f32 v44, v44  }
0x1ea: {  	v22 =	vld.idx.msk [tilespmem:v58+s31+$0x0], $0xffff;
	v16 =	vadd.f32 v62, v16;
	v21 =	vmul.f32 v44, v41;
	v55 =	vmul.f32 v47, v47  }
0x1eb: {  	v20 =	vld.idx.msk [tilespmem:v50+s31+$0x0], $0xffff;
	v42 =	vor.u32 $0x11, v5;
	v57 =	vmul.f32 v47, v54;
	v59 =	vmul.f32 v51, v51  }
0x1ec: {  	v50 =	vor.u32 $0x12, v7;
	v19 =	vmul.f32 v51, v54;
	v44 =	vld.idx.msk [tilespmem:v36+s31+$0x0], $0xffff;
	v47 =	vmul.f32 v39, v39  }
0x1ed: {  	v46 =	vld.idx.msk [tilespmem:v38+s31+$0x0], $0xffff;
	v38 =	vbroadcast v9, $0x3;
	v17 =	vadd.f32 v53, v17;
	v14 =	vadd.f32 v21, v14  }
0x1ee: {  	v36 =	vld.idx.msk [tilespmem:v63+s31+$0x0], $0xffff;
	v63 =	vor.u32 $0x16, v8;
	v10 =	vadd.f32 v55, v10;
	v11 =	vadd.f32 v57, v11  }
0x1ef: {  	v12 =	vadd.f32 v59, v12;
	v37 =	vmul.f32 v60, v60;
	v21 =	vmul.f32 v60, v34  }
0x1f0: {  	v23 =	vld.idx.msk [tilespmem:v30+s31+$0x0], $0xffff;
	v13 =	vadd.f32 v19, v13;
	v40 =	vmul.f32 v32, v32;
	v18 =	vmul.f32 v32, v34  }
0x1f1: {  	v41 =	vmul.f32 v22, v22;
	v43 =	vmul.f32 v22, v34;
	v57 =	vor.u32 $0x12, v5  }
0x1f2: {  	v59 =	vor.u32 $0x13, v8;
	v26 =	vld.idx.msk [tilespmem:v52+s31+$0x0], $0xffff;
	v52 =	vbroadcast v9, $0x4;
	v10 =	vadd.f32 v37, v10  }
0x1f3: {  	v35 =	vmul.f32 v20, v20;
	v11 =	vadd.f32 v21, v11;
	v12 =	vadd.f32 v40, v12  }
0x1f4: {  	v19 =	vld.idx.msk [tilespmem:v33+s31+$0x0], $0xffff;
	v20 =	vmul.f32 v20, v54;
	v13 =	vadd.f32 v18, v13;
	v15 =	vadd.f32 v41, v15  }
0x1f5: {  	v16 =	vadd.f32 v43, v16;
	v54 =	vld.idx.msk [tilespmem:v45+s31+$0x0], $0xffff;
	v37 =	vor.u32 $0x14, v8;
	v45 =	vmul.f32 v23, v23  }
0x1f6: {  	v40 =	vor.u32 $0x14, v7;
	v53 =	vmul.f32 v44, v44;
	v55 =	vmul.f32 v44, v48  }
0x1f7: {  	v51 =	vld.idx.msk [tilespmem:v42+s31+$0x0], $0xffff;
	v42 =	vor.u32 $0x14, v6;
	v56 =	vmul.f32 v46, v46;
	v18 =	vmul.f32 v46, v48  }
0x1f8: {  	v44 =	vmul.f32 v36, v36;
	v46 =	vor.u32 $0x14, v5;
	v17 =	vadd.f32 v35, v17  }
0x1f9: {  	v14 =	vadd.f32 v20, v14;
	v20 =	vmul.f32 v39, v34;
	v35 =	vor.u32 $0x13, v5  }
0x1fa: {  	v49 =	vmul.f32 v19, v19;
	v19 =	vmul.f32 v19, v48;
	v12 =	vadd.f32 v53, v12  }
0x1fb: {  	v58 =	vld.idx.msk [tilespmem:v50+s31+$0x0], $0xffff;
	v13 =	vadd.f32 v55, v13;
	v15 =	vadd.f32 v56, v15;
	v33 =	vmul.f32 v26, v26  }
0x1fc: {  	v16 =	vadd.f32 v18, v16;
	v34 =	vmul.f32 v26, v61;
	v18 =	vmul.f32 v36, v38  }
0x1fd: {  	v56 =	vor.u32 $0x15, v6;
	v17 =	vadd.f32 v47, v17;
	v47 =	vmul.f32 v23, v38  }
0x1fe: {  	v14 =	vadd.f32 v20, v14;
	v60 =	vmul.f32 v51, v51;
	v21 =	vmul.f32 v51, v48  }
0x1ff: {  	v10 =	vadd.f32 v49, v10;
	v62 =	vmul.f32 v54, v54;
	v29 =	vmul.f32 v54, v61  }
0x200: {  	v11 =	vadd.f32 v19, v11;
	v31 =	vmul.f32 v58, v58;
	v19 =	vmul.f32 v58, v61  }
0x201: {  	v15 =	vadd.f32 v33, v15;
	v16 =	vadd.f32 v34, v16;
	v49 =	vor.u32 $0x15, v8  }
0x202: {  	v32 =	vld.idx.msk [tilespmem:v59+s31+$0x0], $0xffff;
	v54 =	vor.u32 $0x15, v7;
	v17 =	vadd.f32 v60, v17;
	v14 =	vadd.f32 v21, v14  }
0x203: {  	v20 =	vld.idx.msk [tilespmem:v57+s31+$0x0], $0xffff;
	v33 =	vor.u32 $0x16, v7;
	v10 =	vadd.f32 v62, v10;
	v11 =	vadd.f32 v29, v11  }
0x204: {  	v48 =	vld.idx.msk [tilespmem:v40+s31+$0x0], $0xffff;
	v40 =	vor.u32 $0x16, v5;
	v12 =	vadd.f32 v31, v12;
	v13 =	vadd.f32 v19, v13  }
0x205: {  	v50 =	vld.idx.msk [tilespmem:v42+s31+$0x0], $0xffff;
	v42 =	vor.u32 $0x17, v8;
	v15 =	vadd.f32 v45, v15;
	v16 =	vadd.f32 v47, v16  }
0x206: {  	v43 =	vld.idx.msk [tilespmem:v35+s31+$0x0], $0xffff;
	v31 =	vbroadcast v9, $0x5;
	v35 =	vor.u32 $0x16, v6;
	v45 =	vor.u32 $0x17, v7  }
0x207: {  	v55 =	vld.idx.msk [tilespmem:v46+s31+$0x0], $0xffff;
	v47 =	vor.u32 $0x17, v6;
	v41 =	vmul.f32 v32, v32;
	v21 =	vmul.f32 v32, v38  }
0x208: {  	v39 =	vmul.f32 v20, v20;
	v20 =	vmul.f32 v20, v61;
	v12 =	vadd.f32 v44, v12  }
0x209: {  	v19 =	vld.idx.msk [tilespmem:v37+s31+$0x0], $0xffff;
	v13 =	vadd.f32 v18, v13;
	v61 =	vor.u32 $0x15, v5;
	v10 =	vadd.f32 v41, v10  }
0x20a: {  	v37 =	vld.idx.msk [tilespmem:v63+s31+$0x0], $0xffff;
	v11 =	vadd.f32 v21, v11;
	v57 =	vmul.f32 v48, v48;
	v59 =	vmul.f32 v48, v52  }
0x20b: {  	v60 =	vmul.f32 v50, v50;
	v18 =	vmul.f32 v50, v52;
	v62 =	vld.idx.msk [tilespmem:v54+s31+$0x0], $0xffff;
	v54 =	vor.u32 $0x18, v8  }
0x20c: {  	v48 =	vld.idx.msk [tilespmem:v40+s31+$0x0], $0xffff;
	v40 =	vor.u32 $0x19, v6;
	v17 =	vadd.f32 v39, v17;
	v30 =	vmul.f32 v55, v55  }
0x20d: {  	v26 =	vld.idx.msk [tilespmem:v56+s31+$0x0], $0xffff;
	v14 =	vadd.f32 v20, v14;
	v21 =	vmul.f32 v55, v52;
	v51 =	vmul.f32 v43, v43  }
0x20e: {  	v20 =	vmul.f32 v43, v38;
	v53 =	vmul.f32 v19, v19;
	v12 =	vadd.f32 v57, v12  }
0x20f: {  	v58 =	vld.idx.msk [tilespmem:v49+s31+$0x0], $0xffff;
	v19 =	vmul.f32 v19, v52;
	v13 =	vadd.f32 v59, v13;
	v15 =	vadd.f32 v60, v15  }
0x210: {  	v41 =	vld.idx.msk [tilespmem:v33+s31+$0x0], $0xffff;
	v16 =	vadd.f32 v18, v16;
	v43 =	vbroadcast v9, $0x6;
	v46 =	vmul.f32 v37, v37  }
0x211: {  	v55 =	vld.idx.msk [tilespmem:v47+s31+$0x0], $0xffff;
	v57 =	vbroadcast v9, $0x7;
	v59 =	vor.u32 $0x18, v7;
	v47 =	vor.u32 $0x1A, v8  }
0x212: {  	v38 =	vmul.f32 v26, v26;
	v17 =	vadd.f32 v51, v17;
	v14 =	vadd.f32 v20, v14  }
0x213: {  	v22 =	vld.idx.msk [tilespmem:v35+s31+$0x0], $0xffff;
	v39 =	vmul.f32 v26, v31;
	v10 =	vadd.f32 v53, v10;
	v11 =	vadd.f32 v19, v11  }
0x214: {  	v20 =	vld.idx.msk [tilespmem:v61+s31+$0x0], $0xffff;
	v51 =	vor.u32 $0x17, v5;
	v61 =	vor.u32 $0x18, v6;
	v32 =	vmul.f32 v58, v58  }
0x215: {  	v53 =	vld.idx.msk [tilespmem:v45+s31+$0x0], $0xffff;
	v45 =	vor.u32 $0x19, v5;
	v34 =	vmul.f32 v58, v31;
	v36 =	vmul.f32 v62, v62  }
0x216: {  	v19 =	vmul.f32 v62, v31;
	v15 =	vadd.f32 v38, v15;
	v49 =	vmul.f32 v41, v41  }
0x217: {  	v16 =	vadd.f32 v39, v16;
	v18 =	vmul.f32 v41, v43;
	v56 =	vmul.f32 v48, v48  }
0x218: {  	v38 =	vor.u32 $0x19, v7;
	v17 =	vadd.f32 v30, v17;
	v14 =	vadd.f32 v21, v14  }
0x219: {  	v21 =	vmul.f32 v37, v43;
	v10 =	vadd.f32 v32, v10;
	v11 =	vadd.f32 v34, v11  }
0x21a: {  	v12 =	vadd.f32 v36, v12;
	v13 =	vadd.f32 v19, v13;
	v50 =	vmul.f32 v22, v22  }
0x21b: {  	v63 =	vld.idx.msk [tilespmem:v54+s31+$0x0], $0xffff;
	v52 =	vmul.f32 v22, v43;
	v32 =	vor.u32 $0x18, v5;
	v34 =	vor.u32 $0x19, v8  }
0x21c: {  	v33 =	vld.idx.msk [tilespmem:v59+s31+$0x0], $0xffff;
	v36 =	vbroadcast v9, $0x8;
	v59 =	vor.u32 $0x1B, v8;
	v10 =	vadd.f32 v46, v10  }
0x21d: {  	v23 =	vld.idx.msk [tilespmem:v40+s31+$0x0], $0xffff;
	v44 =	vmul.f32 v20, v20;
	v11 =	vadd.f32 v21, v11;
	v12 =	vadd.f32 v49, v12  }
0x21e: {  	v20 =	vmul.f32 v20, v31;
	v13 =	vadd.f32 v18, v13;
	v15 =	vadd.f32 v50, v15  }
0x21f: {  	v16 =	vadd.f32 v52, v16;
	v62 =	vmul.f32 v53, v53;
	v30 =	vmul.f32 v53, v57  }
0x220: {  	v19 =	vld.idx.msk [tilespmem:v42+s31+$0x0], $0xffff;
	v31 =	vmul.f32 v55, v55;
	v18 =	vmul.f32 v55, v57;
	v50 =	vor.u32 $0x1A, v7  }
0x221: {  	v52 =	vor.u32 $0x1A, v6;
	v37 =	vmul.f32 v63, v63;
	v39 =	vmul.f32 v63, v36  }
0x222: {  	v60 =	vld.idx.msk [tilespmem:v51+s31+$0x0], $0xffff;
	v55 =	vmul.f32 v23, v23;
	v17 =	vadd.f32 v44, v17;
	v14 =	vadd.f32 v20, v14  }
0x223: {  	v46 =	vld.idx.msk [tilespmem:v38+s31+$0x0], $0xffff;
	v38 =	vor.u32 $0x1C, v8;
	v12 =	vadd.f32 v62, v12;
	v13 =	vadd.f32 v30, v13  }
0x224: {  	v26 =	vld.idx.msk [tilespmem:v61+s31+$0x0], $0xffff;
	v20 =	vmul.f32 v48, v43;
	v15 =	vadd.f32 v31, v15;
	v16 =	vadd.f32 v18, v16  }
0x225: {  	v48 =	vbroadcast v9, $0x9;
	v30 =	vor.u32 $0x1B, v7;
	v58 =	vmul.f32 v19, v19  }
0x226: {  	v53 =	vld.idx.msk [tilespmem:v45+s31+$0x0], $0xffff;
	v19 =	vmul.f32 v19, v57;
	v41 =	vmul.f32 v33, v33;
	v17 =	vadd.f32 v56, v17  }
0x227: {  	v14 =	vadd.f32 v20, v14;
	v56 =	vor.u32 $0x1A, v5;
	v35 =	vmul.f32 v60, v60  }
0x228: {  	v11 =	vadd.f32 v19, v11;
	v21 =	vmul.f32 v60, v57;
	v19 =	vmul.f32 v33, v36  }
0x229: {  	v20 =	vld.idx.msk [tilespmem:v32+s31+$0x0], $0xffff;
	v32 =	vor.u32 $0x1B, v6;
	v43 =	vmul.f32 v26, v26;
	v44 =	vmul.f32 v26, v36  }
0x22a: {  	v42 =	vld.idx.msk [tilespmem:v34+s31+$0x0], $0xffff;
	v10 =	vadd.f32 v58, v10;
	v57 =	vmul.f32 v23, v48;
	v60 =	vbroadcast v9, $0xA  }
0x22b: {  	v34 =	vld.idx.msk [tilespmem:v59+s31+$0x0], $0xffff;
	v12 =	vadd.f32 v41, v12;
	v62 =	vmul.f32 v53, v53;
	v41 =	vbroadcast v9, $0xB  }
0x22c: {  	v54 =	vmul.f32 v46, v46;
	v17 =	vadd.f32 v35, v17;
	v14 =	vadd.f32 v21, v14  }
0x22d: {  	v18 =	vmul.f32 v46, v48;
	v10 =	vadd.f32 v37, v10;
	v11 =	vadd.f32 v39, v11  }
0x22e: {  	v46 =	vor.u32 $0x1C, v6;
	v13 =	vadd.f32 v19, v13;
	v15 =	vadd.f32 v43, v15  }
0x22f: {  	v58 =	vld.idx.msk [tilespmem:v50+s31+$0x0], $0xffff;
	v16 =	vadd.f32 v44, v16;
	v43 =	vor.u32 $0x1C, v7;
	v51 =	vmul.f32 v42, v42  }
0x230: {  	v61 =	vld.idx.msk [tilespmem:v52+s31+$0x0], $0xffff;
	v21 =	vmul.f32 v42, v48;
	v12 =	vadd.f32 v54, v12;
	v42 =	vmul.f32 v34, v34  }
0x231: {  	v44 =	vmul.f32 v34, v41;
	v34 =	vor.u32 $0x1E, v7;
	v49 =	vmul.f32 v20, v20  }
0x232: {  	v20 =	vmul.f32 v20, v36;
	v13 =	vadd.f32 v18, v13;
	v15 =	vadd.f32 v55, v15  }
0x233: {  	v16 =	vadd.f32 v57, v16;
	v31 =	vld.idx.msk [tilespmem:v56+s31+$0x0], $0xffff;
	v36 =	vor.u32 $0x1B, v5;
	v56 =	vor.u32 $0x1D, v8  }
0x234: {  	v19 =	vld.idx.msk [tilespmem:v47+s31+$0x0], $0xffff;
	v57 =	vbroadcast v9, $0xC;
	v10 =	vadd.f32 v51, v10;
	v33 =	vmul.f32 v58, v58  }
0x235: {  	v39 =	vld.idx.msk [tilespmem:v30+s31+$0x0], $0xffff;
	v11 =	vadd.f32 v21, v11;
	v23 =	vmul.f32 v58, v60;
	v35 =	vmul.f32 v61, v61  }
0x236: {  	v47 =	vld.idx.msk [tilespmem:v38+s31+$0x0], $0xffff;
	v37 =	vmul.f32 v61, v60;
	v51 =	vor.u32 $0x1C, v5;
	v58 =	vor.u32 $0x1D, v7  }
0x237: {  	v21 =	vld.idx.msk [tilespmem:v32+s31+$0x0], $0xffff;
	v61 =	vor.u32 $0x1D, v6;
	v32 =	vor.u32 $0x1E, v8;
	v8 =	vor.u32 $0x1F, v8  }
0x238: {  	v7 =	vor.u32 $0x1F, v7;
	v14 =	vadd.f32 v20, v14;
	v20 =	vmul.f32 v53, v48  }
0x239: {  	v17 =	vadd.f32 v49, v17;
	v54 =	vld.idx.msk [tilespmem:v46+s31+$0x0], $0xffff;
	v46 =	vbroadcast v9, $0xE;
	v63 =	vmul.f32 v19, v19  }
0x23a: {  	v19 =	vmul.f32 v19, v60;
	v12 =	vadd.f32 v33, v12;
	v13 =	vadd.f32 v23, v13  }
0x23b: {  	v15 =	vadd.f32 v35, v15;
	v48 =	vmul.f32 v39, v39;
	v49 =	vmul.f32 v39, v41  }
0x23c: {  	v16 =	vadd.f32 v37, v16;
	v55 =	vmul.f32 v47, v47;
	v33 =	vbroadcast v9, $0xD  }
0x23d: {  	v39 =	vor.u32 $0x1E, v5;
	v17 =	vadd.f32 v62, v17;
	v14 =	vadd.f32 v20, v14  }
0x23e: {  	v9 =	vbroadcast v9, $0xF;
	v10 =	vadd.f32 v63, v10;
	v11 =	vadd.f32 v19, v11  }
0x23f: {  	v52 =	vld.idx.msk [tilespmem:v43+s31+$0x0], $0xffff;
	v40 =	vmul.f32 v31, v31;
	v18 =	vmul.f32 v31, v60;
	v12 =	vadd.f32 v48, v12  }
0x240: {  	v45 =	vld.idx.msk [tilespmem:v36+s31+$0x0], $0xffff;
	v13 =	vadd.f32 v49, v13;
	v63 =	vor.u32 $0x1D, v5;
	v36 =	vor.u32 $0x1E, v6  }
0x241: {  	v6 =	vor.u32 $0x1F, v6;
	v5 =	vor.u32 $0x1F, v5;
	v50 =	vmul.f32 v21, v21  }
0x242: {  	v29 =	vld.idx.msk [tilespmem:v56+s31+$0x0], $0xffff;
	v21 =	vmul.f32 v21, v41;
	v17 =	vadd.f32 v40, v17;
	v14 =	vadd.f32 v18, v14  }
0x243: {  	v59 =	vld.idx.msk [tilespmem:v51+s31+$0x0], $0xffff;
	v10 =	vadd.f32 v42, v10;
	v11 =	vadd.f32 v44, v11;
	v18 =	vmul.f32 v47, v57  }
0x244: {  	v30 =	vld.idx.msk [tilespmem:v58+s31+$0x0], $0xffff;
	v62 =	vmul.f32 v54, v54;
	v15 =	vadd.f32 v50, v15;
	v60 =	vmul.f32 v52, v52  }
0x245: {  	s18 =	sadd.s32 $0xFFFFFFD0, s13;
	v25 =	vld.idx.msk [tilespmem:v61+s31+$0x0], $0xffff;
	v16 =	vadd.f32 v21, v16;
	v19 =	vmul.f32 v52, v57;
	v21 =	vmul.f32 v54, v57  }
0x246: {  	v7 =	vld.idx.msk [tilespmem:v7+s31+$0x0], $0xffff;
	v54 =	vadd.s32 s18, v0;
	v10 =	vadd.f32 v55, v10;
	v53 =	vmul.f32 v45, v45  }
0x247: {  	v11 =	vadd.f32 v18, v11;
	v22 =	vmul.f32 v45, v41;
	v37 =	vmul.f32 v29, v29  }
0x248: {  	v40 =	vld.idx.msk [tilespmem:v32+s31+$0x0], $0xffff;
	v12 =	vadd.f32 v60, v12;
	v18 =	vmul.f32 v29, v33;
	v31 =	vmul.f32 v59, v59  }
0x249: {  	v42 =	vld.idx.msk [tilespmem:v34+s31+$0x0], $0xffff;
	v13 =	vadd.f32 v19, v13;
	v20 =	vmul.f32 v59, v57;
	v38 =	vmul.f32 v30, v30  }
0x24a: {  	v8 =	vld.idx.msk [tilespmem:v8+s31+$0x0], $0xffff;
	v15 =	vadd.f32 v62, v15;
	v19 =	vmul.f32 v30, v33;
	v41 =	vmul.f32 v25, v25  }
0x24b: {  	s17 =	sadd.s32 $0xFFFFFFE0, s13;
	v16 =	vadd.f32 v21, v16;
	v43 =	vmul.f32 v25, v33;
	v56 =	vmul.f32 v7, v7  }
0x24c: {  	v47 =	vld.idx.msk [tilespmem:v39+s31+$0x0], $0xffff;
	v57 =	vadd.s32 s17, v0;
	v7 =	vmul.f32 v7, v9;
	v17 =	vadd.f32 v53, v17  }
0x24d: {  	v14 =	vadd.f32 v22, v14;
	v10 =	vadd.f32 v37, v10;
	v48 =	vmul.f32 v40, v40  }
0x24e: {  	v35 =	vld.idx.msk [tilespmem:v63+s31+$0x0], $0xffff;
	v11 =	vadd.f32 v18, v11;
	v18 =	vmul.f32 v40, v46;
	v49 =	vmul.f32 v42, v42  }
0x24f: {  	v23 =	vld.idx.msk [tilespmem:v36+s31+$0x0], $0xffff;
	v53 =	vmul.f32 v8, v8;
	v12 =	vadd.f32 v38, v12;
	v13 =	vadd.f32 v19, v13  }
0x250: {  	v6 =	vld.idx.msk [tilespmem:v6+s31+$0x0], $0xffff;
	v8 =	vmul.f32 v8, v9;
	v15 =	vadd.f32 v41, v15;
	v16 =	vadd.f32 v43, v16  }
0x251: {  	v5 =	vld.idx.msk [tilespmem:v5+s31+$0x0], $0xffff;
	v52 =	vmul.f32 v47, v47;
	v55 =	vmul.f32 v47, v46;
	v17 =	vadd.f32 v31, v17  }
0x252: {  	v14 =	vadd.f32 v20, v14;
	v20 =	vmul.f32 v42, v46;
	v10 =	vadd.f32 v48, v10  }
0x253: {  	v11 =	vadd.f32 v18, v11;
	v44 =	vmul.f32 v35, v35;
	v45 =	vmul.f32 v35, v33  }
0x254: {  	v50 =	vmul.f32 v23, v23;
	v12 =	vadd.f32 v49, v12;
	v51 =	vmul.f32 v23, v46  }
0x255: {  	v59 =	vmul.f32 v6, v6;
	v6 =	vmul.f32 v6, v9;
	v13 =	vadd.f32 v20, v13  }
0x256: {  	v62 =	vmul.f32 v5, v5;
	v10 =	vadd.f32 v53, v10;
	v8 =	vadd.f32 v8, v11  }
0x257: {  	s18 =	sadd.s32 $0xFFFFFFF0, s13;
	v5 =	vmul.f32 v5, v9;
	v17 =	vadd.f32 v44, v17;
	v14 =	vadd.f32 v45, v14  }
0x258: {  	v60 =	vadd.s32 s18, v0;
	v15 =	vadd.f32 v50, v15;
	v58 =	vadd.f32 v56, v12;
	[tilespmem:v4+s29+$0x0] =	vst.idx.msk $0xffff, v10  }
0x259: {  	v16 =	vadd.f32 v51, v16;
	v7 =	vadd.f32 v7, v13;
	[tilespmem:v54+s0+$0x0] =	vst.idx.msk vm0, v8  }
0x25a: {  	p0 =	sne.s32 s13, $0x30E;
	v17 =	vadd.f32 v52, v17;
	v61 =	vadd.f32 v59, v15;
	[tilespmem:v2+s29+$0x0] =	vst.idx.msk $0xffff, v58;
	v2 =	vadd.s32 s13, v0  }
.Ltmp1:
0x25b: {  	v14 =	vadd.f32 v55, v14;
	v6 =	vadd.f32 v6, v16;
	[tilespmem:v57+s0+$0x0] =	vst.idx.msk $0xffff, v7;
	(pc) =	sbr.rel @p0 .LBB2_5-.Ltmp1, $4  }
0x25c: {  	v63 =	vadd.f32 v62, v17;
	[tilespmem:v3+s29+$0x0] =	vst.idx.msk $0xffff, v61  }
0x25d: {  	v3 =	vadd.f32 v5, v14;
	[tilespmem:v60+s0+$0x0] =	vst.idx.msk $0xffff, v6  }
0x25e: {  	[tilespmem:v1+s29+$0x0] =	vst.idx.msk $0x3, v63  }
0x25f: {  	s14 =	sadd.s32 $0x32, s14;
	s15 =	sadd.s32 $0x640, s15;
	s13 =	sadd.s32 $0x31, s13;
	[tilespmem:v2+s0+$0x0] =	vst.idx.msk $0x3, v3  }
0x260: {  	s12 =	sadd.s32 s5, s12;
	s8 =	smul.u32 $0x31, s8  }
0x261: {  	[hbm4b:s12+s2] =	stream.linear.scatter [tilespmem:s29], [sflag:$0x2], $0x320, $0x38;
	[tilespmem:$0xD470] =	vst v63  }
0x262: {  	s3 =	sadd.s32 $0x1, s3;
	_ =	swait.ge [sflag:s9], $0x320  }
0x263: {  	p0 =	sne.s32 s3, $0x10;
	s8 =	sshrl.u32 s8, $0x3;
	[sflag:s9] =	ssyncset.done $0x0  }
.Ltmp2:
0x264: {  	s8 =	sadd.s32 s6, s8;
	[sflag:s9] =	ssyncadd.s32 $0xFFFFFCE0;
	(pc) =	sbr.rel @p0 .LBB2_2-.Ltmp2, $4  }
0x265: {  	[hbm4b:s8+s2] =	stream.linear.scatter [tilespmem:s0], [sflag:$0x2], $0x310, $0x38;
	[tilespmem:$0xD470] =	vst v63  }
0x266: {  	_ =	swait.ge [sflag:s9], $0x310  }
0x267: {  	[sflag:s9] =	ssyncset.done $0x0  }
0x268: {  	[sflag:s9] =	ssyncadd.s32 $0xFFFFFCF0  }
0x269: {  	s8 =	rddreg [dreg:$0x4]  }
0x26a: {  	s3 =	rddreg [dreg:$0x3];
	s8 =	sadd.s32 $0x1, s8  }
0x26b: {  	p0 =	sne.s32 s8, s3  }
.Ltmp3:
0x26c: {  	_ = 	snop;
	(pc) =	sbr.rel @p0 .LBB2_1-.Ltmp3, $1  }
0x26d: {  	_ =	sdelay $0x3  }
0x26e: {  	_ =	sfence.sel $0x180000  }
0x26f: {  	[bflag:$0x0] =	sbarrier.arrive $0xFFFF  }
0x270: {  	_ =	strace $0x90000047  }
0x271: {  	s0 =	stileid.u32;
	[bflag:$0x2] =	sbarrier.arrive $0xFFFF  }
0x272: {  	p0 =	sne.s32 s0, $0x0;
	s0 =	rddreg [dreg:$0x2]  }
0x273: {  	s0 =	sadd.s32 @!p0 $0x100000, s0  }
0x274: {  	[sflag:s0] =	ssyncadd.tile.s32 @!p0 $0x1;
	_ =	shalt  }
.Lfunc_end2:
_tile_overlayer_lowered:
.L_overlay_start_2:
0x275: {  	(tag) =	ssettag $0x2  }
0x276: {  	s0 =	rddreg [dreg:$0x0];
	s2 =	stileid.u32  }
0x277: {  	s1 =	rddreg [dreg:$0x1];
	p0 =	sne.s32 s2, $0x0  }
0x278: {  	s3 =	rddreg [dreg:$0x2];
	[bflag:$0x3] =	sbarrier.arrive $0xFFFF;
	s2 =	simm.s32 @!p0 $0x1C02  }
0x279: {  	[timem:s3], [sflag:s2] =	dma.local @!p0 [hbm:s0], s1  }
0x27a: {  	s0 =	simm.s32 @!p0 $0x2  }
0x27b: {  	_ =	swait.ge @!p0 [sflag:s0], s1  }
0x27c: {  	s1 =	ssub.s32 @!p0 $0x0, s1;
	[sflag:s0] =	ssyncset.done @!p0 $0x0  }
0x27d: {  	[sflag:s0] =	ssyncadd.s32 @!p0 s1  }
0x27e: {  	[bflag:$0x3] =	sbarrier.arrive $0xFFFF  }
0x27f: {  	_ =	shalt  }

</sc_bundles>
